<compile_context>
chip_gen: v7x
topology: tpu7x:2x2x1
jax: 0.10.2.dev20260603
libtpu: 0.0.44.dev20260713+nightly
codegen_flags: <defaults>
</compile_context>

<pallas_src>
import functools

import jax
import jax.numpy as jnp
from jax import lax
from jax.experimental import pallas as pl
from jax.experimental.pallas import tpu as pltpu
from jax.experimental.pallas import tpu_sc as plsc

_N = 10000
_E = 320000
_DIN = 512
_H = 128
_C = 4

_NC = 2
_NS = 16
_L = 16

_NW = _NC * _NS
_CW = 128
_EROWS = _E // _CW
_RPW = 80
_RPW_LAST = _EROWS - _RPW * (_NW - 1)
_RW = 624
_RREM = _N - _RW * _NS
_ZR = 8

_mesh = plsc.VectorSubcoreMesh(core_axis_name="c", subcore_axis_name="s")



def _fill_const(ref, nrows, vec):
    def row(i, carry):
        for j in range(_H // _L):
            ref[i, pl.ds(j * _L, _L)] = vec
        return carry

    lax.fori_loop(0, nrows, row, 0)


def _zero_acc(acc_sh, zbuf, zsem, s):
    _fill_const(zbuf, _ZR, jnp.zeros((_L,), jnp.float32))
    zero_v = zbuf.at[pl.ds(0, _ZR)]
    nz = _RW // _ZR

    def fire(i, carry):
        pltpu.async_copy(zero_v, acc_sh.at[pl.ds(s * _RW + i * _ZR, _ZR)],
                         zsem)
        return carry

    lax.fori_loop(0, nz, fire, 0)

    @pl.when(s == 0)
    def _():
        pltpu.sync_copy(zero_v, acc_sh.at[pl.ds(_RW * _NS, _ZR)])
        pltpu.sync_copy(zero_v, acc_sh.at[pl.ds(_RW * _NS + _ZR, _ZR)])

    def drain(i, carry):
        pltpu.make_async_copy(
            zero_v, acc_sh.at[pl.ds(s * _RW + i * _ZR, _ZR)], zsem).wait()
        return carry

    lax.fori_loop(0, nz, drain, 0)


def _write_out(acc_sh, out_hbm, c, s):
    pltpu.sync_copy(acc_sh.at[pl.ds(s * _RW, _RW)],
                    out_hbm.at[c, pl.ds(s * _RW, _RW)])

    @pl.when(s == 0)
    def _():
        pltpu.sync_copy(acc_sh.at[pl.ds(_RW * _NS, _RREM)],
                        out_hbm.at[c, pl.ds(_RW * _NS, _RREM)])


def _load_idx(idx2_hbm, idx_v, wid):
    @pl.when(wid < _NW - 1)
    def _():
        pltpu.sync_copy(idx2_hbm.at[pl.ds(wid * _RPW, _RPW)], idx_v)

    @pl.when(wid == _NW - 1)
    def _():
        pltpu.sync_copy(idx2_hbm.at[pl.ds((_NW - 1) * _RPW, _RPW_LAST)],
                        idx_v.at[pl.ds(0, _RPW_LAST)])


@functools.partial(
    pl.kernel,
    mesh=_mesh,
    out_type=jax.ShapeDtypeStruct((_NC, _N, _H), jnp.float32),
    scratch_types=[
        pltpu.VMEM((_RPW, _CW), jnp.int32),
        pltpu.VMEM((_CW, _H), jnp.float32),
        pltpu.VMEM((_ZR, _H), jnp.float32),
        pltpu.VMEM_SHARED((_N, _H), jnp.float32),
        pltpu.SemaphoreType.DMA,
        pltpu.SemaphoreType.DMA,
    ],
)
def _deg_kernel(dst2_hbm, out_hbm, dst_i, ones_v, zero_v, acc_sh, ssem, zsem):
    c = lax.axis_index("c")
    s = lax.axis_index("s")
    wid = c * _NS + s
    nch = jnp.where(wid == _NW - 1, _RPW_LAST, _RPW)

    _load_idx(dst2_hbm, dst_i, wid)
    _fill_const(ones_v, _CW, jnp.full((_L,), 1.0, jnp.float32))
    _zero_acc(acc_sh, zero_v, zsem, s)
    plsc.subcore_barrier()

    def fire(j, carry):
        pltpu.async_copy(ones_v, acc_sh.at[dst_i.at[j]], ssem, add=True)
        return carry

    lax.fori_loop(0, nch, fire, 0)

    def drain(j, carry):
        pltpu.make_async_copy(ones_v, acc_sh.at[dst_i.at[j]], ssem).wait()
        return carry

    lax.fori_loop(0, nch, drain, 0)
    plsc.subcore_barrier()
    _write_out(acc_sh, out_hbm, c, s)


@functools.partial(
    pl.kernel,
    mesh=_mesh,
    out_type=jax.ShapeDtypeStruct((_NC, _N, _H), jnp.float32),
    scratch_types=[
        pltpu.VMEM((_CW,), jnp.int32),
        pltpu.VMEM((_CW,), jnp.int32),
        pltpu.VMEM((_CW,), jnp.int32),
        pltpu.VMEM((_CW,), jnp.int32),
        pltpu.VMEM((_CW,), jnp.int32),
        pltpu.VMEM((_CW,), jnp.int32),
        pltpu.VMEM((_CW,), jnp.int32),
        pltpu.VMEM((_CW,), jnp.int32),
        pltpu.VMEM((_CW,), jnp.int32),
        pltpu.VMEM((_CW, _H), jnp.float32),
        pltpu.VMEM((_CW, _H), jnp.float32),
        pltpu.VMEM((_CW, _H), jnp.float32),
        pltpu.VMEM_SHARED((_N, _H), jnp.float32),
        pltpu.SemaphoreType.DMA,
        pltpu.SemaphoreType.DMA,
        pltpu.SemaphoreType.DMA,
        pltpu.SemaphoreType.DMA,
        pltpu.SemaphoreType.DMA,
        pltpu.SemaphoreType.DMA,
        pltpu.SemaphoreType.DMA,
        pltpu.SemaphoreType.DMA,
        pltpu.SemaphoreType.DMA,
        pltpu.SemaphoreType.DMA,
        pltpu.SemaphoreType.DMA,
        pltpu.SemaphoreType.DMA,
        pltpu.SemaphoreType.DMA,
        pltpu.SemaphoreType.DMA,
        pltpu.SemaphoreType.DMA,
        pltpu.SemaphoreType.DMA,
    ],
)
def _scatter_kernel(y_hbm, src_hbm, dst_hbm, out_hbm,
                    ib0, ib1, ib2, db0, db1, db2, db3, db4, db5,
                    rows0, rows1, rows2, acc_sh,
                    is0, is1, is2, id0, id1, id2, id3, id4, id5,
                    g0, g1, g2, s0, s1, s2, zsem):
    c = lax.axis_index("c")
    s = lax.axis_index("s")
    wid = c * _NS + s
    nch = jnp.where(wid == _NW - 1, _RPW_LAST, _RPW)
    eoff = wid * (_RPW * _CW)

    ibs = [ib0, ib1, ib2]
    dbs = [db0, db1, db2, db3, db4, db5]
    isem = [is0, is1, is2]
    dsem = [id0, id1, id2, id3, id4, id5]
    rows = [rows0, rows1, rows2]
    gsem = [g0, g1, g2]
    ssem = [s0, s1, s2]

    def src_load(j, b):
        pltpu.async_copy(src_hbm.at[pl.ds(eoff + j * _CW, _CW)], ibs[b],
                         isem[b])

    def src_wait(j, b):
        pltpu.make_async_copy(src_hbm.at[pl.ds(eoff + j * _CW, _CW)], ibs[b],
                              isem[b]).wait()

    def dst_load(j, d):
        pltpu.async_copy(dst_hbm.at[pl.ds(eoff + j * _CW, _CW)], dbs[d],
                         dsem[d])

    def dst_wait(j, d):
        pltpu.make_async_copy(dst_hbm.at[pl.ds(eoff + j * _CW, _CW)], dbs[d],
                              dsem[d]).wait()

    def gather_start(b):
        pltpu.async_copy(y_hbm.at[ibs[b]], rows[b], gsem[b])

    def gather_wait(b):
        pltpu.make_async_copy(y_hbm.at[ibs[b]], rows[b], gsem[b]).wait()

    def scat_start(b, d):
        pltpu.async_copy(rows[b], acc_sh.at[dbs[d]], ssem[b], add=True)

    def scat_wait(b, d):
        pltpu.make_async_copy(rows[b], acc_sh.at[dbs[d]], ssem[b]).wait()

    for b in range(3):
        src_load(b, b)
    for d in range(6):
        dst_load(d, d)
    src_wait(0, 0)
    gather_start(0)
    src_wait(1, 1)
    gather_start(1)
    _zero_acc(acc_sh, rows2, zsem, s)
    plsc.subcore_barrier()

    ntrip = (nch + 2) // 3

    def trip(t, carry):
        par = t % 2
        for b in range(3):
            j = 3 * t + b

            @pl.when(j < nch)
            def _(b=b, j=j):
                gather_wait(b)
                b2 = (b + 2) % 3

                @pl.when(j >= 1)
                def _(b=b, j=j, b2=b2):
                    for q in range(2):
                        @pl.when(par == q)
                        def _(b=b, j=j, b2=b2, q=q):
                            pq = q if b != 0 else 1 - q
                            d = (b - 1) % 3 + 3 * pq
                            scat_wait(b2, d)

                            @pl.when(j + 5 < nch)
                            def _(j=j, d=d):
                                dst_load(j + 5, d)

                for q in range(2):
                    @pl.when(par == q)
                    def _(b=b, j=j, q=q):
                        d = b + 3 * q
                        dst_wait(j, d)
                        scat_start(b, d)

                @pl.when(j + 2 < nch)
                def _(b=b, j=j, b2=b2):
                    src_wait(j + 2, b2)
                    gather_start(b2)

                @pl.when(j + 3 < nch)
                def _(b=b, j=j):
                    src_load(j + 3, b)

        return carry

    lax.fori_loop(0, ntrip, trip, 0)
    scat_wait(1, 1)
    plsc.subcore_barrier()
    _write_out(acc_sh, out_hbm, c, s)



_BR = 2000
_G = _N // _BR


def _dinv_from(deg_ref):
    d = deg_ref[0, :, 0:1] + deg_ref[1, :, 0:1] + 1.0
    return lax.rsqrt(d)


def _tc_xw_body(x_ref, wfc_ref, bfc_ref, w1_ref, xw_ref):
    h = jnp.maximum(
        jnp.dot(x_ref[...], wfc_ref[...], preferred_element_type=jnp.float32)
        + bfc_ref[...], 0.0)
    xw_ref[...] = jnp.dot(h, w1_ref[...], preferred_element_type=jnp.float32)


def _tc_xw(x, wfc, bfc, w1):
    return pl.pallas_call(
        _tc_xw_body,
        grid=(_G,),
        in_specs=[
            pl.BlockSpec((_BR, _DIN), lambda i: (i, 0)),
            pl.BlockSpec((_DIN, _H), lambda i: (0, 0)),
            pl.BlockSpec((1, _H), lambda i: (0, 0)),
            pl.BlockSpec((_H, _H), lambda i: (0, 0)),
        ],
        out_specs=pl.BlockSpec((_BR, _H), lambda i: (i, 0)),
        out_shape=jax.ShapeDtypeStruct((_N, _H), jnp.float32),
    )(x, wfc, bfc, w1)


def _tc_scale_body(deg_ref, xw_ref, y_ref, dinv_ref):
    dinv = _dinv_from(deg_ref)
    y_ref[...] = xw_ref[...] * dinv
    dinv_ref[...] = dinv


def _tc_scale(degp, xw):
    return pl.pallas_call(
        _tc_scale_body,
        grid=(_G,),
        in_specs=[
            pl.BlockSpec((_NC, _BR, _H), lambda i: (0, i, 0)),
            pl.BlockSpec((_BR, _H), lambda i: (i, 0)),
        ],
        out_specs=[pl.BlockSpec((_BR, _H), lambda i: (i, 0)),
                   pl.BlockSpec((_BR, 1), lambda i: (i, 0))],
        out_shape=[jax.ShapeDtypeStruct((_N, _H), jnp.float32),
                   jax.ShapeDtypeStruct((_N, 1), jnp.float32)],
    )(degp, xw)


def _tc_mid_body(dinv_ref, s_ref, y_ref, b_ref, w_ref, o_ref):
    dinv = dinv_ref[...]
    x1 = jnp.maximum(
        dinv * (s_ref[0] + s_ref[1] + y_ref[...]) + b_ref[...], 0.0)
    o_ref[...] = jnp.dot(x1, w_ref[...],
                         preferred_element_type=jnp.float32) * dinv


def _tc_mid(dinv, s_part, y, b, w):
    return pl.pallas_call(
        _tc_mid_body,
        grid=(_G,),
        in_specs=[
            pl.BlockSpec((_BR, 1), lambda i: (i, 0)),
            pl.BlockSpec((_NC, _BR, _H), lambda i: (0, i, 0)),
            pl.BlockSpec((_BR, _H), lambda i: (i, 0)),
            pl.BlockSpec((1, _H), lambda i: (0, 0)),
            pl.BlockSpec((_H, _H), lambda i: (0, 0)),
        ],
        out_specs=pl.BlockSpec((_BR, _H), lambda i: (i, 0)),
        out_shape=jax.ShapeDtypeStruct((_N, _H), jnp.float32),
    )(dinv, s_part, y, b, w)


def _tc_pool_body(dinv_ref, s_ref, y_ref, b_ref, v_ref, u_ref, wa_ref,
                  wh_ref, bh_ref, out_ref, num_acc, m_acc, den_acc):
    i = pl.program_id(0)
    dinv = dinv_ref[...]
    x2 = jnp.maximum(
        dinv * (s_ref[0] + s_ref[1] + y_ref[...]) + b_ref[...], 0.0)
    a = jnp.tanh(jnp.dot(x2, v_ref[...], preferred_element_type=jnp.float32))
    g = jax.nn.sigmoid(
        jnp.dot(x2, u_ref[...], preferred_element_type=jnp.float32))
    t = jnp.dot(a * g, wa_ref[...], preferred_element_type=jnp.float32)

    bm = jnp.max(t)
    m_old = jnp.where(i == 0, -3e38, m_acc[0])
    den_old = jnp.where(i == 0, 0.0, den_acc[0])
    num_old = jnp.where(i == 0, 0.0, num_acc[0:1, :])
    m_new = jnp.maximum(m_old, bm)
    alpha = jnp.exp(m_old - m_new)
    w = jnp.exp(t - m_new)
    num_new = num_old * alpha + lax.dot_general(
        w, x2, (((0,), (0,)), ((), ())), preferred_element_type=jnp.float32)
    den_new = den_old * alpha + jnp.sum(w)
    m_acc[0] = m_new
    den_acc[0] = den_new
    num_acc[0:1, :] = num_new
    out_ref[...] = (jnp.dot(num_new / den_new, wh_ref[...],
                            preferred_element_type=jnp.float32) + bh_ref[...])


def _tc_pool(dinv, s_part, y, b, v, u, wa, wh, bh):
    return pl.pallas_call(
        _tc_pool_body,
        grid=(_G,),
        in_specs=[
            pl.BlockSpec((_BR, 1), lambda i: (i, 0)),
            pl.BlockSpec((_NC, _BR, _H), lambda i: (0, i, 0)),
            pl.BlockSpec((_BR, _H), lambda i: (i, 0)),
            pl.BlockSpec((1, _H), lambda i: (0, 0)),
            pl.BlockSpec((_H, _H), lambda i: (0, 0)),
            pl.BlockSpec((_H, _H), lambda i: (0, 0)),
            pl.BlockSpec((_H, 1), lambda i: (0, 0)),
            pl.BlockSpec((_H, _C), lambda i: (0, 0)),
            pl.BlockSpec((1, _C), lambda i: (0, 0)),
        ],
        out_specs=pl.BlockSpec((1, _C), lambda i: (0, 0)),
        out_shape=jax.ShapeDtypeStruct((1, _C), jnp.float32),
        scratch_shapes=[
            pltpu.VMEM((8, _H), jnp.float32),
            pltpu.SMEM((1,), jnp.float32),
            pltpu.SMEM((1,), jnp.float32),
        ],
    )(dinv, s_part, y, b, v, u, wa, wh, bh)



def kernel(x, edge_index, W_fc, b_fc, W1, b1, W2, b2, V, U, w_attn,
           W_head, b_head):
    src = edge_index[0]
    dst = edge_index[1]
    dst2 = dst.reshape(_EROWS, _CW)
    xw1 = _tc_xw(x, W_fc, b_fc.reshape(1, _H), W1)
    degp = _deg_kernel(dst2)
    y1, dinv = _tc_scale(degp, xw1)
    s1 = _scatter_kernel(y1, src, dst)
    y2 = _tc_mid(dinv, s1, y1, b1.reshape(1, _H), W2)
    s2 = _scatter_kernel(y2, src, dst)
    out = _tc_pool(dinv, s2, y2, b2.reshape(1, _H), V, U, w_attn,
                   W_head, b_head.reshape(1, _C))
    return out

# --- scband reference (transcript-rebuilt; emitter-appended) ---
"""Pipeline reference for scband-mil-graph-fc-27032524161725 (READ-ONLY COPY).

The authoritative reference and input builder live on the scoring server;
editing this copy changes nothing except your own understanding.
"""

import jax, jax.numpy as jnp
import numpy as np

N = 10000
E = 320000
D_IN = 512
H = 128
C = 4


def _glorot(key, shape):
    lim = float(np.sqrt(6.0 / (shape[0] + shape[1])))
    return jax.random.uniform(key, shape, jnp.float32, -lim, lim)


def setup_inputs(seed: int = 0) -> dict:
    key = jax.random.key(seed)
    ks = jax.random.split(key, 16)
    x = jax.random.normal(ks[0], (N, D_IN), dtype=jnp.float32)
    edge_index = jax.random.randint(ks[1], (2, E), 0, N, dtype=jnp.int32)
    W_fc = _glorot(ks[2], (D_IN, H))
    b_fc = jnp.zeros((H,), jnp.float32)
    W1 = _glorot(ks[3], (H, H))
    b1 = jnp.zeros((H,), jnp.float32)
    W2 = _glorot(ks[4], (H, H))
    b2 = jnp.zeros((H,), jnp.float32)
    V = _glorot(ks[5], (H, H))
    U = _glorot(ks[6], (H, H))
    w_attn = _glorot(ks[7], (H, 1))
    W_head = _glorot(ks[8], (H, C))
    b_head = jnp.zeros((C,), jnp.float32)
    return {"x": x, "edge_index": edge_index, "W_fc": W_fc, "b_fc": b_fc,
            "W1": W1, "b1": b1, "W2": W2, "b2": b2, "V": V, "U": U,
            "w_attn": w_attn, "W_head": W_head, "b_head": b_head}


def _gcn_conv(x, edge_index, W, b):
    n = x.shape[0]
    loop = jnp.arange(n, dtype=edge_index.dtype)
    src = jnp.concatenate([edge_index[0], loop])
    dst = jnp.concatenate([edge_index[1], loop])
    deg = jnp.zeros((n,), jnp.float32).at[dst].add(1.0)
    dinv = jax.lax.rsqrt(jnp.maximum(deg, 1.0))
    norm = dinv[src] * dinv[dst]
    xw = x @ W
    msg = xw[src] * norm[:, None]
    out = jnp.zeros((n, xw.shape[1]), jnp.float32).at[dst].add(msg)
    return out + b


def reference(x, edge_index, W_fc, b_fc, W1, b1, W2, b2, V, U, w_attn, W_head, b_head):
    # fc: Linear(num_features, 128) + ReLU (dropout is identity in eval)
    h = jax.nn.relu(x @ W_fc + b_fc)
    # two GCNConv layers with ReLU
    x1 = jax.nn.relu(_gcn_conv(h, edge_index, W1, b1))
    x2 = jax.nn.relu(_gcn_conv(x1, edge_index, W2, b2))
    # gated attention pooling head
    a = jnp.tanh(x2 @ V)
    g = jax.nn.sigmoid(x2 @ U)
    attn = (a * g) @ w_attn  # [N, 1]
    attn = jax.nn.softmax(attn, axis=0)
    weighted_avg_h = attn.T @ x2  # [1, H]
    out = weighted_avg_h @ W_head + b_head  # [1, C]
    return out

if __name__ == "__main__":
    import jax
    _d = setup_inputs()
    print(jax.jit(kernel)(*tuple(_d.values())))

</pallas_src>

<mosaic_0001>
#map = affine_map<(d0, d1) -> (0, 0)>
#map1 = affine_map<(d0, d1) -> (0)>
#map2 = affine_map<(d0, d1) -> (0, 0, 0)>
module attributes {stable_mosaic.version = 14 : i64} {
  func.func @_scatter_kernel(%arg0: i32, %arg1: i32, %arg2: memref<10000x128xf32, #tpu.memory_space<hbm>>, %arg3: memref<320000xi32, #tpu.memory_space<hbm>>, %arg4: memref<320000xi32, #tpu.memory_space<hbm>>, %arg5: memref<2x10000x128xf32, #tpu.memory_space<hbm>>, %arg6: memref<128xi32, #tpu.memory_space<vmem>>, %arg7: memref<128xi32, #tpu.memory_space<vmem>>, %arg8: memref<128xi32, #tpu.memory_space<vmem>>, %arg9: memref<128xi32, #tpu.memory_space<vmem>>, %arg10: memref<128xi32, #tpu.memory_space<vmem>>, %arg11: memref<128xi32, #tpu.memory_space<vmem>>, %arg12: memref<128xi32, #tpu.memory_space<vmem>>, %arg13: memref<128xi32, #tpu.memory_space<vmem>>, %arg14: memref<128xi32, #tpu.memory_space<vmem>>, %arg15: memref<128x128xf32, #tpu.memory_space<vmem>>, %arg16: memref<128x128xf32, #tpu.memory_space<vmem>>, %arg17: memref<128x128xf32, #tpu.memory_space<vmem>>, %arg18: memref<10000x128xf32, #tpu.memory_space<vmem_shared>>, %arg19: memref<!tpu.dma_semaphore, #tpu.memory_space<semaphore_mem>>, %arg20: memref<!tpu.dma_semaphore, #tpu.memory_space<semaphore_mem>>, %arg21: memref<!tpu.dma_semaphore, #tpu.memory_space<semaphore_mem>>, %arg22: memref<!tpu.dma_semaphore, #tpu.memory_space<semaphore_mem>>, %arg23: memref<!tpu.dma_semaphore, #tpu.memory_space<semaphore_mem>>, %arg24: memref<!tpu.dma_semaphore, #tpu.memory_space<semaphore_mem>>, %arg25: memref<!tpu.dma_semaphore, #tpu.memory_space<semaphore_mem>>, %arg26: memref<!tpu.dma_semaphore, #tpu.memory_space<semaphore_mem>>, %arg27: memref<!tpu.dma_semaphore, #tpu.memory_space<semaphore_mem>>, %arg28: memref<!tpu.dma_semaphore, #tpu.memory_space<semaphore_mem>>, %arg29: memref<!tpu.dma_semaphore, #tpu.memory_space<semaphore_mem>>, %arg30: memref<!tpu.dma_semaphore, #tpu.memory_space<semaphore_mem>>, %arg31: memref<!tpu.dma_semaphore, #tpu.memory_space<semaphore_mem>>, %arg32: memref<!tpu.dma_semaphore, #tpu.memory_space<semaphore_mem>>, %arg33: memref<!tpu.dma_semaphore, #tpu.memory_space<semaphore_mem>>, %arg34: memref<!tpu.dma_semaphore, #tpu.memory_space<semaphore_mem>>) attributes {dimension_semantics = [#tpu.dimension_semantics<core_parallel>, #tpu.dimension_semantics<subcore_parallel>], iteration_bounds = array<i64: 2, 16>, scalar_prefetch = 0 : i64, scratch_operands = 29 : i64, tpu.core_type = #tpu.core_type<sc_vector_subcore>, window_params = [{transform_indices = #map}, {transform_indices = #map1}, {transform_indices = #map1}, {transform_indices = #map2}]} {
    %mul3A = arith.constant 16 : i32
    %mul3A_0 = arith.muli %arg0, %mul3A : i32
    %add3A = arith.addi %mul3A_0, %arg1 : i32
    %eq3A = arith.constant 31 : i32
    %eq3A_1 = arith.cmpi eq, %add3A, %eq3A : i32
    %jit3A = arith.constant 20 : i32
    %jit3A_2 = arith.constant 80 : i32
    %select_n3A = arith.select %eq3A_1, %jit3A, %jit3A_2 : i32
    %mul3A_3 = arith.constant 10240 : i32
    %mul3A_4 = arith.muli %add3A, %mul3A_3 : i32
    %add3A_5 = arith.constant 0 : i32
    %add3A_6 = arith.addi %mul3A_4, %add3A_5 : i32
    %dma_start3A = tpu.memref_slice %arg3[%add3A_6] : memref<320000xi32, #tpu.memory_space<hbm>> -> memref<128xi32, #tpu.memory_space<hbm>>
    %dma_start3A_7 = tpu.memref_slice %arg3[%add3A_6] : memref<320000xi32, #tpu.memory_space<hbm>> -> memref<128xi32, #tpu.memory_space<hbm>>
    tpu.enqueue_dma source(%dma_start3A_7 : memref<128xi32, #tpu.memory_space<hbm>>) target(%arg6 : memref<128xi32, #tpu.memory_space<vmem>>) target_semaphore(%arg19 : memref<!tpu.dma_semaphore, #tpu.memory_space<semaphore_mem>>)
    %add3A_8 = arith.constant 128 : i32
    %add3A_9 = arith.addi %mul3A_4, %add3A_8 : i32
    %dma_start3A_10 = tpu.memref_slice %arg3[%add3A_9] : memref<320000xi32, #tpu.memory_space<hbm>> -> memref<128xi32, #tpu.memory_space<hbm>>
    %dma_start3A_11 = tpu.memref_slice %arg3[%add3A_9] : memref<320000xi32, #tpu.memory_space<hbm>> -> memref<128xi32, #tpu.memory_space<hbm>>
    tpu.enqueue_dma source(%dma_start3A_11 : memref<128xi32, #tpu.memory_space<hbm>>) target(%arg7 : memref<128xi32, #tpu.memory_space<vmem>>) target_semaphore(%arg20 : memref<!tpu.dma_semaphore, #tpu.memory_space<semaphore_mem>>)
    %add3A_12 = arith.constant 256 : i32
    %add3A_13 = arith.addi %mul3A_4, %add3A_12 : i32
    %dma_start3A_14 = tpu.memref_slice %arg3[%add3A_13] : memref<320000xi32, #tpu.memory_space<hbm>> -> memref<128xi32, #tpu.memory_space<hbm>>
    %dma_start3A_15 = tpu.memref_slice %arg3[%add3A_13] : memref<320000xi32, #tpu.memory_space<hbm>> -> memref<128xi32, #tpu.memory_space<hbm>>
    tpu.enqueue_dma source(%dma_start3A_15 : memref<128xi32, #tpu.memory_space<hbm>>) target(%arg8 : memref<128xi32, #tpu.memory_space<vmem>>) target_semaphore(%arg21 : memref<!tpu.dma_semaphore, #tpu.memory_space<semaphore_mem>>)
    %add3A_16 = arith.constant 0 : i32
    %add3A_17 = arith.addi %mul3A_4, %add3A_16 : i32
    %dma_start3A_18 = tpu.memref_slice %arg4[%add3A_17] : memref<320000xi32, #tpu.memory_space<hbm>> -> memref<128xi32, #tpu.memory_space<hbm>>
    %dma_start3A_19 = tpu.memref_slice %arg4[%add3A_17] : memref<320000xi32, #tpu.memory_space<hbm>> -> memref<128xi32, #tpu.memory_space<hbm>>
    tpu.enqueue_dma source(%dma_start3A_19 : memref<128xi32, #tpu.memory_space<hbm>>) target(%arg9 : memref<128xi32, #tpu.memory_space<vmem>>) target_semaphore(%arg22 : memref<!tpu.dma_semaphore, #tpu.memory_space<semaphore_mem>>)
    %add3A_20 = arith.constant 128 : i32
    %add3A_21 = arith.addi %mul3A_4, %add3A_20 : i32
    %dma_start3A_22 = tpu.memref_slice %arg4[%add3A_21] : memref<320000xi32, #tpu.memory_space<hbm>> -> memref<128xi32, #tpu.memory_space<hbm>>
    %dma_start3A_23 = tpu.memref_slice %arg4[%add3A_21] : memref<320000xi32, #tpu.memory_space<hbm>> -> memref<128xi32, #tpu.memory_space<hbm>>
    tpu.enqueue_dma source(%dma_start3A_23 : memref<128xi32, #tpu.memory_space<hbm>>) target(%arg10 : memref<128xi32, #tpu.memory_space<vmem>>) target_semaphore(%arg23 : memref<!tpu.dma_semaphore, #tpu.memory_space<semaphore_mem>>)
    %add3A_24 = arith.constant 256 : i32
    %add3A_25 = arith.addi %mul3A_4, %add3A_24 : i32
    %dma_start3A_26 = tpu.memref_slice %arg4[%add3A_25] : memref<320000xi32, #tpu.memory_space<hbm>> -> memref<128xi32, #tpu.memory_space<hbm>>
    %dma_start3A_27 = tpu.memref_slice %arg4[%add3A_25] : memref<320000xi32, #tpu.memory_space<hbm>> -> memref<128xi32, #tpu.memory_space<hbm>>
    tpu.enqueue_dma source(%dma_start3A_27 : memref<128xi32, #tpu.memory_space<hbm>>) target(%arg11 : memref<128xi32, #tpu.memory_space<vmem>>) target_semaphore(%arg24 : memref<!tpu.dma_semaphore, #tpu.memory_space<semaphore_mem>>)
    %add3A_28 = arith.constant 384 : i32
    %add3A_29 = arith.addi %mul3A_4, %add3A_28 : i32
    %dma_start3A_30 = tpu.memref_slice %arg4[%add3A_29] : memref<320000xi32, #tpu.memory_space<hbm>> -> memref<128xi32, #tpu.memory_space<hbm>>
    %dma_start3A_31 = tpu.memref_slice %arg4[%add3A_29] : memref<320000xi32, #tpu.memory_space<hbm>> -> memref<128xi32, #tpu.memory_space<hbm>>
    tpu.enqueue_dma source(%dma_start3A_31 : memref<128xi32, #tpu.memory_space<hbm>>) target(%arg12 : memref<128xi32, #tpu.memory_space<vmem>>) target_semaphore(%arg25 : memref<!tpu.dma_semaphore, #tpu.memory_space<semaphore_mem>>)
    %add3A_32 = arith.constant 512 : i32
    %add3A_33 = arith.addi %mul3A_4, %add3A_32 : i32
    %dma_start3A_34 = tpu.memref_slice %arg4[%add3A_33] : memref<320000xi32, #tpu.memory_space<hbm>> -> memref<128xi32, #tpu.memory_space<hbm>>
    %dma_start3A_35 = tpu.memref_slice %arg4[%add3A_33] : memref<320000xi32, #tpu.memory_space<hbm>> -> memref<128xi32, #tpu.memory_space<hbm>>
    tpu.enqueue_dma source(%dma_start3A_35 : memref<128xi32, #tpu.memory_space<hbm>>) target(%arg13 : memref<128xi32, #tpu.memory_space<vmem>>) target_semaphore(%arg26 : memref<!tpu.dma_semaphore, #tpu.memory_space<semaphore_mem>>)
    %add3A_36 = arith.constant 640 : i32
    %add3A_37 = arith.addi %mul3A_4, %add3A_36 : i32
    %dma_start3A_38 = tpu.memref_slice %arg4[%add3A_37] : memref<320000xi32, #tpu.memory_space<hbm>> -> memref<128xi32, #tpu.memory_space<hbm>>
    %dma_start3A_39 = tpu.memref_slice %arg4[%add3A_37] : memref<320000xi32, #tpu.memory_space<hbm>> -> memref<128xi32, #tpu.memory_space<hbm>>
    tpu.enqueue_dma source(%dma_start3A_39 : memref<128xi32, #tpu.memory_space<hbm>>) target(%arg14 : memref<128xi32, #tpu.memory_space<vmem>>) target_semaphore(%arg27 : memref<!tpu.dma_semaphore, #tpu.memory_space<semaphore_mem>>)
    %add3A_40 = arith.constant 0 : i32
    %add3A_41 = arith.addi %mul3A_4, %add3A_40 : i32
    %dma_wait3A = tpu.memref_slice %arg3[%add3A_41] : memref<320000xi32, #tpu.memory_space<hbm>> -> memref<128xi32, #tpu.memory_space<hbm>>
    %dma_wait3A_42 = tpu.memref_slice %arg3[%add3A_41] : memref<320000xi32, #tpu.memory_space<hbm>> -> memref<128xi32, #tpu.memory_space<hbm>>
    tpu.wait_dma2 semaphore(%arg19 : memref<!tpu.dma_semaphore, #tpu.memory_space<semaphore_mem>>) src(%dma_wait3A_42 : memref<128xi32, #tpu.memory_space<hbm>>) dst(%arg6 : memref<128xi32, #tpu.memory_space<vmem>>)
    %dma_start3A_43 = arith.constant 0 : i32
    %dma_start3A_44 = arith.constant 0 : i32
    %dma_start3A_45 = tpu.memref_slice %arg2[%dma_start3A_43, %dma_start3A_44] : memref<10000x128xf32, #tpu.memory_space<hbm>> -> memref<10000x128xf32, #tpu.memory_space<hbm>>
    tpu.enqueue_indirect_dma source(%dma_start3A_45 : memref<10000x128xf32, #tpu.memory_space<hbm>>) target(%arg15 : memref<128x128xf32, #tpu.memory_space<vmem>>) offsets(%arg6 : memref<128xi32, #tpu.memory_space<vmem>>) semaphore(%arg28 : memref<!tpu.dma_semaphore, #tpu.memory_space<semaphore_mem>>)
    %add3A_46 = arith.constant 128 : i32
    %add3A_47 = arith.addi %mul3A_4, %add3A_46 : i32
    %dma_wait3A_48 = tpu.memref_slice %arg3[%add3A_47] : memref<320000xi32, #tpu.memory_space<hbm>> -> memref<128xi32, #tpu.memory_space<hbm>>
    %dma_wait3A_49 = tpu.memref_slice %arg3[%add3A_47] : memref<320000xi32, #tpu.memory_space<hbm>> -> memref<128xi32, #tpu.memory_space<hbm>>
    tpu.wait_dma2 semaphore(%arg20 : memref<!tpu.dma_semaphore, #tpu.memory_space<semaphore_mem>>) src(%dma_wait3A_49 : memref<128xi32, #tpu.memory_space<hbm>>) dst(%arg7 : memref<128xi32, #tpu.memory_space<vmem>>)
    %dma_start3A_50 = arith.constant 0 : i32
    %dma_start3A_51 = arith.constant 0 : i32
    %dma_start3A_52 = tpu.memref_slice %arg2[%dma_start3A_50, %dma_start3A_51] : memref<10000x128xf32, #tpu.memory_space<hbm>> -> memref<10000x128xf32, #tpu.memory_space<hbm>>
    tpu.enqueue_indirect_dma source(%dma_start3A_52 : memref<10000x128xf32, #tpu.memory_space<hbm>>) target(%arg16 : memref<128x128xf32, #tpu.memory_space<vmem>>) offsets(%arg7 : memref<128xi32, #tpu.memory_space<vmem>>) semaphore(%arg29 : memref<!tpu.dma_semaphore, #tpu.memory_space<semaphore_mem>>)
    %broadcast_in_dim3A = arith.constant 0.000000e+00 : f32
    %broadcast_in_dim3A_53 = vector.broadcast %broadcast_in_dim3A : f32 to vector<16xf32>
    %scan3A = arith.constant 0 : i32
    %scan3A_54 = arith.constant 0 : i32
    %scan3A_55 = arith.constant 8 : i32
    %scan3A_56 = arith.addi %scan3A_54, %scan3A_55 : i32
    %scan3A_57 = arith.constant 1 : i32
    scf.for %scan3A_116 = %scan3A_54 to %scan3A_56 step %scan3A_57  : i32 {
      %swap3A = arith.index_cast %scan3A_116 : i32 to index
      %swap3A_117 = arith.constant 0 : index
      %swap3A_118 = tpu.vector_load %arg17[%swap3A, %swap3A_117] {strides = array<i32>} : memref<128x128xf32, #tpu.memory_space<vmem>>, vector<1x16xf32>,
      %swap3A_119 = vector.shape_cast %swap3A_118 : vector<1x16xf32> to vector<16xf32>
      %swap3A_120 = vector.shape_cast %broadcast_in_dim3A_53 : vector<16xf32> to vector<1x16xf32>
      tpu.vector_store %arg17[%swap3A, %swap3A_117], %swap3A_120 {strides = array<i32>} : memref<128x128xf32, #tpu.memory_space<vmem>>, vector<1x16xf32>,
      %swap3A_121 = arith.index_cast %scan3A_116 : i32 to index
      %swap3A_122 = arith.constant 16 : index
      %swap3A_123 = tpu.vector_load %arg17[%swap3A_121, %swap3A_122] {strides = array<i32>} : memref<128x128xf32, #tpu.memory_space<vmem>>, vector<1x16xf32>,
      %swap3A_124 = vector.shape_cast %swap3A_123 : vector<1x16xf32> to vector<16xf32>
      %swap3A_125 = vector.shape_cast %broadcast_in_dim3A_53 : vector<16xf32> to vector<1x16xf32>
      tpu.vector_store %arg17[%swap3A_121, %swap3A_122], %swap3A_125 {strides = array<i32>} : memref<128x128xf32, #tpu.memory_space<vmem>>, vector<1x16xf32>,
      %swap3A_126 = arith.index_cast %scan3A_116 : i32 to index
      %swap3A_127 = arith.constant 32 : index
      %swap3A_128 = tpu.vector_load %arg17[%swap3A_126, %swap3A_127] {strides = array<i32>} : memref<128x128xf32, #tpu.memory_space<vmem>>, vector<1x16xf32>,
      %swap3A_129 = vector.shape_cast %swap3A_128 : vector<1x16xf32> to vector<16xf32>
      %swap3A_130 = vector.shape_cast %broadcast_in_dim3A_53 : vector<16xf32> to vector<1x16xf32>
      tpu.vector_store %arg17[%swap3A_126, %swap3A_127], %swap3A_130 {strides = array<i32>} : memref<128x128xf32, #tpu.memory_space<vmem>>, vector<1x16xf32>,
      %swap3A_131 = arith.index_cast %scan3A_116 : i32 to index
      %swap3A_132 = arith.constant 48 : index
      %swap3A_133 = tpu.vector_load %arg17[%swap3A_131, %swap3A_132] {strides = array<i32>} : memref<128x128xf32, #tpu.memory_space<vmem>>, vector<1x16xf32>,
      %swap3A_134 = vector.shape_cast %swap3A_133 : vector<1x16xf32> to vector<16xf32>
      %swap3A_135 = vector.shape_cast %broadcast_in_dim3A_53 : vector<16xf32> to vector<1x16xf32>
      tpu.vector_store %arg17[%swap3A_131, %swap3A_132], %swap3A_135 {strides = array<i32>} : memref<128x128xf32, #tpu.memory_space<vmem>>, vector<1x16xf32>,
      %swap3A_136 = arith.index_cast %scan3A_116 : i32 to index
      %swap3A_137 = arith.constant 64 : index
      %swap3A_138 = tpu.vector_load %arg17[%swap3A_136, %swap3A_137] {strides = array<i32>} : memref<128x128xf32, #tpu.memory_space<vmem>>, vector<1x16xf32>,
      %swap3A_139 = vector.shape_cast %swap3A_138 : vector<1x16xf32> to vector<16xf32>
      %swap3A_140 = vector.shape_cast %broadcast_in_dim3A_53 : vector<16xf32> to vector<1x16xf32>
      tpu.vector_store %arg17[%swap3A_136, %swap3A_137], %swap3A_140 {strides = array<i32>} : memref<128x128xf32, #tpu.memory_space<vmem>>, vector<1x16xf32>,
      %swap3A_141 = arith.index_cast %scan3A_116 : i32 to index
      %swap3A_142 = arith.constant 80 : index
      %swap3A_143 = tpu.vector_load %arg17[%swap3A_141, %swap3A_142] {strides = array<i32>} : memref<128x128xf32, #tpu.memory_space<vmem>>, vector<1x16xf32>,
      %swap3A_144 = vector.shape_cast %swap3A_143 : vector<1x16xf32> to vector<16xf32>
      %swap3A_145 = vector.shape_cast %broadcast_in_dim3A_53 : vector<16xf32> to vector<1x16xf32>
      tpu.vector_store %arg17[%swap3A_141, %swap3A_142], %swap3A_145 {strides = array<i32>} : memref<128x128xf32, #tpu.memory_space<vmem>>, vector<1x16xf32>,
      %swap3A_146 = arith.index_cast %scan3A_116 : i32 to index
      %swap3A_147 = arith.constant 96 : index
      %swap3A_148 = tpu.vector_load %arg17[%swap3A_146, %swap3A_147] {strides = array<i32>} : memref<128x128xf32, #tpu.memory_space<vmem>>, vector<1x16xf32>,
      %swap3A_149 = vector.shape_cast %swap3A_148 : vector<1x16xf32> to vector<16xf32>
      %swap3A_150 = vector.shape_cast %broadcast_in_dim3A_53 : vector<16xf32> to vector<1x16xf32>
      tpu.vector_store %arg17[%swap3A_146, %swap3A_147], %swap3A_150 {strides = array<i32>} : memref<128x128xf32, #tpu.memory_space<vmem>>, vector<1x16xf32>,
      %swap3A_151 = arith.index_cast %scan3A_116 : i32 to index
      %swap3A_152 = arith.constant 112 : index
      %swap3A_153 = tpu.vector_load %arg17[%swap3A_151, %swap3A_152] {strides = array<i32>} : memref<128x128xf32, #tpu.memory_space<vmem>>, vector<1x16xf32>,
      %swap3A_154 = vector.shape_cast %swap3A_153 : vector<1x16xf32> to vector<16xf32>
      %swap3A_155 = vector.shape_cast %broadcast_in_dim3A_53 : vector<16xf32> to vector<1x16xf32>
      tpu.vector_store %arg17[%swap3A_151, %swap3A_152], %swap3A_155 {strides = array<i32>} : memref<128x128xf32, #tpu.memory_space<vmem>>, vector<1x16xf32>,
    }
    %scan3A_58 = arith.constant 8 : i32
    %scan3A_59 = arith.constant 0 : i32
    %scan3A_60 = arith.constant 0 : i32
    %scan3A_61 = arith.constant 78 : i32
    %scan3A_62 = arith.addi %scan3A_60, %scan3A_61 : i32
    %scan3A_63 = arith.constant 1 : i32
    scf.for %scan3A_116 = %scan3A_60 to %scan3A_62 step %scan3A_63  : i32 {
      %mul3A_117 = arith.constant 624 : i32
      %mul3A_118 = arith.muli %arg1, %mul3A_117 : i32
      %mul3A_119 = arith.constant 8 : i32
      %mul3A_120 = arith.muli %scan3A_116, %mul3A_119 : i32
      %add3A_121 = arith.addi %mul3A_118, %mul3A_120 : i32
      %dma_start3A_122 = arith.constant 0 : i32
      %dma_start3A_123 = arith.constant 0 : i32
      %dma_start3A_124 = tpu.memref_slice %arg17[%dma_start3A_122, %dma_start3A_123] : memref<128x128xf32, #tpu.memory_space<vmem>> -> memref<8x128xf32, #tpu.memory_space<vmem>>
      %dma_start3A_125 = arith.constant 0 : i32
      %dma_start3A_126 = tpu.memref_slice %arg18[%add3A_121, %dma_start3A_125] : memref<10000x128xf32, #tpu.memory_space<vmem_shared>> -> memref<8x128xf32, #tpu.memory_space<vmem_shared>>
      %dma_start3A_127 = arith.constant 0 : i32
      %dma_start3A_128 = tpu.memref_slice %arg18[%add3A_121, %dma_start3A_127] : memref<10000x128xf32, #tpu.memory_space<vmem_shared>> -> memref<8x128xf32, #tpu.memory_space<vmem_shared>>
      %dma_start3A_129 = arith.constant 0 : i32
      %dma_start3A_130 = arith.constant 0 : i32
      %dma_start3A_131 = tpu.memref_slice %arg17[%dma_start3A_129, %dma_start3A_130] : memref<128x128xf32, #tpu.memory_space<vmem>> -> memref<8x128xf32, #tpu.memory_space<vmem>>
      tpu.enqueue_dma source(%dma_start3A_131 : memref<8x128xf32, #tpu.memory_space<vmem>>) target(%dma_start3A_128 : memref<8x128xf32, #tpu.memory_space<vmem_shared>>) target_semaphore(%arg34 : memref<!tpu.dma_semaphore, #tpu.memory_space<semaphore_mem>>)
    }
    %scan3A_64 = arith.constant 78 : i32
    %eq3A_65 = arith.constant 0 : i32
    %eq3A_66 = arith.cmpi eq, %arg1, %eq3A_65 : i32
    %convert_element_type3A = arith.extui %eq3A_66 : i1 to i32
    %cond3A = arith.constant 0 : i32
    %cond3A_67 = arith.cmpi ne, %convert_element_type3A, %cond3A : i32
    scf.if %cond3A_67 {
      "tpu.region"() ({
        %run_scoped3A = tpu.sem_alloc : memref<!tpu.dma_semaphore, #tpu.memory_space<semaphore_mem>>
        %dma_start3A_116 = arith.constant 0 : i32
        %dma_start3A_117 = arith.constant 0 : i32
        %dma_start3A_118 = tpu.memref_slice %arg17[%dma_start3A_116, %dma_start3A_117] : memref<128x128xf32, #tpu.memory_space<vmem>> -> memref<8x128xf32, #tpu.memory_space<vmem>>
        %dma_start3A_119 = arith.constant 9984 : i32
        %dma_start3A_120 = arith.constant 0 : i32
        %dma_start3A_121 = tpu.memref_slice %arg18[%dma_start3A_119, %dma_start3A_120] : memref<10000x128xf32, #tpu.memory_space<vmem_shared>> -> memref<8x128xf32, #tpu.memory_space<vmem_shared>>
        %dma_start3A_122 = arith.constant 9984 : i32
        %dma_start3A_123 = arith.constant 0 : i32
        %dma_start3A_124 = tpu.memref_slice %arg18[%dma_start3A_122, %dma_start3A_123] : memref<10000x128xf32, #tpu.memory_space<vmem_shared>> -> memref<8x128xf32, #tpu.memory_space<vmem_shared>>
        %dma_start3A_125 = arith.constant 0 : i32
        %dma_start3A_126 = arith.constant 0 : i32
        %dma_start3A_127 = tpu.memref_slice %arg17[%dma_start3A_125, %dma_start3A_126] : memref<128x128xf32, #tpu.memory_space<vmem>> -> memref<8x128xf32, #tpu.memory_space<vmem>>
        tpu.enqueue_dma source(%dma_start3A_127 : memref<8x128xf32, #tpu.memory_space<vmem>>) target(%dma_start3A_124 : memref<8x128xf32, #tpu.memory_space<vmem_shared>>) target_semaphore(%run_scoped3A : memref<!tpu.dma_semaphore, #tpu.memory_space<semaphore_mem>>)
        %dma_wait3A_128 = arith.constant 0 : i32
        %dma_wait3A_129 = arith.constant 0 : i32
        %dma_wait3A_130 = tpu.memref_slice %arg17[%dma_wait3A_128, %dma_wait3A_129] : memref<128x128xf32, #tpu.memory_space<vmem>> -> memref<8x128xf32, #tpu.memory_space<vmem>>
        %dma_wait3A_131 = arith.constant 9984 : i32
        %dma_wait3A_132 = arith.constant 0 : i32
        %dma_wait3A_133 = tpu.memref_slice %arg18[%dma_wait3A_131, %dma_wait3A_132] : memref<10000x128xf32, #tpu.memory_space<vmem_shared>> -> memref<8x128xf32, #tpu.memory_space<vmem_shared>>
        %dma_wait3A_134 = arith.constant 9984 : i32
        %dma_wait3A_135 = arith.constant 0 : i32
        %dma_wait3A_136 = tpu.memref_slice %arg18[%dma_wait3A_134, %dma_wait3A_135] : memref<10000x128xf32, #tpu.memory_space<vmem_shared>> -> memref<8x128xf32, #tpu.memory_space<vmem_shared>>
        %dma_wait3A_137 = arith.constant 0 : i32
        %dma_wait3A_138 = arith.constant 0 : i32
        %dma_wait3A_139 = tpu.memref_slice %arg17[%dma_wait3A_137, %dma_wait3A_138] : memref<128x128xf32, #tpu.memory_space<vmem>> -> memref<8x128xf32, #tpu.memory_space<vmem>>
        tpu.wait_dma2 semaphore(%run_scoped3A : memref<!tpu.dma_semaphore, #tpu.memory_space<semaphore_mem>>) src(%dma_wait3A_139 : memref<8x128xf32, #tpu.memory_space<vmem>>) dst(%dma_wait3A_136 : memref<8x128xf32, #tpu.memory_space<vmem_shared>>)
        tpu.yield
      }) : () -> ()
      "tpu.region"() ({
        %run_scoped3A = tpu.sem_alloc : memref<!tpu.dma_semaphore, #tpu.memory_space<semaphore_mem>>
        %dma_start3A_116 = arith.constant 0 : i32
        %dma_start3A_117 = arith.constant 0 : i32
        %dma_start3A_118 = tpu.memref_slice %arg17[%dma_start3A_116, %dma_start3A_117] : memref<128x128xf32, #tpu.memory_space<vmem>> -> memref<8x128xf32, #tpu.memory_space<vmem>>
        %dma_start3A_119 = arith.constant 9992 : i32
        %dma_start3A_120 = arith.constant 0 : i32
        %dma_start3A_121 = tpu.memref_slice %arg18[%dma_start3A_119, %dma_start3A_120] : memref<10000x128xf32, #tpu.memory_space<vmem_shared>> -> memref<8x128xf32, #tpu.memory_space<vmem_shared>>
        %dma_start3A_122 = arith.constant 9992 : i32
        %dma_start3A_123 = arith.constant 0 : i32
        %dma_start3A_124 = tpu.memref_slice %arg18[%dma_start3A_122, %dma_start3A_123] : memref<10000x128xf32, #tpu.memory_space<vmem_shared>> -> memref<8x128xf32, #tpu.memory_space<vmem_shared>>
        %dma_start3A_125 = arith.constant 0 : i32
        %dma_start3A_126 = arith.constant 0 : i32
        %dma_start3A_127 = tpu.memref_slice %arg17[%dma_start3A_125, %dma_start3A_126] : memref<128x128xf32, #tpu.memory_space<vmem>> -> memref<8x128xf32, #tpu.memory_space<vmem>>
        tpu.enqueue_dma source(%dma_start3A_127 : memref<8x128xf32, #tpu.memory_space<vmem>>) target(%dma_start3A_124 : memref<8x128xf32, #tpu.memory_space<vmem_shared>>) target_semaphore(%run_scoped3A : memref<!tpu.dma_semaphore, #tpu.memory_space<semaphore_mem>>)
        %dma_wait3A_128 = arith.constant 0 : i32
        %dma_wait3A_129 = arith.constant 0 : i32
        %dma_wait3A_130 = tpu.memref_slice %arg17[%dma_wait3A_128, %dma_wait3A_129] : memref<128x128xf32, #tpu.memory_space<vmem>> -> memref<8x128xf32, #tpu.memory_space<vmem>>
        %dma_wait3A_131 = arith.constant 9992 : i32
        %dma_wait3A_132 = arith.constant 0 : i32
        %dma_wait3A_133 = tpu.memref_slice %arg18[%dma_wait3A_131, %dma_wait3A_132] : memref<10000x128xf32, #tpu.memory_space<vmem_shared>> -> memref<8x128xf32, #tpu.memory_space<vmem_shared>>
        %dma_wait3A_134 = arith.constant 9992 : i32
        %dma_wait3A_135 = arith.constant 0 : i32
        %dma_wait3A_136 = tpu.memref_slice %arg18[%dma_wait3A_134, %dma_wait3A_135] : memref<10000x128xf32, #tpu.memory_space<vmem_shared>> -> memref<8x128xf32, #tpu.memory_space<vmem_shared>>
        %dma_wait3A_137 = arith.constant 0 : i32
        %dma_wait3A_138 = arith.constant 0 : i32
        %dma_wait3A_139 = tpu.memref_slice %arg17[%dma_wait3A_137, %dma_wait3A_138] : memref<128x128xf32, #tpu.memory_space<vmem>> -> memref<8x128xf32, #tpu.memory_space<vmem>>
        tpu.wait_dma2 semaphore(%run_scoped3A : memref<!tpu.dma_semaphore, #tpu.memory_space<semaphore_mem>>) src(%dma_wait3A_139 : memref<8x128xf32, #tpu.memory_space<vmem>>) dst(%dma_wait3A_136 : memref<8x128xf32, #tpu.memory_space<vmem_shared>>)
        tpu.yield
      }) : () -> ()
    } else {
    }
    %scan3A_68 = arith.constant 0 : i32
    %scan3A_69 = arith.constant 0 : i32
    %scan3A_70 = arith.constant 78 : i32
    %scan3A_71 = arith.addi %scan3A_69, %scan3A_70 : i32
    %scan3A_72 = arith.constant 1 : i32
    scf.for %scan3A_116 = %scan3A_69 to %scan3A_71 step %scan3A_72  : i32 {
      %mul3A_117 = arith.constant 624 : i32
      %mul3A_118 = arith.muli %arg1, %mul3A_117 : i32
      %mul3A_119 = arith.constant 8 : i32
      %mul3A_120 = arith.muli %scan3A_116, %mul3A_119 : i32
      %add3A_121 = arith.addi %mul3A_118, %mul3A_120 : i32
      %dma_wait3A_122 = arith.constant 0 : i32
      %dma_wait3A_123 = arith.constant 0 : i32
      %dma_wait3A_124 = tpu.memref_slice %arg17[%dma_wait3A_122, %dma_wait3A_123] : memref<128x128xf32, #tpu.memory_space<vmem>> -> memref<8x128xf32, #tpu.memory_space<vmem>>
      %dma_wait3A_125 = arith.constant 0 : i32
      %dma_wait3A_126 = tpu.memref_slice %arg18[%add3A_121, %dma_wait3A_125] : memref<10000x128xf32, #tpu.memory_space<vmem_shared>> -> memref<8x128xf32, #tpu.memory_space<vmem_shared>>
      %dma_wait3A_127 = arith.constant 0 : i32
      %dma_wait3A_128 = tpu.memref_slice %arg18[%add3A_121, %dma_wait3A_127] : memref<10000x128xf32, #tpu.memory_space<vmem_shared>> -> memref<8x128xf32, #tpu.memory_space<vmem_shared>>
      %dma_wait3A_129 = arith.constant 0 : i32
      %dma_wait3A_130 = arith.constant 0 : i32
      %dma_wait3A_131 = tpu.memref_slice %arg17[%dma_wait3A_129, %dma_wait3A_130] : memref<128x128xf32, #tpu.memory_space<vmem>> -> memref<8x128xf32, #tpu.memory_space<vmem>>
      tpu.wait_dma2 semaphore(%arg34 : memref<!tpu.dma_semaphore, #tpu.memory_space<semaphore_mem>>) src(%dma_wait3A_131 : memref<8x128xf32, #tpu.memory_space<vmem>>) dst(%dma_wait3A_128 : memref<8x128xf32, #tpu.memory_space<vmem_shared>>)
    }
    %scan3A_73 = arith.constant 78 : i32
    %barrier3A = arith.constant 0 : index
    tpu.barrier barrier_id(%barrier3A)
    %add3A_74 = arith.constant 2 : i32
    %add3A_75 = arith.addi %select_n3A, %add3A_74 : i32
    %jit3A_76 = arith.constant 3 : i32
    %div3A = arith.divsi %add3A_75, %jit3A_76 : i32
    %sign3A = arith.constant 0 : i32
    %sign3A_77 = arith.cmpi sgt, %add3A_75, %sign3A : i32
    %sign3A_78 = arith.extui %sign3A_77 : i1 to i32
    %sign3A_79 = arith.constant 0 : i32
    %sign3A_80 = arith.cmpi slt, %add3A_75, %sign3A_79 : i32
    %sign3A_81 = arith.extui %sign3A_80 : i1 to i32
    %sign3A_82 = arith.subi %sign3A_78, %sign3A_81 : i32
    %sign3A_83 = arith.constant 0 : i32
    %sign3A_84 = arith.cmpi sgt, %jit3A_76, %sign3A_83 : i32
    %sign3A_85 = arith.extui %sign3A_84 : i1 to i32
    %sign3A_86 = arith.constant 0 : i32
    %sign3A_87 = arith.cmpi slt, %jit3A_76, %sign3A_86 : i32
    %sign3A_88 = arith.extui %sign3A_87 : i1 to i32
    %sign3A_89 = arith.subi %sign3A_85, %sign3A_88 : i32
    %ne3A = arith.cmpi ne, %sign3A_82, %sign3A_89 : i32
    %rem3A = arith.remsi %add3A_75, %jit3A_76 : i32
    %ne3A_90 = arith.constant 0 : i32
    %ne3A_91 = arith.cmpi ne, %rem3A, %ne3A_90 : i32
    %and3A = arith.andi %ne3A, %ne3A_91 : i1
    %sub3A = arith.constant 1 : i32
    %sub3A_92 = arith.subi %div3A, %sub3A : i32
    %select_n3A_93 = arith.select %and3A, %sub3A_92, %div3A : i32
    %while3A = arith.constant 0 : i32
    %while3A_94 = arith.constant 0 : i32
    %while3A_95 = arith.subi %select_n3A_93, %while3A_94 : i32
    %while3A_96 = arith.addi %while3A_94, %while3A_95 : i32
    %while3A_97 = arith.constant 1 : i32
    %while3A_98 = arith.divsi %while3A_95, %while3A_97 : i32
    %while3A_99 = arith.muli %while3A_98, %while3A_97 : i32
    %while3A_100 = arith.addi %while3A_94, %while3A_99 : i32
    %while3A_101 = arith.constant 1 : i32
    scf.for %while3A_116 = %while3A_94 to %while3A_100 step %while3A_101  : i32 {
      %jit3A_117 = arith.constant 2 : i32
      %eq3A_118 = arith.constant 0 : i32
      %eq3A_119 = arith.cmpi eq, %jit3A_117, %eq3A_118 : i32
      %jit3A_120 = arith.constant 1 : i32
      %select_n3A_121 = arith.select %eq3A_119, %jit3A_120, %jit3A_117 : i32
      %rem3A_122 = arith.remsi %while3A_116, %select_n3A_121 : i32
      %ne3A_123 = arith.constant 0 : i32
      %ne3A_124 = arith.cmpi ne, %rem3A_122, %ne3A_123 : i32
      %lt3A = arith.constant 0 : i32
      %lt3A_125 = arith.cmpi slt, %rem3A_122, %lt3A : i32
      %lt3A_126 = arith.constant 0 : i32
      %lt3A_127 = arith.cmpi slt, %select_n3A_121, %lt3A_126 : i32
      %ne3A_128 = arith.xori %lt3A_125, %lt3A_127 : i1
      %and3A_129 = arith.andi %ne3A_128, %ne3A_124 : i1
      %add3A_130 = arith.addi %rem3A_122, %select_n3A_121 : i32
      %select_n3A_131 = arith.select %and3A_129, %add3A_130, %rem3A_122 : i32
      %mul3A_132 = arith.constant 3 : i32
      %mul3A_133 = arith.muli %mul3A_132, %while3A_116 : i32
      %add3A_134 = arith.constant 0 : i32
      %add3A_135 = arith.addi %mul3A_133, %add3A_134 : i32
      %lt3A_136 = arith.cmpi slt, %add3A_135, %select_n3A : i32
      %convert_element_type3A_137 = arith.extui %lt3A_136 : i1 to i32
      %cond3A_138 = arith.constant 0 : i32
      %cond3A_139 = arith.cmpi ne, %convert_element_type3A_137, %cond3A_138 : i32
      scf.if %cond3A_139 {
        %dma_wait3A_156 = arith.constant 0 : i32
        %dma_wait3A_157 = arith.constant 0 : i32
        %dma_wait3A_158 = tpu.memref_slice %arg2[%dma_wait3A_156, %dma_wait3A_157] : memref<10000x128xf32, #tpu.memory_space<hbm>> -> memref<10000x128xf32, #tpu.memory_space<hbm>>
        tpu.wait_indirect_dma semaphore(%arg28 : memref<!tpu.dma_semaphore, #tpu.memory_space<semaphore_mem>>) src(%dma_wait3A_158 : memref<10000x128xf32, #tpu.memory_space<hbm>>) dst(%arg15 : memref<128x128xf32, #tpu.memory_space<vmem>>)
        %ge3A = arith.constant 1 : i32
        %ge3A_159 = arith.cmpi sge, %add3A_135, %ge3A : i32
        %convert_element_type3A_160 = arith.extui %ge3A_159 : i1 to i32
        %cond3A_161 = arith.constant 0 : i32
        %cond3A_162 = arith.cmpi ne, %convert_element_type3A_160, %cond3A_161 : i32
        scf.if %cond3A_162 {
          %eq3A_185 = arith.constant 0 : i32
          %eq3A_186 = arith.cmpi eq, %select_n3A_131, %eq3A_185 : i32
          %convert_element_type3A_187 = arith.extui %eq3A_186 : i1 to i32
          %cond3A_188 = arith.constant 0 : i32
          %cond3A_189 = arith.cmpi ne, %convert_element_type3A_187, %cond3A_188 : i32
          scf.if %cond3A_189 {
            %dma_wait3A_195 = arith.constant 0 : i32
            %dma_wait3A_196 = arith.constant 0 : i32
            %dma_wait3A_197 = tpu.memref_slice %arg18[%dma_wait3A_195, %dma_wait3A_196] : memref<10000x128xf32, #tpu.memory_space<vmem_shared>> -> memref<10000x128xf32, #tpu.memory_space<vmem_shared>>
            tpu.wait_indirect_dma semaphore(%arg33 : memref<!tpu.dma_semaphore, #tpu.memory_space<semaphore_mem>>) src(%arg17 : memref<128x128xf32, #tpu.memory_space<vmem>>) dst(%dma_wait3A_197 : memref<10000x128xf32, #tpu.memory_space<vmem_shared>>)
            %add3A_198 = arith.constant 5 : i32
            %add3A_199 = arith.addi %add3A_135, %add3A_198 : i32
            %lt3A_200 = arith.cmpi slt, %add3A_199, %select_n3A : i32
            %convert_element_type3A_201 = arith.extui %lt3A_200 : i1 to i32
            %cond3A_202 = arith.constant 0 : i32
            %cond3A_203 = arith.cmpi ne, %convert_element_type3A_201, %cond3A_202 : i32
            scf.if %cond3A_203 {
              %add3A_204 = arith.constant 5 : i32
              %add3A_205 = arith.addi %add3A_135, %add3A_204 : i32
              %mul3A_206 = arith.constant 128 : i32
              %mul3A_207 = arith.muli %add3A_205, %mul3A_206 : i32
              %add3A_208 = arith.addi %mul3A_4, %mul3A_207 : i32
              %dma_start3A_209 = tpu.memref_slice %arg4[%add3A_208] : memref<320000xi32, #tpu.memory_space<hbm>> -> memref<128xi32, #tpu.memory_space<hbm>>
              %dma_start3A_210 = tpu.memref_slice %arg4[%add3A_208] : memref<320000xi32, #tpu.memory_space<hbm>> -> memref<128xi32, #tpu.memory_space<hbm>>
              tpu.enqueue_dma source(%dma_start3A_210 : memref<128xi32, #tpu.memory_space<hbm>>) target(%arg14 : memref<128xi32, #tpu.memory_space<vmem>>) target_semaphore(%arg27 : memref<!tpu.dma_semaphore, #tpu.memory_space<semaphore_mem>>)
            } else {
            }
          } else {
          }
          %eq3A_190 = arith.constant 1 : i32
          %eq3A_191 = arith.cmpi eq, %select_n3A_131, %eq3A_190 : i32
          %convert_element_type3A_192 = arith.extui %eq3A_191 : i1 to i32
          %cond3A_193 = arith.constant 0 : i32
          %cond3A_194 = arith.cmpi ne, %convert_element_type3A_192, %cond3A_193 : i32
          scf.if %cond3A_194 {
            %dma_wait3A_195 = arith.constant 0 : i32
            %dma_wait3A_196 = arith.constant 0 : i32
            %dma_wait3A_197 = tpu.memref_slice %arg18[%dma_wait3A_195, %dma_wait3A_196] : memref<10000x128xf32, #tpu.memory_space<vmem_shared>> -> memref<10000x128xf32, #tpu.memory_space<vmem_shared>>
            tpu.wait_indirect_dma semaphore(%arg33 : memref<!tpu.dma_semaphore, #tpu.memory_space<semaphore_mem>>) src(%arg17 : memref<128x128xf32, #tpu.memory_space<vmem>>) dst(%dma_wait3A_197 : memref<10000x128xf32, #tpu.memory_space<vmem_shared>>)
            %add3A_198 = arith.constant 5 : i32
            %add3A_199 = arith.addi %add3A_135, %add3A_198 : i32
            %lt3A_200 = arith.cmpi slt, %add3A_199, %select_n3A : i32
            %convert_element_type3A_201 = arith.extui %lt3A_200 : i1 to i32
            %cond3A_202 = arith.constant 0 : i32
            %cond3A_203 = arith.cmpi ne, %convert_element_type3A_201, %cond3A_202 : i32
            scf.if %cond3A_203 {
              %add3A_204 = arith.constant 5 : i32
              %add3A_205 = arith.addi %add3A_135, %add3A_204 : i32
              %mul3A_206 = arith.constant 128 : i32
              %mul3A_207 = arith.muli %add3A_205, %mul3A_206 : i32
              %add3A_208 = arith.addi %mul3A_4, %mul3A_207 : i32
              %dma_start3A_209 = tpu.memref_slice %arg4[%add3A_208] : memref<320000xi32, #tpu.memory_space<hbm>> -> memref<128xi32, #tpu.memory_space<hbm>>
              %dma_start3A_210 = tpu.memref_slice %arg4[%add3A_208] : memref<320000xi32, #tpu.memory_space<hbm>> -> memref<128xi32, #tpu.memory_space<hbm>>
              tpu.enqueue_dma source(%dma_start3A_210 : memref<128xi32, #tpu.memory_space<hbm>>) target(%arg11 : memref<128xi32, #tpu.memory_space<vmem>>) target_semaphore(%arg24 : memref<!tpu.dma_semaphore, #tpu.memory_space<semaphore_mem>>)
            } else {
            }
          } else {
          }
        } else {
        }
        %eq3A_163 = arith.constant 0 : i32
        %eq3A_164 = arith.cmpi eq, %select_n3A_131, %eq3A_163 : i32
        %convert_element_type3A_165 = arith.extui %eq3A_164 : i1 to i32
        %cond3A_166 = arith.constant 0 : i32
        %cond3A_167 = arith.cmpi ne, %convert_element_type3A_165, %cond3A_166 : i32
        scf.if %cond3A_167 {
          %mul3A_185 = arith.constant 128 : i32
          %mul3A_186 = arith.muli %add3A_135, %mul3A_185 : i32
          %add3A_187 = arith.addi %mul3A_4, %mul3A_186 : i32
          %dma_wait3A_188 = tpu.memref_slice %arg4[%add3A_187] : memref<320000xi32, #tpu.memory_space<hbm>> -> memref<128xi32, #tpu.memory_space<hbm>>
          %dma_wait3A_189 = tpu.memref_slice %arg4[%add3A_187] : memref<320000xi32, #tpu.memory_space<hbm>> -> memref<128xi32, #tpu.memory_space<hbm>>
          tpu.wait_dma2 semaphore(%arg22 : memref<!tpu.dma_semaphore, #tpu.memory_space<semaphore_mem>>) src(%dma_wait3A_189 : memref<128xi32, #tpu.memory_space<hbm>>) dst(%arg9 : memref<128xi32, #tpu.memory_space<vmem>>)
          %dma_start3A_190 = arith.constant 0 : i32
          %dma_start3A_191 = arith.constant 0 : i32
          %dma_start3A_192 = tpu.memref_slice %arg18[%dma_start3A_190, %dma_start3A_191] : memref<10000x128xf32, #tpu.memory_space<vmem_shared>> -> memref<10000x128xf32, #tpu.memory_space<vmem_shared>>
          tpu.enqueue_indirect_dma source(%arg15 : memref<128x128xf32, #tpu.memory_space<vmem>>) target(%dma_start3A_192 : memref<10000x128xf32, #tpu.memory_space<vmem_shared>>) offsets(%arg9 : memref<128xi32, #tpu.memory_space<vmem>>) semaphore(%arg31 : memref<!tpu.dma_semaphore, #tpu.memory_space<semaphore_mem>>) {add = true}
        } else {
        }
        %eq3A_168 = arith.constant 1 : i32
        %eq3A_169 = arith.cmpi eq, %select_n3A_131, %eq3A_168 : i32
        %convert_element_type3A_170 = arith.extui %eq3A_169 : i1 to i32
        %cond3A_171 = arith.constant 0 : i32
        %cond3A_172 = arith.cmpi ne, %convert_element_type3A_170, %cond3A_171 : i32
        scf.if %cond3A_172 {
          %mul3A_185 = arith.constant 128 : i32
          %mul3A_186 = arith.muli %add3A_135, %mul3A_185 : i32
          %add3A_187 = arith.addi %mul3A_4, %mul3A_186 : i32
          %dma_wait3A_188 = tpu.memref_slice %arg4[%add3A_187] : memref<320000xi32, #tpu.memory_space<hbm>> -> memref<128xi32, #tpu.memory_space<hbm>>
          %dma_wait3A_189 = tpu.memref_slice %arg4[%add3A_187] : memref<320000xi32, #tpu.memory_space<hbm>> -> memref<128xi32, #tpu.memory_space<hbm>>
          tpu.wait_dma2 semaphore(%arg25 : memref<!tpu.dma_semaphore, #tpu.memory_space<semaphore_mem>>) src(%dma_wait3A_189 : memref<128xi32, #tpu.memory_space<hbm>>) dst(%arg12 : memref<128xi32, #tpu.memory_space<vmem>>)
          %dma_start3A_190 = arith.constant 0 : i32
          %dma_start3A_191 = arith.constant 0 : i32
          %dma_start3A_192 = tpu.memref_slice %arg18[%dma_start3A_190, %dma_start3A_191] : memref<10000x128xf32, #tpu.memory_space<vmem_shared>> -> memref<10000x128xf32, #tpu.memory_space<vmem_shared>>
          tpu.enqueue_indirect_dma source(%arg15 : memref<128x128xf32, #tpu.memory_space<vmem>>) target(%dma_start3A_192 : memref<10000x128xf32, #tpu.memory_space<vmem_shared>>) offsets(%arg12 : memref<128xi32, #tpu.memory_space<vmem>>) semaphore(%arg31 : memref<!tpu.dma_semaphore, #tpu.memory_space<semaphore_mem>>) {add = true}
        } else {
        }
        %add3A_173 = arith.constant 2 : i32
        %add3A_174 = arith.addi %add3A_135, %add3A_173 : i32
        %lt3A_175 = arith.cmpi slt, %add3A_174, %select_n3A : i32
        %convert_element_type3A_176 = arith.extui %lt3A_175 : i1 to i32
        %cond3A_177 = arith.constant 0 : i32
        %cond3A_178 = arith.cmpi ne, %convert_element_type3A_176, %cond3A_177 : i32
        scf.if %cond3A_178 {
          %add3A_185 = arith.constant 2 : i32
          %add3A_186 = arith.addi %add3A_135, %add3A_185 : i32
          %mul3A_187 = arith.constant 128 : i32
          %mul3A_188 = arith.muli %add3A_186, %mul3A_187 : i32
          %add3A_189 = arith.addi %mul3A_4, %mul3A_188 : i32
          %dma_wait3A_190 = tpu.memref_slice %arg3[%add3A_189] : memref<320000xi32, #tpu.memory_space<hbm>> -> memref<128xi32, #tpu.memory_space<hbm>>
          %dma_wait3A_191 = tpu.memref_slice %arg3[%add3A_189] : memref<320000xi32, #tpu.memory_space<hbm>> -> memref<128xi32, #tpu.memory_space<hbm>>
          tpu.wait_dma2 semaphore(%arg21 : memref<!tpu.dma_semaphore, #tpu.memory_space<semaphore_mem>>) src(%dma_wait3A_191 : memref<128xi32, #tpu.memory_space<hbm>>) dst(%arg8 : memref<128xi32, #tpu.memory_space<vmem>>)
          %dma_start3A_192 = arith.constant 0 : i32
          %dma_start3A_193 = arith.constant 0 : i32
          %dma_start3A_194 = tpu.memref_slice %arg2[%dma_start3A_192, %dma_start3A_193] : memref<10000x128xf32, #tpu.memory_space<hbm>> -> memref<10000x128xf32, #tpu.memory_space<hbm>>
          tpu.enqueue_indirect_dma source(%dma_start3A_194 : memref<10000x128xf32, #tpu.memory_space<hbm>>) target(%arg17 : memref<128x128xf32, #tpu.memory_space<vmem>>) offsets(%arg8 : memref<128xi32, #tpu.memory_space<vmem>>) semaphore(%arg30 : memref<!tpu.dma_semaphore, #tpu.memory_space<semaphore_mem>>)
        } else {
        }
        %add3A_179 = arith.constant 3 : i32
        %add3A_180 = arith.addi %add3A_135, %add3A_179 : i32
        %lt3A_181 = arith.cmpi slt, %add3A_180, %select_n3A : i32
        %convert_element_type3A_182 = arith.extui %lt3A_181 : i1 to i32
        %cond3A_183 = arith.constant 0 : i32
        %cond3A_184 = arith.cmpi ne, %convert_element_type3A_182, %cond3A_183 : i32
        scf.if %cond3A_184 {
          %add3A_185 = arith.constant 3 : i32
          %add3A_186 = arith.addi %add3A_135, %add3A_185 : i32
          %mul3A_187 = arith.constant 128 : i32
          %mul3A_188 = arith.muli %add3A_186, %mul3A_187 : i32
          %add3A_189 = arith.addi %mul3A_4, %mul3A_188 : i32
          %dma_start3A_190 = tpu.memref_slice %arg3[%add3A_189] : memref<320000xi32, #tpu.memory_space<hbm>> -> memref<128xi32, #tpu.memory_space<hbm>>
          %dma_start3A_191 = tpu.memref_slice %arg3[%add3A_189] : memref<320000xi32, #tpu.memory_space<hbm>> -> memref<128xi32, #tpu.memory_space<hbm>>
          tpu.enqueue_dma source(%dma_start3A_191 : memref<128xi32, #tpu.memory_space<hbm>>) target(%arg6 : memref<128xi32, #tpu.memory_space<vmem>>) target_semaphore(%arg19 : memref<!tpu.dma_semaphore, #tpu.memory_space<semaphore_mem>>)
        } else {
        }
      } else {
      }
      %mul3A_140 = arith.constant 3 : i32
      %mul3A_141 = arith.muli %mul3A_140, %while3A_116 : i32
      %add3A_142 = arith.constant 1 : i32
      %add3A_143 = arith.addi %mul3A_141, %add3A_142 : i32
      %lt3A_144 = arith.cmpi slt, %add3A_143, %select_n3A : i32
      %convert_element_type3A_145 = arith.extui %lt3A_144 : i1 to i32
      %cond3A_146 = arith.constant 0 : i32
      %cond3A_147 = arith.cmpi ne, %convert_element_type3A_145, %cond3A_146 : i32
      scf.if %cond3A_147 {
        %dma_wait3A_156 = arith.constant 0 : i32
        %dma_wait3A_157 = arith.constant 0 : i32
        %dma_wait3A_158 = tpu.memref_slice %arg2[%dma_wait3A_156, %dma_wait3A_157] : memref<10000x128xf32, #tpu.memory_space<hbm>> -> memref<10000x128xf32, #tpu.memory_space<hbm>>
        tpu.wait_indirect_dma semaphore(%arg29 : memref<!tpu.dma_semaphore, #tpu.memory_space<semaphore_mem>>) src(%dma_wait3A_158 : memref<10000x128xf32, #tpu.memory_space<hbm>>) dst(%arg16 : memref<128x128xf32, #tpu.memory_space<vmem>>)
        %ge3A = arith.constant 1 : i32
        %ge3A_159 = arith.cmpi sge, %add3A_143, %ge3A : i32
        %convert_element_type3A_160 = arith.extui %ge3A_159 : i1 to i32
        %cond3A_161 = arith.constant 0 : i32
        %cond3A_162 = arith.cmpi ne, %convert_element_type3A_160, %cond3A_161 : i32
        scf.if %cond3A_162 {
          %eq3A_185 = arith.constant 0 : i32
          %eq3A_186 = arith.cmpi eq, %select_n3A_131, %eq3A_185 : i32
          %convert_element_type3A_187 = arith.extui %eq3A_186 : i1 to i32
          %cond3A_188 = arith.constant 0 : i32
          %cond3A_189 = arith.cmpi ne, %convert_element_type3A_187, %cond3A_188 : i32
          scf.if %cond3A_189 {
            %dma_wait3A_195 = arith.constant 0 : i32
            %dma_wait3A_196 = arith.constant 0 : i32
            %dma_wait3A_197 = tpu.memref_slice %arg18[%dma_wait3A_195, %dma_wait3A_196] : memref<10000x128xf32, #tpu.memory_space<vmem_shared>> -> memref<10000x128xf32, #tpu.memory_space<vmem_shared>>
            tpu.wait_indirect_dma semaphore(%arg31 : memref<!tpu.dma_semaphore, #tpu.memory_space<semaphore_mem>>) src(%arg15 : memref<128x128xf32, #tpu.memory_space<vmem>>) dst(%dma_wait3A_197 : memref<10000x128xf32, #tpu.memory_space<vmem_shared>>)
            %add3A_198 = arith.constant 5 : i32
            %add3A_199 = arith.addi %add3A_143, %add3A_198 : i32
            %lt3A_200 = arith.cmpi slt, %add3A_199, %select_n3A : i32
            %convert_element_type3A_201 = arith.extui %lt3A_200 : i1 to i32
            %cond3A_202 = arith.constant 0 : i32
            %cond3A_203 = arith.cmpi ne, %convert_element_type3A_201, %cond3A_202 : i32
            scf.if %cond3A_203 {
              %add3A_204 = arith.constant 5 : i32
              %add3A_205 = arith.addi %add3A_143, %add3A_204 : i32
              %mul3A_206 = arith.constant 128 : i32
              %mul3A_207 = arith.muli %add3A_205, %mul3A_206 : i32
              %add3A_208 = arith.addi %mul3A_4, %mul3A_207 : i32
              %dma_start3A_209 = tpu.memref_slice %arg4[%add3A_208] : memref<320000xi32, #tpu.memory_space<hbm>> -> memref<128xi32, #tpu.memory_space<hbm>>
              %dma_start3A_210 = tpu.memref_slice %arg4[%add3A_208] : memref<320000xi32, #tpu.memory_space<hbm>> -> memref<128xi32, #tpu.memory_space<hbm>>
              tpu.enqueue_dma source(%dma_start3A_210 : memref<128xi32, #tpu.memory_space<hbm>>) target(%arg9 : memref<128xi32, #tpu.memory_space<vmem>>) target_semaphore(%arg22 : memref<!tpu.dma_semaphore, #tpu.memory_space<semaphore_mem>>)
            } else {
            }
          } else {
          }
          %eq3A_190 = arith.constant 1 : i32
          %eq3A_191 = arith.cmpi eq, %select_n3A_131, %eq3A_190 : i32
          %convert_element_type3A_192 = arith.extui %eq3A_191 : i1 to i32
          %cond3A_193 = arith.constant 0 : i32
          %cond3A_194 = arith.cmpi ne, %convert_element_type3A_192, %cond3A_193 : i32
          scf.if %cond3A_194 {
            %dma_wait3A_195 = arith.constant 0 : i32
            %dma_wait3A_196 = arith.constant 0 : i32
            %dma_wait3A_197 = tpu.memref_slice %arg18[%dma_wait3A_195, %dma_wait3A_196] : memref<10000x128xf32, #tpu.memory_space<vmem_shared>> -> memref<10000x128xf32, #tpu.memory_space<vmem_shared>>
            tpu.wait_indirect_dma semaphore(%arg31 : memref<!tpu.dma_semaphore, #tpu.memory_space<semaphore_mem>>) src(%arg15 : memref<128x128xf32, #tpu.memory_space<vmem>>) dst(%dma_wait3A_197 : memref<10000x128xf32, #tpu.memory_space<vmem_shared>>)
            %add3A_198 = arith.constant 5 : i32
            %add3A_199 = arith.addi %add3A_143, %add3A_198 : i32
            %lt3A_200 = arith.cmpi slt, %add3A_199, %select_n3A : i32
            %convert_element_type3A_201 = arith.extui %lt3A_200 : i1 to i32
            %cond3A_202 = arith.constant 0 : i32
            %cond3A_203 = arith.cmpi ne, %convert_element_type3A_201, %cond3A_202 : i32
            scf.if %cond3A_203 {
              %add3A_204 = arith.constant 5 : i32
              %add3A_205 = arith.addi %add3A_143, %add3A_204 : i32
              %mul3A_206 = arith.constant 128 : i32
              %mul3A_207 = arith.muli %add3A_205, %mul3A_206 : i32
              %add3A_208 = arith.addi %mul3A_4, %mul3A_207 : i32
              %dma_start3A_209 = tpu.memref_slice %arg4[%add3A_208] : memref<320000xi32, #tpu.memory_space<hbm>> -> memref<128xi32, #tpu.memory_space<hbm>>
              %dma_start3A_210 = tpu.memref_slice %arg4[%add3A_208] : memref<320000xi32, #tpu.memory_space<hbm>> -> memref<128xi32, #tpu.memory_space<hbm>>
              tpu.enqueue_dma source(%dma_start3A_210 : memref<128xi32, #tpu.memory_space<hbm>>) target(%arg12 : memref<128xi32, #tpu.memory_space<vmem>>) target_semaphore(%arg25 : memref<!tpu.dma_semaphore, #tpu.memory_space<semaphore_mem>>)
            } else {
            }
          } else {
          }
        } else {
        }
        %eq3A_163 = arith.constant 0 : i32
        %eq3A_164 = arith.cmpi eq, %select_n3A_131, %eq3A_163 : i32
        %convert_element_type3A_165 = arith.extui %eq3A_164 : i1 to i32
        %cond3A_166 = arith.constant 0 : i32
        %cond3A_167 = arith.cmpi ne, %convert_element_type3A_165, %cond3A_166 : i32
        scf.if %cond3A_167 {
          %mul3A_185 = arith.constant 128 : i32
          %mul3A_186 = arith.muli %add3A_143, %mul3A_185 : i32
          %add3A_187 = arith.addi %mul3A_4, %mul3A_186 : i32
          %dma_wait3A_188 = tpu.memref_slice %arg4[%add3A_187] : memref<320000xi32, #tpu.memory_space<hbm>> -> memref<128xi32, #tpu.memory_space<hbm>>
          %dma_wait3A_189 = tpu.memref_slice %arg4[%add3A_187] : memref<320000xi32, #tpu.memory_space<hbm>> -> memref<128xi32, #tpu.memory_space<hbm>>
          tpu.wait_dma2 semaphore(%arg23 : memref<!tpu.dma_semaphore, #tpu.memory_space<semaphore_mem>>) src(%dma_wait3A_189 : memref<128xi32, #tpu.memory_space<hbm>>) dst(%arg10 : memref<128xi32, #tpu.memory_space<vmem>>)
          %dma_start3A_190 = arith.constant 0 : i32
          %dma_start3A_191 = arith.constant 0 : i32
          %dma_start3A_192 = tpu.memref_slice %arg18[%dma_start3A_190, %dma_start3A_191] : memref<10000x128xf32, #tpu.memory_space<vmem_shared>> -> memref<10000x128xf32, #tpu.memory_space<vmem_shared>>
          tpu.enqueue_indirect_dma source(%arg16 : memref<128x128xf32, #tpu.memory_space<vmem>>) target(%dma_start3A_192 : memref<10000x128xf32, #tpu.memory_space<vmem_shared>>) offsets(%arg10 : memref<128xi32, #tpu.memory_space<vmem>>) semaphore(%arg32 : memref<!tpu.dma_semaphore, #tpu.memory_space<semaphore_mem>>) {add = true}
        } else {
        }
        %eq3A_168 = arith.constant 1 : i32
        %eq3A_169 = arith.cmpi eq, %select_n3A_131, %eq3A_168 : i32
        %convert_element_type3A_170 = arith.extui %eq3A_169 : i1 to i32
        %cond3A_171 = arith.constant 0 : i32
        %cond3A_172 = arith.cmpi ne, %convert_element_type3A_170, %cond3A_171 : i32
        scf.if %cond3A_172 {
          %mul3A_185 = arith.constant 128 : i32
          %mul3A_186 = arith.muli %add3A_143, %mul3A_185 : i32
          %add3A_187 = arith.addi %mul3A_4, %mul3A_186 : i32
          %dma_wait3A_188 = tpu.memref_slice %arg4[%add3A_187] : memref<320000xi32, #tpu.memory_space<hbm>> -> memref<128xi32, #tpu.memory_space<hbm>>
          %dma_wait3A_189 = tpu.memref_slice %arg4[%add3A_187] : memref<320000xi32, #tpu.memory_space<hbm>> -> memref<128xi32, #tpu.memory_space<hbm>>
          tpu.wait_dma2 semaphore(%arg26 : memref<!tpu.dma_semaphore, #tpu.memory_space<semaphore_mem>>) src(%dma_wait3A_189 : memref<128xi32, #tpu.memory_space<hbm>>) dst(%arg13 : memref<128xi32, #tpu.memory_space<vmem>>)
          %dma_start3A_190 = arith.constant 0 : i32
          %dma_start3A_191 = arith.constant 0 : i32
          %dma_start3A_192 = tpu.memref_slice %arg18[%dma_start3A_190, %dma_start3A_191] : memref<10000x128xf32, #tpu.memory_space<vmem_shared>> -> memref<10000x128xf32, #tpu.memory_space<vmem_shared>>
          tpu.enqueue_indirect_dma source(%arg16 : memref<128x128xf32, #tpu.memory_space<vmem>>) target(%dma_start3A_192 : memref<10000x128xf32, #tpu.memory_space<vmem_shared>>) offsets(%arg13 : memref<128xi32, #tpu.memory_space<vmem>>) semaphore(%arg32 : memref<!tpu.dma_semaphore, #tpu.memory_space<semaphore_mem>>) {add = true}
        } else {
        }
        %add3A_173 = arith.constant 2 : i32
        %add3A_174 = arith.addi %add3A_143, %add3A_173 : i32
        %lt3A_175 = arith.cmpi slt, %add3A_174, %select_n3A : i32
        %convert_element_type3A_176 = arith.extui %lt3A_175 : i1 to i32
        %cond3A_177 = arith.constant 0 : i32
        %cond3A_178 = arith.cmpi ne, %convert_element_type3A_176, %cond3A_177 : i32
        scf.if %cond3A_178 {
          %add3A_185 = arith.constant 2 : i32
          %add3A_186 = arith.addi %add3A_143, %add3A_185 : i32
          %mul3A_187 = arith.constant 128 : i32
          %mul3A_188 = arith.muli %add3A_186, %mul3A_187 : i32
          %add3A_189 = arith.addi %mul3A_4, %mul3A_188 : i32
          %dma_wait3A_190 = tpu.memref_slice %arg3[%add3A_189] : memref<320000xi32, #tpu.memory_space<hbm>> -> memref<128xi32, #tpu.memory_space<hbm>>
          %dma_wait3A_191 = tpu.memref_slice %arg3[%add3A_189] : memref<320000xi32, #tpu.memory_space<hbm>> -> memref<128xi32, #tpu.memory_space<hbm>>
          tpu.wait_dma2 semaphore(%arg19 : memref<!tpu.dma_semaphore, #tpu.memory_space<semaphore_mem>>) src(%dma_wait3A_191 : memref<128xi32, #tpu.memory_space<hbm>>) dst(%arg6 : memref<128xi32, #tpu.memory_space<vmem>>)
          %dma_start3A_192 = arith.constant 0 : i32
          %dma_start3A_193 = arith.constant 0 : i32
          %dma_start3A_194 = tpu.memref_slice %arg2[%dma_start3A_192, %dma_start3A_193] : memref<10000x128xf32, #tpu.memory_space<hbm>> -> memref<10000x128xf32, #tpu.memory_space<hbm>>
          tpu.enqueue_indirect_dma source(%dma_start3A_194 : memref<10000x128xf32, #tpu.memory_space<hbm>>) target(%arg15 : memref<128x128xf32, #tpu.memory_space<vmem>>) offsets(%arg6 : memref<128xi32, #tpu.memory_space<vmem>>) semaphore(%arg28 : memref<!tpu.dma_semaphore, #tpu.memory_space<semaphore_mem>>)
        } else {
        }
        %add3A_179 = arith.constant 3 : i32
        %add3A_180 = arith.addi %add3A_143, %add3A_179 : i32
        %lt3A_181 = arith.cmpi slt, %add3A_180, %select_n3A : i32
        %convert_element_type3A_182 = arith.extui %lt3A_181 : i1 to i32
        %cond3A_183 = arith.constant 0 : i32
        %cond3A_184 = arith.cmpi ne, %convert_element_type3A_182, %cond3A_183 : i32
        scf.if %cond3A_184 {
          %add3A_185 = arith.constant 3 : i32
          %add3A_186 = arith.addi %add3A_143, %add3A_185 : i32
          %mul3A_187 = arith.constant 128 : i32
          %mul3A_188 = arith.muli %add3A_186, %mul3A_187 : i32
          %add3A_189 = arith.addi %mul3A_4, %mul3A_188 : i32
          %dma_start3A_190 = tpu.memref_slice %arg3[%add3A_189] : memref<320000xi32, #tpu.memory_space<hbm>> -> memref<128xi32, #tpu.memory_space<hbm>>
          %dma_start3A_191 = tpu.memref_slice %arg3[%add3A_189] : memref<320000xi32, #tpu.memory_space<hbm>> -> memref<128xi32, #tpu.memory_space<hbm>>
          tpu.enqueue_dma source(%dma_start3A_191 : memref<128xi32, #tpu.memory_space<hbm>>) target(%arg7 : memref<128xi32, #tpu.memory_space<vmem>>) target_semaphore(%arg20 : memref<!tpu.dma_semaphore, #tpu.memory_space<semaphore_mem>>)
        } else {
        }
      } else {
      }
      %mul3A_148 = arith.constant 3 : i32
      %mul3A_149 = arith.muli %mul3A_148, %while3A_116 : i32
      %add3A_150 = arith.constant 2 : i32
      %add3A_151 = arith.addi %mul3A_149, %add3A_150 : i32
      %lt3A_152 = arith.cmpi slt, %add3A_151, %select_n3A : i32
      %convert_element_type3A_153 = arith.extui %lt3A_152 : i1 to i32
      %cond3A_154 = arith.constant 0 : i32
      %cond3A_155 = arith.cmpi ne, %convert_element_type3A_153, %cond3A_154 : i32
      scf.if %cond3A_155 {
        %dma_wait3A_156 = arith.constant 0 : i32
        %dma_wait3A_157 = arith.constant 0 : i32
        %dma_wait3A_158 = tpu.memref_slice %arg2[%dma_wait3A_156, %dma_wait3A_157] : memref<10000x128xf32, #tpu.memory_space<hbm>> -> memref<10000x128xf32, #tpu.memory_space<hbm>>
        tpu.wait_indirect_dma semaphore(%arg30 : memref<!tpu.dma_semaphore, #tpu.memory_space<semaphore_mem>>) src(%dma_wait3A_158 : memref<10000x128xf32, #tpu.memory_space<hbm>>) dst(%arg17 : memref<128x128xf32, #tpu.memory_space<vmem>>)
        %ge3A = arith.constant 1 : i32
        %ge3A_159 = arith.cmpi sge, %add3A_151, %ge3A : i32
        %convert_element_type3A_160 = arith.extui %ge3A_159 : i1 to i32
        %cond3A_161 = arith.constant 0 : i32
        %cond3A_162 = arith.cmpi ne, %convert_element_type3A_160, %cond3A_161 : i32
        scf.if %cond3A_162 {
          %eq3A_185 = arith.constant 0 : i32
          %eq3A_186 = arith.cmpi eq, %select_n3A_131, %eq3A_185 : i32
          %convert_element_type3A_187 = arith.extui %eq3A_186 : i1 to i32
          %cond3A_188 = arith.constant 0 : i32
          %cond3A_189 = arith.cmpi ne, %convert_element_type3A_187, %cond3A_188 : i32
          scf.if %cond3A_189 {
            %dma_wait3A_195 = arith.constant 0 : i32
            %dma_wait3A_196 = arith.constant 0 : i32
            %dma_wait3A_197 = tpu.memref_slice %arg18[%dma_wait3A_195, %dma_wait3A_196] : memref<10000x128xf32, #tpu.memory_space<vmem_shared>> -> memref<10000x128xf32, #tpu.memory_space<vmem_shared>>
            tpu.wait_indirect_dma semaphore(%arg32 : memref<!tpu.dma_semaphore, #tpu.memory_space<semaphore_mem>>) src(%arg16 : memref<128x128xf32, #tpu.memory_space<vmem>>) dst(%dma_wait3A_197 : memref<10000x128xf32, #tpu.memory_space<vmem_shared>>)
            %add3A_198 = arith.constant 5 : i32
            %add3A_199 = arith.addi %add3A_151, %add3A_198 : i32
            %lt3A_200 = arith.cmpi slt, %add3A_199, %select_n3A : i32
            %convert_element_type3A_201 = arith.extui %lt3A_200 : i1 to i32
            %cond3A_202 = arith.constant 0 : i32
            %cond3A_203 = arith.cmpi ne, %convert_element_type3A_201, %cond3A_202 : i32
            scf.if %cond3A_203 {
              %add3A_204 = arith.constant 5 : i32
              %add3A_205 = arith.addi %add3A_151, %add3A_204 : i32
              %mul3A_206 = arith.constant 128 : i32
              %mul3A_207 = arith.muli %add3A_205, %mul3A_206 : i32
              %add3A_208 = arith.addi %mul3A_4, %mul3A_207 : i32
              %dma_start3A_209 = tpu.memref_slice %arg4[%add3A_208] : memref<320000xi32, #tpu.memory_space<hbm>> -> memref<128xi32, #tpu.memory_space<hbm>>
              %dma_start3A_210 = tpu.memref_slice %arg4[%add3A_208] : memref<320000xi32, #tpu.memory_space<hbm>> -> memref<128xi32, #tpu.memory_space<hbm>>
              tpu.enqueue_dma source(%dma_start3A_210 : memref<128xi32, #tpu.memory_space<hbm>>) target(%arg10 : memref<128xi32, #tpu.memory_space<vmem>>) target_semaphore(%arg23 : memref<!tpu.dma_semaphore, #tpu.memory_space<semaphore_mem>>)
            } else {
            }
          } else {
          }
          %eq3A_190 = arith.constant 1 : i32
          %eq3A_191 = arith.cmpi eq, %select_n3A_131, %eq3A_190 : i32
          %convert_element_type3A_192 = arith.extui %eq3A_191 : i1 to i32
          %cond3A_193 = arith.constant 0 : i32
          %cond3A_194 = arith.cmpi ne, %convert_element_type3A_192, %cond3A_193 : i32
          scf.if %cond3A_194 {
            %dma_wait3A_195 = arith.constant 0 : i32
            %dma_wait3A_196 = arith.constant 0 : i32
            %dma_wait3A_197 = tpu.memref_slice %arg18[%dma_wait3A_195, %dma_wait3A_196] : memref<10000x128xf32, #tpu.memory_space<vmem_shared>> -> memref<10000x128xf32, #tpu.memory_space<vmem_shared>>
            tpu.wait_indirect_dma semaphore(%arg32 : memref<!tpu.dma_semaphore, #tpu.memory_space<semaphore_mem>>) src(%arg16 : memref<128x128xf32, #tpu.memory_space<vmem>>) dst(%dma_wait3A_197 : memref<10000x128xf32, #tpu.memory_space<vmem_shared>>)
            %add3A_198 = arith.constant 5 : i32
            %add3A_199 = arith.addi %add3A_151, %add3A_198 : i32
            %lt3A_200 = arith.cmpi slt, %add3A_199, %select_n3A : i32
            %convert_element_type3A_201 = arith.extui %lt3A_200 : i1 to i32
            %cond3A_202 = arith.constant 0 : i32
            %cond3A_203 = arith.cmpi ne, %convert_element_type3A_201, %cond3A_202 : i32
            scf.if %cond3A_203 {
              %add3A_204 = arith.constant 5 : i32
              %add3A_205 = arith.addi %add3A_151, %add3A_204 : i32
              %mul3A_206 = arith.constant 128 : i32
              %mul3A_207 = arith.muli %add3A_205, %mul3A_206 : i32
              %add3A_208 = arith.addi %mul3A_4, %mul3A_207 : i32
              %dma_start3A_209 = tpu.memref_slice %arg4[%add3A_208] : memref<320000xi32, #tpu.memory_space<hbm>> -> memref<128xi32, #tpu.memory_space<hbm>>
              %dma_start3A_210 = tpu.memref_slice %arg4[%add3A_208] : memref<320000xi32, #tpu.memory_space<hbm>> -> memref<128xi32, #tpu.memory_space<hbm>>
              tpu.enqueue_dma source(%dma_start3A_210 : memref<128xi32, #tpu.memory_space<hbm>>) target(%arg13 : memref<128xi32, #tpu.memory_space<vmem>>) target_semaphore(%arg26 : memref<!tpu.dma_semaphore, #tpu.memory_space<semaphore_mem>>)
            } else {
            }
          } else {
          }
        } else {
        }
        %eq3A_163 = arith.constant 0 : i32
        %eq3A_164 = arith.cmpi eq, %select_n3A_131, %eq3A_163 : i32
        %convert_element_type3A_165 = arith.extui %eq3A_164 : i1 to i32
        %cond3A_166 = arith.constant 0 : i32
        %cond3A_167 = arith.cmpi ne, %convert_element_type3A_165, %cond3A_166 : i32
        scf.if %cond3A_167 {
          %mul3A_185 = arith.constant 128 : i32
          %mul3A_186 = arith.muli %add3A_151, %mul3A_185 : i32
          %add3A_187 = arith.addi %mul3A_4, %mul3A_186 : i32
          %dma_wait3A_188 = tpu.memref_slice %arg4[%add3A_187] : memref<320000xi32, #tpu.memory_space<hbm>> -> memref<128xi32, #tpu.memory_space<hbm>>
          %dma_wait3A_189 = tpu.memref_slice %arg4[%add3A_187] : memref<320000xi32, #tpu.memory_space<hbm>> -> memref<128xi32, #tpu.memory_space<hbm>>
          tpu.wait_dma2 semaphore(%arg24 : memref<!tpu.dma_semaphore, #tpu.memory_space<semaphore_mem>>) src(%dma_wait3A_189 : memref<128xi32, #tpu.memory_space<hbm>>) dst(%arg11 : memref<128xi32, #tpu.memory_space<vmem>>)
          %dma_start3A_190 = arith.constant 0 : i32
          %dma_start3A_191 = arith.constant 0 : i32
          %dma_start3A_192 = tpu.memref_slice %arg18[%dma_start3A_190, %dma_start3A_191] : memref<10000x128xf32, #tpu.memory_space<vmem_shared>> -> memref<10000x128xf32, #tpu.memory_space<vmem_shared>>
          tpu.enqueue_indirect_dma source(%arg17 : memref<128x128xf32, #tpu.memory_space<vmem>>) target(%dma_start3A_192 : memref<10000x128xf32, #tpu.memory_space<vmem_shared>>) offsets(%arg11 : memref<128xi32, #tpu.memory_space<vmem>>) semaphore(%arg33 : memref<!tpu.dma_semaphore, #tpu.memory_space<semaphore_mem>>) {add = true}
        } else {
        }
        %eq3A_168 = arith.constant 1 : i32
        %eq3A_169 = arith.cmpi eq, %select_n3A_131, %eq3A_168 : i32
        %convert_element_type3A_170 = arith.extui %eq3A_169 : i1 to i32
        %cond3A_171 = arith.constant 0 : i32
        %cond3A_172 = arith.cmpi ne, %convert_element_type3A_170, %cond3A_171 : i32
        scf.if %cond3A_172 {
          %mul3A_185 = arith.constant 128 : i32
          %mul3A_186 = arith.muli %add3A_151, %mul3A_185 : i32
          %add3A_187 = arith.addi %mul3A_4, %mul3A_186 : i32
          %dma_wait3A_188 = tpu.memref_slice %arg4[%add3A_187] : memref<320000xi32, #tpu.memory_space<hbm>> -> memref<128xi32, #tpu.memory_space<hbm>>
          %dma_wait3A_189 = tpu.memref_slice %arg4[%add3A_187] : memref<320000xi32, #tpu.memory_space<hbm>> -> memref<128xi32, #tpu.memory_space<hbm>>
          tpu.wait_dma2 semaphore(%arg27 : memref<!tpu.dma_semaphore, #tpu.memory_space<semaphore_mem>>) src(%dma_wait3A_189 : memref<128xi32, #tpu.memory_space<hbm>>) dst(%arg14 : memref<128xi32, #tpu.memory_space<vmem>>)
          %dma_start3A_190 = arith.constant 0 : i32
          %dma_start3A_191 = arith.constant 0 : i32
          %dma_start3A_192 = tpu.memref_slice %arg18[%dma_start3A_190, %dma_start3A_191] : memref<10000x128xf32, #tpu.memory_space<vmem_shared>> -> memref<10000x128xf32, #tpu.memory_space<vmem_shared>>
          tpu.enqueue_indirect_dma source(%arg17 : memref<128x128xf32, #tpu.memory_space<vmem>>) target(%dma_start3A_192 : memref<10000x128xf32, #tpu.memory_space<vmem_shared>>) offsets(%arg14 : memref<128xi32, #tpu.memory_space<vmem>>) semaphore(%arg33 : memref<!tpu.dma_semaphore, #tpu.memory_space<semaphore_mem>>) {add = true}
        } else {
        }
        %add3A_173 = arith.constant 2 : i32
        %add3A_174 = arith.addi %add3A_151, %add3A_173 : i32
        %lt3A_175 = arith.cmpi slt, %add3A_174, %select_n3A : i32
        %convert_element_type3A_176 = arith.extui %lt3A_175 : i1 to i32
        %cond3A_177 = arith.constant 0 : i32
        %cond3A_178 = arith.cmpi ne, %convert_element_type3A_176, %cond3A_177 : i32
        scf.if %cond3A_178 {
          %add3A_185 = arith.constant 2 : i32
          %add3A_186 = arith.addi %add3A_151, %add3A_185 : i32
          %mul3A_187 = arith.constant 128 : i32
          %mul3A_188 = arith.muli %add3A_186, %mul3A_187 : i32
          %add3A_189 = arith.addi %mul3A_4, %mul3A_188 : i32
          %dma_wait3A_190 = tpu.memref_slice %arg3[%add3A_189] : memref<320000xi32, #tpu.memory_space<hbm>> -> memref<128xi32, #tpu.memory_space<hbm>>
          %dma_wait3A_191 = tpu.memref_slice %arg3[%add3A_189] : memref<320000xi32, #tpu.memory_space<hbm>> -> memref<128xi32, #tpu.memory_space<hbm>>
          tpu.wait_dma2 semaphore(%arg20 : memref<!tpu.dma_semaphore, #tpu.memory_space<semaphore_mem>>) src(%dma_wait3A_191 : memref<128xi32, #tpu.memory_space<hbm>>) dst(%arg7 : memref<128xi32, #tpu.memory_space<vmem>>)
          %dma_start3A_192 = arith.constant 0 : i32
          %dma_start3A_193 = arith.constant 0 : i32
          %dma_start3A_194 = tpu.memref_slice %arg2[%dma_start3A_192, %dma_start3A_193] : memref<10000x128xf32, #tpu.memory_space<hbm>> -> memref<10000x128xf32, #tpu.memory_space<hbm>>
          tpu.enqueue_indirect_dma source(%dma_start3A_194 : memref<10000x128xf32, #tpu.memory_space<hbm>>) target(%arg16 : memref<128x128xf32, #tpu.memory_space<vmem>>) offsets(%arg7 : memref<128xi32, #tpu.memory_space<vmem>>) semaphore(%arg29 : memref<!tpu.dma_semaphore, #tpu.memory_space<semaphore_mem>>)
        } else {
        }
        %add3A_179 = arith.constant 3 : i32
        %add3A_180 = arith.addi %add3A_151, %add3A_179 : i32
        %lt3A_181 = arith.cmpi slt, %add3A_180, %select_n3A : i32
        %convert_element_type3A_182 = arith.extui %lt3A_181 : i1 to i32
        %cond3A_183 = arith.constant 0 : i32
        %cond3A_184 = arith.cmpi ne, %convert_element_type3A_182, %cond3A_183 : i32
        scf.if %cond3A_184 {
          %add3A_185 = arith.constant 3 : i32
          %add3A_186 = arith.addi %add3A_151, %add3A_185 : i32
          %mul3A_187 = arith.constant 128 : i32
          %mul3A_188 = arith.muli %add3A_186, %mul3A_187 : i32
          %add3A_189 = arith.addi %mul3A_4, %mul3A_188 : i32
          %dma_start3A_190 = tpu.memref_slice %arg3[%add3A_189] : memref<320000xi32, #tpu.memory_space<hbm>> -> memref<128xi32, #tpu.memory_space<hbm>>
          %dma_start3A_191 = tpu.memref_slice %arg3[%add3A_189] : memref<320000xi32, #tpu.memory_space<hbm>> -> memref<128xi32, #tpu.memory_space<hbm>>
          tpu.enqueue_dma source(%dma_start3A_191 : memref<128xi32, #tpu.memory_space<hbm>>) target(%arg8 : memref<128xi32, #tpu.memory_space<vmem>>) target_semaphore(%arg21 : memref<!tpu.dma_semaphore, #tpu.memory_space<semaphore_mem>>)
        } else {
        }
      } else {
      }
    }
    %while3A_102 = arith.constant 1 : i32
    scf.for %while3A_116 = %while3A_100 to %while3A_96 step %while3A_102  : i32 {
      %jit3A_117 = arith.constant 2 : i32
      %eq3A_118 = arith.constant 0 : i32
      %eq3A_119 = arith.cmpi eq, %jit3A_117, %eq3A_118 : i32
      %jit3A_120 = arith.constant 1 : i32
      %select_n3A_121 = arith.select %eq3A_119, %jit3A_120, %jit3A_117 : i32
      %rem3A_122 = arith.remsi %while3A_116, %select_n3A_121 : i32
      %ne3A_123 = arith.constant 0 : i32
      %ne3A_124 = arith.cmpi ne, %rem3A_122, %ne3A_123 : i32
      %lt3A = arith.constant 0 : i32
      %lt3A_125 = arith.cmpi slt, %rem3A_122, %lt3A : i32
      %lt3A_126 = arith.constant 0 : i32
      %lt3A_127 = arith.cmpi slt, %select_n3A_121, %lt3A_126 : i32
      %ne3A_128 = arith.xori %lt3A_125, %lt3A_127 : i1
      %and3A_129 = arith.andi %ne3A_128, %ne3A_124 : i1
      %add3A_130 = arith.addi %rem3A_122, %select_n3A_121 : i32
      %select_n3A_131 = arith.select %and3A_129, %add3A_130, %rem3A_122 : i32
      %mul3A_132 = arith.constant 3 : i32
      %mul3A_133 = arith.muli %mul3A_132, %while3A_116 : i32
      %add3A_134 = arith.constant 0 : i32
      %add3A_135 = arith.addi %mul3A_133, %add3A_134 : i32
      %lt3A_136 = arith.cmpi slt, %add3A_135, %select_n3A : i32
      %convert_element_type3A_137 = arith.extui %lt3A_136 : i1 to i32
      %cond3A_138 = arith.constant 0 : i32
      %cond3A_139 = arith.cmpi ne, %convert_element_type3A_137, %cond3A_138 : i32
      scf.if %cond3A_139 {
        %dma_wait3A_156 = arith.constant 0 : i32
        %dma_wait3A_157 = arith.constant 0 : i32
        %dma_wait3A_158 = tpu.memref_slice %arg2[%dma_wait3A_156, %dma_wait3A_157] : memref<10000x128xf32, #tpu.memory_space<hbm>> -> memref<10000x128xf32, #tpu.memory_space<hbm>>
        tpu.wait_indirect_dma semaphore(%arg28 : memref<!tpu.dma_semaphore, #tpu.memory_space<semaphore_mem>>) src(%dma_wait3A_158 : memref<10000x128xf32, #tpu.memory_space<hbm>>) dst(%arg15 : memref<128x128xf32, #tpu.memory_space<vmem>>)
        %ge3A = arith.constant 1 : i32
        %ge3A_159 = arith.cmpi sge, %add3A_135, %ge3A : i32
        %convert_element_type3A_160 = arith.extui %ge3A_159 : i1 to i32
        %cond3A_161 = arith.constant 0 : i32
        %cond3A_162 = arith.cmpi ne, %convert_element_type3A_160, %cond3A_161 : i32
        scf.if %cond3A_162 {
          %eq3A_185 = arith.constant 0 : i32
          %eq3A_186 = arith.cmpi eq, %select_n3A_131, %eq3A_185 : i32
          %convert_element_type3A_187 = arith.extui %eq3A_186 : i1 to i32
          %cond3A_188 = arith.constant 0 : i32
          %cond3A_189 = arith.cmpi ne, %convert_element_type3A_187, %cond3A_188 : i32
          scf.if %cond3A_189 {
            %dma_wait3A_195 = arith.constant 0 : i32
            %dma_wait3A_196 = arith.constant 0 : i32
            %dma_wait3A_197 = tpu.memref_slice %arg18[%dma_wait3A_195, %dma_wait3A_196] : memref<10000x128xf32, #tpu.memory_space<vmem_shared>> -> memref<10000x128xf32, #tpu.memory_space<vmem_shared>>
            tpu.wait_indirect_dma semaphore(%arg33 : memref<!tpu.dma_semaphore, #tpu.memory_space<semaphore_mem>>) src(%arg17 : memref<128x128xf32, #tpu.memory_space<vmem>>) dst(%dma_wait3A_197 : memref<10000x128xf32, #tpu.memory_space<vmem_shared>>)
            %add3A_198 = arith.constant 5 : i32
            %add3A_199 = arith.addi %add3A_135, %add3A_198 : i32
            %lt3A_200 = arith.cmpi slt, %add3A_199, %select_n3A : i32
            %convert_element_type3A_201 = arith.extui %lt3A_200 : i1 to i32
            %cond3A_202 = arith.constant 0 : i32
            %cond3A_203 = arith.cmpi ne, %convert_element_type3A_201, %cond3A_202 : i32
            scf.if %cond3A_203 {
              %add3A_204 = arith.constant 5 : i32
              %add3A_205 = arith.addi %add3A_135, %add3A_204 : i32
              %mul3A_206 = arith.constant 128 : i32
              %mul3A_207 = arith.muli %add3A_205, %mul3A_206 : i32
              %add3A_208 = arith.addi %mul3A_4, %mul3A_207 : i32
              %dma_start3A_209 = tpu.memref_slice %arg4[%add3A_208] : memref<320000xi32, #tpu.memory_space<hbm>> -> memref<128xi32, #tpu.memory_space<hbm>>
              %dma_start3A_210 = tpu.memref_slice %arg4[%add3A_208] : memref<320000xi32, #tpu.memory_space<hbm>> -> memref<128xi32, #tpu.memory_space<hbm>>
              tpu.enqueue_dma source(%dma_start3A_210 : memref<128xi32, #tpu.memory_space<hbm>>) target(%arg14 : memref<128xi32, #tpu.memory_space<vmem>>) target_semaphore(%arg27 : memref<!tpu.dma_semaphore, #tpu.memory_space<semaphore_mem>>)
            } else {
            }
          } else {
          }
          %eq3A_190 = arith.constant 1 : i32
          %eq3A_191 = arith.cmpi eq, %select_n3A_131, %eq3A_190 : i32
          %convert_element_type3A_192 = arith.extui %eq3A_191 : i1 to i32
          %cond3A_193 = arith.constant 0 : i32
          %cond3A_194 = arith.cmpi ne, %convert_element_type3A_192, %cond3A_193 : i32
          scf.if %cond3A_194 {
            %dma_wait3A_195 = arith.constant 0 : i32
            %dma_wait3A_196 = arith.constant 0 : i32
            %dma_wait3A_197 = tpu.memref_slice %arg18[%dma_wait3A_195, %dma_wait3A_196] : memref<10000x128xf32, #tpu.memory_space<vmem_shared>> -> memref<10000x128xf32, #tpu.memory_space<vmem_shared>>
            tpu.wait_indirect_dma semaphore(%arg33 : memref<!tpu.dma_semaphore, #tpu.memory_space<semaphore_mem>>) src(%arg17 : memref<128x128xf32, #tpu.memory_space<vmem>>) dst(%dma_wait3A_197 : memref<10000x128xf32, #tpu.memory_space<vmem_shared>>)
            %add3A_198 = arith.constant 5 : i32
            %add3A_199 = arith.addi %add3A_135, %add3A_198 : i32
            %lt3A_200 = arith.cmpi slt, %add3A_199, %select_n3A : i32
            %convert_element_type3A_201 = arith.extui %lt3A_200 : i1 to i32
            %cond3A_202 = arith.constant 0 : i32
            %cond3A_203 = arith.cmpi ne, %convert_element_type3A_201, %cond3A_202 : i32
            scf.if %cond3A_203 {
              %add3A_204 = arith.constant 5 : i32
              %add3A_205 = arith.addi %add3A_135, %add3A_204 : i32
              %mul3A_206 = arith.constant 128 : i32
              %mul3A_207 = arith.muli %add3A_205, %mul3A_206 : i32
              %add3A_208 = arith.addi %mul3A_4, %mul3A_207 : i32
              %dma_start3A_209 = tpu.memref_slice %arg4[%add3A_208] : memref<320000xi32, #tpu.memory_space<hbm>> -> memref<128xi32, #tpu.memory_space<hbm>>
              %dma_start3A_210 = tpu.memref_slice %arg4[%add3A_208] : memref<320000xi32, #tpu.memory_space<hbm>> -> memref<128xi32, #tpu.memory_space<hbm>>
              tpu.enqueue_dma source(%dma_start3A_210 : memref<128xi32, #tpu.memory_space<hbm>>) target(%arg11 : memref<128xi32, #tpu.memory_space<vmem>>) target_semaphore(%arg24 : memref<!tpu.dma_semaphore, #tpu.memory_space<semaphore_mem>>)
            } else {
            }
          } else {
          }
        } else {
        }
        %eq3A_163 = arith.constant 0 : i32
        %eq3A_164 = arith.cmpi eq, %select_n3A_131, %eq3A_163 : i32
        %convert_element_type3A_165 = arith.extui %eq3A_164 : i1 to i32
        %cond3A_166 = arith.constant 0 : i32
        %cond3A_167 = arith.cmpi ne, %convert_element_type3A_165, %cond3A_166 : i32
        scf.if %cond3A_167 {
          %mul3A_185 = arith.constant 128 : i32
          %mul3A_186 = arith.muli %add3A_135, %mul3A_185 : i32
          %add3A_187 = arith.addi %mul3A_4, %mul3A_186 : i32
          %dma_wait3A_188 = tpu.memref_slice %arg4[%add3A_187] : memref<320000xi32, #tpu.memory_space<hbm>> -> memref<128xi32, #tpu.memory_space<hbm>>
          %dma_wait3A_189 = tpu.memref_slice %arg4[%add3A_187] : memref<320000xi32, #tpu.memory_space<hbm>> -> memref<128xi32, #tpu.memory_space<hbm>>
          tpu.wait_dma2 semaphore(%arg22 : memref<!tpu.dma_semaphore, #tpu.memory_space<semaphore_mem>>) src(%dma_wait3A_189 : memref<128xi32, #tpu.memory_space<hbm>>) dst(%arg9 : memref<128xi32, #tpu.memory_space<vmem>>)
          %dma_start3A_190 = arith.constant 0 : i32
          %dma_start3A_191 = arith.constant 0 : i32
          %dma_start3A_192 = tpu.memref_slice %arg18[%dma_start3A_190, %dma_start3A_191] : memref<10000x128xf32, #tpu.memory_space<vmem_shared>> -> memref<10000x128xf32, #tpu.memory_space<vmem_shared>>
          tpu.enqueue_indirect_dma source(%arg15 : memref<128x128xf32, #tpu.memory_space<vmem>>) target(%dma_start3A_192 : memref<10000x128xf32, #tpu.memory_space<vmem_shared>>) offsets(%arg9 : memref<128xi32, #tpu.memory_space<vmem>>) semaphore(%arg31 : memref<!tpu.dma_semaphore, #tpu.memory_space<semaphore_mem>>) {add = true}
        } else {
        }
        %eq3A_168 = arith.constant 1 : i32
        %eq3A_169 = arith.cmpi eq, %select_n3A_131, %eq3A_168 : i32
        %convert_element_type3A_170 = arith.extui %eq3A_169 : i1 to i32
        %cond3A_171 = arith.constant 0 : i32
        %cond3A_172 = arith.cmpi ne, %convert_element_type3A_170, %cond3A_171 : i32
        scf.if %cond3A_172 {
          %mul3A_185 = arith.constant 128 : i32
          %mul3A_186 = arith.muli %add3A_135, %mul3A_185 : i32
          %add3A_187 = arith.addi %mul3A_4, %mul3A_186 : i32
          %dma_wait3A_188 = tpu.memref_slice %arg4[%add3A_187] : memref<320000xi32, #tpu.memory_space<hbm>> -> memref<128xi32, #tpu.memory_space<hbm>>
          %dma_wait3A_189 = tpu.memref_slice %arg4[%add3A_187] : memref<320000xi32, #tpu.memory_space<hbm>> -> memref<128xi32, #tpu.memory_space<hbm>>
          tpu.wait_dma2 semaphore(%arg25 : memref<!tpu.dma_semaphore, #tpu.memory_space<semaphore_mem>>) src(%dma_wait3A_189 : memref<128xi32, #tpu.memory_space<hbm>>) dst(%arg12 : memref<128xi32, #tpu.memory_space<vmem>>)
          %dma_start3A_190 = arith.constant 0 : i32
          %dma_start3A_191 = arith.constant 0 : i32
          %dma_start3A_192 = tpu.memref_slice %arg18[%dma_start3A_190, %dma_start3A_191] : memref<10000x128xf32, #tpu.memory_space<vmem_shared>> -> memref<10000x128xf32, #tpu.memory_space<vmem_shared>>
          tpu.enqueue_indirect_dma source(%arg15 : memref<128x128xf32, #tpu.memory_space<vmem>>) target(%dma_start3A_192 : memref<10000x128xf32, #tpu.memory_space<vmem_shared>>) offsets(%arg12 : memref<128xi32, #tpu.memory_space<vmem>>) semaphore(%arg31 : memref<!tpu.dma_semaphore, #tpu.memory_space<semaphore_mem>>) {add = true}
        } else {
        }
        %add3A_173 = arith.constant 2 : i32
        %add3A_174 = arith.addi %add3A_135, %add3A_173 : i32
        %lt3A_175 = arith.cmpi slt, %add3A_174, %select_n3A : i32
        %convert_element_type3A_176 = arith.extui %lt3A_175 : i1 to i32
        %cond3A_177 = arith.constant 0 : i32
        %cond3A_178 = arith.cmpi ne, %convert_element_type3A_176, %cond3A_177 : i32
        scf.if %cond3A_178 {
          %add3A_185 = arith.constant 2 : i32
          %add3A_186 = arith.addi %add3A_135, %add3A_185 : i32
          %mul3A_187 = arith.constant 128 : i32
          %mul3A_188 = arith.muli %add3A_186, %mul3A_187 : i32
          %add3A_189 = arith.addi %mul3A_4, %mul3A_188 : i32
          %dma_wait3A_190 = tpu.memref_slice %arg3[%add3A_189] : memref<320000xi32, #tpu.memory_space<hbm>> -> memref<128xi32, #tpu.memory_space<hbm>>
          %dma_wait3A_191 = tpu.memref_slice %arg3[%add3A_189] : memref<320000xi32, #tpu.memory_space<hbm>> -> memref<128xi32, #tpu.memory_space<hbm>>
          tpu.wait_dma2 semaphore(%arg21 : memref<!tpu.dma_semaphore, #tpu.memory_space<semaphore_mem>>) src(%dma_wait3A_191 : memref<128xi32, #tpu.memory_space<hbm>>) dst(%arg8 : memref<128xi32, #tpu.memory_space<vmem>>)
          %dma_start3A_192 = arith.constant 0 : i32
          %dma_start3A_193 = arith.constant 0 : i32
          %dma_start3A_194 = tpu.memref_slice %arg2[%dma_start3A_192, %dma_start3A_193] : memref<10000x128xf32, #tpu.memory_space<hbm>> -> memref<10000x128xf32, #tpu.memory_space<hbm>>
          tpu.enqueue_indirect_dma source(%dma_start3A_194 : memref<10000x128xf32, #tpu.memory_space<hbm>>) target(%arg17 : memref<128x128xf32, #tpu.memory_space<vmem>>) offsets(%arg8 : memref<128xi32, #tpu.memory_space<vmem>>) semaphore(%arg30 : memref<!tpu.dma_semaphore, #tpu.memory_space<semaphore_mem>>)
        } else {
        }
        %add3A_179 = arith.constant 3 : i32
        %add3A_180 = arith.addi %add3A_135, %add3A_179 : i32
        %lt3A_181 = arith.cmpi slt, %add3A_180, %select_n3A : i32
        %convert_element_type3A_182 = arith.extui %lt3A_181 : i1 to i32
        %cond3A_183 = arith.constant 0 : i32
        %cond3A_184 = arith.cmpi ne, %convert_element_type3A_182, %cond3A_183 : i32
        scf.if %cond3A_184 {
          %add3A_185 = arith.constant 3 : i32
          %add3A_186 = arith.addi %add3A_135, %add3A_185 : i32
          %mul3A_187 = arith.constant 128 : i32
          %mul3A_188 = arith.muli %add3A_186, %mul3A_187 : i32
          %add3A_189 = arith.addi %mul3A_4, %mul3A_188 : i32
          %dma_start3A_190 = tpu.memref_slice %arg3[%add3A_189] : memref<320000xi32, #tpu.memory_space<hbm>> -> memref<128xi32, #tpu.memory_space<hbm>>
          %dma_start3A_191 = tpu.memref_slice %arg3[%add3A_189] : memref<320000xi32, #tpu.memory_space<hbm>> -> memref<128xi32, #tpu.memory_space<hbm>>
          tpu.enqueue_dma source(%dma_start3A_191 : memref<128xi32, #tpu.memory_space<hbm>>) target(%arg6 : memref<128xi32, #tpu.memory_space<vmem>>) target_semaphore(%arg19 : memref<!tpu.dma_semaphore, #tpu.memory_space<semaphore_mem>>)
        } else {
        }
      } else {
      }
      %mul3A_140 = arith.constant 3 : i32
      %mul3A_141 = arith.muli %mul3A_140, %while3A_116 : i32
      %add3A_142 = arith.constant 1 : i32
      %add3A_143 = arith.addi %mul3A_141, %add3A_142 : i32
      %lt3A_144 = arith.cmpi slt, %add3A_143, %select_n3A : i32
      %convert_element_type3A_145 = arith.extui %lt3A_144 : i1 to i32
      %cond3A_146 = arith.constant 0 : i32
      %cond3A_147 = arith.cmpi ne, %convert_element_type3A_145, %cond3A_146 : i32
      scf.if %cond3A_147 {
        %dma_wait3A_156 = arith.constant 0 : i32
        %dma_wait3A_157 = arith.constant 0 : i32
        %dma_wait3A_158 = tpu.memref_slice %arg2[%dma_wait3A_156, %dma_wait3A_157] : memref<10000x128xf32, #tpu.memory_space<hbm>> -> memref<10000x128xf32, #tpu.memory_space<hbm>>
        tpu.wait_indirect_dma semaphore(%arg29 : memref<!tpu.dma_semaphore, #tpu.memory_space<semaphore_mem>>) src(%dma_wait3A_158 : memref<10000x128xf32, #tpu.memory_space<hbm>>) dst(%arg16 : memref<128x128xf32, #tpu.memory_space<vmem>>)
        %ge3A = arith.constant 1 : i32
        %ge3A_159 = arith.cmpi sge, %add3A_143, %ge3A : i32
        %convert_element_type3A_160 = arith.extui %ge3A_159 : i1 to i32
        %cond3A_161 = arith.constant 0 : i32
        %cond3A_162 = arith.cmpi ne, %convert_element_type3A_160, %cond3A_161 : i32
        scf.if %cond3A_162 {
          %eq3A_185 = arith.constant 0 : i32
          %eq3A_186 = arith.cmpi eq, %select_n3A_131, %eq3A_185 : i32
          %convert_element_type3A_187 = arith.extui %eq3A_186 : i1 to i32
          %cond3A_188 = arith.constant 0 : i32
          %cond3A_189 = arith.cmpi ne, %convert_element_type3A_187, %cond3A_188 : i32
          scf.if %cond3A_189 {
            %dma_wait3A_195 = arith.constant 0 : i32
            %dma_wait3A_196 = arith.constant 0 : i32
            %dma_wait3A_197 = tpu.memref_slice %arg18[%dma_wait3A_195, %dma_wait3A_196] : memref<10000x128xf32, #tpu.memory_space<vmem_shared>> -> memref<10000x128xf32, #tpu.memory_space<vmem_shared>>
            tpu.wait_indirect_dma semaphore(%arg31 : memref<!tpu.dma_semaphore, #tpu.memory_space<semaphore_mem>>) src(%arg15 : memref<128x128xf32, #tpu.memory_space<vmem>>) dst(%dma_wait3A_197 : memref<10000x128xf32, #tpu.memory_space<vmem_shared>>)
            %add3A_198 = arith.constant 5 : i32
            %add3A_199 = arith.addi %add3A_143, %add3A_198 : i32
            %lt3A_200 = arith.cmpi slt, %add3A_199, %select_n3A : i32
            %convert_element_type3A_201 = arith.extui %lt3A_200 : i1 to i32
            %cond3A_202 = arith.constant 0 : i32
            %cond3A_203 = arith.cmpi ne, %convert_element_type3A_201, %cond3A_202 : i32
            scf.if %cond3A_203 {
              %add3A_204 = arith.constant 5 : i32
              %add3A_205 = arith.addi %add3A_143, %add3A_204 : i32
              %mul3A_206 = arith.constant 128 : i32
              %mul3A_207 = arith.muli %add3A_205, %mul3A_206 : i32
              %add3A_208 = arith.addi %mul3A_4, %mul3A_207 : i32
              %dma_start3A_209 = tpu.memref_slice %arg4[%add3A_208] : memref<320000xi32, #tpu.memory_space<hbm>> -> memref<128xi32, #tpu.memory_space<hbm>>
              %dma_start3A_210 = tpu.memref_slice %arg4[%add3A_208] : memref<320000xi32, #tpu.memory_space<hbm>> -> memref<128xi32, #tpu.memory_space<hbm>>
              tpu.enqueue_dma source(%dma_start3A_210 : memref<128xi32, #tpu.memory_space<hbm>>) target(%arg9 : memref<128xi32, #tpu.memory_space<vmem>>) target_semaphore(%arg22 : memref<!tpu.dma_semaphore, #tpu.memory_space<semaphore_mem>>)
            } else {
            }
          } else {
          }
          %eq3A_190 = arith.constant 1 : i32
          %eq3A_191 = arith.cmpi eq, %select_n3A_131, %eq3A_190 : i32
          %convert_element_type3A_192 = arith.extui %eq3A_191 : i1 to i32
          %cond3A_193 = arith.constant 0 : i32
          %cond3A_194 = arith.cmpi ne, %convert_element_type3A_192, %cond3A_193 : i32
          scf.if %cond3A_194 {
            %dma_wait3A_195 = arith.constant 0 : i32
            %dma_wait3A_196 = arith.constant 0 : i32
            %dma_wait3A_197 = tpu.memref_slice %arg18[%dma_wait3A_195, %dma_wait3A_196] : memref<10000x128xf32, #tpu.memory_space<vmem_shared>> -> memref<10000x128xf32, #tpu.memory_space<vmem_shared>>
            tpu.wait_indirect_dma semaphore(%arg31 : memref<!tpu.dma_semaphore, #tpu.memory_space<semaphore_mem>>) src(%arg15 : memref<128x128xf32, #tpu.memory_space<vmem>>) dst(%dma_wait3A_197 : memref<10000x128xf32, #tpu.memory_space<vmem_shared>>)
            %add3A_198 = arith.constant 5 : i32
            %add3A_199 = arith.addi %add3A_143, %add3A_198 : i32
            %lt3A_200 = arith.cmpi slt, %add3A_199, %select_n3A : i32
            %convert_element_type3A_201 = arith.extui %lt3A_200 : i1 to i32
            %cond3A_202 = arith.constant 0 : i32
            %cond3A_203 = arith.cmpi ne, %convert_element_type3A_201, %cond3A_202 : i32
            scf.if %cond3A_203 {
              %add3A_204 = arith.constant 5 : i32
              %add3A_205 = arith.addi %add3A_143, %add3A_204 : i32
              %mul3A_206 = arith.constant 128 : i32
              %mul3A_207 = arith.muli %add3A_205, %mul3A_206 : i32
              %add3A_208 = arith.addi %mul3A_4, %mul3A_207 : i32
              %dma_start3A_209 = tpu.memref_slice %arg4[%add3A_208] : memref<320000xi32, #tpu.memory_space<hbm>> -> memref<128xi32, #tpu.memory_space<hbm>>
              %dma_start3A_210 = tpu.memref_slice %arg4[%add3A_208] : memref<320000xi32, #tpu.memory_space<hbm>> -> memref<128xi32, #tpu.memory_space<hbm>>
              tpu.enqueue_dma source(%dma_start3A_210 : memref<128xi32, #tpu.memory_space<hbm>>) target(%arg12 : memref<128xi32, #tpu.memory_space<vmem>>) target_semaphore(%arg25 : memref<!tpu.dma_semaphore, #tpu.memory_space<semaphore_mem>>)
            } else {
            }
          } else {
          }
        } else {
        }
        %eq3A_163 = arith.constant 0 : i32
        %eq3A_164 = arith.cmpi eq, %select_n3A_131, %eq3A_163 : i32
        %convert_element_type3A_165 = arith.extui %eq3A_164 : i1 to i32
        %cond3A_166 = arith.constant 0 : i32
        %cond3A_167 = arith.cmpi ne, %convert_element_type3A_165, %cond3A_166 : i32
        scf.if %cond3A_167 {
          %mul3A_185 = arith.constant 128 : i32
          %mul3A_186 = arith.muli %add3A_143, %mul3A_185 : i32
          %add3A_187 = arith.addi %mul3A_4, %mul3A_186 : i32
          %dma_wait3A_188 = tpu.memref_slice %arg4[%add3A_187] : memref<320000xi32, #tpu.memory_space<hbm>> -> memref<128xi32, #tpu.memory_space<hbm>>
          %dma_wait3A_189 = tpu.memref_slice %arg4[%add3A_187] : memref<320000xi32, #tpu.memory_space<hbm>> -> memref<128xi32, #tpu.memory_space<hbm>>
          tpu.wait_dma2 semaphore(%arg23 : memref<!tpu.dma_semaphore, #tpu.memory_space<semaphore_mem>>) src(%dma_wait3A_189 : memref<128xi32, #tpu.memory_space<hbm>>) dst(%arg10 : memref<128xi32, #tpu.memory_space<vmem>>)
          %dma_start3A_190 = arith.constant 0 : i32
          %dma_start3A_191 = arith.constant 0 : i32
          %dma_start3A_192 = tpu.memref_slice %arg18[%dma_start3A_190, %dma_start3A_191] : memref<10000x128xf32, #tpu.memory_space<vmem_shared>> -> memref<10000x128xf32, #tpu.memory_space<vmem_shared>>
          tpu.enqueue_indirect_dma source(%arg16 : memref<128x128xf32, #tpu.memory_space<vmem>>) target(%dma_start3A_192 : memref<10000x128xf32, #tpu.memory_space<vmem_shared>>) offsets(%arg10 : memref<128xi32, #tpu.memory_space<vmem>>) semaphore(%arg32 : memref<!tpu.dma_semaphore, #tpu.memory_space<semaphore_mem>>) {add = true}
        } else {
        }
        %eq3A_168 = arith.constant 1 : i32
        %eq3A_169 = arith.cmpi eq, %select_n3A_131, %eq3A_168 : i32
        %convert_element_type3A_170 = arith.extui %eq3A_169 : i1 to i32
        %cond3A_171 = arith.constant 0 : i32
        %cond3A_172 = arith.cmpi ne, %convert_element_type3A_170, %cond3A_171 : i32
        scf.if %cond3A_172 {
          %mul3A_185 = arith.constant 128 : i32
          %mul3A_186 = arith.muli %add3A_143, %mul3A_185 : i32
          %add3A_187 = arith.addi %mul3A_4, %mul3A_186 : i32
          %dma_wait3A_188 = tpu.memref_slice %arg4[%add3A_187] : memref<320000xi32, #tpu.memory_space<hbm>> -> memref<128xi32, #tpu.memory_space<hbm>>
          %dma_wait3A_189 = tpu.memref_slice %arg4[%add3A_187] : memref<320000xi32, #tpu.memory_space<hbm>> -> memref<128xi32, #tpu.memory_space<hbm>>
          tpu.wait_dma2 semaphore(%arg26 : memref<!tpu.dma_semaphore, #tpu.memory_space<semaphore_mem>>) src(%dma_wait3A_189 : memref<128xi32, #tpu.memory_space<hbm>>) dst(%arg13 : memref<128xi32, #tpu.memory_space<vmem>>)
          %dma_start3A_190 = arith.constant 0 : i32
          %dma_start3A_191 = arith.constant 0 : i32
          %dma_start3A_192 = tpu.memref_slice %arg18[%dma_start3A_190, %dma_start3A_191] : memref<10000x128xf32, #tpu.memory_space<vmem_shared>> -> memref<10000x128xf32, #tpu.memory_space<vmem_shared>>
          tpu.enqueue_indirect_dma source(%arg16 : memref<128x128xf32, #tpu.memory_space<vmem>>) target(%dma_start3A_192 : memref<10000x128xf32, #tpu.memory_space<vmem_shared>>) offsets(%arg13 : memref<128xi32, #tpu.memory_space<vmem>>) semaphore(%arg32 : memref<!tpu.dma_semaphore, #tpu.memory_space<semaphore_mem>>) {add = true}
        } else {
        }
        %add3A_173 = arith.constant 2 : i32
        %add3A_174 = arith.addi %add3A_143, %add3A_173 : i32
        %lt3A_175 = arith.cmpi slt, %add3A_174, %select_n3A : i32
        %convert_element_type3A_176 = arith.extui %lt3A_175 : i1 to i32
        %cond3A_177 = arith.constant 0 : i32
        %cond3A_178 = arith.cmpi ne, %convert_element_type3A_176, %cond3A_177 : i32
        scf.if %cond3A_178 {
          %add3A_185 = arith.constant 2 : i32
          %add3A_186 = arith.addi %add3A_143, %add3A_185 : i32
          %mul3A_187 = arith.constant 128 : i32
          %mul3A_188 = arith.muli %add3A_186, %mul3A_187 : i32
          %add3A_189 = arith.addi %mul3A_4, %mul3A_188 : i32
          %dma_wait3A_190 = tpu.memref_slice %arg3[%add3A_189] : memref<320000xi32, #tpu.memory_space<hbm>> -> memref<128xi32, #tpu.memory_space<hbm>>
          %dma_wait3A_191 = tpu.memref_slice %arg3[%add3A_189] : memref<320000xi32, #tpu.memory_space<hbm>> -> memref<128xi32, #tpu.memory_space<hbm>>
          tpu.wait_dma2 semaphore(%arg19 : memref<!tpu.dma_semaphore, #tpu.memory_space<semaphore_mem>>) src(%dma_wait3A_191 : memref<128xi32, #tpu.memory_space<hbm>>) dst(%arg6 : memref<128xi32, #tpu.memory_space<vmem>>)
          %dma_start3A_192 = arith.constant 0 : i32
          %dma_start3A_193 = arith.constant 0 : i32
          %dma_start3A_194 = tpu.memref_slice %arg2[%dma_start3A_192, %dma_start3A_193] : memref<10000x128xf32, #tpu.memory_space<hbm>> -> memref<10000x128xf32, #tpu.memory_space<hbm>>
          tpu.enqueue_indirect_dma source(%dma_start3A_194 : memref<10000x128xf32, #tpu.memory_space<hbm>>) target(%arg15 : memref<128x128xf32, #tpu.memory_space<vmem>>) offsets(%arg6 : memref<128xi32, #tpu.memory_space<vmem>>) semaphore(%arg28 : memref<!tpu.dma_semaphore, #tpu.memory_space<semaphore_mem>>)
        } else {
        }
        %add3A_179 = arith.constant 3 : i32
        %add3A_180 = arith.addi %add3A_143, %add3A_179 : i32
        %lt3A_181 = arith.cmpi slt, %add3A_180, %select_n3A : i32
        %convert_element_type3A_182 = arith.extui %lt3A_181 : i1 to i32
        %cond3A_183 = arith.constant 0 : i32
        %cond3A_184 = arith.cmpi ne, %convert_element_type3A_182, %cond3A_183 : i32
        scf.if %cond3A_184 {
          %add3A_185 = arith.constant 3 : i32
          %add3A_186 = arith.addi %add3A_143, %add3A_185 : i32
          %mul3A_187 = arith.constant 128 : i32
          %mul3A_188 = arith.muli %add3A_186, %mul3A_187 : i32
          %add3A_189 = arith.addi %mul3A_4, %mul3A_188 : i32
          %dma_start3A_190 = tpu.memref_slice %arg3[%add3A_189] : memref<320000xi32, #tpu.memory_space<hbm>> -> memref<128xi32, #tpu.memory_space<hbm>>
          %dma_start3A_191 = tpu.memref_slice %arg3[%add3A_189] : memref<320000xi32, #tpu.memory_space<hbm>> -> memref<128xi32, #tpu.memory_space<hbm>>
          tpu.enqueue_dma source(%dma_start3A_191 : memref<128xi32, #tpu.memory_space<hbm>>) target(%arg7 : memref<128xi32, #tpu.memory_space<vmem>>) target_semaphore(%arg20 : memref<!tpu.dma_semaphore, #tpu.memory_space<semaphore_mem>>)
        } else {
        }
      } else {
      }
      %mul3A_148 = arith.constant 3 : i32
      %mul3A_149 = arith.muli %mul3A_148, %while3A_116 : i32
      %add3A_150 = arith.constant 2 : i32
      %add3A_151 = arith.addi %mul3A_149, %add3A_150 : i32
      %lt3A_152 = arith.cmpi slt, %add3A_151, %select_n3A : i32
      %convert_element_type3A_153 = arith.extui %lt3A_152 : i1 to i32
      %cond3A_154 = arith.constant 0 : i32
      %cond3A_155 = arith.cmpi ne, %convert_element_type3A_153, %cond3A_154 : i32
      scf.if %cond3A_155 {
        %dma_wait3A_156 = arith.constant 0 : i32
        %dma_wait3A_157 = arith.constant 0 : i32
        %dma_wait3A_158 = tpu.memref_slice %arg2[%dma_wait3A_156, %dma_wait3A_157] : memref<10000x128xf32, #tpu.memory_space<hbm>> -> memref<10000x128xf32, #tpu.memory_space<hbm>>
        tpu.wait_indirect_dma semaphore(%arg30 : memref<!tpu.dma_semaphore, #tpu.memory_space<semaphore_mem>>) src(%dma_wait3A_158 : memref<10000x128xf32, #tpu.memory_space<hbm>>) dst(%arg17 : memref<128x128xf32, #tpu.memory_space<vmem>>)
        %ge3A = arith.constant 1 : i32
        %ge3A_159 = arith.cmpi sge, %add3A_151, %ge3A : i32
        %convert_element_type3A_160 = arith.extui %ge3A_159 : i1 to i32
        %cond3A_161 = arith.constant 0 : i32
        %cond3A_162 = arith.cmpi ne, %convert_element_type3A_160, %cond3A_161 : i32
        scf.if %cond3A_162 {
          %eq3A_185 = arith.constant 0 : i32
          %eq3A_186 = arith.cmpi eq, %select_n3A_131, %eq3A_185 : i32
          %convert_element_type3A_187 = arith.extui %eq3A_186 : i1 to i32
          %cond3A_188 = arith.constant 0 : i32
          %cond3A_189 = arith.cmpi ne, %convert_element_type3A_187, %cond3A_188 : i32
          scf.if %cond3A_189 {
            %dma_wait3A_195 = arith.constant 0 : i32
            %dma_wait3A_196 = arith.constant 0 : i32
            %dma_wait3A_197 = tpu.memref_slice %arg18[%dma_wait3A_195, %dma_wait3A_196] : memref<10000x128xf32, #tpu.memory_space<vmem_shared>> -> memref<10000x128xf32, #tpu.memory_space<vmem_shared>>
            tpu.wait_indirect_dma semaphore(%arg32 : memref<!tpu.dma_semaphore, #tpu.memory_space<semaphore_mem>>) src(%arg16 : memref<128x128xf32, #tpu.memory_space<vmem>>) dst(%dma_wait3A_197 : memref<10000x128xf32, #tpu.memory_space<vmem_shared>>)
            %add3A_198 = arith.constant 5 : i32
            %add3A_199 = arith.addi %add3A_151, %add3A_198 : i32
            %lt3A_200 = arith.cmpi slt, %add3A_199, %select_n3A : i32
            %convert_element_type3A_201 = arith.extui %lt3A_200 : i1 to i32
            %cond3A_202 = arith.constant 0 : i32
            %cond3A_203 = arith.cmpi ne, %convert_element_type3A_201, %cond3A_202 : i32
            scf.if %cond3A_203 {
              %add3A_204 = arith.constant 5 : i32
              %add3A_205 = arith.addi %add3A_151, %add3A_204 : i32
              %mul3A_206 = arith.constant 128 : i32
              %mul3A_207 = arith.muli %add3A_205, %mul3A_206 : i32
              %add3A_208 = arith.addi %mul3A_4, %mul3A_207 : i32
              %dma_start3A_209 = tpu.memref_slice %arg4[%add3A_208] : memref<320000xi32, #tpu.memory_space<hbm>> -> memref<128xi32, #tpu.memory_space<hbm>>
              %dma_start3A_210 = tpu.memref_slice %arg4[%add3A_208] : memref<320000xi32, #tpu.memory_space<hbm>> -> memref<128xi32, #tpu.memory_space<hbm>>
              tpu.enqueue_dma source(%dma_start3A_210 : memref<128xi32, #tpu.memory_space<hbm>>) target(%arg10 : memref<128xi32, #tpu.memory_space<vmem>>) target_semaphore(%arg23 : memref<!tpu.dma_semaphore, #tpu.memory_space<semaphore_mem>>)
            } else {
            }
          } else {
          }
          %eq3A_190 = arith.constant 1 : i32
          %eq3A_191 = arith.cmpi eq, %select_n3A_131, %eq3A_190 : i32
          %convert_element_type3A_192 = arith.extui %eq3A_191 : i1 to i32
          %cond3A_193 = arith.constant 0 : i32
          %cond3A_194 = arith.cmpi ne, %convert_element_type3A_192, %cond3A_193 : i32
          scf.if %cond3A_194 {
            %dma_wait3A_195 = arith.constant 0 : i32
            %dma_wait3A_196 = arith.constant 0 : i32
            %dma_wait3A_197 = tpu.memref_slice %arg18[%dma_wait3A_195, %dma_wait3A_196] : memref<10000x128xf32, #tpu.memory_space<vmem_shared>> -> memref<10000x128xf32, #tpu.memory_space<vmem_shared>>
            tpu.wait_indirect_dma semaphore(%arg32 : memref<!tpu.dma_semaphore, #tpu.memory_space<semaphore_mem>>) src(%arg16 : memref<128x128xf32, #tpu.memory_space<vmem>>) dst(%dma_wait3A_197 : memref<10000x128xf32, #tpu.memory_space<vmem_shared>>)
            %add3A_198 = arith.constant 5 : i32
            %add3A_199 = arith.addi %add3A_151, %add3A_198 : i32
            %lt3A_200 = arith.cmpi slt, %add3A_199, %select_n3A : i32
            %convert_element_type3A_201 = arith.extui %lt3A_200 : i1 to i32
            %cond3A_202 = arith.constant 0 : i32
            %cond3A_203 = arith.cmpi ne, %convert_element_type3A_201, %cond3A_202 : i32
            scf.if %cond3A_203 {
              %add3A_204 = arith.constant 5 : i32
              %add3A_205 = arith.addi %add3A_151, %add3A_204 : i32
              %mul3A_206 = arith.constant 128 : i32
              %mul3A_207 = arith.muli %add3A_205, %mul3A_206 : i32
              %add3A_208 = arith.addi %mul3A_4, %mul3A_207 : i32
              %dma_start3A_209 = tpu.memref_slice %arg4[%add3A_208] : memref<320000xi32, #tpu.memory_space<hbm>> -> memref<128xi32, #tpu.memory_space<hbm>>
              %dma_start3A_210 = tpu.memref_slice %arg4[%add3A_208] : memref<320000xi32, #tpu.memory_space<hbm>> -> memref<128xi32, #tpu.memory_space<hbm>>
              tpu.enqueue_dma source(%dma_start3A_210 : memref<128xi32, #tpu.memory_space<hbm>>) target(%arg13 : memref<128xi32, #tpu.memory_space<vmem>>) target_semaphore(%arg26 : memref<!tpu.dma_semaphore, #tpu.memory_space<semaphore_mem>>)
            } else {
            }
          } else {
          }
        } else {
        }
        %eq3A_163 = arith.constant 0 : i32
        %eq3A_164 = arith.cmpi eq, %select_n3A_131, %eq3A_163 : i32
        %convert_element_type3A_165 = arith.extui %eq3A_164 : i1 to i32
        %cond3A_166 = arith.constant 0 : i32
        %cond3A_167 = arith.cmpi ne, %convert_element_type3A_165, %cond3A_166 : i32
        scf.if %cond3A_167 {
          %mul3A_185 = arith.constant 128 : i32
          %mul3A_186 = arith.muli %add3A_151, %mul3A_185 : i32
          %add3A_187 = arith.addi %mul3A_4, %mul3A_186 : i32
          %dma_wait3A_188 = tpu.memref_slice %arg4[%add3A_187] : memref<320000xi32, #tpu.memory_space<hbm>> -> memref<128xi32, #tpu.memory_space<hbm>>
          %dma_wait3A_189 = tpu.memref_slice %arg4[%add3A_187] : memref<320000xi32, #tpu.memory_space<hbm>> -> memref<128xi32, #tpu.memory_space<hbm>>
          tpu.wait_dma2 semaphore(%arg24 : memref<!tpu.dma_semaphore, #tpu.memory_space<semaphore_mem>>) src(%dma_wait3A_189 : memref<128xi32, #tpu.memory_space<hbm>>) dst(%arg11 : memref<128xi32, #tpu.memory_space<vmem>>)
          %dma_start3A_190 = arith.constant 0 : i32
          %dma_start3A_191 = arith.constant 0 : i32
          %dma_start3A_192 = tpu.memref_slice %arg18[%dma_start3A_190, %dma_start3A_191] : memref<10000x128xf32, #tpu.memory_space<vmem_shared>> -> memref<10000x128xf32, #tpu.memory_space<vmem_shared>>
          tpu.enqueue_indirect_dma source(%arg17 : memref<128x128xf32, #tpu.memory_space<vmem>>) target(%dma_start3A_192 : memref<10000x128xf32, #tpu.memory_space<vmem_shared>>) offsets(%arg11 : memref<128xi32, #tpu.memory_space<vmem>>) semaphore(%arg33 : memref<!tpu.dma_semaphore, #tpu.memory_space<semaphore_mem>>) {add = true}
        } else {
        }
        %eq3A_168 = arith.constant 1 : i32
        %eq3A_169 = arith.cmpi eq, %select_n3A_131, %eq3A_168 : i32
        %convert_element_type3A_170 = arith.extui %eq3A_169 : i1 to i32
        %cond3A_171 = arith.constant 0 : i32
        %cond3A_172 = arith.cmpi ne, %convert_element_type3A_170, %cond3A_171 : i32
        scf.if %cond3A_172 {
          %mul3A_185 = arith.constant 128 : i32
          %mul3A_186 = arith.muli %add3A_151, %mul3A_185 : i32
          %add3A_187 = arith.addi %mul3A_4, %mul3A_186 : i32
          %dma_wait3A_188 = tpu.memref_slice %arg4[%add3A_187] : memref<320000xi32, #tpu.memory_space<hbm>> -> memref<128xi32, #tpu.memory_space<hbm>>
          %dma_wait3A_189 = tpu.memref_slice %arg4[%add3A_187] : memref<320000xi32, #tpu.memory_space<hbm>> -> memref<128xi32, #tpu.memory_space<hbm>>
          tpu.wait_dma2 semaphore(%arg27 : memref<!tpu.dma_semaphore, #tpu.memory_space<semaphore_mem>>) src(%dma_wait3A_189 : memref<128xi32, #tpu.memory_space<hbm>>) dst(%arg14 : memref<128xi32, #tpu.memory_space<vmem>>)
          %dma_start3A_190 = arith.constant 0 : i32
          %dma_start3A_191 = arith.constant 0 : i32
          %dma_start3A_192 = tpu.memref_slice %arg18[%dma_start3A_190, %dma_start3A_191] : memref<10000x128xf32, #tpu.memory_space<vmem_shared>> -> memref<10000x128xf32, #tpu.memory_space<vmem_shared>>
          tpu.enqueue_indirect_dma source(%arg17 : memref<128x128xf32, #tpu.memory_space<vmem>>) target(%dma_start3A_192 : memref<10000x128xf32, #tpu.memory_space<vmem_shared>>) offsets(%arg14 : memref<128xi32, #tpu.memory_space<vmem>>) semaphore(%arg33 : memref<!tpu.dma_semaphore, #tpu.memory_space<semaphore_mem>>) {add = true}
        } else {
        }
        %add3A_173 = arith.constant 2 : i32
        %add3A_174 = arith.addi %add3A_151, %add3A_173 : i32
        %lt3A_175 = arith.cmpi slt, %add3A_174, %select_n3A : i32
        %convert_element_type3A_176 = arith.extui %lt3A_175 : i1 to i32
        %cond3A_177 = arith.constant 0 : i32
        %cond3A_178 = arith.cmpi ne, %convert_element_type3A_176, %cond3A_177 : i32
        scf.if %cond3A_178 {
          %add3A_185 = arith.constant 2 : i32
          %add3A_186 = arith.addi %add3A_151, %add3A_185 : i32
          %mul3A_187 = arith.constant 128 : i32
          %mul3A_188 = arith.muli %add3A_186, %mul3A_187 : i32
          %add3A_189 = arith.addi %mul3A_4, %mul3A_188 : i32
          %dma_wait3A_190 = tpu.memref_slice %arg3[%add3A_189] : memref<320000xi32, #tpu.memory_space<hbm>> -> memref<128xi32, #tpu.memory_space<hbm>>
          %dma_wait3A_191 = tpu.memref_slice %arg3[%add3A_189] : memref<320000xi32, #tpu.memory_space<hbm>> -> memref<128xi32, #tpu.memory_space<hbm>>
          tpu.wait_dma2 semaphore(%arg20 : memref<!tpu.dma_semaphore, #tpu.memory_space<semaphore_mem>>) src(%dma_wait3A_191 : memref<128xi32, #tpu.memory_space<hbm>>) dst(%arg7 : memref<128xi32, #tpu.memory_space<vmem>>)
          %dma_start3A_192 = arith.constant 0 : i32
          %dma_start3A_193 = arith.constant 0 : i32
          %dma_start3A_194 = tpu.memref_slice %arg2[%dma_start3A_192, %dma_start3A_193] : memref<10000x128xf32, #tpu.memory_space<hbm>> -> memref<10000x128xf32, #tpu.memory_space<hbm>>
          tpu.enqueue_indirect_dma source(%dma_start3A_194 : memref<10000x128xf32, #tpu.memory_space<hbm>>) target(%arg16 : memref<128x128xf32, #tpu.memory_space<vmem>>) offsets(%arg7 : memref<128xi32, #tpu.memory_space<vmem>>) semaphore(%arg29 : memref<!tpu.dma_semaphore, #tpu.memory_space<semaphore_mem>>)
        } else {
        }
        %add3A_179 = arith.constant 3 : i32
        %add3A_180 = arith.addi %add3A_151, %add3A_179 : i32
        %lt3A_181 = arith.cmpi slt, %add3A_180, %select_n3A : i32
        %convert_element_type3A_182 = arith.extui %lt3A_181 : i1 to i32
        %cond3A_183 = arith.constant 0 : i32
        %cond3A_184 = arith.cmpi ne, %convert_element_type3A_182, %cond3A_183 : i32
        scf.if %cond3A_184 {
          %add3A_185 = arith.constant 3 : i32
          %add3A_186 = arith.addi %add3A_151, %add3A_185 : i32
          %mul3A_187 = arith.constant 128 : i32
          %mul3A_188 = arith.muli %add3A_186, %mul3A_187 : i32
          %add3A_189 = arith.addi %mul3A_4, %mul3A_188 : i32
          %dma_start3A_190 = tpu.memref_slice %arg3[%add3A_189] : memref<320000xi32, #tpu.memory_space<hbm>> -> memref<128xi32, #tpu.memory_space<hbm>>
          %dma_start3A_191 = tpu.memref_slice %arg3[%add3A_189] : memref<320000xi32, #tpu.memory_space<hbm>> -> memref<128xi32, #tpu.memory_space<hbm>>
          tpu.enqueue_dma source(%dma_start3A_191 : memref<128xi32, #tpu.memory_space<hbm>>) target(%arg8 : memref<128xi32, #tpu.memory_space<vmem>>) target_semaphore(%arg21 : memref<!tpu.dma_semaphore, #tpu.memory_space<semaphore_mem>>)
        } else {
        }
      } else {
      }
    }
    %dma_wait3A_103 = arith.constant 0 : i32
    %dma_wait3A_104 = arith.constant 0 : i32
    %dma_wait3A_105 = tpu.memref_slice %arg18[%dma_wait3A_103, %dma_wait3A_104] : memref<10000x128xf32, #tpu.memory_space<vmem_shared>> -> memref<10000x128xf32, #tpu.memory_space<vmem_shared>>
    tpu.wait_indirect_dma semaphore(%arg32 : memref<!tpu.dma_semaphore, #tpu.memory_space<semaphore_mem>>) src(%arg16 : memref<128x128xf32, #tpu.memory_space<vmem>>) dst(%dma_wait3A_105 : memref<10000x128xf32, #tpu.memory_space<vmem_shared>>)
    %barrier3A_106 = arith.constant 0 : index
    tpu.barrier barrier_id(%barrier3A_106)
    %mul3A_107 = arith.constant 624 : i32
    %mul3A_108 = arith.muli %arg1, %mul3A_107 : i32
    %mul3A_109 = arith.constant 624 : i32
    %mul3A_110 = arith.muli %arg1, %mul3A_109 : i32
    "tpu.region"() ({
      %run_scoped3A = tpu.sem_alloc : memref<!tpu.dma_semaphore, #tpu.memory_space<semaphore_mem>>
      %dma_start3A_116 = arith.constant 0 : i32
      %dma_start3A_117 = tpu.memref_slice %arg5[%arg0, %mul3A_110, %dma_start3A_116] : memref<2x10000x128xf32, #tpu.memory_space<hbm>> -> memref<1x624x128xf32, #tpu.memory_space<hbm>>
      %dma_start3A_118 = tpu.memref_squeeze %dma_start3A_117 : memref<1x624x128xf32, #tpu.memory_space<hbm>> -> memref<624x128xf32, #tpu.memory_space<hbm>>
      %dma_start3A_119 = arith.constant 0 : i32
      %dma_start3A_120 = tpu.memref_slice %arg18[%mul3A_108, %dma_start3A_119] : memref<10000x128xf32, #tpu.memory_space<vmem_shared>> -> memref<624x128xf32, #tpu.memory_space<vmem_shared>>
      tpu.enqueue_dma source(%dma_start3A_120 : memref<624x128xf32, #tpu.memory_space<vmem_shared>>) target(%dma_start3A_118 : memref<624x128xf32, #tpu.memory_space<hbm>>) target_semaphore(%run_scoped3A : memref<!tpu.dma_semaphore, #tpu.memory_space<semaphore_mem>>)
      %dma_wait3A_121 = arith.constant 0 : i32
      %dma_wait3A_122 = tpu.memref_slice %arg5[%arg0, %mul3A_110, %dma_wait3A_121] : memref<2x10000x128xf32, #tpu.memory_space<hbm>> -> memref<1x624x128xf32, #tpu.memory_space<hbm>>
      %dma_wait3A_123 = tpu.memref_squeeze %dma_wait3A_122 : memref<1x624x128xf32, #tpu.memory_space<hbm>> -> memref<624x128xf32, #tpu.memory_space<hbm>>
      %dma_wait3A_124 = arith.constant 0 : i32
      %dma_wait3A_125 = tpu.memref_slice %arg18[%mul3A_108, %dma_wait3A_124] : memref<10000x128xf32, #tpu.memory_space<vmem_shared>> -> memref<624x128xf32, #tpu.memory_space<vmem_shared>>
      tpu.wait_dma2 semaphore(%run_scoped3A : memref<!tpu.dma_semaphore, #tpu.memory_space<semaphore_mem>>) src(%dma_wait3A_125 : memref<624x128xf32, #tpu.memory_space<vmem_shared>>) dst(%dma_wait3A_123 : memref<624x128xf32, #tpu.memory_space<hbm>>)
      tpu.yield
    }) : () -> ()
    %eq3A_111 = arith.constant 0 : i32
    %eq3A_112 = arith.cmpi eq, %arg1, %eq3A_111 : i32
    %convert_element_type3A_113 = arith.extui %eq3A_112 : i1 to i32
    %cond3A_114 = arith.constant 0 : i32
    %cond3A_115 = arith.cmpi ne, %convert_element_type3A_113, %cond3A_114 : i32
    scf.if %cond3A_115 {
      "tpu.region"() ({
        %run_scoped3A = tpu.sem_alloc : memref<!tpu.dma_semaphore, #tpu.memory_space<semaphore_mem>>
        %dma_start3A_116 = arith.constant 9984 : i32
        %dma_start3A_117 = arith.constant 0 : i32
        %dma_start3A_118 = tpu.memref_slice %arg5[%arg0, %dma_start3A_116, %dma_start3A_117] : memref<2x10000x128xf32, #tpu.memory_space<hbm>> -> memref<1x16x128xf32, #tpu.memory_space<hbm>>
        %dma_start3A_119 = tpu.memref_squeeze %dma_start3A_118 : memref<1x16x128xf32, #tpu.memory_space<hbm>> -> memref<16x128xf32, #tpu.memory_space<hbm>>
        %dma_start3A_120 = arith.constant 9984 : i32
        %dma_start3A_121 = arith.constant 0 : i32
        %dma_start3A_122 = tpu.memref_slice %arg18[%dma_start3A_120, %dma_start3A_121] : memref<10000x128xf32, #tpu.memory_space<vmem_shared>> -> memref<16x128xf32, #tpu.memory_space<vmem_shared>>
        tpu.enqueue_dma source(%dma_start3A_122 : memref<16x128xf32, #tpu.memory_space<vmem_shared>>) target(%dma_start3A_119 : memref<16x128xf32, #tpu.memory_space<hbm>>) target_semaphore(%run_scoped3A : memref<!tpu.dma_semaphore, #tpu.memory_space<semaphore_mem>>)
        %dma_wait3A_123 = arith.constant 9984 : i32
        %dma_wait3A_124 = arith.constant 0 : i32
        %dma_wait3A_125 = tpu.memref_slice %arg5[%arg0, %dma_wait3A_123, %dma_wait3A_124] : memref<2x10000x128xf32, #tpu.memory_space<hbm>> -> memref<1x16x128xf32, #tpu.memory_space<hbm>>
        %dma_wait3A_126 = tpu.memref_squeeze %dma_wait3A_125 : memref<1x16x128xf32, #tpu.memory_space<hbm>> -> memref<16x128xf32, #tpu.memory_space<hbm>>
        %dma_wait3A_127 = arith.constant 9984 : i32
        %dma_wait3A_128 = arith.constant 0 : i32
        %dma_wait3A_129 = tpu.memref_slice %arg18[%dma_wait3A_127, %dma_wait3A_128] : memref<10000x128xf32, #tpu.memory_space<vmem_shared>> -> memref<16x128xf32, #tpu.memory_space<vmem_shared>>
        tpu.wait_dma2 semaphore(%run_scoped3A : memref<!tpu.dma_semaphore, #tpu.memory_space<semaphore_mem>>) src(%dma_wait3A_129 : memref<16x128xf32, #tpu.memory_space<vmem_shared>>) dst(%dma_wait3A_126 : memref<16x128xf32, #tpu.memory_space<hbm>>)
        tpu.yield
      }) : () -> ()
    } else {
    }
    return
  }
}

#map = affine_map<(d0, d1) -> (0, 0)>
#map1 = affine_map<(d0, d1) -> (0)>
#map2 = affine_map<(d0, d1) -> (0, 0, 0)>
module attributes {stable_mosaic.version = 14 : i64} {
  func.func @_scatter_kernel(%arg0: i32, %arg1: i32, %arg2: memref<10000x128xf32, #tpu.memory_space<hbm>>, %arg3: memref<320000xi32, #tpu.memory_space<hbm>>, %arg4: memref<320000xi32, #tpu.memory_space<hbm>>, %arg5: memref<2x10000x128xf32, #tpu.memory_space<hbm>>, %arg6: memref<128xi32, #tpu.memory_space<vmem>>, %arg7: memref<128xi32, #tpu.memory_space<vmem>>, %arg8: memref<128xi32, #tpu.memory_space<vmem>>, %arg9: memref<128xi32, #tpu.memory_space<vmem>>, %arg10: memref<128xi32, #tpu.memory_space<vmem>>, %arg11: memref<128xi32, #tpu.memory_space<vmem>>, %arg12: memref<128xi32, #tpu.memory_space<vmem>>, %arg13: memref<128xi32, #tpu.memory_space<vmem>>, %arg14: memref<128xi32, #tpu.memory_space<vmem>>, %arg15: memref<128x128xf32, #tpu.memory_space<vmem>>, %arg16: memref<128x128xf32, #tpu.memory_space<vmem>>, %arg17: memref<128x128xf32, #tpu.memory_space<vmem>>, %arg18: memref<10000x128xf32, #tpu.memory_space<vmem_shared>>, %arg19: memref<!tpu.dma_semaphore, #tpu.memory_space<semaphore_mem>>, %arg20: memref<!tpu.dma_semaphore, #tpu.memory_space<semaphore_mem>>, %arg21: memref<!tpu.dma_semaphore, #tpu.memory_space<semaphore_mem>>, %arg22: memref<!tpu.dma_semaphore, #tpu.memory_space<semaphore_mem>>, %arg23: memref<!tpu.dma_semaphore, #tpu.memory_space<semaphore_mem>>, %arg24: memref<!tpu.dma_semaphore, #tpu.memory_space<semaphore_mem>>, %arg25: memref<!tpu.dma_semaphore, #tpu.memory_space<semaphore_mem>>, %arg26: memref<!tpu.dma_semaphore, #tpu.memory_space<semaphore_mem>>, %arg27: memref<!tpu.dma_semaphore, #tpu.memory_space<semaphore_mem>>, %arg28: memref<!tpu.dma_semaphore, #tpu.memory_space<semaphore_mem>>, %arg29: memref<!tpu.dma_semaphore, #tpu.memory_space<semaphore_mem>>, %arg30: memref<!tpu.dma_semaphore, #tpu.memory_space<semaphore_mem>>, %arg31: memref<!tpu.dma_semaphore, #tpu.memory_space<semaphore_mem>>, %arg32: memref<!tpu.dma_semaphore, #tpu.memory_space<semaphore_mem>>, %arg33: memref<!tpu.dma_semaphore, #tpu.memory_space<semaphore_mem>>, %arg34: memref<!tpu.dma_semaphore, #tpu.memory_space<semaphore_mem>>) attributes {dimension_semantics = [#tpu.dimension_semantics<core_parallel>, #tpu.dimension_semantics<subcore_parallel>], iteration_bounds = array<i64: 2, 16>, scalar_prefetch = 0 : i64, scratch_operands = 29 : i64, tpu.core_type = #tpu.core_type<sc_vector_subcore>, window_params = [{transform_indices = #map}, {transform_indices = #map1}, {transform_indices = #map1}, {transform_indices = #map2}]} {
    %mul3A = arith.constant 16 : i32
    %mul3A_0 = arith.muli %arg0, %mul3A : i32
    %add3A = arith.addi %mul3A_0, %arg1 : i32
    %eq3A = arith.constant 31 : i32
    %eq3A_1 = arith.cmpi eq, %add3A, %eq3A : i32
    %jit3A = arith.constant 20 : i32
    %jit3A_2 = arith.constant 80 : i32
    %select_n3A = arith.select %eq3A_1, %jit3A, %jit3A_2 : i32
    %mul3A_3 = arith.constant 10240 : i32
    %mul3A_4 = arith.muli %add3A, %mul3A_3 : i32
    %add3A_5 = arith.constant 0 : i32
    %add3A_6 = arith.addi %mul3A_4, %add3A_5 : i32
    %dma_start3A = tpu.memref_slice %arg3[%add3A_6] : memref<320000xi32, #tpu.memory_space<hbm>> -> memref<128xi32, #tpu.memory_space<hbm>>
    %dma_start3A_7 = tpu.memref_slice %arg3[%add3A_6] : memref<320000xi32, #tpu.memory_space<hbm>> -> memref<128xi32, #tpu.memory_space<hbm>>
    tpu.enqueue_dma source(%dma_start3A_7 : memref<128xi32, #tpu.memory_space<hbm>>) target(%arg6 : memref<128xi32, #tpu.memory_space<vmem>>) target_semaphore(%arg19 : memref<!tpu.dma_semaphore, #tpu.memory_space<semaphore_mem>>)
    %add3A_8 = arith.constant 128 : i32
    %add3A_9 = arith.addi %mul3A_4, %add3A_8 : i32
    %dma_start3A_10 = tpu.memref_slice %arg3[%add3A_9] : memref<320000xi32, #tpu.memory_space<hbm>> -> memref<128xi32, #tpu.memory_space<hbm>>
    %dma_start3A_11 = tpu.memref_slice %arg3[%add3A_9] : memref<320000xi32, #tpu.memory_space<hbm>> -> memref<128xi32, #tpu.memory_space<hbm>>
    tpu.enqueue_dma source(%dma_start3A_11 : memref<128xi32, #tpu.memory_space<hbm>>) target(%arg7 : memref<128xi32, #tpu.memory_space<vmem>>) target_semaphore(%arg20 : memref<!tpu.dma_semaphore, #tpu.memory_space<semaphore_mem>>)
    %add3A_12 = arith.constant 256 : i32
    %add3A_13 = arith.addi %mul3A_4, %add3A_12 : i32
    %dma_start3A_14 = tpu.memref_slice %arg3[%add3A_13] : memref<320000xi32, #tpu.memory_space<hbm>> -> memref<128xi32, #tpu.memory_space<hbm>>
    %dma_start3A_15 = tpu.memref_slice %arg3[%add3A_13] : memref<320000xi32, #tpu.memory_space<hbm>> -> memref<128xi32, #tpu.memory_space<hbm>>
    tpu.enqueue_dma source(%dma_start3A_15 : memref<128xi32, #tpu.memory_space<hbm>>) target(%arg8 : memref<128xi32, #tpu.memory_space<vmem>>) target_semaphore(%arg21 : memref<!tpu.dma_semaphore, #tpu.memory_space<semaphore_mem>>)
    %add3A_16 = arith.constant 0 : i32
    %add3A_17 = arith.addi %mul3A_4, %add3A_16 : i32
    %dma_start3A_18 = tpu.memref_slice %arg4[%add3A_17] : memref<320000xi32, #tpu.memory_space<hbm>> -> memref<128xi32, #tpu.memory_space<hbm>>
    %dma_start3A_19 = tpu.memref_slice %arg4[%add3A_17] : memref<320000xi32, #tpu.memory_space<hbm>> -> memref<128xi32, #tpu.memory_space<hbm>>
    tpu.enqueue_dma source(%dma_start3A_19 : memref<128xi32, #tpu.memory_space<hbm>>) target(%arg9 : memref<128xi32, #tpu.memory_space<vmem>>) target_semaphore(%arg22 : memref<!tpu.dma_semaphore, #tpu.memory_space<semaphore_mem>>)
    %add3A_20 = arith.constant 128 : i32
    %add3A_21 = arith.addi %mul3A_4, %add3A_20 : i32
    %dma_start3A_22 = tpu.memref_slice %arg4[%add3A_21] : memref<320000xi32, #tpu.memory_space<hbm>> -> memref<128xi32, #tpu.memory_space<hbm>>
    %dma_start3A_23 = tpu.memref_slice %arg4[%add3A_21] : memref<320000xi32, #tpu.memory_space<hbm>> -> memref<128xi32, #tpu.memory_space<hbm>>
    tpu.enqueue_dma source(%dma_start3A_23 : memref<128xi32, #tpu.memory_space<hbm>>) target(%arg10 : memref<128xi32, #tpu.memory_space<vmem>>) target_semaphore(%arg23 : memref<!tpu.dma_semaphore, #tpu.memory_space<semaphore_mem>>)
    %add3A_24 = arith.constant 256 : i32
    %add3A_25 = arith.addi %mul3A_4, %add3A_24 : i32
    %dma_start3A_26 = tpu.memref_slice %arg4[%add3A_25] : memref<320000xi32, #tpu.memory_space<hbm>> -> memref<128xi32, #tpu.memory_space<hbm>>
    %dma_start3A_27 = tpu.memref_slice %arg4[%add3A_25] : memref<320000xi32, #tpu.memory_space<hbm>> -> memref<128xi32, #tpu.memory_space<hbm>>
    tpu.enqueue_dma source(%dma_start3A_27 : memref<128xi32, #tpu.memory_space<hbm>>) target(%arg11 : memref<128xi32, #tpu.memory_space<vmem>>) target_semaphore(%arg24 : memref<!tpu.dma_semaphore, #tpu.memory_space<semaphore_mem>>)
    %add3A_28 = arith.constant 384 : i32
    %add3A_29 = arith.addi %mul3A_4, %add3A_28 : i32
    %dma_start3A_30 = tpu.memref_slice %arg4[%add3A_29] : memref<320000xi32, #tpu.memory_space<hbm>> -> memref<128xi32, #tpu.memory_space<hbm>>
    %dma_start3A_31 = tpu.memref_slice %arg4[%add3A_29] : memref<320000xi32, #tpu.memory_space<hbm>> -> memref<128xi32, #tpu.memory_space<hbm>>
    tpu.enqueue_dma source(%dma_start3A_31 : memref<128xi32, #tpu.memory_space<hbm>>) target(%arg12 : memref<128xi32, #tpu.memory_space<vmem>>) target_semaphore(%arg25 : memref<!tpu.dma_semaphore, #tpu.memory_space<semaphore_mem>>)
    %add3A_32 = arith.constant 512 : i32
    %add3A_33 = arith.addi %mul3A_4, %add3A_32 : i32
    %dma_start3A_34 = tpu.memref_slice %arg4[%add3A_33] : memref<320000xi32, #tpu.memory_space<hbm>> -> memref<128xi32, #tpu.memory_space<hbm>>
    %dma_start3A_35 = tpu.memref_slice %arg4[%add3A_33] : memref<320000xi32, #tpu.memory_space<hbm>> -> memref<128xi32, #tpu.memory_space<hbm>>
    tpu.enqueue_dma source(%dma_start3A_35 : memref<128xi32, #tpu.memory_space<hbm>>) target(%arg13 : memref<128xi32, #tpu.memory_space<vmem>>) target_semaphore(%arg26 : memref<!tpu.dma_semaphore, #tpu.memory_space<semaphore_mem>>)
    %add3A_36 = arith.constant 640 : i32
    %add3A_37 = arith.addi %mul3A_4, %add3A_36 : i32
    %dma_start3A_38 = tpu.memref_slice %arg4[%add3A_37] : memref<320000xi32, #tpu.memory_space<hbm>> -> memref<128xi32, #tpu.memory_space<hbm>>
    %dma_start3A_39 = tpu.memref_slice %arg4[%add3A_37] : memref<320000xi32, #tpu.memory_space<hbm>> -> memref<128xi32, #tpu.memory_space<hbm>>
    tpu.enqueue_dma source(%dma_start3A_39 : memref<128xi32, #tpu.memory_space<hbm>>) target(%arg14 : memref<128xi32, #tpu.memory_space<vmem>>) target_semaphore(%arg27 : memref<!tpu.dma_semaphore, #tpu.memory_space<semaphore_mem>>)
    %add3A_40 = arith.constant 0 : i32
    %add3A_41 = arith.addi %mul3A_4, %add3A_40 : i32
    %dma_wait3A = tpu.memref_slice %arg3[%add3A_41] : memref<320000xi32, #tpu.memory_space<hbm>> -> memref<128xi32, #tpu.memory_space<hbm>>
    %dma_wait3A_42 = tpu.memref_slice %arg3[%add3A_41] : memref<320000xi32, #tpu.memory_space<hbm>> -> memref<128xi32, #tpu.memory_space<hbm>>
    tpu.wait_dma2 semaphore(%arg19 : memref<!tpu.dma_semaphore, #tpu.memory_space<semaphore_mem>>) src(%dma_wait3A_42 : memref<128xi32, #tpu.memory_space<hbm>>) dst(%arg6 : memref<128xi32, #tpu.memory_space<vmem>>)
    %dma_start3A_43 = arith.constant 0 : i32
    %dma_start3A_44 = arith.constant 0 : i32
    %dma_start3A_45 = tpu.memref_slice %arg2[%dma_start3A_43, %dma_start3A_44] : memref<10000x128xf32, #tpu.memory_space<hbm>> -> memref<10000x128xf32, #tpu.memory_space<hbm>>
    tpu.enqueue_indirect_dma source(%dma_start3A_45 : memref<10000x128xf32, #tpu.memory_space<hbm>>) target(%arg15 : memref<128x128xf32, #tpu.memory_space<vmem>>) offsets(%arg6 : memref<128xi32, #tpu.memory_space<vmem>>) semaphore(%arg28 : memref<!tpu.dma_semaphore, #tpu.memory_space<semaphore_mem>>)
    %add3A_46 = arith.constant 128 : i32
    %add3A_47 = arith.addi %mul3A_4, %add3A_46 : i32
    %dma_wait3A_48 = tpu.memref_slice %arg3[%add3A_47] : memref<320000xi32, #tpu.memory_space<hbm>> -> memref<128xi32, #tpu.memory_space<hbm>>
    %dma_wait3A_49 = tpu.memref_slice %arg3[%add3A_47] : memref<320000xi32, #tpu.memory_space<hbm>> -> memref<128xi32, #tpu.memory_space<hbm>>
    tpu.wait_dma2 semaphore(%arg20 : memref<!tpu.dma_semaphore, #tpu.memory_space<semaphore_mem>>) src(%dma_wait3A_49 : memref<128xi32, #tpu.memory_space<hbm>>) dst(%arg7 : memref<128xi32, #tpu.memory_space<vmem>>)
    %dma_start3A_50 = arith.constant 0 : i32
    %dma_start3A_51 = arith.constant 0 : i32
    %dma_start3A_52 = tpu.memref_slice %arg2[%dma_start3A_50, %dma_start3A_51] : memref<10000x128xf32, #tpu.memory_space<hbm>> -> memref<10000x128xf32, #tpu.memory_space<hbm>>
    tpu.enqueue_indirect_dma source(%dma_start3A_52 : memref<10000x128xf32, #tpu.memory_space<hbm>>) target(%arg16 : memref<128x128xf32, #tpu.memory_space<vmem>>) offsets(%arg7 : memref<128xi32, #tpu.memory_space<vmem>>) semaphore(%arg29 : memref<!tpu.dma_semaphore, #tpu.memory_space<semaphore_mem>>)
    %broadcast_in_dim3A = arith.constant 0.000000e+00 : f32
    %broadcast_in_dim3A_53 = vector.broadcast %broadcast_in_dim3A : f32 to vector<16xf32>
    %scan3A = arith.constant 0 : i32
    %scan3A_54 = arith.constant 0 : i32
    %scan3A_55 = arith.constant 8 : i32
    %scan3A_56 = arith.addi %scan3A_54, %scan3A_55 : i32
    %scan3A_57 = arith.constant 1 : i32
    scf.for %scan3A_116 = %scan3A_54 to %scan3A_56 step %scan3A_57  : i32 {
      %swap3A = arith.index_cast %scan3A_116 : i32 to index
      %swap3A_117 = arith.constant 0 : index
      %swap3A_118 = tpu.vector_load %arg17[%swap3A, %swap3A_117] {strides = array<i32>} : memref<128x128xf32, #tpu.memory_space<vmem>>, vector<1x16xf32>,
      %swap3A_119 = vector.shape_cast %swap3A_118 : vector<1x16xf32> to vector<16xf32>
      %swap3A_120 = vector.shape_cast %broadcast_in_dim3A_53 : vector<16xf32> to vector<1x16xf32>
      tpu.vector_store %arg17[%swap3A, %swap3A_117], %swap3A_120 {strides = array<i32>} : memref<128x128xf32, #tpu.memory_space<vmem>>, vector<1x16xf32>,
      %swap3A_121 = arith.index_cast %scan3A_116 : i32 to index
      %swap3A_122 = arith.constant 16 : index
      %swap3A_123 = tpu.vector_load %arg17[%swap3A_121, %swap3A_122] {strides = array<i32>} : memref<128x128xf32, #tpu.memory_space<vmem>>, vector<1x16xf32>,
      %swap3A_124 = vector.shape_cast %swap3A_123 : vector<1x16xf32> to vector<16xf32>
      %swap3A_125 = vector.shape_cast %broadcast_in_dim3A_53 : vector<16xf32> to vector<1x16xf32>
      tpu.vector_store %arg17[%swap3A_121, %swap3A_122], %swap3A_125 {strides = array<i32>} : memref<128x128xf32, #tpu.memory_space<vmem>>, vector<1x16xf32>,
      %swap3A_126 = arith.index_cast %scan3A_116 : i32 to index
      %swap3A_127 = arith.constant 32 : index
      %swap3A_128 = tpu.vector_load %arg17[%swap3A_126, %swap3A_127] {strides = array<i32>} : memref<128x128xf32, #tpu.memory_space<vmem>>, vector<1x16xf32>,
      %swap3A_129 = vector.shape_cast %swap3A_128 : vector<1x16xf32> to vector<16xf32>
      %swap3A_130 = vector.shape_cast %broadcast_in_dim3A_53 : vector<16xf32> to vector<1x16xf32>
      tpu.vector_store %arg17[%swap3A_126, %swap3A_127], %swap3A_130 {strides = array<i32>} : memref<128x128xf32, #tpu.memory_space<vmem>>, vector<1x16xf32>,
      %swap3A_131 = arith.index_cast %scan3A_116 : i32 to index
      %swap3A_132 = arith.constant 48 : index
      %swap3A_133 = tpu.vector_load %arg17[%swap3A_131, %swap3A_132] {strides = array<i32>} : memref<128x128xf32, #tpu.memory_space<vmem>>, vector<1x16xf32>,
      %swap3A_134 = vector.shape_cast %swap3A_133 : vector<1x16xf32> to vector<16xf32>
      %swap3A_135 = vector.shape_cast %broadcast_in_dim3A_53 : vector<16xf32> to vector<1x16xf32>
      tpu.vector_store %arg17[%swap3A_131, %swap3A_132], %swap3A_135 {strides = array<i32>} : memref<128x128xf32, #tpu.memory_space<vmem>>, vector<1x16xf32>,
      %swap3A_136 = arith.index_cast %scan3A_116 : i32 to index
      %swap3A_137 = arith.constant 64 : index
      %swap3A_138 = tpu.vector_load %arg17[%swap3A_136, %swap3A_137] {strides = array<i32>} : memref<128x128xf32, #tpu.memory_space<vmem>>, vector<1x16xf32>,
      %swap3A_139 = vector.shape_cast %swap3A_138 : vector<1x16xf32> to vector<16xf32>
      %swap3A_140 = vector.shape_cast %broadcast_in_dim3A_53 : vector<16xf32> to vector<1x16xf32>
      tpu.vector_store %arg17[%swap3A_136, %swap3A_137], %swap3A_140 {strides = array<i32>} : memref<128x128xf32, #tpu.memory_space<vmem>>, vector<1x16xf32>,
      %swap3A_141 = arith.index_cast %scan3A_116 : i32 to index
      %swap3A_142 = arith.constant 80 : index
      %swap3A_143 = tpu.vector_load %arg17[%swap3A_141, %swap3A_142] {strides = array<i32>} : memref<128x128xf32, #tpu.memory_space<vmem>>, vector<1x16xf32>,
      %swap3A_144 = vector.shape_cast %swap3A_143 : vector<1x16xf32> to vector<16xf32>
      %swap3A_145 = vector.shape_cast %broadcast_in_dim3A_53 : vector<16xf32> to vector<1x16xf32>
      tpu.vector_store %arg17[%swap3A_141, %swap3A_142], %swap3A_145 {strides = array<i32>} : memref<128x128xf32, #tpu.memory_space<vmem>>, vector<1x16xf32>,
      %swap3A_146 = arith.index_cast %scan3A_116 : i32 to index
      %swap3A_147 = arith.constant 96 : index
      %swap3A_148 = tpu.vector_load %arg17[%swap3A_146, %swap3A_147] {strides = array<i32>} : memref<128x128xf32, #tpu.memory_space<vmem>>, vector<1x16xf32>,
      %swap3A_149 = vector.shape_cast %swap3A_148 : vector<1x16xf32> to vector<16xf32>
      %swap3A_150 = vector.shape_cast %broadcast_in_dim3A_53 : vector<16xf32> to vector<1x16xf32>
      tpu.vector_store %arg17[%swap3A_146, %swap3A_147], %swap3A_150 {strides = array<i32>} : memref<128x128xf32, #tpu.memory_space<vmem>>, vector<1x16xf32>,
      %swap3A_151 = arith.index_cast %scan3A_116 : i32 to index
      %swap3A_152 = arith.constant 112 : index
      %swap3A_153 = tpu.vector_load %arg17[%swap3A_151, %swap3A_152] {strides = array<i32>} : memref<128x128xf32, #tpu.memory_space<vmem>>, vector<1x16xf32>,
      %swap3A_154 = vector.shape_cast %swap3A_153 : vector<1x16xf32> to vector<16xf32>
      %swap3A_155 = vector.shape_cast %broadcast_in_dim3A_53 : vector<16xf32> to vector<1x16xf32>
      tpu.vector_store %arg17[%swap3A_151, %swap3A_152], %swap3A_155 {strides = array<i32>} : memref<128x128xf32, #tpu.memory_space<vmem>>, vector<1x16xf32>,
    }
    %scan3A_58 = arith.constant 8 : i32
    %scan3A_59 = arith.constant 0 : i32
    %scan3A_60 = arith.constant 0 : i32
    %scan3A_61 = arith.constant 78 : i32
    %scan3A_62 = arith.addi %scan3A_60, %scan3A_61 : i32
    %scan3A_63 = arith.constant 1 : i32
    scf.for %scan3A_116 = %scan3A_60 to %scan3A_62 step %scan3A_63  : i32 {
      %mul3A_117 = arith.constant 624 : i32
      %mul3A_118 = arith.muli %arg1, %mul3A_117 : i32
      %mul3A_119 = arith.constant 8 : i32
      %mul3A_120 = arith.muli %scan3A_116, %mul3A_119 : i32
      %add3A_121 = arith.addi %mul3A_118, %mul3A_120 : i32
      %dma_start3A_122 = arith.constant 0 : i32
      %dma_start3A_123 = arith.constant 0 : i32
      %dma_start3A_124 = tpu.memref_slice %arg17[%dma_start3A_122, %dma_start3A_123] : memref<128x128xf32, #tpu.memory_space<vmem>> -> memref<8x128xf32, #tpu.memory_space<vmem>>
      %dma_start3A_125 = arith.constant 0 : i32
      %dma_start3A_126 = tpu.memref_slice %arg18[%add3A_121, %dma_start3A_125] : memref<10000x128xf32, #tpu.memory_space<vmem_shared>> -> memref<8x128xf32, #tpu.memory_space<vmem_shared>>
      %dma_start3A_127 = arith.constant 0 : i32
      %dma_start3A_128 = tpu.memref_slice %arg18[%add3A_121, %dma_start3A_127] : memref<10000x128xf32, #tpu.memory_space<vmem_shared>> -> memref<8x128xf32, #tpu.memory_space<vmem_shared>>
      %dma_start3A_129 = arith.constant 0 : i32
      %dma_start3A_130 = arith.constant 0 : i32
      %dma_start3A_131 = tpu.memref_slice %arg17[%dma_start3A_129, %dma_start3A_130] : memref<128x128xf32, #tpu.memory_space<vmem>> -> memref<8x128xf32, #tpu.memory_space<vmem>>
      tpu.enqueue_dma source(%dma_start3A_131 : memref<8x128xf32, #tpu.memory_space<vmem>>) target(%dma_start3A_128 : memref<8x128xf32, #tpu.memory_space<vmem_shared>>) target_semaphore(%arg34 : memref<!tpu.dma_semaphore, #tpu.memory_space<semaphore_mem>>)
    }
    %scan3A_64 = arith.constant 78 : i32
    %eq3A_65 = arith.constant 0 : i32
    %eq3A_66 = arith.cmpi eq, %arg1, %eq3A_65 : i32
    %convert_element_type3A = arith.extui %eq3A_66 : i1 to i32
    %cond3A = arith.constant 0 : i32
    %cond3A_67 = arith.cmpi ne, %convert_element_type3A, %cond3A : i32
    scf.if %cond3A_67 {
      "tpu.region"() ({
        %run_scoped3A = tpu.sem_alloc : memref<!tpu.dma_semaphore, #tpu.memory_space<semaphore_mem>>
        %dma_start3A_116 = arith.constant 0 : i32
        %dma_start3A_117 = arith.constant 0 : i32
        %dma_start3A_118 = tpu.memref_slice %arg17[%dma_start3A_116, %dma_start3A_117] : memref<128x128xf32, #tpu.memory_space<vmem>> -> memref<8x128xf32, #tpu.memory_space<vmem>>
        %dma_start3A_119 = arith.constant 9984 : i32
        %dma_start3A_120 = arith.constant 0 : i32
        %dma_start3A_121 = tpu.memref_slice %arg18[%dma_start3A_119, %dma_start3A_120] : memref<10000x128xf32, #tpu.memory_space<vmem_shared>> -> memref<8x128xf32, #tpu.memory_space<vmem_shared>>
        %dma_start3A_122 = arith.constant 9984 : i32
        %dma_start3A_123 = arith.constant 0 : i32
        %dma_start3A_124 = tpu.memref_slice %arg18[%dma_start3A_122, %dma_start3A_123] : memref<10000x128xf32, #tpu.memory_space<vmem_shared>> -> memref<8x128xf32, #tpu.memory_space<vmem_shared>>
        %dma_start3A_125 = arith.constant 0 : i32
        %dma_start3A_126 = arith.constant 0 : i32
        %dma_start3A_127 = tpu.memref_slice %arg17[%dma_start3A_125, %dma_start3A_126] : memref<128x128xf32, #tpu.memory_space<vmem>> -> memref<8x128xf32, #tpu.memory_space<vmem>>
        tpu.enqueue_dma source(%dma_start3A_127 : memref<8x128xf32, #tpu.memory_space<vmem>>) target(%dma_start3A_124 : memref<8x128xf32, #tpu.memory_space<vmem_shared>>) target_semaphore(%run_scoped3A : memref<!tpu.dma_semaphore, #tpu.memory_space<semaphore_mem>>)
        %dma_wait3A_128 = arith.constant 0 : i32
        %dma_wait3A_129 = arith.constant 0 : i32
        %dma_wait3A_130 = tpu.memref_slice %arg17[%dma_wait3A_128, %dma_wait3A_129] : memref<128x128xf32, #tpu.memory_space<vmem>> -> memref<8x128xf32, #tpu.memory_space<vmem>>
        %dma_wait3A_131 = arith.constant 9984 : i32
        %dma_wait3A_132 = arith.constant 0 : i32
        %dma_wait3A_133 = tpu.memref_slice %arg18[%dma_wait3A_131, %dma_wait3A_132] : memref<10000x128xf32, #tpu.memory_space<vmem_shared>> -> memref<8x128xf32, #tpu.memory_space<vmem_shared>>
        %dma_wait3A_134 = arith.constant 9984 : i32
        %dma_wait3A_135 = arith.constant 0 : i32
        %dma_wait3A_136 = tpu.memref_slice %arg18[%dma_wait3A_134, %dma_wait3A_135] : memref<10000x128xf32, #tpu.memory_space<vmem_shared>> -> memref<8x128xf32, #tpu.memory_space<vmem_shared>>
        %dma_wait3A_137 = arith.constant 0 : i32
        %dma_wait3A_138 = arith.constant 0 : i32
        %dma_wait3A_139 = tpu.memref_slice %arg17[%dma_wait3A_137, %dma_wait3A_138] : memref<128x128xf32, #tpu.memory_space<vmem>> -> memref<8x128xf32, #tpu.memory_space<vmem>>
        tpu.wait_dma2 semaphore(%run_scoped3A : memref<!tpu.dma_semaphore, #tpu.memory_space<semaphore_mem>>) src(%dma_wait3A_139 : memref<8x128xf32, #tpu.memory_space<vmem>>) dst(%dma_wait3A_136 : memref<8x128xf32, #tpu.memory_space<vmem_shared>>)
        tpu.yield
      }) : () -> ()
      "tpu.region"() ({
        %run_scoped3A = tpu.sem_alloc : memref<!tpu.dma_semaphore, #tpu.memory_space<semaphore_mem>>
        %dma_start3A_116 = arith.constant 0 : i32
        %dma_start3A_117 = arith.constant 0 : i32
        %dma_start3A_118 = tpu.memref_slice %arg17[%dma_start3A_116, %dma_start3A_117] : memref<128x128xf32, #tpu.memory_space<vmem>> -> memref<8x128xf32, #tpu.memory_space<vmem>>
        %dma_start3A_119 = arith.constant 9992 : i32
        %dma_start3A_120 = arith.constant 0 : i32
        %dma_start3A_121 = tpu.memref_slice %arg18[%dma_start3A_119, %dma_start3A_120] : memref<10000x128xf32, #tpu.memory_space<vmem_shared>> -> memref<8x128xf32, #tpu.memory_space<vmem_shared>>
        %dma_start3A_122 = arith.constant 9992 : i32
        %dma_start3A_123 = arith.constant 0 : i32
        %dma_start3A_124 = tpu.memref_slice %arg18[%dma_start3A_122, %dma_start3A_123] : memref<10000x128xf32, #tpu.memory_space<vmem_shared>> -> memref<8x128xf32, #tpu.memory_space<vmem_shared>>
        %dma_start3A_125 = arith.constant 0 : i32
        %dma_start3A_126 = arith.constant 0 : i32
        %dma_start3A_127 = tpu.memref_slice %arg17[%dma_start3A_125, %dma_start3A_126] : memref<128x128xf32, #tpu.memory_space<vmem>> -> memref<8x128xf32, #tpu.memory_space<vmem>>
        tpu.enqueue_dma source(%dma_start3A_127 : memref<8x128xf32, #tpu.memory_space<vmem>>) target(%dma_start3A_124 : memref<8x128xf32, #tpu.memory_space<vmem_shared>>) target_semaphore(%run_scoped3A : memref<!tpu.dma_semaphore, #tpu.memory_space<semaphore_mem>>)
        %dma_wait3A_128 = arith.constant 0 : i32
        %dma_wait3A_129 = arith.constant 0 : i32
        %dma_wait3A_130 = tpu.memref_slice %arg17[%dma_wait3A_128, %dma_wait3A_129] : memref<128x128xf32, #tpu.memory_space<vmem>> -> memref<8x128xf32, #tpu.memory_space<vmem>>
        %dma_wait3A_131 = arith.constant 9992 : i32
        %dma_wait3A_132 = arith.constant 0 : i32
        %dma_wait3A_133 = tpu.memref_slice %arg18[%dma_wait3A_131, %dma_wait3A_132] : memref<10000x128xf32, #tpu.memory_space<vmem_shared>> -> memref<8x128xf32, #tpu.memory_space<vmem_shared>>
        %dma_wait3A_134 = arith.constant 9992 : i32
        %dma_wait3A_135 = arith.constant 0 : i32
        %dma_wait3A_136 = tpu.memref_slice %arg18[%dma_wait3A_134, %dma_wait3A_135] : memref<10000x128xf32, #tpu.memory_space<vmem_shared>> -> memref<8x128xf32, #tpu.memory_space<vmem_shared>>
        %dma_wait3A_137 = arith.constant 0 : i32
        %dma_wait3A_138 = arith.constant 0 : i32
        %dma_wait3A_139 = tpu.memref_slice %arg17[%dma_wait3A_137, %dma_wait3A_138] : memref<128x128xf32, #tpu.memory_space<vmem>> -> memref<8x128xf32, #tpu.memory_space<vmem>>
        tpu.wait_dma2 semaphore(%run_scoped3A : memref<!tpu.dma_semaphore, #tpu.memory_space<semaphore_mem>>) src(%dma_wait3A_139 : memref<8x128xf32, #tpu.memory_space<vmem>>) dst(%dma_wait3A_136 : memref<8x128xf32, #tpu.memory_space<vmem_shared>>)
        tpu.yield
      }) : () -> ()
    } else {
    }
    %scan3A_68 = arith.constant 0 : i32
    %scan3A_69 = arith.constant 0 : i32
    %scan3A_70 = arith.constant 78 : i32
    %scan3A_71 = arith.addi %scan3A_69, %scan3A_70 : i32
    %scan3A_72 = arith.constant 1 : i32
    scf.for %scan3A_116 = %scan3A_69 to %scan3A_71 step %scan3A_72  : i32 {
      %mul3A_117 = arith.constant 624 : i32
      %mul3A_118 = arith.muli %arg1, %mul3A_117 : i32
      %mul3A_119 = arith.constant 8 : i32
      %mul3A_120 = arith.muli %scan3A_116, %mul3A_119 : i32
      %add3A_121 = arith.addi %mul3A_118, %mul3A_120 : i32
      %dma_wait3A_122 = arith.constant 0 : i32
      %dma_wait3A_123 = arith.constant 0 : i32
      %dma_wait3A_124 = tpu.memref_slice %arg17[%dma_wait3A_122, %dma_wait3A_123] : memref<128x128xf32, #tpu.memory_space<vmem>> -> memref<8x128xf32, #tpu.memory_space<vmem>>
      %dma_wait3A_125 = arith.constant 0 : i32
      %dma_wait3A_126 = tpu.memref_slice %arg18[%add3A_121, %dma_wait3A_125] : memref<10000x128xf32, #tpu.memory_space<vmem_shared>> -> memref<8x128xf32, #tpu.memory_space<vmem_shared>>
      %dma_wait3A_127 = arith.constant 0 : i32
      %dma_wait3A_128 = tpu.memref_slice %arg18[%add3A_121, %dma_wait3A_127] : memref<10000x128xf32, #tpu.memory_space<vmem_shared>> -> memref<8x128xf32, #tpu.memory_space<vmem_shared>>
      %dma_wait3A_129 = arith.constant 0 : i32
      %dma_wait3A_130 = arith.constant 0 : i32
      %dma_wait3A_131 = tpu.memref_slice %arg17[%dma_wait3A_129, %dma_wait3A_130] : memref<128x128xf32, #tpu.memory_space<vmem>> -> memref<8x128xf32, #tpu.memory_space<vmem>>
      tpu.wait_dma2 semaphore(%arg34 : memref<!tpu.dma_semaphore, #tpu.memory_space<semaphore_mem>>) src(%dma_wait3A_131 : memref<8x128xf32, #tpu.memory_space<vmem>>) dst(%dma_wait3A_128 : memref<8x128xf32, #tpu.memory_space<vmem_shared>>)
    }
    %scan3A_73 = arith.constant 78 : i32
    %barrier3A = arith.constant 0 : index
    tpu.barrier barrier_id(%barrier3A)
    %add3A_74 = arith.constant 2 : i32
    %add3A_75 = arith.addi %select_n3A, %add3A_74 : i32
    %jit3A_76 = arith.constant 3 : i32
    %div3A = arith.divsi %add3A_75, %jit3A_76 : i32
    %sign3A = arith.constant 0 : i32
    %sign3A_77 = arith.cmpi sgt, %add3A_75, %sign3A : i32
    %sign3A_78 = arith.extui %sign3A_77 : i1 to i32
    %sign3A_79 = arith.constant 0 : i32
    %sign3A_80 = arith.cmpi slt, %add3A_75, %sign3A_79 : i32
    %sign3A_81 = arith.extui %sign3A_80 : i1 to i32
    %sign3A_82 = arith.subi %sign3A_78, %sign3A_81 : i32
    %sign3A_83 = arith.constant 0 : i32
    %sign3A_84 = arith.cmpi sgt, %jit3A_76, %sign3A_83 : i32
    %sign3A_85 = arith.extui %sign3A_84 : i1 to i32
    %sign3A_86 = arith.constant 0 : i32
    %sign3A_87 = arith.cmpi slt, %jit3A_76, %sign3A_86 : i32
    %sign3A_88 = arith.extui %sign3A_87 : i1 to i32
    %sign3A_89 = arith.subi %sign3A_85, %sign3A_88 : i32
    %ne3A = arith.cmpi ne, %sign3A_82, %sign3A_89 : i32
    %rem3A = arith.remsi %add3A_75, %jit3A_76 : i32
    %ne3A_90 = arith.constant 0 : i32
    %ne3A_91 = arith.cmpi ne, %rem3A, %ne3A_90 : i32
    %and3A = arith.andi %ne3A, %ne3A_91 : i1
    %sub3A = arith.constant 1 : i32
    %sub3A_92 = arith.subi %div3A, %sub3A : i32
    %select_n3A_93 = arith.select %and3A, %sub3A_92, %div3A : i32
    %while3A = arith.constant 0 : i32
    %while3A_94 = arith.constant 0 : i32
    %while3A_95 = arith.subi %select_n3A_93, %while3A_94 : i32
    %while3A_96 = arith.addi %while3A_94, %while3A_95 : i32
    %while3A_97 = arith.constant 1 : i32
    %while3A_98 = arith.divsi %while3A_95, %while3A_97 : i32
    %while3A_99 = arith.muli %while3A_98, %while3A_97 : i32
    %while3A_100 = arith.addi %while3A_94, %while3A_99 : i32
    %while3A_101 = arith.constant 1 : i32
    scf.for %while3A_116 = %while3A_94 to %while3A_100 step %while3A_101  : i32 {
      %jit3A_117 = arith.constant 2 : i32
      %eq3A_118 = arith.constant 0 : i32
      %eq3A_119 = arith.cmpi eq, %jit3A_117, %eq3A_118 : i32
      %jit3A_120 = arith.constant 1 : i32
      %select_n3A_121 = arith.select %eq3A_119, %jit3A_120, %jit3A_117 : i32
      %rem3A_122 = arith.remsi %while3A_116, %select_n3A_121 : i32
      %ne3A_123 = arith.constant 0 : i32
      %ne3A_124 = arith.cmpi ne, %rem3A_122, %ne3A_123 : i32
      %lt3A = arith.constant 0 : i32
      %lt3A_125 = arith.cmpi slt, %rem3A_122, %lt3A : i32
      %lt3A_126 = arith.constant 0 : i32
      %lt3A_127 = arith.cmpi slt, %select_n3A_121, %lt3A_126 : i32
      %ne3A_128 = arith.xori %lt3A_125, %lt3A_127 : i1
      %and3A_129 = arith.andi %ne3A_128, %ne3A_124 : i1
      %add3A_130 = arith.addi %rem3A_122, %select_n3A_121 : i32
      %select_n3A_131 = arith.select %and3A_129, %add3A_130, %rem3A_122 : i32
      %mul3A_132 = arith.constant 3 : i32
      %mul3A_133 = arith.muli %mul3A_132, %while3A_116 : i32
      %add3A_134 = arith.constant 0 : i32
      %add3A_135 = arith.addi %mul3A_133, %add3A_134 : i32
      %lt3A_136 = arith.cmpi slt, %add3A_135, %select_n3A : i32
      %convert_element_type3A_137 = arith.extui %lt3A_136 : i1 to i32
      %cond3A_138 = arith.constant 0 : i32
      %cond3A_139 = arith.cmpi ne, %convert_element_type3A_137, %cond3A_138 : i32
      scf.if %cond3A_139 {
        %dma_wait3A_156 = arith.constant 0 : i32
        %dma_wait3A_157 = arith.constant 0 : i32
        %dma_wait3A_158 = tpu.memref_slice %arg2[%dma_wait3A_156, %dma_wait3A_157] : memref<10000x128xf32, #tpu.memory_space<hbm>> -> memref<10000x128xf32, #tpu.memory_space<hbm>>
        tpu.wait_indirect_dma semaphore(%arg28 : memref<!tpu.dma_semaphore, #tpu.memory_space<semaphore_mem>>) src(%dma_wait3A_158 : memref<10000x128xf32, #tpu.memory_space<hbm>>) dst(%arg15 : memref<128x128xf32, #tpu.memory_space<vmem>>)
        %ge3A = arith.constant 1 : i32
        %ge3A_159 = arith.cmpi sge, %add3A_135, %ge3A : i32
        %convert_element_type3A_160 = arith.extui %ge3A_159 : i1 to i32
        %cond3A_161 = arith.constant 0 : i32
        %cond3A_162 = arith.cmpi ne, %convert_element_type3A_160, %cond3A_161 : i32
        scf.if %cond3A_162 {
          %eq3A_185 = arith.constant 0 : i32
          %eq3A_186 = arith.cmpi eq, %select_n3A_131, %eq3A_185 : i32
          %convert_element_type3A_187 = arith.extui %eq3A_186 : i1 to i32
          %cond3A_188 = arith.constant 0 : i32
          %cond3A_189 = arith.cmpi ne, %convert_element_type3A_187, %cond3A_188 : i32
          scf.if %cond3A_189 {
            %dma_wait3A_195 = arith.constant 0 : i32
            %dma_wait3A_196 = arith.constant 0 : i32
            %dma_wait3A_197 = tpu.memref_slice %arg18[%dma_wait3A_195, %dma_wait3A_196] : memref<10000x128xf32, #tpu.memory_space<vmem_shared>> -> memref<10000x128xf32, #tpu.memory_space<vmem_shared>>
            tpu.wait_indirect_dma semaphore(%arg33 : memref<!tpu.dma_semaphore, #tpu.memory_space<semaphore_mem>>) src(%arg17 : memref<128x128xf32, #tpu.memory_space<vmem>>) dst(%dma_wait3A_197 : memref<10000x128xf32, #tpu.memory_space<vmem_shared>>)
            %add3A_198 = arith.constant 5 : i32
            %add3A_199 = arith.addi %add3A_135, %add3A_198 : i32
            %lt3A_200 = arith.cmpi slt, %add3A_199, %select_n3A : i32
            %convert_element_type3A_201 = arith.extui %lt3A_200 : i1 to i32
            %cond3A_202 = arith.constant 0 : i32
            %cond3A_203 = arith.cmpi ne, %convert_element_type3A_201, %cond3A_202 : i32
            scf.if %cond3A_203 {
              %add3A_204 = arith.constant 5 : i32
              %add3A_205 = arith.addi %add3A_135, %add3A_204 : i32
              %mul3A_206 = arith.constant 128 : i32
              %mul3A_207 = arith.muli %add3A_205, %mul3A_206 : i32
              %add3A_208 = arith.addi %mul3A_4, %mul3A_207 : i32
              %dma_start3A_209 = tpu.memref_slice %arg4[%add3A_208] : memref<320000xi32, #tpu.memory_space<hbm>> -> memref<128xi32, #tpu.memory_space<hbm>>
              %dma_start3A_210 = tpu.memref_slice %arg4[%add3A_208] : memref<320000xi32, #tpu.memory_space<hbm>> -> memref<128xi32, #tpu.memory_space<hbm>>
              tpu.enqueue_dma source(%dma_start3A_210 : memref<128xi32, #tpu.memory_space<hbm>>) target(%arg14 : memref<128xi32, #tpu.memory_space<vmem>>) target_semaphore(%arg27 : memref<!tpu.dma_semaphore, #tpu.memory_space<semaphore_mem>>)
            } else {
            }
          } else {
          }
          %eq3A_190 = arith.constant 1 : i32
          %eq3A_191 = arith.cmpi eq, %select_n3A_131, %eq3A_190 : i32
          %convert_element_type3A_192 = arith.extui %eq3A_191 : i1 to i32
          %cond3A_193 = arith.constant 0 : i32
          %cond3A_194 = arith.cmpi ne, %convert_element_type3A_192, %cond3A_193 : i32
          scf.if %cond3A_194 {
            %dma_wait3A_195 = arith.constant 0 : i32
            %dma_wait3A_196 = arith.constant 0 : i32
            %dma_wait3A_197 = tpu.memref_slice %arg18[%dma_wait3A_195, %dma_wait3A_196] : memref<10000x128xf32, #tpu.memory_space<vmem_shared>> -> memref<10000x128xf32, #tpu.memory_space<vmem_shared>>
            tpu.wait_indirect_dma semaphore(%arg33 : memref<!tpu.dma_semaphore, #tpu.memory_space<semaphore_mem>>) src(%arg17 : memref<128x128xf32, #tpu.memory_space<vmem>>) dst(%dma_wait3A_197 : memref<10000x128xf32, #tpu.memory_space<vmem_shared>>)
            %add3A_198 = arith.constant 5 : i32
            %add3A_199 = arith.addi %add3A_135, %add3A_198 : i32
            %lt3A_200 = arith.cmpi slt, %add3A_199, %select_n3A : i32
            %convert_element_type3A_201 = arith.extui %lt3A_200 : i1 to i32
            %cond3A_202 = arith.constant 0 : i32
            %cond3A_203 = arith.cmpi ne, %convert_element_type3A_201, %cond3A_202 : i32
            scf.if %cond3A_203 {
              %add3A_204 = arith.constant 5 : i32
              %add3A_205 = arith.addi %add3A_135, %add3A_204 : i32
              %mul3A_206 = arith.constant 128 : i32
              %mul3A_207 = arith.muli %add3A_205, %mul3A_206 : i32
              %add3A_208 = arith.addi %mul3A_4, %mul3A_207 : i32
              %dma_start3A_209 = tpu.memref_slice %arg4[%add3A_208] : memref<320000xi32, #tpu.memory_space<hbm>> -> memref<128xi32, #tpu.memory_space<hbm>>
              %dma_start3A_210 = tpu.memref_slice %arg4[%add3A_208] : memref<320000xi32, #tpu.memory_space<hbm>> -> memref<128xi32, #tpu.memory_space<hbm>>
              tpu.enqueue_dma source(%dma_start3A_210 : memref<128xi32, #tpu.memory_space<hbm>>) target(%arg11 : memref<128xi32, #tpu.memory_space<vmem>>) target_semaphore(%arg24 : memref<!tpu.dma_semaphore, #tpu.memory_space<semaphore_mem>>)
            } else {
            }
          } else {
          }
        } else {
        }
        %eq3A_163 = arith.constant 0 : i32
        %eq3A_164 = arith.cmpi eq, %select_n3A_131, %eq3A_163 : i32
        %convert_element_type3A_165 = arith.extui %eq3A_164 : i1 to i32
        %cond3A_166 = arith.constant 0 : i32
        %cond3A_167 = arith.cmpi ne, %convert_element_type3A_165, %cond3A_166 : i32
        scf.if %cond3A_167 {
          %mul3A_185 = arith.constant 128 : i32
          %mul3A_186 = arith.muli %add3A_135, %mul3A_185 : i32
          %add3A_187 = arith.addi %mul3A_4, %mul3A_186 : i32
          %dma_wait3A_188 = tpu.memref_slice %arg4[%add3A_187] : memref<320000xi32, #tpu.memory_space<hbm>> -> memref<128xi32, #tpu.memory_space<hbm>>
          %dma_wait3A_189 = tpu.memref_slice %arg4[%add3A_187] : memref<320000xi32, #tpu.memory_space<hbm>> -> memref<128xi32, #tpu.memory_space<hbm>>
          tpu.wait_dma2 semaphore(%arg22 : memref<!tpu.dma_semaphore, #tpu.memory_space<semaphore_mem>>) src(%dma_wait3A_189 : memref<128xi32, #tpu.memory_space<hbm>>) dst(%arg9 : memref<128xi32, #tpu.memory_space<vmem>>)
          %dma_start3A_190 = arith.constant 0 : i32
          %dma_start3A_191 = arith.constant 0 : i32
          %dma_start3A_192 = tpu.memref_slice %arg18[%dma_start3A_190, %dma_start3A_191] : memref<10000x128xf32, #tpu.memory_space<vmem_shared>> -> memref<10000x128xf32, #tpu.memory_space<vmem_shared>>
          tpu.enqueue_indirect_dma source(%arg15 : memref<128x128xf32, #tpu.memory_space<vmem>>) target(%dma_start3A_192 : memref<10000x128xf32, #tpu.memory_space<vmem_shared>>) offsets(%arg9 : memref<128xi32, #tpu.memory_space<vmem>>) semaphore(%arg31 : memref<!tpu.dma_semaphore, #tpu.memory_space<semaphore_mem>>) {add = true}
        } else {
        }
        %eq3A_168 = arith.constant 1 : i32
        %eq3A_169 = arith.cmpi eq, %select_n3A_131, %eq3A_168 : i32
        %convert_element_type3A_170 = arith.extui %eq3A_169 : i1 to i32
        %cond3A_171 = arith.constant 0 : i32
        %cond3A_172 = arith.cmpi ne, %convert_element_type3A_170, %cond3A_171 : i32
        scf.if %cond3A_172 {
          %mul3A_185 = arith.constant 128 : i32
          %mul3A_186 = arith.muli %add3A_135, %mul3A_185 : i32
          %add3A_187 = arith.addi %mul3A_4, %mul3A_186 : i32
          %dma_wait3A_188 = tpu.memref_slice %arg4[%add3A_187] : memref<320000xi32, #tpu.memory_space<hbm>> -> memref<128xi32, #tpu.memory_space<hbm>>
          %dma_wait3A_189 = tpu.memref_slice %arg4[%add3A_187] : memref<320000xi32, #tpu.memory_space<hbm>> -> memref<128xi32, #tpu.memory_space<hbm>>
          tpu.wait_dma2 semaphore(%arg25 : memref<!tpu.dma_semaphore, #tpu.memory_space<semaphore_mem>>) src(%dma_wait3A_189 : memref<128xi32, #tpu.memory_space<hbm>>) dst(%arg12 : memref<128xi32, #tpu.memory_space<vmem>>)
          %dma_start3A_190 = arith.constant 0 : i32
          %dma_start3A_191 = arith.constant 0 : i32
          %dma_start3A_192 = tpu.memref_slice %arg18[%dma_start3A_190, %dma_start3A_191] : memref<10000x128xf32, #tpu.memory_space<vmem_shared>> -> memref<10000x128xf32, #tpu.memory_space<vmem_shared>>
          tpu.enqueue_indirect_dma source(%arg15 : memref<128x128xf32, #tpu.memory_space<vmem>>) target(%dma_start3A_192 : memref<10000x128xf32, #tpu.memory_space<vmem_shared>>) offsets(%arg12 : memref<128xi32, #tpu.memory_space<vmem>>) semaphore(%arg31 : memref<!tpu.dma_semaphore, #tpu.memory_space<semaphore_mem>>) {add = true}
        } else {
        }
        %add3A_173 = arith.constant 2 : i32
        %add3A_174 = arith.addi %add3A_135, %add3A_173 : i32
        %lt3A_175 = arith.cmpi slt, %add3A_174, %select_n3A : i32
        %convert_element_type3A_176 = arith.extui %lt3A_175 : i1 to i32
        %cond3A_177 = arith.constant 0 : i32
        %cond3A_178 = arith.cmpi ne, %convert_element_type3A_176, %cond3A_177 : i32
        scf.if %cond3A_178 {
          %add3A_185 = arith.constant 2 : i32
          %add3A_186 = arith.addi %add3A_135, %add3A_185 : i32
          %mul3A_187 = arith.constant 128 : i32
          %mul3A_188 = arith.muli %add3A_186, %mul3A_187 : i32
          %add3A_189 = arith.addi %mul3A_4, %mul3A_188 : i32
          %dma_wait3A_190 = tpu.memref_slice %arg3[%add3A_189] : memref<320000xi32, #tpu.memory_space<hbm>> -> memref<128xi32, #tpu.memory_space<hbm>>
          %dma_wait3A_191 = tpu.memref_slice %arg3[%add3A_189] : memref<320000xi32, #tpu.memory_space<hbm>> -> memref<128xi32, #tpu.memory_space<hbm>>
          tpu.wait_dma2 semaphore(%arg21 : memref<!tpu.dma_semaphore, #tpu.memory_space<semaphore_mem>>) src(%dma_wait3A_191 : memref<128xi32, #tpu.memory_space<hbm>>) dst(%arg8 : memref<128xi32, #tpu.memory_space<vmem>>)
          %dma_start3A_192 = arith.constant 0 : i32
          %dma_start3A_193 = arith.constant 0 : i32
          %dma_start3A_194 = tpu.memref_slice %arg2[%dma_start3A_192, %dma_start3A_193] : memref<10000x128xf32, #tpu.memory_space<hbm>> -> memref<10000x128xf32, #tpu.memory_space<hbm>>
          tpu.enqueue_indirect_dma source(%dma_start3A_194 : memref<10000x128xf32, #tpu.memory_space<hbm>>) target(%arg17 : memref<128x128xf32, #tpu.memory_space<vmem>>) offsets(%arg8 : memref<128xi32, #tpu.memory_space<vmem>>) semaphore(%arg30 : memref<!tpu.dma_semaphore, #tpu.memory_space<semaphore_mem>>)
        } else {
        }
        %add3A_179 = arith.constant 3 : i32
        %add3A_180 = arith.addi %add3A_135, %add3A_179 : i32
        %lt3A_181 = arith.cmpi slt, %add3A_180, %select_n3A : i32
        %convert_element_type3A_182 = arith.extui %lt3A_181 : i1 to i32
        %cond3A_183 = arith.constant 0 : i32
        %cond3A_184 = arith.cmpi ne, %convert_element_type3A_182, %cond3A_183 : i32
        scf.if %cond3A_184 {
          %add3A_185 = arith.constant 3 : i32
          %add3A_186 = arith.addi %add3A_135, %add3A_185 : i32
          %mul3A_187 = arith.constant 128 : i32
          %mul3A_188 = arith.muli %add3A_186, %mul3A_187 : i32
          %add3A_189 = arith.addi %mul3A_4, %mul3A_188 : i32
          %dma_start3A_190 = tpu.memref_slice %arg3[%add3A_189] : memref<320000xi32, #tpu.memory_space<hbm>> -> memref<128xi32, #tpu.memory_space<hbm>>
          %dma_start3A_191 = tpu.memref_slice %arg3[%add3A_189] : memref<320000xi32, #tpu.memory_space<hbm>> -> memref<128xi32, #tpu.memory_space<hbm>>
          tpu.enqueue_dma source(%dma_start3A_191 : memref<128xi32, #tpu.memory_space<hbm>>) target(%arg6 : memref<128xi32, #tpu.memory_space<vmem>>) target_semaphore(%arg19 : memref<!tpu.dma_semaphore, #tpu.memory_space<semaphore_mem>>)
        } else {
        }
      } else {
      }
      %mul3A_140 = arith.constant 3 : i32
      %mul3A_141 = arith.muli %mul3A_140, %while3A_116 : i32
      %add3A_142 = arith.constant 1 : i32
      %add3A_143 = arith.addi %mul3A_141, %add3A_142 : i32
      %lt3A_144 = arith.cmpi slt, %add3A_143, %select_n3A : i32
      %convert_element_type3A_145 = arith.extui %lt3A_144 : i1 to i32
      %cond3A_146 = arith.constant 0 : i32
      %cond3A_147 = arith.cmpi ne, %convert_element_type3A_145, %cond3A_146 : i32
      scf.if %cond3A_147 {
        %dma_wait3A_156 = arith.constant 0 : i32
        %dma_wait3A_157 = arith.constant 0 : i32
        %dma_wait3A_158 = tpu.memref_slice %arg2[%dma_wait3A_156, %dma_wait3A_157] : memref<10000x128xf32, #tpu.memory_space<hbm>> -> memref<10000x128xf32, #tpu.memory_space<hbm>>
        tpu.wait_indirect_dma semaphore(%arg29 : memref<!tpu.dma_semaphore, #tpu.memory_space<semaphore_mem>>) src(%dma_wait3A_158 : memref<10000x128xf32, #tpu.memory_space<hbm>>) dst(%arg16 : memref<128x128xf32, #tpu.memory_space<vmem>>)
        %ge3A = arith.constant 1 : i32
        %ge3A_159 = arith.cmpi sge, %add3A_143, %ge3A : i32
        %convert_element_type3A_160 = arith.extui %ge3A_159 : i1 to i32
        %cond3A_161 = arith.constant 0 : i32
        %cond3A_162 = arith.cmpi ne, %convert_element_type3A_160, %cond3A_161 : i32
        scf.if %cond3A_162 {
          %eq3A_185 = arith.constant 0 : i32
          %eq3A_186 = arith.cmpi eq, %select_n3A_131, %eq3A_185 : i32
          %convert_element_type3A_187 = arith.extui %eq3A_186 : i1 to i32
          %cond3A_188 = arith.constant 0 : i32
          %cond3A_189 = arith.cmpi ne, %convert_element_type3A_187, %cond3A_188 : i32
          scf.if %cond3A_189 {
            %dma_wait3A_195 = arith.constant 0 : i32
            %dma_wait3A_196 = arith.constant 0 : i32
            %dma_wait3A_197 = tpu.memref_slice %arg18[%dma_wait3A_195, %dma_wait3A_196] : memref<10000x128xf32, #tpu.memory_space<vmem_shared>> -> memref<10000x128xf32, #tpu.memory_space<vmem_shared>>
            tpu.wait_indirect_dma semaphore(%arg31 : memref<!tpu.dma_semaphore, #tpu.memory_space<semaphore_mem>>) src(%arg15 : memref<128x128xf32, #tpu.memory_space<vmem>>) dst(%dma_wait3A_197 : memref<10000x128xf32, #tpu.memory_space<vmem_shared>>)
            %add3A_198 = arith.constant 5 : i32
            %add3A_199 = arith.addi %add3A_143, %add3A_198 : i32
            %lt3A_200 = arith.cmpi slt, %add3A_199, %select_n3A : i32
            %convert_element_type3A_201 = arith.extui %lt3A_200 : i1 to i32
            %cond3A_202 = arith.constant 0 : i32
            %cond3A_203 = arith.cmpi ne, %convert_element_type3A_201, %cond3A_202 : i32
            scf.if %cond3A_203 {
              %add3A_204 = arith.constant 5 : i32
              %add3A_205 = arith.addi %add3A_143, %add3A_204 : i32
              %mul3A_206 = arith.constant 128 : i32
              %mul3A_207 = arith.muli %add3A_205, %mul3A_206 : i32
              %add3A_208 = arith.addi %mul3A_4, %mul3A_207 : i32
              %dma_start3A_209 = tpu.memref_slice %arg4[%add3A_208] : memref<320000xi32, #tpu.memory_space<hbm>> -> memref<128xi32, #tpu.memory_space<hbm>>
              %dma_start3A_210 = tpu.memref_slice %arg4[%add3A_208] : memref<320000xi32, #tpu.memory_space<hbm>> -> memref<128xi32, #tpu.memory_space<hbm>>
              tpu.enqueue_dma source(%dma_start3A_210 : memref<128xi32, #tpu.memory_space<hbm>>) target(%arg9 : memref<128xi32, #tpu.memory_space<vmem>>) target_semaphore(%arg22 : memref<!tpu.dma_semaphore, #tpu.memory_space<semaphore_mem>>)
            } else {
            }
          } else {
          }
          %eq3A_190 = arith.constant 1 : i32
          %eq3A_191 = arith.cmpi eq, %select_n3A_131, %eq3A_190 : i32
          %convert_element_type3A_192 = arith.extui %eq3A_191 : i1 to i32
          %cond3A_193 = arith.constant 0 : i32
          %cond3A_194 = arith.cmpi ne, %convert_element_type3A_192, %cond3A_193 : i32
          scf.if %cond3A_194 {
            %dma_wait3A_195 = arith.constant 0 : i32
            %dma_wait3A_196 = arith.constant 0 : i32
            %dma_wait3A_197 = tpu.memref_slice %arg18[%dma_wait3A_195, %dma_wait3A_196] : memref<10000x128xf32, #tpu.memory_space<vmem_shared>> -> memref<10000x128xf32, #tpu.memory_space<vmem_shared>>
            tpu.wait_indirect_dma semaphore(%arg31 : memref<!tpu.dma_semaphore, #tpu.memory_space<semaphore_mem>>) src(%arg15 : memref<128x128xf32, #tpu.memory_space<vmem>>) dst(%dma_wait3A_197 : memref<10000x128xf32, #tpu.memory_space<vmem_shared>>)
            %add3A_198 = arith.constant 5 : i32
            %add3A_199 = arith.addi %add3A_143, %add3A_198 : i32
            %lt3A_200 = arith.cmpi slt, %add3A_199, %select_n3A : i32
            %convert_element_type3A_201 = arith.extui %lt3A_200 : i1 to i32
            %cond3A_202 = arith.constant 0 : i32
            %cond3A_203 = arith.cmpi ne, %convert_element_type3A_201, %cond3A_202 : i32
            scf.if %cond3A_203 {
              %add3A_204 = arith.constant 5 : i32
              %add3A_205 = arith.addi %add3A_143, %add3A_204 : i32
              %mul3A_206 = arith.constant 128 : i32
              %mul3A_207 = arith.muli %add3A_205, %mul3A_206 : i32
              %add3A_208 = arith.addi %mul3A_4, %mul3A_207 : i32
              %dma_start3A_209 = tpu.memref_slice %arg4[%add3A_208] : memref<320000xi32, #tpu.memory_space<hbm>> -> memref<128xi32, #tpu.memory_space<hbm>>
              %dma_start3A_210 = tpu.memref_slice %arg4[%add3A_208] : memref<320000xi32, #tpu.memory_space<hbm>> -> memref<128xi32, #tpu.memory_space<hbm>>
              tpu.enqueue_dma source(%dma_start3A_210 : memref<128xi32, #tpu.memory_space<hbm>>) target(%arg12 : memref<128xi32, #tpu.memory_space<vmem>>) target_semaphore(%arg25 : memref<!tpu.dma_semaphore, #tpu.memory_space<semaphore_mem>>)
            } else {
            }
          } else {
          }
        } else {
        }
        %eq3A_163 = arith.constant 0 : i32
        %eq3A_164 = arith.cmpi eq, %select_n3A_131, %eq3A_163 : i32
        %convert_element_type3A_165 = arith.extui %eq3A_164 : i1 to i32
        %cond3A_166 = arith.constant 0 : i32
        %cond3A_167 = arith.cmpi ne, %convert_element_type3A_165, %cond3A_166 : i32
        scf.if %cond3A_167 {
          %mul3A_185 = arith.constant 128 : i32
          %mul3A_186 = arith.muli %add3A_143, %mul3A_185 : i32
          %add3A_187 = arith.addi %mul3A_4, %mul3A_186 : i32
          %dma_wait3A_188 = tpu.memref_slice %arg4[%add3A_187] : memref<320000xi32, #tpu.memory_space<hbm>> -> memref<128xi32, #tpu.memory_space<hbm>>
          %dma_wait3A_189 = tpu.memref_slice %arg4[%add3A_187] : memref<320000xi32, #tpu.memory_space<hbm>> -> memref<128xi32, #tpu.memory_space<hbm>>
          tpu.wait_dma2 semaphore(%arg23 : memref<!tpu.dma_semaphore, #tpu.memory_space<semaphore_mem>>) src(%dma_wait3A_189 : memref<128xi32, #tpu.memory_space<hbm>>) dst(%arg10 : memref<128xi32, #tpu.memory_space<vmem>>)
          %dma_start3A_190 = arith.constant 0 : i32
          %dma_start3A_191 = arith.constant 0 : i32
          %dma_start3A_192 = tpu.memref_slice %arg18[%dma_start3A_190, %dma_start3A_191] : memref<10000x128xf32, #tpu.memory_space<vmem_shared>> -> memref<10000x128xf32, #tpu.memory_space<vmem_shared>>
          tpu.enqueue_indirect_dma source(%arg16 : memref<128x128xf32, #tpu.memory_space<vmem>>) target(%dma_start3A_192 : memref<10000x128xf32, #tpu.memory_space<vmem_shared>>) offsets(%arg10 : memref<128xi32, #tpu.memory_space<vmem>>) semaphore(%arg32 : memref<!tpu.dma_semaphore, #tpu.memory_space<semaphore_mem>>) {add = true}
        } else {
        }
        %eq3A_168 = arith.constant 1 : i32
        %eq3A_169 = arith.cmpi eq, %select_n3A_131, %eq3A_168 : i32
        %convert_element_type3A_170 = arith.extui %eq3A_169 : i1 to i32
        %cond3A_171 = arith.constant 0 : i32
        %cond3A_172 = arith.cmpi ne, %convert_element_type3A_170, %cond3A_171 : i32
        scf.if %cond3A_172 {
          %mul3A_185 = arith.constant 128 : i32
          %mul3A_186 = arith.muli %add3A_143, %mul3A_185 : i32
          %add3A_187 = arith.addi %mul3A_4, %mul3A_186 : i32
          %dma_wait3A_188 = tpu.memref_slice %arg4[%add3A_187] : memref<320000xi32, #tpu.memory_space<hbm>> -> memref<128xi32, #tpu.memory_space<hbm>>
          %dma_wait3A_189 = tpu.memref_slice %arg4[%add3A_187] : memref<320000xi32, #tpu.memory_space<hbm>> -> memref<128xi32, #tpu.memory_space<hbm>>
          tpu.wait_dma2 semaphore(%arg26 : memref<!tpu.dma_semaphore, #tpu.memory_space<semaphore_mem>>) src(%dma_wait3A_189 : memref<128xi32, #tpu.memory_space<hbm>>) dst(%arg13 : memref<128xi32, #tpu.memory_space<vmem>>)
          %dma_start3A_190 = arith.constant 0 : i32
          %dma_start3A_191 = arith.constant 0 : i32
          %dma_start3A_192 = tpu.memref_slice %arg18[%dma_start3A_190, %dma_start3A_191] : memref<10000x128xf32, #tpu.memory_space<vmem_shared>> -> memref<10000x128xf32, #tpu.memory_space<vmem_shared>>
          tpu.enqueue_indirect_dma source(%arg16 : memref<128x128xf32, #tpu.memory_space<vmem>>) target(%dma_start3A_192 : memref<10000x128xf32, #tpu.memory_space<vmem_shared>>) offsets(%arg13 : memref<128xi32, #tpu.memory_space<vmem>>) semaphore(%arg32 : memref<!tpu.dma_semaphore, #tpu.memory_space<semaphore_mem>>) {add = true}
        } else {
        }
        %add3A_173 = arith.constant 2 : i32
        %add3A_174 = arith.addi %add3A_143, %add3A_173 : i32
        %lt3A_175 = arith.cmpi slt, %add3A_174, %select_n3A : i32
        %convert_element_type3A_176 = arith.extui %lt3A_175 : i1 to i32
        %cond3A_177 = arith.constant 0 : i32
        %cond3A_178 = arith.cmpi ne, %convert_element_type3A_176, %cond3A_177 : i32
        scf.if %cond3A_178 {
          %add3A_185 = arith.constant 2 : i32
          %add3A_186 = arith.addi %add3A_143, %add3A_185 : i32
          %mul3A_187 = arith.constant 128 : i32
          %mul3A_188 = arith.muli %add3A_186, %mul3A_187 : i32
          %add3A_189 = arith.addi %mul3A_4, %mul3A_188 : i32
          %dma_wait3A_190 = tpu.memref_slice %arg3[%add3A_189] : memref<320000xi32, #tpu.memory_space<hbm>> -> memref<128xi32, #tpu.memory_space<hbm>>
          %dma_wait3A_191 = tpu.memref_slice %arg3[%add3A_189] : memref<320000xi32, #tpu.memory_space<hbm>> -> memref<128xi32, #tpu.memory_space<hbm>>
          tpu.wait_dma2 semaphore(%arg19 : memref<!tpu.dma_semaphore, #tpu.memory_space<semaphore_mem>>) src(%dma_wait3A_191 : memref<128xi32, #tpu.memory_space<hbm>>) dst(%arg6 : memref<128xi32, #tpu.memory_space<vmem>>)
          %dma_start3A_192 = arith.constant 0 : i32
          %dma_start3A_193 = arith.constant 0 : i32
          %dma_start3A_194 = tpu.memref_slice %arg2[%dma_start3A_192, %dma_start3A_193] : memref<10000x128xf32, #tpu.memory_space<hbm>> -> memref<10000x128xf32, #tpu.memory_space<hbm>>
          tpu.enqueue_indirect_dma source(%dma_start3A_194 : memref<10000x128xf32, #tpu.memory_space<hbm>>) target(%arg15 : memref<128x128xf32, #tpu.memory_space<vmem>>) offsets(%arg6 : memref<128xi32, #tpu.memory_space<vmem>>) semaphore(%arg28 : memref<!tpu.dma_semaphore, #tpu.memory_space<semaphore_mem>>)
        } else {
        }
        %add3A_179 = arith.constant 3 : i32
        %add3A_180 = arith.addi %add3A_143, %add3A_179 : i32
        %lt3A_181 = arith.cmpi slt, %add3A_180, %select_n3A : i32
        %convert_element_type3A_182 = arith.extui %lt3A_181 : i1 to i32
        %cond3A_183 = arith.constant 0 : i32
        %cond3A_184 = arith.cmpi ne, %convert_element_type3A_182, %cond3A_183 : i32
        scf.if %cond3A_184 {
          %add3A_185 = arith.constant 3 : i32
          %add3A_186 = arith.addi %add3A_143, %add3A_185 : i32
          %mul3A_187 = arith.constant 128 : i32
          %mul3A_188 = arith.muli %add3A_186, %mul3A_187 : i32
          %add3A_189 = arith.addi %mul3A_4, %mul3A_188 : i32
          %dma_start3A_190 = tpu.memref_slice %arg3[%add3A_189] : memref<320000xi32, #tpu.memory_space<hbm>> -> memref<128xi32, #tpu.memory_space<hbm>>
          %dma_start3A_191 = tpu.memref_slice %arg3[%add3A_189] : memref<320000xi32, #tpu.memory_space<hbm>> -> memref<128xi32, #tpu.memory_space<hbm>>
          tpu.enqueue_dma source(%dma_start3A_191 : memref<128xi32, #tpu.memory_space<hbm>>) target(%arg7 : memref<128xi32, #tpu.memory_space<vmem>>) target_semaphore(%arg20 : memref<!tpu.dma_semaphore, #tpu.memory_space<semaphore_mem>>)
        } else {
        }
      } else {
      }
      %mul3A_148 = arith.constant 3 : i32
      %mul3A_149 = arith.muli %mul3A_148, %while3A_116 : i32
      %add3A_150 = arith.constant 2 : i32
      %add3A_151 = arith.addi %mul3A_149, %add3A_150 : i32
      %lt3A_152 = arith.cmpi slt, %add3A_151, %select_n3A : i32
      %convert_element_type3A_153 = arith.extui %lt3A_152 : i1 to i32
      %cond3A_154 = arith.constant 0 : i32
      %cond3A_155 = arith.cmpi ne, %convert_element_type3A_153, %cond3A_154 : i32
      scf.if %cond3A_155 {
        %dma_wait3A_156 = arith.constant 0 : i32
        %dma_wait3A_157 = arith.constant 0 : i32
        %dma_wait3A_158 = tpu.memref_slice %arg2[%dma_wait3A_156, %dma_wait3A_157] : memref<10000x128xf32, #tpu.memory_space<hbm>> -> memref<10000x128xf32, #tpu.memory_space<hbm>>
        tpu.wait_indirect_dma semaphore(%arg30 : memref<!tpu.dma_semaphore, #tpu.memory_space<semaphore_mem>>) src(%dma_wait3A_158 : memref<10000x128xf32, #tpu.memory_space<hbm>>) dst(%arg17 : memref<128x128xf32, #tpu.memory_space<vmem>>)
        %ge3A = arith.constant 1 : i32
        %ge3A_159 = arith.cmpi sge, %add3A_151, %ge3A : i32
        %convert_element_type3A_160 = arith.extui %ge3A_159 : i1 to i32
        %cond3A_161 = arith.constant 0 : i32
        %cond3A_162 = arith.cmpi ne, %convert_element_type3A_160, %cond3A_161 : i32
        scf.if %cond3A_162 {
          %eq3A_185 = arith.constant 0 : i32
          %eq3A_186 = arith.cmpi eq, %select_n3A_131, %eq3A_185 : i32
          %convert_element_type3A_187 = arith.extui %eq3A_186 : i1 to i32
          %cond3A_188 = arith.constant 0 : i32
          %cond3A_189 = arith.cmpi ne, %convert_element_type3A_187, %cond3A_188 : i32
          scf.if %cond3A_189 {
            %dma_wait3A_195 = arith.constant 0 : i32
            %dma_wait3A_196 = arith.constant 0 : i32
            %dma_wait3A_197 = tpu.memref_slice %arg18[%dma_wait3A_195, %dma_wait3A_196] : memref<10000x128xf32, #tpu.memory_space<vmem_shared>> -> memref<10000x128xf32, #tpu.memory_space<vmem_shared>>
            tpu.wait_indirect_dma semaphore(%arg32 : memref<!tpu.dma_semaphore, #tpu.memory_space<semaphore_mem>>) src(%arg16 : memref<128x128xf32, #tpu.memory_space<vmem>>) dst(%dma_wait3A_197 : memref<10000x128xf32, #tpu.memory_space<vmem_shared>>)
            %add3A_198 = arith.constant 5 : i32
            %add3A_199 = arith.addi %add3A_151, %add3A_198 : i32
            %lt3A_200 = arith.cmpi slt, %add3A_199, %select_n3A : i32
            %convert_element_type3A_201 = arith.extui %lt3A_200 : i1 to i32
            %cond3A_202 = arith.constant 0 : i32
            %cond3A_203 = arith.cmpi ne, %convert_element_type3A_201, %cond3A_202 : i32
            scf.if %cond3A_203 {
              %add3A_204 = arith.constant 5 : i32
              %add3A_205 = arith.addi %add3A_151, %add3A_204 : i32
              %mul3A_206 = arith.constant 128 : i32
              %mul3A_207 = arith.muli %add3A_205, %mul3A_206 : i32
              %add3A_208 = arith.addi %mul3A_4, %mul3A_207 : i32
              %dma_start3A_209 = tpu.memref_slice %arg4[%add3A_208] : memref<320000xi32, #tpu.memory_space<hbm>> -> memref<128xi32, #tpu.memory_space<hbm>>
              %dma_start3A_210 = tpu.memref_slice %arg4[%add3A_208] : memref<320000xi32, #tpu.memory_space<hbm>> -> memref<128xi32, #tpu.memory_space<hbm>>
              tpu.enqueue_dma source(%dma_start3A_210 : memref<128xi32, #tpu.memory_space<hbm>>) target(%arg10 : memref<128xi32, #tpu.memory_space<vmem>>) target_semaphore(%arg23 : memref<!tpu.dma_semaphore, #tpu.memory_space<semaphore_mem>>)
            } else {
            }
          } else {
          }
          %eq3A_190 = arith.constant 1 : i32
          %eq3A_191 = arith.cmpi eq, %select_n3A_131, %eq3A_190 : i32
          %convert_element_type3A_192 = arith.extui %eq3A_191 : i1 to i32
          %cond3A_193 = arith.constant 0 : i32
          %cond3A_194 = arith.cmpi ne, %convert_element_type3A_192, %cond3A_193 : i32
          scf.if %cond3A_194 {
            %dma_wait3A_195 = arith.constant 0 : i32
            %dma_wait3A_196 = arith.constant 0 : i32
            %dma_wait3A_197 = tpu.memref_slice %arg18[%dma_wait3A_195, %dma_wait3A_196] : memref<10000x128xf32, #tpu.memory_space<vmem_shared>> -> memref<10000x128xf32, #tpu.memory_space<vmem_shared>>
            tpu.wait_indirect_dma semaphore(%arg32 : memref<!tpu.dma_semaphore, #tpu.memory_space<semaphore_mem>>) src(%arg16 : memref<128x128xf32, #tpu.memory_space<vmem>>) dst(%dma_wait3A_197 : memref<10000x128xf32, #tpu.memory_space<vmem_shared>>)
            %add3A_198 = arith.constant 5 : i32
            %add3A_199 = arith.addi %add3A_151, %add3A_198 : i32
            %lt3A_200 = arith.cmpi slt, %add3A_199, %select_n3A : i32
            %convert_element_type3A_201 = arith.extui %lt3A_200 : i1 to i32
            %cond3A_202 = arith.constant 0 : i32
            %cond3A_203 = arith.cmpi ne, %convert_element_type3A_201, %cond3A_202 : i32
            scf.if %cond3A_203 {
              %add3A_204 = arith.constant 5 : i32
              %add3A_205 = arith.addi %add3A_151, %add3A_204 : i32
              %mul3A_206 = arith.constant 128 : i32
              %mul3A_207 = arith.muli %add3A_205, %mul3A_206 : i32
              %add3A_208 = arith.addi %mul3A_4, %mul3A_207 : i32
              %dma_start3A_209 = tpu.memref_slice %arg4[%add3A_208] : memref<320000xi32, #tpu.memory_space<hbm>> -> memref<128xi32, #tpu.memory_space<hbm>>
              %dma_start3A_210 = tpu.memref_slice %arg4[%add3A_208] : memref<320000xi32, #tpu.memory_space<hbm>> -> memref<128xi32, #tpu.memory_space<hbm>>
              tpu.enqueue_dma source(%dma_start3A_210 : memref<128xi32, #tpu.memory_space<hbm>>) target(%arg13 : memref<128xi32, #tpu.memory_space<vmem>>) target_semaphore(%arg26 : memref<!tpu.dma_semaphore, #tpu.memory_space<semaphore_mem>>)
            } else {
            }
          } else {
          }
        } else {
        }
        %eq3A_163 = arith.constant 0 : i32
        %eq3A_164 = arith.cmpi eq, %select_n3A_131, %eq3A_163 : i32
        %convert_element_type3A_165 = arith.extui %eq3A_164 : i1 to i32
        %cond3A_166 = arith.constant 0 : i32
        %cond3A_167 = arith.cmpi ne, %convert_element_type3A_165, %cond3A_166 : i32
        scf.if %cond3A_167 {
          %mul3A_185 = arith.constant 128 : i32
          %mul3A_186 = arith.muli %add3A_151, %mul3A_185 : i32
          %add3A_187 = arith.addi %mul3A_4, %mul3A_186 : i32
          %dma_wait3A_188 = tpu.memref_slice %arg4[%add3A_187] : memref<320000xi32, #tpu.memory_space<hbm>> -> memref<128xi32, #tpu.memory_space<hbm>>
          %dma_wait3A_189 = tpu.memref_slice %arg4[%add3A_187] : memref<320000xi32, #tpu.memory_space<hbm>> -> memref<128xi32, #tpu.memory_space<hbm>>
          tpu.wait_dma2 semaphore(%arg24 : memref<!tpu.dma_semaphore, #tpu.memory_space<semaphore_mem>>) src(%dma_wait3A_189 : memref<128xi32, #tpu.memory_space<hbm>>) dst(%arg11 : memref<128xi32, #tpu.memory_space<vmem>>)
          %dma_start3A_190 = arith.constant 0 : i32
          %dma_start3A_191 = arith.constant 0 : i32
          %dma_start3A_192 = tpu.memref_slice %arg18[%dma_start3A_190, %dma_start3A_191] : memref<10000x128xf32, #tpu.memory_space<vmem_shared>> -> memref<10000x128xf32, #tpu.memory_space<vmem_shared>>
          tpu.enqueue_indirect_dma source(%arg17 : memref<128x128xf32, #tpu.memory_space<vmem>>) target(%dma_start3A_192 : memref<10000x128xf32, #tpu.memory_space<vmem_shared>>) offsets(%arg11 : memref<128xi32, #tpu.memory_space<vmem>>) semaphore(%arg33 : memref<!tpu.dma_semaphore, #tpu.memory_space<semaphore_mem>>) {add = true}
        } else {
        }
        %eq3A_168 = arith.constant 1 : i32
        %eq3A_169 = arith.cmpi eq, %select_n3A_131, %eq3A_168 : i32
        %convert_element_type3A_170 = arith.extui %eq3A_169 : i1 to i32
        %cond3A_171 = arith.constant 0 : i32
        %cond3A_172 = arith.cmpi ne, %convert_element_type3A_170, %cond3A_171 : i32
        scf.if %cond3A_172 {
          %mul3A_185 = arith.constant 128 : i32
          %mul3A_186 = arith.muli %add3A_151, %mul3A_185 : i32
          %add3A_187 = arith.addi %mul3A_4, %mul3A_186 : i32
          %dma_wait3A_188 = tpu.memref_slice %arg4[%add3A_187] : memref<320000xi32, #tpu.memory_space<hbm>> -> memref<128xi32, #tpu.memory_space<hbm>>
          %dma_wait3A_189 = tpu.memref_slice %arg4[%add3A_187] : memref<320000xi32, #tpu.memory_space<hbm>> -> memref<128xi32, #tpu.memory_space<hbm>>
          tpu.wait_dma2 semaphore(%arg27 : memref<!tpu.dma_semaphore, #tpu.memory_space<semaphore_mem>>) src(%dma_wait3A_189 : memref<128xi32, #tpu.memory_space<hbm>>) dst(%arg14 : memref<128xi32, #tpu.memory_space<vmem>>)
          %dma_start3A_190 = arith.constant 0 : i32
          %dma_start3A_191 = arith.constant 0 : i32
          %dma_start3A_192 = tpu.memref_slice %arg18[%dma_start3A_190, %dma_start3A_191] : memref<10000x128xf32, #tpu.memory_space<vmem_shared>> -> memref<10000x128xf32, #tpu.memory_space<vmem_shared>>
          tpu.enqueue_indirect_dma source(%arg17 : memref<128x128xf32, #tpu.memory_space<vmem>>) target(%dma_start3A_192 : memref<10000x128xf32, #tpu.memory_space<vmem_shared>>) offsets(%arg14 : memref<128xi32, #tpu.memory_space<vmem>>) semaphore(%arg33 : memref<!tpu.dma_semaphore, #tpu.memory_space<semaphore_mem>>) {add = true}
        } else {
        }
        %add3A_173 = arith.constant 2 : i32
        %add3A_174 = arith.addi %add3A_151, %add3A_173 : i32
        %lt3A_175 = arith.cmpi slt, %add3A_174, %select_n3A : i32
        %convert_element_type3A_176 = arith.extui %lt3A_175 : i1 to i32
        %cond3A_177 = arith.constant 0 : i32
        %cond3A_178 = arith.cmpi ne, %convert_element_type3A_176, %cond3A_177 : i32
        scf.if %cond3A_178 {
          %add3A_185 = arith.constant 2 : i32
          %add3A_186 = arith.addi %add3A_151, %add3A_185 : i32
          %mul3A_187 = arith.constant 128 : i32
          %mul3A_188 = arith.muli %add3A_186, %mul3A_187 : i32
          %add3A_189 = arith.addi %mul3A_4, %mul3A_188 : i32
          %dma_wait3A_190 = tpu.memref_slice %arg3[%add3A_189] : memref<320000xi32, #tpu.memory_space<hbm>> -> memref<128xi32, #tpu.memory_space<hbm>>
          %dma_wait3A_191 = tpu.memref_slice %arg3[%add3A_189] : memref<320000xi32, #tpu.memory_space<hbm>> -> memref<128xi32, #tpu.memory_space<hbm>>
          tpu.wait_dma2 semaphore(%arg20 : memref<!tpu.dma_semaphore, #tpu.memory_space<semaphore_mem>>) src(%dma_wait3A_191 : memref<128xi32, #tpu.memory_space<hbm>>) dst(%arg7 : memref<128xi32, #tpu.memory_space<vmem>>)
          %dma_start3A_192 = arith.constant 0 : i32
          %dma_start3A_193 = arith.constant 0 : i32
          %dma_start3A_194 = tpu.memref_slice %arg2[%dma_start3A_192, %dma_start3A_193] : memref<10000x128xf32, #tpu.memory_space<hbm>> -> memref<10000x128xf32, #tpu.memory_space<hbm>>
          tpu.enqueue_indirect_dma source(%dma_start3A_194 : memref<10000x128xf32, #tpu.memory_space<hbm>>) target(%arg16 : memref<128x128xf32, #tpu.memory_space<vmem>>) offsets(%arg7 : memref<128xi32, #tpu.memory_space<vmem>>) semaphore(%arg29 : memref<!tpu.dma_semaphore, #tpu.memory_space<semaphore_mem>>)
        } else {
        }
        %add3A_179 = arith.constant 3 : i32
        %add3A_180 = arith.addi %add3A_151, %add3A_179 : i32
        %lt3A_181 = arith.cmpi slt, %add3A_180, %select_n3A : i32
        %convert_element_type3A_182 = arith.extui %lt3A_181 : i1 to i32
        %cond3A_183 = arith.constant 0 : i32
        %cond3A_184 = arith.cmpi ne, %convert_element_type3A_182, %cond3A_183 : i32
        scf.if %cond3A_184 {
          %add3A_185 = arith.constant 3 : i32
          %add3A_186 = arith.addi %add3A_151, %add3A_185 : i32
          %mul3A_187 = arith.constant 128 : i32
          %mul3A_188 = arith.muli %add3A_186, %mul3A_187 : i32
          %add3A_189 = arith.addi %mul3A_4, %mul3A_188 : i32
          %dma_start3A_190 = tpu.memref_slice %arg3[%add3A_189] : memref<320000xi32, #tpu.memory_space<hbm>> -> memref<128xi32, #tpu.memory_space<hbm>>
          %dma_start3A_191 = tpu.memref_slice %arg3[%add3A_189] : memref<320000xi32, #tpu.memory_space<hbm>> -> memref<128xi32, #tpu.memory_space<hbm>>
          tpu.enqueue_dma source(%dma_start3A_191 : memref<128xi32, #tpu.memory_space<hbm>>) target(%arg8 : memref<128xi32, #tpu.memory_space<vmem>>) target_semaphore(%arg21 : memref<!tpu.dma_semaphore, #tpu.memory_space<semaphore_mem>>)
        } else {
        }
      } else {
      }
    }
    %while3A_102 = arith.constant 1 : i32
    scf.for %while3A_116 = %while3A_100 to %while3A_96 step %while3A_102  : i32 {
      %jit3A_117 = arith.constant 2 : i32
      %eq3A_118 = arith.constant 0 : i32
      %eq3A_119 = arith.cmpi eq, %jit3A_117, %eq3A_118 : i32
      %jit3A_120 = arith.constant 1 : i32
      %select_n3A_121 = arith.select %eq3A_119, %jit3A_120, %jit3A_117 : i32
      %rem3A_122 = arith.remsi %while3A_116, %select_n3A_121 : i32
      %ne3A_123 = arith.constant 0 : i32
      %ne3A_124 = arith.cmpi ne, %rem3A_122, %ne3A_123 : i32
      %lt3A = arith.constant 0 : i32
      %lt3A_125 = arith.cmpi slt, %rem3A_122, %lt3A : i32
      %lt3A_126 = arith.constant 0 : i32
      %lt3A_127 = arith.cmpi slt, %select_n3A_121, %lt3A_126 : i32
      %ne3A_128 = arith.xori %lt3A_125, %lt3A_127 : i1
      %and3A_129 = arith.andi %ne3A_128, %ne3A_124 : i1
      %add3A_130 = arith.addi %rem3A_122, %select_n3A_121 : i32
      %select_n3A_131 = arith.select %and3A_129, %add3A_130, %rem3A_122 : i32
      %mul3A_132 = arith.constant 3 : i32
      %mul3A_133 = arith.muli %mul3A_132, %while3A_116 : i32
      %add3A_134 = arith.constant 0 : i32
      %add3A_135 = arith.addi %mul3A_133, %add3A_134 : i32
      %lt3A_136 = arith.cmpi slt, %add3A_135, %select_n3A : i32
      %convert_element_type3A_137 = arith.extui %lt3A_136 : i1 to i32
      %cond3A_138 = arith.constant 0 : i32
      %cond3A_139 = arith.cmpi ne, %convert_element_type3A_137, %cond3A_138 : i32
      scf.if %cond3A_139 {
        %dma_wait3A_156 = arith.constant 0 : i32
        %dma_wait3A_157 = arith.constant 0 : i32
        %dma_wait3A_158 = tpu.memref_slice %arg2[%dma_wait3A_156, %dma_wait3A_157] : memref<10000x128xf32, #tpu.memory_space<hbm>> -> memref<10000x128xf32, #tpu.memory_space<hbm>>
        tpu.wait_indirect_dma semaphore(%arg28 : memref<!tpu.dma_semaphore, #tpu.memory_space<semaphore_mem>>) src(%dma_wait3A_158 : memref<10000x128xf32, #tpu.memory_space<hbm>>) dst(%arg15 : memref<128x128xf32, #tpu.memory_space<vmem>>)
        %ge3A = arith.constant 1 : i32
        %ge3A_159 = arith.cmpi sge, %add3A_135, %ge3A : i32
        %convert_element_type3A_160 = arith.extui %ge3A_159 : i1 to i32
        %cond3A_161 = arith.constant 0 : i32
        %cond3A_162 = arith.cmpi ne, %convert_element_type3A_160, %cond3A_161 : i32
        scf.if %cond3A_162 {
          %eq3A_185 = arith.constant 0 : i32
          %eq3A_186 = arith.cmpi eq, %select_n3A_131, %eq3A_185 : i32
          %convert_element_type3A_187 = arith.extui %eq3A_186 : i1 to i32
          %cond3A_188 = arith.constant 0 : i32
          %cond3A_189 = arith.cmpi ne, %convert_element_type3A_187, %cond3A_188 : i32
          scf.if %cond3A_189 {
            %dma_wait3A_195 = arith.constant 0 : i32
            %dma_wait3A_196 = arith.constant 0 : i32
            %dma_wait3A_197 = tpu.memref_slice %arg18[%dma_wait3A_195, %dma_wait3A_196] : memref<10000x128xf32, #tpu.memory_space<vmem_shared>> -> memref<10000x128xf32, #tpu.memory_space<vmem_shared>>
            tpu.wait_indirect_dma semaphore(%arg33 : memref<!tpu.dma_semaphore, #tpu.memory_space<semaphore_mem>>) src(%arg17 : memref<128x128xf32, #tpu.memory_space<vmem>>) dst(%dma_wait3A_197 : memref<10000x128xf32, #tpu.memory_space<vmem_shared>>)
            %add3A_198 = arith.constant 5 : i32
            %add3A_199 = arith.addi %add3A_135, %add3A_198 : i32
            %lt3A_200 = arith.cmpi slt, %add3A_199, %select_n3A : i32
            %convert_element_type3A_201 = arith.extui %lt3A_200 : i1 to i32
            %cond3A_202 = arith.constant 0 : i32
            %cond3A_203 = arith.cmpi ne, %convert_element_type3A_201, %cond3A_202 : i32
            scf.if %cond3A_203 {
              %add3A_204 = arith.constant 5 : i32
              %add3A_205 = arith.addi %add3A_135, %add3A_204 : i32
              %mul3A_206 = arith.constant 128 : i32
              %mul3A_207 = arith.muli %add3A_205, %mul3A_206 : i32
              %add3A_208 = arith.addi %mul3A_4, %mul3A_207 : i32
              %dma_start3A_209 = tpu.memref_slice %arg4[%add3A_208] : memref<320000xi32, #tpu.memory_space<hbm>> -> memref<128xi32, #tpu.memory_space<hbm>>
              %dma_start3A_210 = tpu.memref_slice %arg4[%add3A_208] : memref<320000xi32, #tpu.memory_space<hbm>> -> memref<128xi32, #tpu.memory_space<hbm>>
              tpu.enqueue_dma source(%dma_start3A_210 : memref<128xi32, #tpu.memory_space<hbm>>) target(%arg14 : memref<128xi32, #tpu.memory_space<vmem>>) target_semaphore(%arg27 : memref<!tpu.dma_semaphore, #tpu.memory_space<semaphore_mem>>)
            } else {
            }
          } else {
          }
          %eq3A_190 = arith.constant 1 : i32
          %eq3A_191 = arith.cmpi eq, %select_n3A_131, %eq3A_190 : i32
          %convert_element_type3A_192 = arith.extui %eq3A_191 : i1 to i32
          %cond3A_193 = arith.constant 0 : i32
          %cond3A_194 = arith.cmpi ne, %convert_element_type3A_192, %cond3A_193 : i32
          scf.if %cond3A_194 {
            %dma_wait3A_195 = arith.constant 0 : i32
            %dma_wait3A_196 = arith.constant 0 : i32
            %dma_wait3A_197 = tpu.memref_slice %arg18[%dma_wait3A_195, %dma_wait3A_196] : memref<10000x128xf32, #tpu.memory_space<vmem_shared>> -> memref<10000x128xf32, #tpu.memory_space<vmem_shared>>
            tpu.wait_indirect_dma semaphore(%arg33 : memref<!tpu.dma_semaphore, #tpu.memory_space<semaphore_mem>>) src(%arg17 : memref<128x128xf32, #tpu.memory_space<vmem>>) dst(%dma_wait3A_197 : memref<10000x128xf32, #tpu.memory_space<vmem_shared>>)
            %add3A_198 = arith.constant 5 : i32
            %add3A_199 = arith.addi %add3A_135, %add3A_198 : i32
            %lt3A_200 = arith.cmpi slt, %add3A_199, %select_n3A : i32
            %convert_element_type3A_201 = arith.extui %lt3A_200 : i1 to i32
            %cond3A_202 = arith.constant 0 : i32
            %cond3A_203 = arith.cmpi ne, %convert_element_type3A_201, %cond3A_202 : i32
            scf.if %cond3A_203 {
              %add3A_204 = arith.constant 5 : i32
              %add3A_205 = arith.addi %add3A_135, %add3A_204 : i32
              %mul3A_206 = arith.constant 128 : i32
              %mul3A_207 = arith.muli %add3A_205, %mul3A_206 : i32
              %add3A_208 = arith.addi %mul3A_4, %mul3A_207 : i32
              %dma_start3A_209 = tpu.memref_slice %arg4[%add3A_208] : memref<320000xi32, #tpu.memory_space<hbm>> -> memref<128xi32, #tpu.memory_space<hbm>>
              %dma_start3A_210 = tpu.memref_slice %arg4[%add3A_208] : memref<320000xi32, #tpu.memory_space<hbm>> -> memref<128xi32, #tpu.memory_space<hbm>>
              tpu.enqueue_dma source(%dma_start3A_210 : memref<128xi32, #tpu.memory_space<hbm>>) target(%arg11 : memref<128xi32, #tpu.memory_space<vmem>>) target_semaphore(%arg24 : memref<!tpu.dma_semaphore, #tpu.memory_space<semaphore_mem>>)
            } else {
            }
          } else {
          }
        } else {
        }
        %eq3A_163 = arith.constant 0 : i32
        %eq3A_164 = arith.cmpi eq, %select_n3A_131, %eq3A_163 : i32
        %convert_element_type3A_165 = arith.extui %eq3A_164 : i1 to i32
        %cond3A_166 = arith.constant 0 : i32
        %cond3A_167 = arith.cmpi ne, %convert_element_type3A_165, %cond3A_166 : i32
        scf.if %cond3A_167 {
          %mul3A_185 = arith.constant 128 : i32
          %mul3A_186 = arith.muli %add3A_135, %mul3A_185 : i32
          %add3A_187 = arith.addi %mul3A_4, %mul3A_186 : i32
          %dma_wait3A_188 = tpu.memref_slice %arg4[%add3A_187] : memref<320000xi32, #tpu.memory_space<hbm>> -> memref<128xi32, #tpu.memory_space<hbm>>
          %dma_wait3A_189 = tpu.memref_slice %arg4[%add3A_187] : memref<320000xi32, #tpu.memory_space<hbm>> -> memref<128xi32, #tpu.memory_space<hbm>>
          tpu.wait_dma2 semaphore(%arg22 : memref<!tpu.dma_semaphore, #tpu.memory_space<semaphore_mem>>) src(%dma_wait3A_189 : memref<128xi32, #tpu.memory_space<hbm>>) dst(%arg9 : memref<128xi32, #tpu.memory_space<vmem>>)
          %dma_start3A_190 = arith.constant 0 : i32
          %dma_start3A_191 = arith.constant 0 : i32
          %dma_start3A_192 = tpu.memref_slice %arg18[%dma_start3A_190, %dma_start3A_191] : memref<10000x128xf32, #tpu.memory_space<vmem_shared>> -> memref<10000x128xf32, #tpu.memory_space<vmem_shared>>
          tpu.enqueue_indirect_dma source(%arg15 : memref<128x128xf32, #tpu.memory_space<vmem>>) target(%dma_start3A_192 : memref<10000x128xf32, #tpu.memory_space<vmem_shared>>) offsets(%arg9 : memref<128xi32, #tpu.memory_space<vmem>>) semaphore(%arg31 : memref<!tpu.dma_semaphore, #tpu.memory_space<semaphore_mem>>) {add = true}
        } else {
        }
        %eq3A_168 = arith.constant 1 : i32
        %eq3A_169 = arith.cmpi eq, %select_n3A_131, %eq3A_168 : i32
        %convert_element_type3A_170 = arith.extui %eq3A_169 : i1 to i32
        %cond3A_171 = arith.constant 0 : i32
        %cond3A_172 = arith.cmpi ne, %convert_element_type3A_170, %cond3A_171 : i32
        scf.if %cond3A_172 {
          %mul3A_185 = arith.constant 128 : i32
          %mul3A_186 = arith.muli %add3A_135, %mul3A_185 : i32
          %add3A_187 = arith.addi %mul3A_4, %mul3A_186 : i32
          %dma_wait3A_188 = tpu.memref_slice %arg4[%add3A_187] : memref<320000xi32, #tpu.memory_space<hbm>> -> memref<128xi32, #tpu.memory_space<hbm>>
          %dma_wait3A_189 = tpu.memref_slice %arg4[%add3A_187] : memref<320000xi32, #tpu.memory_space<hbm>> -> memref<128xi32, #tpu.memory_space<hbm>>
          tpu.wait_dma2 semaphore(%arg25 : memref<!tpu.dma_semaphore, #tpu.memory_space<semaphore_mem>>) src(%dma_wait3A_189 : memref<128xi32, #tpu.memory_space<hbm>>) dst(%arg12 : memref<128xi32, #tpu.memory_space<vmem>>)
          %dma_start3A_190 = arith.constant 0 : i32
          %dma_start3A_191 = arith.constant 0 : i32
          %dma_start3A_192 = tpu.memref_slice %arg18[%dma_start3A_190, %dma_start3A_191] : memref<10000x128xf32, #tpu.memory_space<vmem_shared>> -> memref<10000x128xf32, #tpu.memory_space<vmem_shared>>
          tpu.enqueue_indirect_dma source(%arg15 : memref<128x128xf32, #tpu.memory_space<vmem>>) target(%dma_start3A_192 : memref<10000x128xf32, #tpu.memory_space<vmem_shared>>) offsets(%arg12 : memref<128xi32, #tpu.memory_space<vmem>>) semaphore(%arg31 : memref<!tpu.dma_semaphore, #tpu.memory_space<semaphore_mem>>) {add = true}
        } else {
        }
        %add3A_173 = arith.constant 2 : i32
        %add3A_174 = arith.addi %add3A_135, %add3A_173 : i32
        %lt3A_175 = arith.cmpi slt, %add3A_174, %select_n3A : i32
        %convert_element_type3A_176 = arith.extui %lt3A_175 : i1 to i32
        %cond3A_177 = arith.constant 0 : i32
        %cond3A_178 = arith.cmpi ne, %convert_element_type3A_176, %cond3A_177 : i32
        scf.if %cond3A_178 {
          %add3A_185 = arith.constant 2 : i32
          %add3A_186 = arith.addi %add3A_135, %add3A_185 : i32
          %mul3A_187 = arith.constant 128 : i32
          %mul3A_188 = arith.muli %add3A_186, %mul3A_187 : i32
          %add3A_189 = arith.addi %mul3A_4, %mul3A_188 : i32
          %dma_wait3A_190 = tpu.memref_slice %arg3[%add3A_189] : memref<320000xi32, #tpu.memory_space<hbm>> -> memref<128xi32, #tpu.memory_space<hbm>>
          %dma_wait3A_191 = tpu.memref_slice %arg3[%add3A_189] : memref<320000xi32, #tpu.memory_space<hbm>> -> memref<128xi32, #tpu.memory_space<hbm>>
          tpu.wait_dma2 semaphore(%arg21 : memref<!tpu.dma_semaphore, #tpu.memory_space<semaphore_mem>>) src(%dma_wait3A_191 : memref<128xi32, #tpu.memory_space<hbm>>) dst(%arg8 : memref<128xi32, #tpu.memory_space<vmem>>)
          %dma_start3A_192 = arith.constant 0 : i32
          %dma_start3A_193 = arith.constant 0 : i32
          %dma_start3A_194 = tpu.memref_slice %arg2[%dma_start3A_192, %dma_start3A_193] : memref<10000x128xf32, #tpu.memory_space<hbm>> -> memref<10000x128xf32, #tpu.memory_space<hbm>>
          tpu.enqueue_indirect_dma source(%dma_start3A_194 : memref<10000x128xf32, #tpu.memory_space<hbm>>) target(%arg17 : memref<128x128xf32, #tpu.memory_space<vmem>>) offsets(%arg8 : memref<128xi32, #tpu.memory_space<vmem>>) semaphore(%arg30 : memref<!tpu.dma_semaphore, #tpu.memory_space<semaphore_mem>>)
        } else {
        }
        %add3A_179 = arith.constant 3 : i32
        %add3A_180 = arith.addi %add3A_135, %add3A_179 : i32
        %lt3A_181 = arith.cmpi slt, %add3A_180, %select_n3A : i32
        %convert_element_type3A_182 = arith.extui %lt3A_181 : i1 to i32
        %cond3A_183 = arith.constant 0 : i32
        %cond3A_184 = arith.cmpi ne, %convert_element_type3A_182, %cond3A_183 : i32
        scf.if %cond3A_184 {
          %add3A_185 = arith.constant 3 : i32
          %add3A_186 = arith.addi %add3A_135, %add3A_185 : i32
          %mul3A_187 = arith.constant 128 : i32
          %mul3A_188 = arith.muli %add3A_186, %mul3A_187 : i32
          %add3A_189 = arith.addi %mul3A_4, %mul3A_188 : i32
          %dma_start3A_190 = tpu.memref_slice %arg3[%add3A_189] : memref<320000xi32, #tpu.memory_space<hbm>> -> memref<128xi32, #tpu.memory_space<hbm>>
          %dma_start3A_191 = tpu.memref_slice %arg3[%add3A_189] : memref<320000xi32, #tpu.memory_space<hbm>> -> memref<128xi32, #tpu.memory_space<hbm>>
          tpu.enqueue_dma source(%dma_start3A_191 : memref<128xi32, #tpu.memory_space<hbm>>) target(%arg6 : memref<128xi32, #tpu.memory_space<vmem>>) target_semaphore(%arg19 : memref<!tpu.dma_semaphore, #tpu.memory_space<semaphore_mem>>)
        } else {
        }
      } else {
      }
      %mul3A_140 = arith.constant 3 : i32
      %mul3A_141 = arith.muli %mul3A_140, %while3A_116 : i32
      %add3A_142 = arith.constant 1 : i32
      %add3A_143 = arith.addi %mul3A_141, %add3A_142 : i32
      %lt3A_144 = arith.cmpi slt, %add3A_143, %select_n3A : i32
      %convert_element_type3A_145 = arith.extui %lt3A_144 : i1 to i32
      %cond3A_146 = arith.constant 0 : i32
      %cond3A_147 = arith.cmpi ne, %convert_element_type3A_145, %cond3A_146 : i32
      scf.if %cond3A_147 {
        %dma_wait3A_156 = arith.constant 0 : i32
        %dma_wait3A_157 = arith.constant 0 : i32
        %dma_wait3A_158 = tpu.memref_slice %arg2[%dma_wait3A_156, %dma_wait3A_157] : memref<10000x128xf32, #tpu.memory_space<hbm>> -> memref<10000x128xf32, #tpu.memory_space<hbm>>
        tpu.wait_indirect_dma semaphore(%arg29 : memref<!tpu.dma_semaphore, #tpu.memory_space<semaphore_mem>>) src(%dma_wait3A_158 : memref<10000x128xf32, #tpu.memory_space<hbm>>) dst(%arg16 : memref<128x128xf32, #tpu.memory_space<vmem>>)
        %ge3A = arith.constant 1 : i32
        %ge3A_159 = arith.cmpi sge, %add3A_143, %ge3A : i32
        %convert_element_type3A_160 = arith.extui %ge3A_159 : i1 to i32
        %cond3A_161 = arith.constant 0 : i32
        %cond3A_162 = arith.cmpi ne, %convert_element_type3A_160, %cond3A_161 : i32
        scf.if %cond3A_162 {
          %eq3A_185 = arith.constant 0 : i32
          %eq3A_186 = arith.cmpi eq, %select_n3A_131, %eq3A_185 : i32
          %convert_element_type3A_187 = arith.extui %eq3A_186 : i1 to i32
          %cond3A_188 = arith.constant 0 : i32
          %cond3A_189 = arith.cmpi ne, %convert_element_type3A_187, %cond3A_188 : i32
          scf.if %cond3A_189 {
            %dma_wait3A_195 = arith.constant 0 : i32
            %dma_wait3A_196 = arith.constant 0 : i32
            %dma_wait3A_197 = tpu.memref_slice %arg18[%dma_wait3A_195, %dma_wait3A_196] : memref<10000x128xf32, #tpu.memory_space<vmem_shared>> -> memref<10000x128xf32, #tpu.memory_space<vmem_shared>>
            tpu.wait_indirect_dma semaphore(%arg31 : memref<!tpu.dma_semaphore, #tpu.memory_space<semaphore_mem>>) src(%arg15 : memref<128x128xf32, #tpu.memory_space<vmem>>) dst(%dma_wait3A_197 : memref<10000x128xf32, #tpu.memory_space<vmem_shared>>)
            %add3A_198 = arith.constant 5 : i32
            %add3A_199 = arith.addi %add3A_143, %add3A_198 : i32
            %lt3A_200 = arith.cmpi slt, %add3A_199, %select_n3A : i32
            %convert_element_type3A_201 = arith.extui %lt3A_200 : i1 to i32
            %cond3A_202 = arith.constant 0 : i32
            %cond3A_203 = arith.cmpi ne, %convert_element_type3A_201, %cond3A_202 : i32
            scf.if %cond3A_203 {
              %add3A_204 = arith.constant 5 : i32
              %add3A_205 = arith.addi %add3A_143, %add3A_204 : i32
              %mul3A_206 = arith.constant 128 : i32
              %mul3A_207 = arith.muli %add3A_205, %mul3A_206 : i32
              %add3A_208 = arith.addi %mul3A_4, %mul3A_207 : i32
              %dma_start3A_209 = tpu.memref_slice %arg4[%add3A_208] : memref<320000xi32, #tpu.memory_space<hbm>> -> memref<128xi32, #tpu.memory_space<hbm>>
              %dma_start3A_210 = tpu.memref_slice %arg4[%add3A_208] : memref<320000xi32, #tpu.memory_space<hbm>> -> memref<128xi32, #tpu.memory_space<hbm>>
              tpu.enqueue_dma source(%dma_start3A_210 : memref<128xi32, #tpu.memory_space<hbm>>) target(%arg9 : memref<128xi32, #tpu.memory_space<vmem>>) target_semaphore(%arg22 : memref<!tpu.dma_semaphore, #tpu.memory_space<semaphore_mem>>)
            } else {
            }
          } else {
          }
          %eq3A_190 = arith.constant 1 : i32
          %eq3A_191 = arith.cmpi eq, %select_n3A_131, %eq3A_190 : i32
          %convert_element_type3A_192 = arith.extui %eq3A_191 : i1 to i32
          %cond3A_193 = arith.constant 0 : i32
          %cond3A_194 = arith.cmpi ne, %convert_element_type3A_192, %cond3A_193 : i32
          scf.if %cond3A_194 {
            %dma_wait3A_195 = arith.constant 0 : i32
            %dma_wait3A_196 = arith.constant 0 : i32
            %dma_wait3A_197 = tpu.memref_slice %arg18[%dma_wait3A_195, %dma_wait3A_196] : memref<10000x128xf32, #tpu.memory_space<vmem_shared>> -> memref<10000x128xf32, #tpu.memory_space<vmem_shared>>
            tpu.wait_indirect_dma semaphore(%arg31 : memref<!tpu.dma_semaphore, #tpu.memory_space<semaphore_mem>>) src(%arg15 : memref<128x128xf32, #tpu.memory_space<vmem>>) dst(%dma_wait3A_197 : memref<10000x128xf32, #tpu.memory_space<vmem_shared>>)
            %add3A_198 = arith.constant 5 : i32
            %add3A_199 = arith.addi %add3A_143, %add3A_198 : i32
            %lt3A_200 = arith.cmpi slt, %add3A_199, %select_n3A : i32
            %convert_element_type3A_201 = arith.extui %lt3A_200 : i1 to i32
            %cond3A_202 = arith.constant 0 : i32
            %cond3A_203 = arith.cmpi ne, %convert_element_type3A_201, %cond3A_202 : i32
            scf.if %cond3A_203 {
              %add3A_204 = arith.constant 5 : i32
              %add3A_205 = arith.addi %add3A_143, %add3A_204 : i32
              %mul3A_206 = arith.constant 128 : i32
              %mul3A_207 = arith.muli %add3A_205, %mul3A_206 : i32
              %add3A_208 = arith.addi %mul3A_4, %mul3A_207 : i32
              %dma_start3A_209 = tpu.memref_slice %arg4[%add3A_208] : memref<320000xi32, #tpu.memory_space<hbm>> -> memref<128xi32, #tpu.memory_space<hbm>>
              %dma_start3A_210 = tpu.memref_slice %arg4[%add3A_208] : memref<320000xi32, #tpu.memory_space<hbm>> -> memref<128xi32, #tpu.memory_space<hbm>>
              tpu.enqueue_dma source(%dma_start3A_210 : memref<128xi32, #tpu.memory_space<hbm>>) target(%arg12 : memref<128xi32, #tpu.memory_space<vmem>>) target_semaphore(%arg25 : memref<!tpu.dma_semaphore, #tpu.memory_space<semaphore_mem>>)
            } else {
            }
          } else {
          }
        } else {
        }
        %eq3A_163 = arith.constant 0 : i32
        %eq3A_164 = arith.cmpi eq, %select_n3A_131, %eq3A_163 : i32
        %convert_element_type3A_165 = arith.extui %eq3A_164 : i1 to i32
        %cond3A_166 = arith.constant 0 : i32
        %cond3A_167 = arith.cmpi ne, %convert_element_type3A_165, %cond3A_166 : i32
        scf.if %cond3A_167 {
          %mul3A_185 = arith.constant 128 : i32
          %mul3A_186 = arith.muli %add3A_143, %mul3A_185 : i32
          %add3A_187 = arith.addi %mul3A_4, %mul3A_186 : i32
          %dma_wait3A_188 = tpu.memref_slice %arg4[%add3A_187] : memref<320000xi32, #tpu.memory_space<hbm>> -> memref<128xi32, #tpu.memory_space<hbm>>
          %dma_wait3A_189 = tpu.memref_slice %arg4[%add3A_187] : memref<320000xi32, #tpu.memory_space<hbm>> -> memref<128xi32, #tpu.memory_space<hbm>>
          tpu.wait_dma2 semaphore(%arg23 : memref<!tpu.dma_semaphore, #tpu.memory_space<semaphore_mem>>) src(%dma_wait3A_189 : memref<128xi32, #tpu.memory_space<hbm>>) dst(%arg10 : memref<128xi32, #tpu.memory_space<vmem>>)
          %dma_start3A_190 = arith.constant 0 : i32
          %dma_start3A_191 = arith.constant 0 : i32
          %dma_start3A_192 = tpu.memref_slice %arg18[%dma_start3A_190, %dma_start3A_191] : memref<10000x128xf32, #tpu.memory_space<vmem_shared>> -> memref<10000x128xf32, #tpu.memory_space<vmem_shared>>
          tpu.enqueue_indirect_dma source(%arg16 : memref<128x128xf32, #tpu.memory_space<vmem>>) target(%dma_start3A_192 : memref<10000x128xf32, #tpu.memory_space<vmem_shared>>) offsets(%arg10 : memref<128xi32, #tpu.memory_space<vmem>>) semaphore(%arg32 : memref<!tpu.dma_semaphore, #tpu.memory_space<semaphore_mem>>) {add = true}
        } else {
        }
        %eq3A_168 = arith.constant 1 : i32
        %eq3A_169 = arith.cmpi eq, %select_n3A_131, %eq3A_168 : i32
        %convert_element_type3A_170 = arith.extui %eq3A_169 : i1 to i32
        %cond3A_171 = arith.constant 0 : i32
        %cond3A_172 = arith.cmpi ne, %convert_element_type3A_170, %cond3A_171 : i32
        scf.if %cond3A_172 {
          %mul3A_185 = arith.constant 128 : i32
          %mul3A_186 = arith.muli %add3A_143, %mul3A_185 : i32
          %add3A_187 = arith.addi %mul3A_4, %mul3A_186 : i32
          %dma_wait3A_188 = tpu.memref_slice %arg4[%add3A_187] : memref<320000xi32, #tpu.memory_space<hbm>> -> memref<128xi32, #tpu.memory_space<hbm>>
          %dma_wait3A_189 = tpu.memref_slice %arg4[%add3A_187] : memref<320000xi32, #tpu.memory_space<hbm>> -> memref<128xi32, #tpu.memory_space<hbm>>
          tpu.wait_dma2 semaphore(%arg26 : memref<!tpu.dma_semaphore, #tpu.memory_space<semaphore_mem>>) src(%dma_wait3A_189 : memref<128xi32, #tpu.memory_space<hbm>>) dst(%arg13 : memref<128xi32, #tpu.memory_space<vmem>>)
          %dma_start3A_190 = arith.constant 0 : i32
          %dma_start3A_191 = arith.constant 0 : i32
          %dma_start3A_192 = tpu.memref_slice %arg18[%dma_start3A_190, %dma_start3A_191] : memref<10000x128xf32, #tpu.memory_space<vmem_shared>> -> memref<10000x128xf32, #tpu.memory_space<vmem_shared>>
          tpu.enqueue_indirect_dma source(%arg16 : memref<128x128xf32, #tpu.memory_space<vmem>>) target(%dma_start3A_192 : memref<10000x128xf32, #tpu.memory_space<vmem_shared>>) offsets(%arg13 : memref<128xi32, #tpu.memory_space<vmem>>) semaphore(%arg32 : memref<!tpu.dma_semaphore, #tpu.memory_space<semaphore_mem>>) {add = true}
        } else {
        }
        %add3A_173 = arith.constant 2 : i32
        %add3A_174 = arith.addi %add3A_143, %add3A_173 : i32
        %lt3A_175 = arith.cmpi slt, %add3A_174, %select_n3A : i32
        %convert_element_type3A_176 = arith.extui %lt3A_175 : i1 to i32
        %cond3A_177 = arith.constant 0 : i32
        %cond3A_178 = arith.cmpi ne, %convert_element_type3A_176, %cond3A_177 : i32
        scf.if %cond3A_178 {
          %add3A_185 = arith.constant 2 : i32
          %add3A_186 = arith.addi %add3A_143, %add3A_185 : i32
          %mul3A_187 = arith.constant 128 : i32
          %mul3A_188 = arith.muli %add3A_186, %mul3A_187 : i32
          %add3A_189 = arith.addi %mul3A_4, %mul3A_188 : i32
          %dma_wait3A_190 = tpu.memref_slice %arg3[%add3A_189] : memref<320000xi32, #tpu.memory_space<hbm>> -> memref<128xi32, #tpu.memory_space<hbm>>
          %dma_wait3A_191 = tpu.memref_slice %arg3[%add3A_189] : memref<320000xi32, #tpu.memory_space<hbm>> -> memref<128xi32, #tpu.memory_space<hbm>>
          tpu.wait_dma2 semaphore(%arg19 : memref<!tpu.dma_semaphore, #tpu.memory_space<semaphore_mem>>) src(%dma_wait3A_191 : memref<128xi32, #tpu.memory_space<hbm>>) dst(%arg6 : memref<128xi32, #tpu.memory_space<vmem>>)
          %dma_start3A_192 = arith.constant 0 : i32
          %dma_start3A_193 = arith.constant 0 : i32
          %dma_start3A_194 = tpu.memref_slice %arg2[%dma_start3A_192, %dma_start3A_193] : memref<10000x128xf32, #tpu.memory_space<hbm>> -> memref<10000x128xf32, #tpu.memory_space<hbm>>
          tpu.enqueue_indirect_dma source(%dma_start3A_194 : memref<10000x128xf32, #tpu.memory_space<hbm>>) target(%arg15 : memref<128x128xf32, #tpu.memory_space<vmem>>) offsets(%arg6 : memref<128xi32, #tpu.memory_space<vmem>>) semaphore(%arg28 : memref<!tpu.dma_semaphore, #tpu.memory_space<semaphore_mem>>)
        } else {
        }
        %add3A_179 = arith.constant 3 : i32
        %add3A_180 = arith.addi %add3A_143, %add3A_179 : i32
        %lt3A_181 = arith.cmpi slt, %add3A_180, %select_n3A : i32
        %convert_element_type3A_182 = arith.extui %lt3A_181 : i1 to i32
        %cond3A_183 = arith.constant 0 : i32
        %cond3A_184 = arith.cmpi ne, %convert_element_type3A_182, %cond3A_183 : i32
        scf.if %cond3A_184 {
          %add3A_185 = arith.constant 3 : i32
          %add3A_186 = arith.addi %add3A_143, %add3A_185 : i32
          %mul3A_187 = arith.constant 128 : i32
          %mul3A_188 = arith.muli %add3A_186, %mul3A_187 : i32
          %add3A_189 = arith.addi %mul3A_4, %mul3A_188 : i32
          %dma_start3A_190 = tpu.memref_slice %arg3[%add3A_189] : memref<320000xi32, #tpu.memory_space<hbm>> -> memref<128xi32, #tpu.memory_space<hbm>>
          %dma_start3A_191 = tpu.memref_slice %arg3[%add3A_189] : memref<320000xi32, #tpu.memory_space<hbm>> -> memref<128xi32, #tpu.memory_space<hbm>>
          tpu.enqueue_dma source(%dma_start3A_191 : memref<128xi32, #tpu.memory_space<hbm>>) target(%arg7 : memref<128xi32, #tpu.memory_space<vmem>>) target_semaphore(%arg20 : memref<!tpu.dma_semaphore, #tpu.memory_space<semaphore_mem>>)
        } else {
        }
      } else {
      }
      %mul3A_148 = arith.constant 3 : i32
      %mul3A_149 = arith.muli %mul3A_148, %while3A_116 : i32
      %add3A_150 = arith.constant 2 : i32
      %add3A_151 = arith.addi %mul3A_149, %add3A_150 : i32
      %lt3A_152 = arith.cmpi slt, %add3A_151, %select_n3A : i32
      %convert_element_type3A_153 = arith.extui %lt3A_152 : i1 to i32
      %cond3A_154 = arith.constant 0 : i32
      %cond3A_155 = arith.cmpi ne, %convert_element_type3A_153, %cond3A_154 : i32
      scf.if %cond3A_155 {
        %dma_wait3A_156 = arith.constant 0 : i32
        %dma_wait3A_157 = arith.constant 0 : i32
        %dma_wait3A_158 = tpu.memref_slice %arg2[%dma_wait3A_156, %dma_wait3A_157] : memref<10000x128xf32, #tpu.memory_space<hbm>> -> memref<10000x128xf32, #tpu.memory_space<hbm>>
        tpu.wait_indirect_dma semaphore(%arg30 : memref<!tpu.dma_semaphore, #tpu.memory_space<semaphore_mem>>) src(%dma_wait3A_158 : memref<10000x128xf32, #tpu.memory_space<hbm>>) dst(%arg17 : memref<128x128xf32, #tpu.memory_space<vmem>>)
        %ge3A = arith.constant 1 : i32
        %ge3A_159 = arith.cmpi sge, %add3A_151, %ge3A : i32
        %convert_element_type3A_160 = arith.extui %ge3A_159 : i1 to i32
        %cond3A_161 = arith.constant 0 : i32
        %cond3A_162 = arith.cmpi ne, %convert_element_type3A_160, %cond3A_161 : i32
        scf.if %cond3A_162 {
          %eq3A_185 = arith.constant 0 : i32
          %eq3A_186 = arith.cmpi eq, %select_n3A_131, %eq3A_185 : i32
          %convert_element_type3A_187 = arith.extui %eq3A_186 : i1 to i32
          %cond3A_188 = arith.constant 0 : i32
          %cond3A_189 = arith.cmpi ne, %convert_element_type3A_187, %cond3A_188 : i32
          scf.if %cond3A_189 {
            %dma_wait3A_195 = arith.constant 0 : i32
            %dma_wait3A_196 = arith.constant 0 : i32
            %dma_wait3A_197 = tpu.memref_slice %arg18[%dma_wait3A_195, %dma_wait3A_196] : memref<10000x128xf32, #tpu.memory_space<vmem_shared>> -> memref<10000x128xf32, #tpu.memory_space<vmem_shared>>
            tpu.wait_indirect_dma semaphore(%arg32 : memref<!tpu.dma_semaphore, #tpu.memory_space<semaphore_mem>>) src(%arg16 : memref<128x128xf32, #tpu.memory_space<vmem>>) dst(%dma_wait3A_197 : memref<10000x128xf32, #tpu.memory_space<vmem_shared>>)
            %add3A_198 = arith.constant 5 : i32
            %add3A_199 = arith.addi %add3A_151, %add3A_198 : i32
            %lt3A_200 = arith.cmpi slt, %add3A_199, %select_n3A : i32
            %convert_element_type3A_201 = arith.extui %lt3A_200 : i1 to i32
            %cond3A_202 = arith.constant 0 : i32
            %cond3A_203 = arith.cmpi ne, %convert_element_type3A_201, %cond3A_202 : i32
            scf.if %cond3A_203 {
              %add3A_204 = arith.constant 5 : i32
              %add3A_205 = arith.addi %add3A_151, %add3A_204 : i32
              %mul3A_206 = arith.constant 128 : i32
              %mul3A_207 = arith.muli %add3A_205, %mul3A_206 : i32
              %add3A_208 = arith.addi %mul3A_4, %mul3A_207 : i32
              %dma_start3A_209 = tpu.memref_slice %arg4[%add3A_208] : memref<320000xi32, #tpu.memory_space<hbm>> -> memref<128xi32, #tpu.memory_space<hbm>>
              %dma_start3A_210 = tpu.memref_slice %arg4[%add3A_208] : memref<320000xi32, #tpu.memory_space<hbm>> -> memref<128xi32, #tpu.memory_space<hbm>>
              tpu.enqueue_dma source(%dma_start3A_210 : memref<128xi32, #tpu.memory_space<hbm>>) target(%arg10 : memref<128xi32, #tpu.memory_space<vmem>>) target_semaphore(%arg23 : memref<!tpu.dma_semaphore, #tpu.memory_space<semaphore_mem>>)
            } else {
            }
          } else {
          }
          %eq3A_190 = arith.constant 1 : i32
          %eq3A_191 = arith.cmpi eq, %select_n3A_131, %eq3A_190 : i32
          %convert_element_type3A_192 = arith.extui %eq3A_191 : i1 to i32
          %cond3A_193 = arith.constant 0 : i32
          %cond3A_194 = arith.cmpi ne, %convert_element_type3A_192, %cond3A_193 : i32
          scf.if %cond3A_194 {
            %dma_wait3A_195 = arith.constant 0 : i32
            %dma_wait3A_196 = arith.constant 0 : i32
            %dma_wait3A_197 = tpu.memref_slice %arg18[%dma_wait3A_195, %dma_wait3A_196] : memref<10000x128xf32, #tpu.memory_space<vmem_shared>> -> memref<10000x128xf32, #tpu.memory_space<vmem_shared>>
            tpu.wait_indirect_dma semaphore(%arg32 : memref<!tpu.dma_semaphore, #tpu.memory_space<semaphore_mem>>) src(%arg16 : memref<128x128xf32, #tpu.memory_space<vmem>>) dst(%dma_wait3A_197 : memref<10000x128xf32, #tpu.memory_space<vmem_shared>>)
            %add3A_198 = arith.constant 5 : i32
            %add3A_199 = arith.addi %add3A_151, %add3A_198 : i32
            %lt3A_200 = arith.cmpi slt, %add3A_199, %select_n3A : i32
            %convert_element_type3A_201 = arith.extui %lt3A_200 : i1 to i32
            %cond3A_202 = arith.constant 0 : i32
            %cond3A_203 = arith.cmpi ne, %convert_element_type3A_201, %cond3A_202 : i32
            scf.if %cond3A_203 {
              %add3A_204 = arith.constant 5 : i32
              %add3A_205 = arith.addi %add3A_151, %add3A_204 : i32
              %mul3A_206 = arith.constant 128 : i32
              %mul3A_207 = arith.muli %add3A_205, %mul3A_206 : i32
              %add3A_208 = arith.addi %mul3A_4, %mul3A_207 : i32
              %dma_start3A_209 = tpu.memref_slice %arg4[%add3A_208] : memref<320000xi32, #tpu.memory_space<hbm>> -> memref<128xi32, #tpu.memory_space<hbm>>
              %dma_start3A_210 = tpu.memref_slice %arg4[%add3A_208] : memref<320000xi32, #tpu.memory_space<hbm>> -> memref<128xi32, #tpu.memory_space<hbm>>
              tpu.enqueue_dma source(%dma_start3A_210 : memref<128xi32, #tpu.memory_space<hbm>>) target(%arg13 : memref<128xi32, #tpu.memory_space<vmem>>) target_semaphore(%arg26 : memref<!tpu.dma_semaphore, #tpu.memory_space<semaphore_mem>>)
            } else {
            }
          } else {
          }
        } else {
        }
        %eq3A_163 = arith.constant 0 : i32
        %eq3A_164 = arith.cmpi eq, %select_n3A_131, %eq3A_163 : i32
        %convert_element_type3A_165 = arith.extui %eq3A_164 : i1 to i32
        %cond3A_166 = arith.constant 0 : i32
        %cond3A_167 = arith.cmpi ne, %convert_element_type3A_165, %cond3A_166 : i32
        scf.if %cond3A_167 {
          %mul3A_185 = arith.constant 128 : i32
          %mul3A_186 = arith.muli %add3A_151, %mul3A_185 : i32
          %add3A_187 = arith.addi %mul3A_4, %mul3A_186 : i32
          %dma_wait3A_188 = tpu.memref_slice %arg4[%add3A_187] : memref<320000xi32, #tpu.memory_space<hbm>> -> memref<128xi32, #tpu.memory_space<hbm>>
          %dma_wait3A_189 = tpu.memref_slice %arg4[%add3A_187] : memref<320000xi32, #tpu.memory_space<hbm>> -> memref<128xi32, #tpu.memory_space<hbm>>
          tpu.wait_dma2 semaphore(%arg24 : memref<!tpu.dma_semaphore, #tpu.memory_space<semaphore_mem>>) src(%dma_wait3A_189 : memref<128xi32, #tpu.memory_space<hbm>>) dst(%arg11 : memref<128xi32, #tpu.memory_space<vmem>>)
          %dma_start3A_190 = arith.constant 0 : i32
          %dma_start3A_191 = arith.constant 0 : i32
          %dma_start3A_192 = tpu.memref_slice %arg18[%dma_start3A_190, %dma_start3A_191] : memref<10000x128xf32, #tpu.memory_space<vmem_shared>> -> memref<10000x128xf32, #tpu.memory_space<vmem_shared>>
          tpu.enqueue_indirect_dma source(%arg17 : memref<128x128xf32, #tpu.memory_space<vmem>>) target(%dma_start3A_192 : memref<10000x128xf32, #tpu.memory_space<vmem_shared>>) offsets(%arg11 : memref<128xi32, #tpu.memory_space<vmem>>) semaphore(%arg33 : memref<!tpu.dma_semaphore, #tpu.memory_space<semaphore_mem>>) {add = true}
        } else {
        }
        %eq3A_168 = arith.constant 1 : i32
        %eq3A_169 = arith.cmpi eq, %select_n3A_131, %eq3A_168 : i32
        %convert_element_type3A_170 = arith.extui %eq3A_169 : i1 to i32
        %cond3A_171 = arith.constant 0 : i32
        %cond3A_172 = arith.cmpi ne, %convert_element_type3A_170, %cond3A_171 : i32
        scf.if %cond3A_172 {
          %mul3A_185 = arith.constant 128 : i32
          %mul3A_186 = arith.muli %add3A_151, %mul3A_185 : i32
          %add3A_187 = arith.addi %mul3A_4, %mul3A_186 : i32
          %dma_wait3A_188 = tpu.memref_slice %arg4[%add3A_187] : memref<320000xi32, #tpu.memory_space<hbm>> -> memref<128xi32, #tpu.memory_space<hbm>>
          %dma_wait3A_189 = tpu.memref_slice %arg4[%add3A_187] : memref<320000xi32, #tpu.memory_space<hbm>> -> memref<128xi32, #tpu.memory_space<hbm>>
          tpu.wait_dma2 semaphore(%arg27 : memref<!tpu.dma_semaphore, #tpu.memory_space<semaphore_mem>>) src(%dma_wait3A_189 : memref<128xi32, #tpu.memory_space<hbm>>) dst(%arg14 : memref<128xi32, #tpu.memory_space<vmem>>)
          %dma_start3A_190 = arith.constant 0 : i32
          %dma_start3A_191 = arith.constant 0 : i32
          %dma_start3A_192 = tpu.memref_slice %arg18[%dma_start3A_190, %dma_start3A_191] : memref<10000x128xf32, #tpu.memory_space<vmem_shared>> -> memref<10000x128xf32, #tpu.memory_space<vmem_shared>>
          tpu.enqueue_indirect_dma source(%arg17 : memref<128x128xf32, #tpu.memory_space<vmem>>) target(%dma_start3A_192 : memref<10000x128xf32, #tpu.memory_space<vmem_shared>>) offsets(%arg14 : memref<128xi32, #tpu.memory_space<vmem>>) semaphore(%arg33 : memref<!tpu.dma_semaphore, #tpu.memory_space<semaphore_mem>>) {add = true}
        } else {
        }
        %add3A_173 = arith.constant 2 : i32
        %add3A_174 = arith.addi %add3A_151, %add3A_173 : i32
        %lt3A_175 = arith.cmpi slt, %add3A_174, %select_n3A : i32
        %convert_element_type3A_176 = arith.extui %lt3A_175 : i1 to i32
        %cond3A_177 = arith.constant 0 : i32
        %cond3A_178 = arith.cmpi ne, %convert_element_type3A_176, %cond3A_177 : i32
        scf.if %cond3A_178 {
          %add3A_185 = arith.constant 2 : i32
          %add3A_186 = arith.addi %add3A_151, %add3A_185 : i32
          %mul3A_187 = arith.constant 128 : i32
          %mul3A_188 = arith.muli %add3A_186, %mul3A_187 : i32
          %add3A_189 = arith.addi %mul3A_4, %mul3A_188 : i32
          %dma_wait3A_190 = tpu.memref_slice %arg3[%add3A_189] : memref<320000xi32, #tpu.memory_space<hbm>> -> memref<128xi32, #tpu.memory_space<hbm>>
          %dma_wait3A_191 = tpu.memref_slice %arg3[%add3A_189] : memref<320000xi32, #tpu.memory_space<hbm>> -> memref<128xi32, #tpu.memory_space<hbm>>
          tpu.wait_dma2 semaphore(%arg20 : memref<!tpu.dma_semaphore, #tpu.memory_space<semaphore_mem>>) src(%dma_wait3A_191 : memref<128xi32, #tpu.memory_space<hbm>>) dst(%arg7 : memref<128xi32, #tpu.memory_space<vmem>>)
          %dma_start3A_192 = arith.constant 0 : i32
          %dma_start3A_193 = arith.constant 0 : i32
          %dma_start3A_194 = tpu.memref_slice %arg2[%dma_start3A_192, %dma_start3A_193] : memref<10000x128xf32, #tpu.memory_space<hbm>> -> memref<10000x128xf32, #tpu.memory_space<hbm>>
          tpu.enqueue_indirect_dma source(%dma_start3A_194 : memref<10000x128xf32, #tpu.memory_space<hbm>>) target(%arg16 : memref<128x128xf32, #tpu.memory_space<vmem>>) offsets(%arg7 : memref<128xi32, #tpu.memory_space<vmem>>) semaphore(%arg29 : memref<!tpu.dma_semaphore, #tpu.memory_space<semaphore_mem>>)
        } else {
        }
        %add3A_179 = arith.constant 3 : i32
        %add3A_180 = arith.addi %add3A_151, %add3A_179 : i32
        %lt3A_181 = arith.cmpi slt, %add3A_180, %select_n3A : i32
        %convert_element_type3A_182 = arith.extui %lt3A_181 : i1 to i32
        %cond3A_183 = arith.constant 0 : i32
        %cond3A_184 = arith.cmpi ne, %convert_element_type3A_182, %cond3A_183 : i32
        scf.if %cond3A_184 {
          %add3A_185 = arith.constant 3 : i32
          %add3A_186 = arith.addi %add3A_151, %add3A_185 : i32
          %mul3A_187 = arith.constant 128 : i32
          %mul3A_188 = arith.muli %add3A_186, %mul3A_187 : i32
          %add3A_189 = arith.addi %mul3A_4, %mul3A_188 : i32
          %dma_start3A_190 = tpu.memref_slice %arg3[%add3A_189] : memref<320000xi32, #tpu.memory_space<hbm>> -> memref<128xi32, #tpu.memory_space<hbm>>
          %dma_start3A_191 = tpu.memref_slice %arg3[%add3A_189] : memref<320000xi32, #tpu.memory_space<hbm>> -> memref<128xi32, #tpu.memory_space<hbm>>
          tpu.enqueue_dma source(%dma_start3A_191 : memref<128xi32, #tpu.memory_space<hbm>>) target(%arg8 : memref<128xi32, #tpu.memory_space<vmem>>) target_semaphore(%arg21 : memref<!tpu.dma_semaphore, #tpu.memory_space<semaphore_mem>>)
        } else {
        }
      } else {
      }
    }
    %dma_wait3A_103 = arith.constant 0 : i32
    %dma_wait3A_104 = arith.constant 0 : i32
    %dma_wait3A_105 = tpu.memref_slice %arg18[%dma_wait3A_103, %dma_wait3A_104] : memref<10000x128xf32, #tpu.memory_space<vmem_shared>> -> memref<10000x128xf32, #tpu.memory_space<vmem_shared>>
    tpu.wait_indirect_dma semaphore(%arg32 : memref<!tpu.dma_semaphore, #tpu.memory_space<semaphore_mem>>) src(%arg16 : memref<128x128xf32, #tpu.memory_space<vmem>>) dst(%dma_wait3A_105 : memref<10000x128xf32, #tpu.memory_space<vmem_shared>>)
    %barrier3A_106 = arith.constant 0 : index
    tpu.barrier barrier_id(%barrier3A_106)
    %mul3A_107 = arith.constant 624 : i32
    %mul3A_108 = arith.muli %arg1, %mul3A_107 : i32
    %mul3A_109 = arith.constant 624 : i32
    %mul3A_110 = arith.muli %arg1, %mul3A_109 : i32
    "tpu.region"() ({
      %run_scoped3A = tpu.sem_alloc : memref<!tpu.dma_semaphore, #tpu.memory_space<semaphore_mem>>
      %dma_start3A_116 = arith.constant 0 : i32
      %dma_start3A_117 = tpu.memref_slice %arg5[%arg0, %mul3A_110, %dma_start3A_116] : memref<2x10000x128xf32, #tpu.memory_space<hbm>> -> memref<1x624x128xf32, #tpu.memory_space<hbm>>
      %dma_start3A_118 = tpu.memref_squeeze %dma_start3A_117 : memref<1x624x128xf32, #tpu.memory_space<hbm>> -> memref<624x128xf32, #tpu.memory_space<hbm>>
      %dma_start3A_119 = arith.constant 0 : i32
      %dma_start3A_120 = tpu.memref_slice %arg18[%mul3A_108, %dma_start3A_119] : memref<10000x128xf32, #tpu.memory_space<vmem_shared>> -> memref<624x128xf32, #tpu.memory_space<vmem_shared>>
      tpu.enqueue_dma source(%dma_start3A_120 : memref<624x128xf32, #tpu.memory_space<vmem_shared>>) target(%dma_start3A_118 : memref<624x128xf32, #tpu.memory_space<hbm>>) target_semaphore(%run_scoped3A : memref<!tpu.dma_semaphore, #tpu.memory_space<semaphore_mem>>)
      %dma_wait3A_121 = arith.constant 0 : i32
      %dma_wait3A_122 = tpu.memref_slice %arg5[%arg0, %mul3A_110, %dma_wait3A_121] : memref<2x10000x128xf32, #tpu.memory_space<hbm>> -> memref<1x624x128xf32, #tpu.memory_space<hbm>>
      %dma_wait3A_123 = tpu.memref_squeeze %dma_wait3A_122 : memref<1x624x128xf32, #tpu.memory_space<hbm>> -> memref<624x128xf32, #tpu.memory_space<hbm>>
      %dma_wait3A_124 = arith.constant 0 : i32
      %dma_wait3A_125 = tpu.memref_slice %arg18[%mul3A_108, %dma_wait3A_124] : memref<10000x128xf32, #tpu.memory_space<vmem_shared>> -> memref<624x128xf32, #tpu.memory_space<vmem_shared>>
      tpu.wait_dma2 semaphore(%run_scoped3A : memref<!tpu.dma_semaphore, #tpu.memory_space<semaphore_mem>>) src(%dma_wait3A_125 : memref<624x128xf32, #tpu.memory_space<vmem_shared>>) dst(%dma_wait3A_123 : memref<624x128xf32, #tpu.memory_space<hbm>>)
      tpu.yield
    }) : () -> ()
    %eq3A_111 = arith.constant 0 : i32
    %eq3A_112 = arith.cmpi eq, %arg1, %eq3A_111 : i32
    %convert_element_type3A_113 = arith.extui %eq3A_112 : i1 to i32
    %cond3A_114 = arith.constant 0 : i32
    %cond3A_115 = arith.cmpi ne, %convert_element_type3A_113, %cond3A_114 : i32
    scf.if %cond3A_115 {
      "tpu.region"() ({
        %run_scoped3A = tpu.sem_alloc : memref<!tpu.dma_semaphore, #tpu.memory_space<semaphore_mem>>
        %dma_start3A_116 = arith.constant 9984 : i32
        %dma_start3A_117 = arith.constant 0 : i32
        %dma_start3A_118 = tpu.memref_slice %arg5[%arg0, %dma_start3A_116, %dma_start3A_117] : memref<2x10000x128xf32, #tpu.memory_space<hbm>> -> memref<1x16x128xf32, #tpu.memory_space<hbm>>
        %dma_start3A_119 = tpu.memref_squeeze %dma_start3A_118 : memref<1x16x128xf32, #tpu.memory_space<hbm>> -> memref<16x128xf32, #tpu.memory_space<hbm>>
        %dma_start3A_120 = arith.constant 9984 : i32
        %dma_start3A_121 = arith.constant 0 : i32
        %dma_start3A_122 = tpu.memref_slice %arg18[%dma_start3A_120, %dma_start3A_121] : memref<10000x128xf32, #tpu.memory_space<vmem_shared>> -> memref<16x128xf32, #tpu.memory_space<vmem_shared>>
        tpu.enqueue_dma source(%dma_start3A_122 : memref<16x128xf32, #tpu.memory_space<vmem_shared>>) target(%dma_start3A_119 : memref<16x128xf32, #tpu.memory_space<hbm>>) target_semaphore(%run_scoped3A : memref<!tpu.dma_semaphore, #tpu.memory_space<semaphore_mem>>)
        %dma_wait3A_123 = arith.constant 9984 : i32
        %dma_wait3A_124 = arith.constant 0 : i32
        %dma_wait3A_125 = tpu.memref_slice %arg5[%arg0, %dma_wait3A_123, %dma_wait3A_124] : memref<2x10000x128xf32, #tpu.memory_space<hbm>> -> memref<1x16x128xf32, #tpu.memory_space<hbm>>
        %dma_wait3A_126 = tpu.memref_squeeze %dma_wait3A_125 : memref<1x16x128xf32, #tpu.memory_space<hbm>> -> memref<16x128xf32, #tpu.memory_space<hbm>>
        %dma_wait3A_127 = arith.constant 9984 : i32
        %dma_wait3A_128 = arith.constant 0 : i32
        %dma_wait3A_129 = tpu.memref_slice %arg18[%dma_wait3A_127, %dma_wait3A_128] : memref<10000x128xf32, #tpu.memory_space<vmem_shared>> -> memref<16x128xf32, #tpu.memory_space<vmem_shared>>
        tpu.wait_dma2 semaphore(%run_scoped3A : memref<!tpu.dma_semaphore, #tpu.memory_space<semaphore_mem>>) src(%dma_wait3A_129 : memref<16x128xf32, #tpu.memory_space<vmem_shared>>) dst(%dma_wait3A_126 : memref<16x128xf32, #tpu.memory_space<hbm>>)
        tpu.yield
      }) : () -> ()
    } else {
    }
    return
  }
}

#map = affine_map<(d0, d1) -> (0, 0)>
#map1 = affine_map<(d0, d1) -> (0, 0, 0)>
module attributes {stable_mosaic.version = 14 : i64} {
  func.func @_deg_kernel(%arg0: i32, %arg1: i32, %arg2: memref<2500x128xi32, #tpu.memory_space<hbm>>, %arg3: memref<2x10000x128xf32, #tpu.memory_space<hbm>>, %arg4: memref<80x128xi32, #tpu.memory_space<vmem>>, %arg5: memref<128x128xf32, #tpu.memory_space<vmem>>, %arg6: memref<8x128xf32, #tpu.memory_space<vmem>>, %arg7: memref<10000x128xf32, #tpu.memory_space<vmem_shared>>, %arg8: memref<!tpu.dma_semaphore, #tpu.memory_space<semaphore_mem>>, %arg9: memref<!tpu.dma_semaphore, #tpu.memory_space<semaphore_mem>>) attributes {dimension_semantics = [#tpu.dimension_semantics<core_parallel>, #tpu.dimension_semantics<subcore_parallel>], iteration_bounds = array<i64: 2, 16>, scalar_prefetch = 0 : i64, scratch_operands = 6 : i64, tpu.core_type = #tpu.core_type<sc_vector_subcore>, window_params = [{transform_indices = #map}, {transform_indices = #map1}]} {
    %mul3A = arith.constant 16 : i32
    %mul3A_0 = arith.muli %arg0, %mul3A : i32
    %add3A = arith.addi %mul3A_0, %arg1 : i32
    %eq3A = arith.constant 31 : i32
    %eq3A_1 = arith.cmpi eq, %add3A, %eq3A : i32
    %jit3A = arith.constant 20 : i32
    %jit3A_2 = arith.constant 80 : i32
    %select_n3A = arith.select %eq3A_1, %jit3A, %jit3A_2 : i32
    %lt3A = arith.constant 31 : i32
    %lt3A_3 = arith.cmpi slt, %add3A, %lt3A : i32
    %convert_element_type3A = arith.extui %lt3A_3 : i1 to i32
    %cond3A = arith.constant 0 : i32
    %cond3A_4 = arith.cmpi ne, %convert_element_type3A, %cond3A : i32
    scf.if %cond3A_4 {
      %mul3A_70 = arith.constant 80 : i32
      %mul3A_71 = arith.muli %add3A, %mul3A_70 : i32
      "tpu.region"() ({
        %run_scoped3A = tpu.sem_alloc : memref<!tpu.dma_semaphore, #tpu.memory_space<semaphore_mem>>
        %dma_start3A = arith.constant 0 : i32
        %dma_start3A_72 = tpu.memref_slice %arg2[%mul3A_71, %dma_start3A] : memref<2500x128xi32, #tpu.memory_space<hbm>> -> memref<80x128xi32, #tpu.memory_space<hbm>>
        %dma_start3A_73 = arith.constant 0 : i32
        %dma_start3A_74 = tpu.memref_slice %arg2[%mul3A_71, %dma_start3A_73] : memref<2500x128xi32, #tpu.memory_space<hbm>> -> memref<80x128xi32, #tpu.memory_space<hbm>>
        tpu.enqueue_dma source(%dma_start3A_74 : memref<80x128xi32, #tpu.memory_space<hbm>>) target(%arg4 : memref<80x128xi32, #tpu.memory_space<vmem>>) target_semaphore(%run_scoped3A : memref<!tpu.dma_semaphore, #tpu.memory_space<semaphore_mem>>)
        %dma_wait3A = arith.constant 0 : i32
        %dma_wait3A_75 = tpu.memref_slice %arg2[%mul3A_71, %dma_wait3A] : memref<2500x128xi32, #tpu.memory_space<hbm>> -> memref<80x128xi32, #tpu.memory_space<hbm>>
        %dma_wait3A_76 = arith.constant 0 : i32
        %dma_wait3A_77 = tpu.memref_slice %arg2[%mul3A_71, %dma_wait3A_76] : memref<2500x128xi32, #tpu.memory_space<hbm>> -> memref<80x128xi32, #tpu.memory_space<hbm>>
        tpu.wait_dma2 semaphore(%run_scoped3A : memref<!tpu.dma_semaphore, #tpu.memory_space<semaphore_mem>>) src(%dma_wait3A_77 : memref<80x128xi32, #tpu.memory_space<hbm>>) dst(%arg4 : memref<80x128xi32, #tpu.memory_space<vmem>>)
        tpu.yield
      }) : () -> ()
    } else {
    }
    %eq3A_5 = arith.constant 31 : i32
    %eq3A_6 = arith.cmpi eq, %add3A, %eq3A_5 : i32
    %convert_element_type3A_7 = arith.extui %eq3A_6 : i1 to i32
    %cond3A_8 = arith.constant 0 : i32
    %cond3A_9 = arith.cmpi ne, %convert_element_type3A_7, %cond3A_8 : i32
    scf.if %cond3A_9 {
      "tpu.region"() ({
        %run_scoped3A = tpu.sem_alloc : memref<!tpu.dma_semaphore, #tpu.memory_space<semaphore_mem>>
        %dma_start3A = arith.constant 0 : i32
        %dma_start3A_70 = arith.constant 0 : i32
        %dma_start3A_71 = tpu.memref_slice %arg4[%dma_start3A, %dma_start3A_70] : memref<80x128xi32, #tpu.memory_space<vmem>> -> memref<20x128xi32, #tpu.memory_space<vmem>>
        %dma_start3A_72 = arith.constant 2480 : i32
        %dma_start3A_73 = arith.constant 0 : i32
        %dma_start3A_74 = tpu.memref_slice %arg2[%dma_start3A_72, %dma_start3A_73] : memref<2500x128xi32, #tpu.memory_space<hbm>> -> memref<20x128xi32, #tpu.memory_space<hbm>>
        %dma_start3A_75 = arith.constant 0 : i32
        %dma_start3A_76 = arith.constant 0 : i32
        %dma_start3A_77 = tpu.memref_slice %arg4[%dma_start3A_75, %dma_start3A_76] : memref<80x128xi32, #tpu.memory_space<vmem>> -> memref<20x128xi32, #tpu.memory_space<vmem>>
        %dma_start3A_78 = arith.constant 2480 : i32
        %dma_start3A_79 = arith.constant 0 : i32
        %dma_start3A_80 = tpu.memref_slice %arg2[%dma_start3A_78, %dma_start3A_79] : memref<2500x128xi32, #tpu.memory_space<hbm>> -> memref<20x128xi32, #tpu.memory_space<hbm>>
        tpu.enqueue_dma source(%dma_start3A_80 : memref<20x128xi32, #tpu.memory_space<hbm>>) target(%dma_start3A_77 : memref<20x128xi32, #tpu.memory_space<vmem>>) target_semaphore(%run_scoped3A : memref<!tpu.dma_semaphore, #tpu.memory_space<semaphore_mem>>)
        %dma_wait3A = arith.constant 0 : i32
        %dma_wait3A_81 = arith.constant 0 : i32
        %dma_wait3A_82 = tpu.memref_slice %arg4[%dma_wait3A, %dma_wait3A_81] : memref<80x128xi32, #tpu.memory_space<vmem>> -> memref<20x128xi32, #tpu.memory_space<vmem>>
        %dma_wait3A_83 = arith.constant 2480 : i32
        %dma_wait3A_84 = arith.constant 0 : i32
        %dma_wait3A_85 = tpu.memref_slice %arg2[%dma_wait3A_83, %dma_wait3A_84] : memref<2500x128xi32, #tpu.memory_space<hbm>> -> memref<20x128xi32, #tpu.memory_space<hbm>>
        %dma_wait3A_86 = arith.constant 0 : i32
        %dma_wait3A_87 = arith.constant 0 : i32
        %dma_wait3A_88 = tpu.memref_slice %arg4[%dma_wait3A_86, %dma_wait3A_87] : memref<80x128xi32, #tpu.memory_space<vmem>> -> memref<20x128xi32, #tpu.memory_space<vmem>>
        %dma_wait3A_89 = arith.constant 2480 : i32
        %dma_wait3A_90 = arith.constant 0 : i32
        %dma_wait3A_91 = tpu.memref_slice %arg2[%dma_wait3A_89, %dma_wait3A_90] : memref<2500x128xi32, #tpu.memory_space<hbm>> -> memref<20x128xi32, #tpu.memory_space<hbm>>
        tpu.wait_dma2 semaphore(%run_scoped3A : memref<!tpu.dma_semaphore, #tpu.memory_space<semaphore_mem>>) src(%dma_wait3A_91 : memref<20x128xi32, #tpu.memory_space<hbm>>) dst(%dma_wait3A_88 : memref<20x128xi32, #tpu.memory_space<vmem>>)
        tpu.yield
      }) : () -> ()
    } else {
    }
    %broadcast_in_dim3A = arith.constant 1.000000e+00 : f32
    %broadcast_in_dim3A_10 = vector.broadcast %broadcast_in_dim3A : f32 to vector<16xf32>
    %scan3A = arith.constant 0 : i32
    %scan3A_11 = arith.constant 0 : i32
    %scan3A_12 = arith.constant 128 : i32
    %scan3A_13 = arith.addi %scan3A_11, %scan3A_12 : i32
    %scan3A_14 = arith.constant 1 : i32
    scf.for %scan3A_70 = %scan3A_11 to %scan3A_13 step %scan3A_14  : i32 {
      %swap3A = arith.index_cast %scan3A_70 : i32 to index
      %swap3A_71 = arith.constant 0 : index
      %swap3A_72 = tpu.vector_load %arg5[%swap3A, %swap3A_71] {strides = array<i32>} : memref<128x128xf32, #tpu.memory_space<vmem>>, vector<1x16xf32>,
      %swap3A_73 = vector.shape_cast %swap3A_72 : vector<1x16xf32> to vector<16xf32>
      %swap3A_74 = vector.shape_cast %broadcast_in_dim3A_10 : vector<16xf32> to vector<1x16xf32>
      tpu.vector_store %arg5[%swap3A, %swap3A_71], %swap3A_74 {strides = array<i32>} : memref<128x128xf32, #tpu.memory_space<vmem>>, vector<1x16xf32>,
      %swap3A_75 = arith.index_cast %scan3A_70 : i32 to index
      %swap3A_76 = arith.constant 16 : index
      %swap3A_77 = tpu.vector_load %arg5[%swap3A_75, %swap3A_76] {strides = array<i32>} : memref<128x128xf32, #tpu.memory_space<vmem>>, vector<1x16xf32>,
      %swap3A_78 = vector.shape_cast %swap3A_77 : vector<1x16xf32> to vector<16xf32>
      %swap3A_79 = vector.shape_cast %broadcast_in_dim3A_10 : vector<16xf32> to vector<1x16xf32>
      tpu.vector_store %arg5[%swap3A_75, %swap3A_76], %swap3A_79 {strides = array<i32>} : memref<128x128xf32, #tpu.memory_space<vmem>>, vector<1x16xf32>,
      %swap3A_80 = arith.index_cast %scan3A_70 : i32 to index
      %swap3A_81 = arith.constant 32 : index
      %swap3A_82 = tpu.vector_load %arg5[%swap3A_80, %swap3A_81] {strides = array<i32>} : memref<128x128xf32, #tpu.memory_space<vmem>>, vector<1x16xf32>,
      %swap3A_83 = vector.shape_cast %swap3A_82 : vector<1x16xf32> to vector<16xf32>
      %swap3A_84 = vector.shape_cast %broadcast_in_dim3A_10 : vector<16xf32> to vector<1x16xf32>
      tpu.vector_store %arg5[%swap3A_80, %swap3A_81], %swap3A_84 {strides = array<i32>} : memref<128x128xf32, #tpu.memory_space<vmem>>, vector<1x16xf32>,
      %swap3A_85 = arith.index_cast %scan3A_70 : i32 to index
      %swap3A_86 = arith.constant 48 : index
      %swap3A_87 = tpu.vector_load %arg5[%swap3A_85, %swap3A_86] {strides = array<i32>} : memref<128x128xf32, #tpu.memory_space<vmem>>, vector<1x16xf32>,
      %swap3A_88 = vector.shape_cast %swap3A_87 : vector<1x16xf32> to vector<16xf32>
      %swap3A_89 = vector.shape_cast %broadcast_in_dim3A_10 : vector<16xf32> to vector<1x16xf32>
      tpu.vector_store %arg5[%swap3A_85, %swap3A_86], %swap3A_89 {strides = array<i32>} : memref<128x128xf32, #tpu.memory_space<vmem>>, vector<1x16xf32>,
      %swap3A_90 = arith.index_cast %scan3A_70 : i32 to index
      %swap3A_91 = arith.constant 64 : index
      %swap3A_92 = tpu.vector_load %arg5[%swap3A_90, %swap3A_91] {strides = array<i32>} : memref<128x128xf32, #tpu.memory_space<vmem>>, vector<1x16xf32>,
      %swap3A_93 = vector.shape_cast %swap3A_92 : vector<1x16xf32> to vector<16xf32>
      %swap3A_94 = vector.shape_cast %broadcast_in_dim3A_10 : vector<16xf32> to vector<1x16xf32>
      tpu.vector_store %arg5[%swap3A_90, %swap3A_91], %swap3A_94 {strides = array<i32>} : memref<128x128xf32, #tpu.memory_space<vmem>>, vector<1x16xf32>,
      %swap3A_95 = arith.index_cast %scan3A_70 : i32 to index
      %swap3A_96 = arith.constant 80 : index
      %swap3A_97 = tpu.vector_load %arg5[%swap3A_95, %swap3A_96] {strides = array<i32>} : memref<128x128xf32, #tpu.memory_space<vmem>>, vector<1x16xf32>,
      %swap3A_98 = vector.shape_cast %swap3A_97 : vector<1x16xf32> to vector<16xf32>
      %swap3A_99 = vector.shape_cast %broadcast_in_dim3A_10 : vector<16xf32> to vector<1x16xf32>
      tpu.vector_store %arg5[%swap3A_95, %swap3A_96], %swap3A_99 {strides = array<i32>} : memref<128x128xf32, #tpu.memory_space<vmem>>, vector<1x16xf32>,
      %swap3A_100 = arith.index_cast %scan3A_70 : i32 to index
      %swap3A_101 = arith.constant 96 : index
      %swap3A_102 = tpu.vector_load %arg5[%swap3A_100, %swap3A_101] {strides = array<i32>} : memref<128x128xf32, #tpu.memory_space<vmem>>, vector<1x16xf32>,
      %swap3A_103 = vector.shape_cast %swap3A_102 : vector<1x16xf32> to vector<16xf32>
      %swap3A_104 = vector.shape_cast %broadcast_in_dim3A_10 : vector<16xf32> to vector<1x16xf32>
      tpu.vector_store %arg5[%swap3A_100, %swap3A_101], %swap3A_104 {strides = array<i32>} : memref<128x128xf32, #tpu.memory_space<vmem>>, vector<1x16xf32>,
      %swap3A_105 = arith.index_cast %scan3A_70 : i32 to index
      %swap3A_106 = arith.constant 112 : index
      %swap3A_107 = tpu.vector_load %arg5[%swap3A_105, %swap3A_106] {strides = array<i32>} : memref<128x128xf32, #tpu.memory_space<vmem>>, vector<1x16xf32>,
      %swap3A_108 = vector.shape_cast %swap3A_107 : vector<1x16xf32> to vector<16xf32>
      %swap3A_109 = vector.shape_cast %broadcast_in_dim3A_10 : vector<16xf32> to vector<1x16xf32>
      tpu.vector_store %arg5[%swap3A_105, %swap3A_106], %swap3A_109 {strides = array<i32>} : memref<128x128xf32, #tpu.memory_space<vmem>>, vector<1x16xf32>,
    }
    %scan3A_15 = arith.constant 128 : i32
    %broadcast_in_dim3A_16 = arith.constant 0.000000e+00 : f32
    %broadcast_in_dim3A_17 = vector.broadcast %broadcast_in_dim3A_16 : f32 to vector<16xf32>
    %scan3A_18 = arith.constant 0 : i32
    %scan3A_19 = arith.constant 0 : i32
    %scan3A_20 = arith.constant 8 : i32
    %scan3A_21 = arith.addi %scan3A_19, %scan3A_20 : i32
    %scan3A_22 = arith.constant 1 : i32
    scf.for %scan3A_70 = %scan3A_19 to %scan3A_21 step %scan3A_22  : i32 {
      %swap3A = arith.index_cast %scan3A_70 : i32 to index
      %swap3A_71 = arith.constant 0 : index
      %swap3A_72 = tpu.vector_load %arg6[%swap3A, %swap3A_71] {strides = array<i32>} : memref<8x128xf32, #tpu.memory_space<vmem>>, vector<1x16xf32>,
      %swap3A_73 = vector.shape_cast %swap3A_72 : vector<1x16xf32> to vector<16xf32>
      %swap3A_74 = vector.shape_cast %broadcast_in_dim3A_17 : vector<16xf32> to vector<1x16xf32>
      tpu.vector_store %arg6[%swap3A, %swap3A_71], %swap3A_74 {strides = array<i32>} : memref<8x128xf32, #tpu.memory_space<vmem>>, vector<1x16xf32>,
      %swap3A_75 = arith.index_cast %scan3A_70 : i32 to index
      %swap3A_76 = arith.constant 16 : index
      %swap3A_77 = tpu.vector_load %arg6[%swap3A_75, %swap3A_76] {strides = array<i32>} : memref<8x128xf32, #tpu.memory_space<vmem>>, vector<1x16xf32>,
      %swap3A_78 = vector.shape_cast %swap3A_77 : vector<1x16xf32> to vector<16xf32>
      %swap3A_79 = vector.shape_cast %broadcast_in_dim3A_17 : vector<16xf32> to vector<1x16xf32>
      tpu.vector_store %arg6[%swap3A_75, %swap3A_76], %swap3A_79 {strides = array<i32>} : memref<8x128xf32, #tpu.memory_space<vmem>>, vector<1x16xf32>,
      %swap3A_80 = arith.index_cast %scan3A_70 : i32 to index
      %swap3A_81 = arith.constant 32 : index
      %swap3A_82 = tpu.vector_load %arg6[%swap3A_80, %swap3A_81] {strides = array<i32>} : memref<8x128xf32, #tpu.memory_space<vmem>>, vector<1x16xf32>,
      %swap3A_83 = vector.shape_cast %swap3A_82 : vector<1x16xf32> to vector<16xf32>
      %swap3A_84 = vector.shape_cast %broadcast_in_dim3A_17 : vector<16xf32> to vector<1x16xf32>
      tpu.vector_store %arg6[%swap3A_80, %swap3A_81], %swap3A_84 {strides = array<i32>} : memref<8x128xf32, #tpu.memory_space<vmem>>, vector<1x16xf32>,
      %swap3A_85 = arith.index_cast %scan3A_70 : i32 to index
      %swap3A_86 = arith.constant 48 : index
      %swap3A_87 = tpu.vector_load %arg6[%swap3A_85, %swap3A_86] {strides = array<i32>} : memref<8x128xf32, #tpu.memory_space<vmem>>, vector<1x16xf32>,
      %swap3A_88 = vector.shape_cast %swap3A_87 : vector<1x16xf32> to vector<16xf32>
      %swap3A_89 = vector.shape_cast %broadcast_in_dim3A_17 : vector<16xf32> to vector<1x16xf32>
      tpu.vector_store %arg6[%swap3A_85, %swap3A_86], %swap3A_89 {strides = array<i32>} : memref<8x128xf32, #tpu.memory_space<vmem>>, vector<1x16xf32>,
      %swap3A_90 = arith.index_cast %scan3A_70 : i32 to index
      %swap3A_91 = arith.constant 64 : index
      %swap3A_92 = tpu.vector_load %arg6[%swap3A_90, %swap3A_91] {strides = array<i32>} : memref<8x128xf32, #tpu.memory_space<vmem>>, vector<1x16xf32>,
      %swap3A_93 = vector.shape_cast %swap3A_92 : vector<1x16xf32> to vector<16xf32>
      %swap3A_94 = vector.shape_cast %broadcast_in_dim3A_17 : vector<16xf32> to vector<1x16xf32>
      tpu.vector_store %arg6[%swap3A_90, %swap3A_91], %swap3A_94 {strides = array<i32>} : memref<8x128xf32, #tpu.memory_space<vmem>>, vector<1x16xf32>,
      %swap3A_95 = arith.index_cast %scan3A_70 : i32 to index
      %swap3A_96 = arith.constant 80 : index
      %swap3A_97 = tpu.vector_load %arg6[%swap3A_95, %swap3A_96] {strides = array<i32>} : memref<8x128xf32, #tpu.memory_space<vmem>>, vector<1x16xf32>,
      %swap3A_98 = vector.shape_cast %swap3A_97 : vector<1x16xf32> to vector<16xf32>
      %swap3A_99 = vector.shape_cast %broadcast_in_dim3A_17 : vector<16xf32> to vector<1x16xf32>
      tpu.vector_store %arg6[%swap3A_95, %swap3A_96], %swap3A_99 {strides = array<i32>} : memref<8x128xf32, #tpu.memory_space<vmem>>, vector<1x16xf32>,
      %swap3A_100 = arith.index_cast %scan3A_70 : i32 to index
      %swap3A_101 = arith.constant 96 : index
      %swap3A_102 = tpu.vector_load %arg6[%swap3A_100, %swap3A_101] {strides = array<i32>} : memref<8x128xf32, #tpu.memory_space<vmem>>, vector<1x16xf32>,
      %swap3A_103 = vector.shape_cast %swap3A_102 : vector<1x16xf32> to vector<16xf32>
      %swap3A_104 = vector.shape_cast %broadcast_in_dim3A_17 : vector<16xf32> to vector<1x16xf32>
      tpu.vector_store %arg6[%swap3A_100, %swap3A_101], %swap3A_104 {strides = array<i32>} : memref<8x128xf32, #tpu.memory_space<vmem>>, vector<1x16xf32>,
      %swap3A_105 = arith.index_cast %scan3A_70 : i32 to index
      %swap3A_106 = arith.constant 112 : index
      %swap3A_107 = tpu.vector_load %arg6[%swap3A_105, %swap3A_106] {strides = array<i32>} : memref<8x128xf32, #tpu.memory_space<vmem>>, vector<1x16xf32>,
      %swap3A_108 = vector.shape_cast %swap3A_107 : vector<1x16xf32> to vector<16xf32>
      %swap3A_109 = vector.shape_cast %broadcast_in_dim3A_17 : vector<16xf32> to vector<1x16xf32>
      tpu.vector_store %arg6[%swap3A_105, %swap3A_106], %swap3A_109 {strides = array<i32>} : memref<8x128xf32, #tpu.memory_space<vmem>>, vector<1x16xf32>,
    }
    %scan3A_23 = arith.constant 8 : i32
    %scan3A_24 = arith.constant 0 : i32
    %scan3A_25 = arith.constant 0 : i32
    %scan3A_26 = arith.constant 78 : i32
    %scan3A_27 = arith.addi %scan3A_25, %scan3A_26 : i32
    %scan3A_28 = arith.constant 1 : i32
    scf.for %scan3A_70 = %scan3A_25 to %scan3A_27 step %scan3A_28  : i32 {
      %mul3A_71 = arith.constant 624 : i32
      %mul3A_72 = arith.muli %arg1, %mul3A_71 : i32
      %mul3A_73 = arith.constant 8 : i32
      %mul3A_74 = arith.muli %scan3A_70, %mul3A_73 : i32
      %add3A_75 = arith.addi %mul3A_72, %mul3A_74 : i32
      %dma_start3A = arith.constant 0 : i32
      %dma_start3A_76 = arith.constant 0 : i32
      %dma_start3A_77 = tpu.memref_slice %arg6[%dma_start3A, %dma_start3A_76] : memref<8x128xf32, #tpu.memory_space<vmem>> -> memref<8x128xf32, #tpu.memory_space<vmem>>
      %dma_start3A_78 = arith.constant 0 : i32
      %dma_start3A_79 = tpu.memref_slice %arg7[%add3A_75, %dma_start3A_78] : memref<10000x128xf32, #tpu.memory_space<vmem_shared>> -> memref<8x128xf32, #tpu.memory_space<vmem_shared>>
      %dma_start3A_80 = arith.constant 0 : i32
      %dma_start3A_81 = tpu.memref_slice %arg7[%add3A_75, %dma_start3A_80] : memref<10000x128xf32, #tpu.memory_space<vmem_shared>> -> memref<8x128xf32, #tpu.memory_space<vmem_shared>>
      %dma_start3A_82 = arith.constant 0 : i32
      %dma_start3A_83 = arith.constant 0 : i32
      %dma_start3A_84 = tpu.memref_slice %arg6[%dma_start3A_82, %dma_start3A_83] : memref<8x128xf32, #tpu.memory_space<vmem>> -> memref<8x128xf32, #tpu.memory_space<vmem>>
      tpu.enqueue_dma source(%dma_start3A_84 : memref<8x128xf32, #tpu.memory_space<vmem>>) target(%dma_start3A_81 : memref<8x128xf32, #tpu.memory_space<vmem_shared>>) target_semaphore(%arg9 : memref<!tpu.dma_semaphore, #tpu.memory_space<semaphore_mem>>)
    }
    %scan3A_29 = arith.constant 78 : i32
    %eq3A_30 = arith.constant 0 : i32
    %eq3A_31 = arith.cmpi eq, %arg1, %eq3A_30 : i32
    %convert_element_type3A_32 = arith.extui %eq3A_31 : i1 to i32
    %cond3A_33 = arith.constant 0 : i32
    %cond3A_34 = arith.cmpi ne, %convert_element_type3A_32, %cond3A_33 : i32
    scf.if %cond3A_34 {
      "tpu.region"() ({
        %run_scoped3A = tpu.sem_alloc : memref<!tpu.dma_semaphore, #tpu.memory_space<semaphore_mem>>
        %dma_start3A = arith.constant 0 : i32
        %dma_start3A_70 = arith.constant 0 : i32
        %dma_start3A_71 = tpu.memref_slice %arg6[%dma_start3A, %dma_start3A_70] : memref<8x128xf32, #tpu.memory_space<vmem>> -> memref<8x128xf32, #tpu.memory_space<vmem>>
        %dma_start3A_72 = arith.constant 9984 : i32
        %dma_start3A_73 = arith.constant 0 : i32
        %dma_start3A_74 = tpu.memref_slice %arg7[%dma_start3A_72, %dma_start3A_73] : memref<10000x128xf32, #tpu.memory_space<vmem_shared>> -> memref<8x128xf32, #tpu.memory_space<vmem_shared>>
        %dma_start3A_75 = arith.constant 9984 : i32
        %dma_start3A_76 = arith.constant 0 : i32
        %dma_start3A_77 = tpu.memref_slice %arg7[%dma_start3A_75, %dma_start3A_76] : memref<10000x128xf32, #tpu.memory_space<vmem_shared>> -> memref<8x128xf32, #tpu.memory_space<vmem_shared>>
        %dma_start3A_78 = arith.constant 0 : i32
        %dma_start3A_79 = arith.constant 0 : i32
        %dma_start3A_80 = tpu.memref_slice %arg6[%dma_start3A_78, %dma_start3A_79] : memref<8x128xf32, #tpu.memory_space<vmem>> -> memref<8x128xf32, #tpu.memory_space<vmem>>
        tpu.enqueue_dma source(%dma_start3A_80 : memref<8x128xf32, #tpu.memory_space<vmem>>) target(%dma_start3A_77 : memref<8x128xf32, #tpu.memory_space<vmem_shared>>) target_semaphore(%run_scoped3A : memref<!tpu.dma_semaphore, #tpu.memory_space<semaphore_mem>>)
        %dma_wait3A = arith.constant 0 : i32
        %dma_wait3A_81 = arith.constant 0 : i32
        %dma_wait3A_82 = tpu.memref_slice %arg6[%dma_wait3A, %dma_wait3A_81] : memref<8x128xf32, #tpu.memory_space<vmem>> -> memref<8x128xf32, #tpu.memory_space<vmem>>
        %dma_wait3A_83 = arith.constant 9984 : i32
        %dma_wait3A_84 = arith.constant 0 : i32
        %dma_wait3A_85 = tpu.memref_slice %arg7[%dma_wait3A_83, %dma_wait3A_84] : memref<10000x128xf32, #tpu.memory_space<vmem_shared>> -> memref<8x128xf32, #tpu.memory_space<vmem_shared>>
        %dma_wait3A_86 = arith.constant 9984 : i32
        %dma_wait3A_87 = arith.constant 0 : i32
        %dma_wait3A_88 = tpu.memref_slice %arg7[%dma_wait3A_86, %dma_wait3A_87] : memref<10000x128xf32, #tpu.memory_space<vmem_shared>> -> memref<8x128xf32, #tpu.memory_space<vmem_shared>>
        %dma_wait3A_89 = arith.constant 0 : i32
        %dma_wait3A_90 = arith.constant 0 : i32
        %dma_wait3A_91 = tpu.memref_slice %arg6[%dma_wait3A_89, %dma_wait3A_90] : memref<8x128xf32, #tpu.memory_space<vmem>> -> memref<8x128xf32, #tpu.memory_space<vmem>>
        tpu.wait_dma2 semaphore(%run_scoped3A : memref<!tpu.dma_semaphore, #tpu.memory_space<semaphore_mem>>) src(%dma_wait3A_91 : memref<8x128xf32, #tpu.memory_space<vmem>>) dst(%dma_wait3A_88 : memref<8x128xf32, #tpu.memory_space<vmem_shared>>)
        tpu.yield
      }) : () -> ()
      "tpu.region"() ({
        %run_scoped3A = tpu.sem_alloc : memref<!tpu.dma_semaphore, #tpu.memory_space<semaphore_mem>>
        %dma_start3A = arith.constant 0 : i32
        %dma_start3A_70 = arith.constant 0 : i32
        %dma_start3A_71 = tpu.memref_slice %arg6[%dma_start3A, %dma_start3A_70] : memref<8x128xf32, #tpu.memory_space<vmem>> -> memref<8x128xf32, #tpu.memory_space<vmem>>
        %dma_start3A_72 = arith.constant 9992 : i32
        %dma_start3A_73 = arith.constant 0 : i32
        %dma_start3A_74 = tpu.memref_slice %arg7[%dma_start3A_72, %dma_start3A_73] : memref<10000x128xf32, #tpu.memory_space<vmem_shared>> -> memref<8x128xf32, #tpu.memory_space<vmem_shared>>
        %dma_start3A_75 = arith.constant 9992 : i32
        %dma_start3A_76 = arith.constant 0 : i32
        %dma_start3A_77 = tpu.memref_slice %arg7[%dma_start3A_75, %dma_start3A_76] : memref<10000x128xf32, #tpu.memory_space<vmem_shared>> -> memref<8x128xf32, #tpu.memory_space<vmem_shared>>
        %dma_start3A_78 = arith.constant 0 : i32
        %dma_start3A_79 = arith.constant 0 : i32
        %dma_start3A_80 = tpu.memref_slice %arg6[%dma_start3A_78, %dma_start3A_79] : memref<8x128xf32, #tpu.memory_space<vmem>> -> memref<8x128xf32, #tpu.memory_space<vmem>>
        tpu.enqueue_dma source(%dma_start3A_80 : memref<8x128xf32, #tpu.memory_space<vmem>>) target(%dma_start3A_77 : memref<8x128xf32, #tpu.memory_space<vmem_shared>>) target_semaphore(%run_scoped3A : memref<!tpu.dma_semaphore, #tpu.memory_space<semaphore_mem>>)
        %dma_wait3A = arith.constant 0 : i32
        %dma_wait3A_81 = arith.constant 0 : i32
        %dma_wait3A_82 = tpu.memref_slice %arg6[%dma_wait3A, %dma_wait3A_81] : memref<8x128xf32, #tpu.memory_space<vmem>> -> memref<8x128xf32, #tpu.memory_space<vmem>>
        %dma_wait3A_83 = arith.constant 9992 : i32
        %dma_wait3A_84 = arith.constant 0 : i32
        %dma_wait3A_85 = tpu.memref_slice %arg7[%dma_wait3A_83, %dma_wait3A_84] : memref<10000x128xf32, #tpu.memory_space<vmem_shared>> -> memref<8x128xf32, #tpu.memory_space<vmem_shared>>
        %dma_wait3A_86 = arith.constant 9992 : i32
        %dma_wait3A_87 = arith.constant 0 : i32
        %dma_wait3A_88 = tpu.memref_slice %arg7[%dma_wait3A_86, %dma_wait3A_87] : memref<10000x128xf32, #tpu.memory_space<vmem_shared>> -> memref<8x128xf32, #tpu.memory_space<vmem_shared>>
        %dma_wait3A_89 = arith.constant 0 : i32
        %dma_wait3A_90 = arith.constant 0 : i32
        %dma_wait3A_91 = tpu.memref_slice %arg6[%dma_wait3A_89, %dma_wait3A_90] : memref<8x128xf32, #tpu.memory_space<vmem>> -> memref<8x128xf32, #tpu.memory_space<vmem>>
        tpu.wait_dma2 semaphore(%run_scoped3A : memref<!tpu.dma_semaphore, #tpu.memory_space<semaphore_mem>>) src(%dma_wait3A_91 : memref<8x128xf32, #tpu.memory_space<vmem>>) dst(%dma_wait3A_88 : memref<8x128xf32, #tpu.memory_space<vmem_shared>>)
        tpu.yield
      }) : () -> ()
    } else {
    }
    %scan3A_35 = arith.constant 0 : i32
    %scan3A_36 = arith.constant 0 : i32
    %scan3A_37 = arith.constant 78 : i32
    %scan3A_38 = arith.addi %scan3A_36, %scan3A_37 : i32
    %scan3A_39 = arith.constant 1 : i32
    scf.for %scan3A_70 = %scan3A_36 to %scan3A_38 step %scan3A_39  : i32 {
      %mul3A_71 = arith.constant 624 : i32
      %mul3A_72 = arith.muli %arg1, %mul3A_71 : i32
      %mul3A_73 = arith.constant 8 : i32
      %mul3A_74 = arith.muli %scan3A_70, %mul3A_73 : i32
      %add3A_75 = arith.addi %mul3A_72, %mul3A_74 : i32
      %dma_wait3A = arith.constant 0 : i32
      %dma_wait3A_76 = arith.constant 0 : i32
      %dma_wait3A_77 = tpu.memref_slice %arg6[%dma_wait3A, %dma_wait3A_76] : memref<8x128xf32, #tpu.memory_space<vmem>> -> memref<8x128xf32, #tpu.memory_space<vmem>>
      %dma_wait3A_78 = arith.constant 0 : i32
      %dma_wait3A_79 = tpu.memref_slice %arg7[%add3A_75, %dma_wait3A_78] : memref<10000x128xf32, #tpu.memory_space<vmem_shared>> -> memref<8x128xf32, #tpu.memory_space<vmem_shared>>
      %dma_wait3A_80 = arith.constant 0 : i32
      %dma_wait3A_81 = tpu.memref_slice %arg7[%add3A_75, %dma_wait3A_80] : memref<10000x128xf32, #tpu.memory_space<vmem_shared>> -> memref<8x128xf32, #tpu.memory_space<vmem_shared>>
      %dma_wait3A_82 = arith.constant 0 : i32
      %dma_wait3A_83 = arith.constant 0 : i32
      %dma_wait3A_84 = tpu.memref_slice %arg6[%dma_wait3A_82, %dma_wait3A_83] : memref<8x128xf32, #tpu.memory_space<vmem>> -> memref<8x128xf32, #tpu.memory_space<vmem>>
      tpu.wait_dma2 semaphore(%arg9 : memref<!tpu.dma_semaphore, #tpu.memory_space<semaphore_mem>>) src(%dma_wait3A_84 : memref<8x128xf32, #tpu.memory_space<vmem>>) dst(%dma_wait3A_81 : memref<8x128xf32, #tpu.memory_space<vmem_shared>>)
    }
    %scan3A_40 = arith.constant 78 : i32
    %barrier3A = arith.constant 0 : index
    tpu.barrier barrier_id(%barrier3A)
    %while3A = arith.constant 0 : i32
    %while3A_41 = arith.constant 0 : i32
    %while3A_42 = arith.subi %select_n3A, %while3A_41 : i32
    %while3A_43 = arith.addi %while3A_41, %while3A_42 : i32
    %while3A_44 = arith.constant 1 : i32
    %while3A_45 = arith.divsi %while3A_42, %while3A_44 : i32
    %while3A_46 = arith.muli %while3A_45, %while3A_44 : i32
    %while3A_47 = arith.addi %while3A_41, %while3A_46 : i32
    %while3A_48 = arith.constant 1 : i32
    scf.for %while3A_70 = %while3A_41 to %while3A_47 step %while3A_48  : i32 {
      %dma_start3A = arith.constant 0 : i32
      %dma_start3A_71 = tpu.memref_slice %arg4[%while3A_70, %dma_start3A] : memref<80x128xi32, #tpu.memory_space<vmem>> -> memref<1x128xi32, #tpu.memory_space<vmem>>
      %dma_start3A_72 = tpu.memref_squeeze %dma_start3A_71 : memref<1x128xi32, #tpu.memory_space<vmem>> -> memref<128xi32, #tpu.memory_space<vmem>>
      %dma_start3A_73 = arith.constant 0 : i32
      %dma_start3A_74 = arith.constant 0 : i32
      %dma_start3A_75 = tpu.memref_slice %arg7[%dma_start3A_73, %dma_start3A_74] : memref<10000x128xf32, #tpu.memory_space<vmem_shared>> -> memref<10000x128xf32, #tpu.memory_space<vmem_shared>>
      tpu.enqueue_indirect_dma source(%arg5 : memref<128x128xf32, #tpu.memory_space<vmem>>) target(%dma_start3A_75 : memref<10000x128xf32, #tpu.memory_space<vmem_shared>>) offsets(%dma_start3A_72 : memref<128xi32, #tpu.memory_space<vmem>>) semaphore(%arg8 : memref<!tpu.dma_semaphore, #tpu.memory_space<semaphore_mem>>) {add = true}
    }
    %while3A_49 = arith.constant 1 : i32
    scf.for %while3A_70 = %while3A_47 to %while3A_43 step %while3A_49  : i32 {
      %dma_start3A = arith.constant 0 : i32
      %dma_start3A_71 = tpu.memref_slice %arg4[%while3A_70, %dma_start3A] : memref<80x128xi32, #tpu.memory_space<vmem>> -> memref<1x128xi32, #tpu.memory_space<vmem>>
      %dma_start3A_72 = tpu.memref_squeeze %dma_start3A_71 : memref<1x128xi32, #tpu.memory_space<vmem>> -> memref<128xi32, #tpu.memory_space<vmem>>
      %dma_start3A_73 = arith.constant 0 : i32
      %dma_start3A_74 = arith.constant 0 : i32
      %dma_start3A_75 = tpu.memref_slice %arg7[%dma_start3A_73, %dma_start3A_74] : memref<10000x128xf32, #tpu.memory_space<vmem_shared>> -> memref<10000x128xf32, #tpu.memory_space<vmem_shared>>
      tpu.enqueue_indirect_dma source(%arg5 : memref<128x128xf32, #tpu.memory_space<vmem>>) target(%dma_start3A_75 : memref<10000x128xf32, #tpu.memory_space<vmem_shared>>) offsets(%dma_start3A_72 : memref<128xi32, #tpu.memory_space<vmem>>) semaphore(%arg8 : memref<!tpu.dma_semaphore, #tpu.memory_space<semaphore_mem>>) {add = true}
    }
    %while3A_50 = arith.constant 0 : i32
    %while3A_51 = arith.constant 0 : i32
    %while3A_52 = arith.subi %select_n3A, %while3A_51 : i32
    %while3A_53 = arith.addi %while3A_51, %while3A_52 : i32
    %while3A_54 = arith.constant 1 : i32
    %while3A_55 = arith.divsi %while3A_52, %while3A_54 : i32
    %while3A_56 = arith.muli %while3A_55, %while3A_54 : i32
    %while3A_57 = arith.addi %while3A_51, %while3A_56 : i32
    %while3A_58 = arith.constant 1 : i32
    scf.for %while3A_70 = %while3A_51 to %while3A_57 step %while3A_58  : i32 {
      %dma_wait3A = arith.constant 0 : i32
      %dma_wait3A_71 = tpu.memref_slice %arg4[%while3A_70, %dma_wait3A] : memref<80x128xi32, #tpu.memory_space<vmem>> -> memref<1x128xi32, #tpu.memory_space<vmem>>
      %dma_wait3A_72 = tpu.memref_squeeze %dma_wait3A_71 : memref<1x128xi32, #tpu.memory_space<vmem>> -> memref<128xi32, #tpu.memory_space<vmem>>
      %dma_wait3A_73 = arith.constant 0 : i32
      %dma_wait3A_74 = arith.constant 0 : i32
      %dma_wait3A_75 = tpu.memref_slice %arg7[%dma_wait3A_73, %dma_wait3A_74] : memref<10000x128xf32, #tpu.memory_space<vmem_shared>> -> memref<10000x128xf32, #tpu.memory_space<vmem_shared>>
      tpu.wait_indirect_dma semaphore(%arg8 : memref<!tpu.dma_semaphore, #tpu.memory_space<semaphore_mem>>) src(%arg5 : memref<128x128xf32, #tpu.memory_space<vmem>>) dst(%dma_wait3A_75 : memref<10000x128xf32, #tpu.memory_space<vmem_shared>>)
    }
    %while3A_59 = arith.constant 1 : i32
    scf.for %while3A_70 = %while3A_57 to %while3A_53 step %while3A_59  : i32 {
      %dma_wait3A = arith.constant 0 : i32
      %dma_wait3A_71 = tpu.memref_slice %arg4[%while3A_70, %dma_wait3A] : memref<80x128xi32, #tpu.memory_space<vmem>> -> memref<1x128xi32, #tpu.memory_space<vmem>>
      %dma_wait3A_72 = tpu.memref_squeeze %dma_wait3A_71 : memref<1x128xi32, #tpu.memory_space<vmem>> -> memref<128xi32, #tpu.memory_space<vmem>>
      %dma_wait3A_73 = arith.constant 0 : i32
      %dma_wait3A_74 = arith.constant 0 : i32
      %dma_wait3A_75 = tpu.memref_slice %arg7[%dma_wait3A_73, %dma_wait3A_74] : memref<10000x128xf32, #tpu.memory_space<vmem_shared>> -> memref<10000x128xf32, #tpu.memory_space<vmem_shared>>
      tpu.wait_indirect_dma semaphore(%arg8 : memref<!tpu.dma_semaphore, #tpu.memory_space<semaphore_mem>>) src(%arg5 : memref<128x128xf32, #tpu.memory_space<vmem>>) dst(%dma_wait3A_75 : memref<10000x128xf32, #tpu.memory_space<vmem_shared>>)
    }
    %barrier3A_60 = arith.constant 0 : index
    tpu.barrier barrier_id(%barrier3A_60)
    %mul3A_61 = arith.constant 624 : i32
    %mul3A_62 = arith.muli %arg1, %mul3A_61 : i32
    %mul3A_63 = arith.constant 624 : i32
    %mul3A_64 = arith.muli %arg1, %mul3A_63 : i32
    "tpu.region"() ({
      %run_scoped3A = tpu.sem_alloc : memref<!tpu.dma_semaphore, #tpu.memory_space<semaphore_mem>>
      %dma_start3A = arith.constant 0 : i32
      %dma_start3A_70 = tpu.memref_slice %arg3[%arg0, %mul3A_64, %dma_start3A] : memref<2x10000x128xf32, #tpu.memory_space<hbm>> -> memref<1x624x128xf32, #tpu.memory_space<hbm>>
      %dma_start3A_71 = tpu.memref_squeeze %dma_start3A_70 : memref<1x624x128xf32, #tpu.memory_space<hbm>> -> memref<624x128xf32, #tpu.memory_space<hbm>>
      %dma_start3A_72 = arith.constant 0 : i32
      %dma_start3A_73 = tpu.memref_slice %arg7[%mul3A_62, %dma_start3A_72] : memref<10000x128xf32, #tpu.memory_space<vmem_shared>> -> memref<624x128xf32, #tpu.memory_space<vmem_shared>>
      tpu.enqueue_dma source(%dma_start3A_73 : memref<624x128xf32, #tpu.memory_space<vmem_shared>>) target(%dma_start3A_71 : memref<624x128xf32, #tpu.memory_space<hbm>>) target_semaphore(%run_scoped3A : memref<!tpu.dma_semaphore, #tpu.memory_space<semaphore_mem>>)
      %dma_wait3A = arith.constant 0 : i32
      %dma_wait3A_74 = tpu.memref_slice %arg3[%arg0, %mul3A_64, %dma_wait3A] : memref<2x10000x128xf32, #tpu.memory_space<hbm>> -> memref<1x624x128xf32, #tpu.memory_space<hbm>>
      %dma_wait3A_75 = tpu.memref_squeeze %dma_wait3A_74 : memref<1x624x128xf32, #tpu.memory_space<hbm>> -> memref<624x128xf32, #tpu.memory_space<hbm>>
      %dma_wait3A_76 = arith.constant 0 : i32
      %dma_wait3A_77 = tpu.memref_slice %arg7[%mul3A_62, %dma_wait3A_76] : memref<10000x128xf32, #tpu.memory_space<vmem_shared>> -> memref<624x128xf32, #tpu.memory_space<vmem_shared>>
      tpu.wait_dma2 semaphore(%run_scoped3A : memref<!tpu.dma_semaphore, #tpu.memory_space<semaphore_mem>>) src(%dma_wait3A_77 : memref<624x128xf32, #tpu.memory_space<vmem_shared>>) dst(%dma_wait3A_75 : memref<624x128xf32, #tpu.memory_space<hbm>>)
      tpu.yield
    }) : () -> ()
    %eq3A_65 = arith.constant 0 : i32
    %eq3A_66 = arith.cmpi eq, %arg1, %eq3A_65 : i32
    %convert_element_type3A_67 = arith.extui %eq3A_66 : i1 to i32
    %cond3A_68 = arith.constant 0 : i32
    %cond3A_69 = arith.cmpi ne, %convert_element_type3A_67, %cond3A_68 : i32
    scf.if %cond3A_69 {
      "tpu.region"() ({
        %run_scoped3A = tpu.sem_alloc : memref<!tpu.dma_semaphore, #tpu.memory_space<semaphore_mem>>
        %dma_start3A = arith.constant 9984 : i32
        %dma_start3A_70 = arith.constant 0 : i32
        %dma_start3A_71 = tpu.memref_slice %arg3[%arg0, %dma_start3A, %dma_start3A_70] : memref<2x10000x128xf32, #tpu.memory_space<hbm>> -> memref<1x16x128xf32, #tpu.memory_space<hbm>>
        %dma_start3A_72 = tpu.memref_squeeze %dma_start3A_71 : memref<1x16x128xf32, #tpu.memory_space<hbm>> -> memref<16x128xf32, #tpu.memory_space<hbm>>
        %dma_start3A_73 = arith.constant 9984 : i32
        %dma_start3A_74 = arith.constant 0 : i32
        %dma_start3A_75 = tpu.memref_slice %arg7[%dma_start3A_73, %dma_start3A_74] : memref<10000x128xf32, #tpu.memory_space<vmem_shared>> -> memref<16x128xf32, #tpu.memory_space<vmem_shared>>
        tpu.enqueue_dma source(%dma_start3A_75 : memref<16x128xf32, #tpu.memory_space<vmem_shared>>) target(%dma_start3A_72 : memref<16x128xf32, #tpu.memory_space<hbm>>) target_semaphore(%run_scoped3A : memref<!tpu.dma_semaphore, #tpu.memory_space<semaphore_mem>>)
        %dma_wait3A = arith.constant 9984 : i32
        %dma_wait3A_76 = arith.constant 0 : i32
        %dma_wait3A_77 = tpu.memref_slice %arg3[%arg0, %dma_wait3A, %dma_wait3A_76] : memref<2x10000x128xf32, #tpu.memory_space<hbm>> -> memref<1x16x128xf32, #tpu.memory_space<hbm>>
        %dma_wait3A_78 = tpu.memref_squeeze %dma_wait3A_77 : memref<1x16x128xf32, #tpu.memory_space<hbm>> -> memref<16x128xf32, #tpu.memory_space<hbm>>
        %dma_wait3A_79 = arith.constant 9984 : i32
        %dma_wait3A_80 = arith.constant 0 : i32
        %dma_wait3A_81 = tpu.memref_slice %arg7[%dma_wait3A_79, %dma_wait3A_80] : memref<10000x128xf32, #tpu.memory_space<vmem_shared>> -> memref<16x128xf32, #tpu.memory_space<vmem_shared>>
        tpu.wait_dma2 semaphore(%run_scoped3A : memref<!tpu.dma_semaphore, #tpu.memory_space<semaphore_mem>>) src(%dma_wait3A_81 : memref<16x128xf32, #tpu.memory_space<vmem_shared>>) dst(%dma_wait3A_78 : memref<16x128xf32, #tpu.memory_space<hbm>>)
        tpu.yield
      }) : () -> ()
    } else {
    }
    return
  }
}

module attributes {stable_mosaic.version = 14 : i64} {
  func.func @_tc_xw_body(%arg0: i32, %arg1: memref<2000x512xf32, #tpu.memory_space<vmem>>, %arg2: memref<512x128xf32, #tpu.memory_space<vmem>>, %arg3: memref<1x128xf32, #tpu.memory_space<vmem>>, %arg4: memref<128x128xf32, #tpu.memory_space<vmem>>, %arg5: memref<2000x128xf32, #tpu.memory_space<vmem>>) attributes {dimension_semantics = [#tpu.dimension_semantics<arbitrary>], iteration_bounds = array<i64: 5>, scalar_prefetch = 0 : i64, scratch_operands = 0 : i64, tpu.core_type = #tpu.core_type<tc>, window_params = [{transform_indices = @transform_0, window_bounds = array<i64: 2000, 512>}, {pipeline_mode = #tpu.pipeline_mode<synchronous>, transform_indices = @transform_1, window_bounds = array<i64: 512, 128>}, {pipeline_mode = #tpu.pipeline_mode<synchronous>, transform_indices = @transform_2, window_bounds = array<i64: 1, 128>}, {pipeline_mode = #tpu.pipeline_mode<synchronous>, transform_indices = @transform_3, window_bounds = array<i64: 128, 128>}, {transform_indices = @transform_4, window_bounds = array<i64: 2000, 128>}]} {
    %get3A = arith.constant 0 : index
    %get3A_0 = arith.constant 0 : index
    %get3A_1 = vector.load %arg1[%get3A, %get3A_0] : memref<2000x512xf32, #tpu.memory_space<vmem>>, vector<2000x512xf32>
    %get3A_2 = arith.constant 0 : index
    %get3A_3 = arith.constant 0 : index
    %get3A_4 = vector.load %arg2[%get3A_2, %get3A_3] : memref<512x128xf32, #tpu.memory_space<vmem>>, vector<512x128xf32>
    %dot_general3A = arith.constant dense<0.000000e+00> : vector<2000x128xf32>
    %dot_general3A_5 = tpu.matmul %get3A_1, %get3A_4, %dot_general3A {dimension_numbers = #tpu.dot_dimension_numbers<[1], [0], [0], [1], [0, 0, 1, 1], [], []>, transpose_lhs_hint = false} : vector<2000x512xf32>, vector<512x128xf32>, vector<2000x128xf32> -> vector<2000x128xf32>
    %get3A_6 = arith.constant 0 : index
    %get3A_7 = arith.constant 0 : index
    %get3A_8 = vector.load %arg3[%get3A_6, %get3A_7] : memref<1x128xf32, #tpu.memory_space<vmem>>, vector<1x128xf32>
    %add3A = vector.broadcast %get3A_8 : vector<1x128xf32> to vector<2000x128xf32>
    %add3A_9 = arith.addf %dot_general3A_5, %add3A : vector<2000x128xf32>
    %max3A = arith.constant 0.000000e+00 : f32
    %max3A_10 = vector.broadcast %max3A : f32 to vector<2000x128xf32>
    %max3A_11 = arith.maximumf %add3A_9, %max3A_10 : vector<2000x128xf32>
    %get3A_12 = arith.constant 0 : index
    %get3A_13 = arith.constant 0 : index
    %get3A_14 = vector.load %arg4[%get3A_12, %get3A_13] : memref<128x128xf32, #tpu.memory_space<vmem>>, vector<128x128xf32>
    %dot_general3A_15 = arith.constant dense<0.000000e+00> : vector<2000x128xf32>
    %dot_general3A_16 = tpu.matmul %max3A_11, %get3A_14, %dot_general3A_15 {dimension_numbers = #tpu.dot_dimension_numbers<[1], [0], [0], [1], [0, 0, 1, 1], [], []>, transpose_lhs_hint = false} : vector<2000x128xf32>, vector<128x128xf32>, vector<2000x128xf32> -> vector<2000x128xf32>
    %swap3A = arith.constant 0 : index
    %swap3A_17 = arith.constant 0 : index
    %swap3A_18 = vector.load %arg5[%swap3A, %swap3A_17] : memref<2000x128xf32, #tpu.memory_space<vmem>>, vector<2000x128xf32>
    tpu.vector_store %arg5[%swap3A, %swap3A_17], %dot_general3A_16 {strides = array<i32>} : memref<2000x128xf32, #tpu.memory_space<vmem>>, vector<2000x128xf32>,
    return
  }
  func.func @transform_0(%arg0: i32) -> (i32, i32) {
    %c0_i32 = arith.constant 0 : i32
    %c0_i32_0 = arith.constant 0 : i32
    return %arg0, %c0_i32 : i32, i32
  }
  func.func @transform_1(%arg0: i32) -> (i32, i32) {
    %c0_i32 = arith.constant 0 : i32
    %c0_i32_0 = arith.constant 0 : i32
    %c0_i32_1 = arith.constant 0 : i32
    return %c0_i32, %c0_i32_0 : i32, i32
  }
  func.func @transform_2(%arg0: i32) -> (i32, i32) {
    %c0_i32 = arith.constant 0 : i32
    %c0_i32_0 = arith.constant 0 : i32
    %c0_i32_1 = arith.constant 0 : i32
    return %c0_i32, %c0_i32_0 : i32, i32
  }
  func.func @transform_3(%arg0: i32) -> (i32, i32) {
    %c0_i32 = arith.constant 0 : i32
    %c0_i32_0 = arith.constant 0 : i32
    %c0_i32_1 = arith.constant 0 : i32
    return %c0_i32, %c0_i32_0 : i32, i32
  }
  func.func @transform_4(%arg0: i32) -> (i32, i32) {
    %c0_i32 = arith.constant 0 : i32
    %c0_i32_0 = arith.constant 0 : i32
    return %arg0, %c0_i32 : i32, i32
  }
}

module attributes {stable_mosaic.version = 14 : i64} {
  func.func @_tc_scale_body(%arg0: i32, %arg1: memref<2x2000x128xf32, #tpu.memory_space<vmem>>, %arg2: memref<2000x128xf32, #tpu.memory_space<vmem>>, %arg3: memref<2000x128xf32, #tpu.memory_space<vmem>>, %arg4: memref<2000x1xf32, #tpu.memory_space<vmem>>) attributes {dimension_semantics = [#tpu.dimension_semantics<arbitrary>], iteration_bounds = array<i64: 5>, scalar_prefetch = 0 : i64, scratch_operands = 0 : i64, tpu.core_type = #tpu.core_type<tc>, window_params = [{transform_indices = @transform_0, window_bounds = array<i64: 2, 2000, 128>}, {transform_indices = @transform_1, window_bounds = array<i64: 2000, 128>}, {transform_indices = @transform_2, window_bounds = array<i64: 2000, 128>}, {transform_indices = @transform_3, window_bounds = array<i64: 2000, 1>}]} {
    %get3A = arith.constant 0 : index
    %get3A_0 = arith.constant 0 : index
    %get3A_1 = arith.constant 0 : index
    %get3A_2 = vector.load %arg1[%get3A, %get3A_0, %get3A_1] : memref<2x2000x128xf32, #tpu.memory_space<vmem>>, vector<1x2000x1xf32>
    %get3A_3 = vector.shape_cast %get3A_2 : vector<1x2000x1xf32> to vector<2000x1xf32>
    %get3A_4 = arith.constant 1 : index
    %get3A_5 = arith.constant 0 : index
    %get3A_6 = arith.constant 0 : index
    %get3A_7 = vector.load %arg1[%get3A_4, %get3A_5, %get3A_6] : memref<2x2000x128xf32, #tpu.memory_space<vmem>>, vector<1x2000x1xf32>
    %get3A_8 = vector.shape_cast %get3A_7 : vector<1x2000x1xf32> to vector<2000x1xf32>
    %add3A = arith.addf %get3A_3, %get3A_8 : vector<2000x1xf32>
    %add3A_9 = arith.constant 1.000000e+00 : f32
    %add3A_10 = vector.broadcast %add3A_9 : f32 to vector<2000x1xf32>
    %add3A_11 = arith.addf %add3A, %add3A_10 : vector<2000x1xf32>
    %rsqrt3A = math.rsqrt %add3A_11 : vector<2000x1xf32>
    %get3A_12 = arith.constant 0 : index
    %get3A_13 = arith.constant 0 : index
    %get3A_14 = vector.load %arg2[%get3A_12, %get3A_13] : memref<2000x128xf32, #tpu.memory_space<vmem>>, vector<2000x128xf32>
    %mul3A = vector.broadcast %rsqrt3A : vector<2000x1xf32> to vector<2000x128xf32>
    %mul3A_15 = arith.mulf %get3A_14, %mul3A : vector<2000x128xf32>
    %swap3A = arith.constant 0 : index
    %swap3A_16 = arith.constant 0 : index
    %swap3A_17 = vector.load %arg3[%swap3A, %swap3A_16] : memref<2000x128xf32, #tpu.memory_space<vmem>>, vector<2000x128xf32>
    tpu.vector_store %arg3[%swap3A, %swap3A_16], %mul3A_15 {strides = array<i32>} : memref<2000x128xf32, #tpu.memory_space<vmem>>, vector<2000x128xf32>,
    %swap3A_18 = arith.constant 0 : index
    %swap3A_19 = arith.constant 0 : index
    %swap3A_20 = vector.load %arg4[%swap3A_18, %swap3A_19] : memref<2000x1xf32, #tpu.memory_space<vmem>>, vector<2000x1xf32>
    tpu.vector_store %arg4[%swap3A_18, %swap3A_19], %rsqrt3A {strides = array<i32>} : memref<2000x1xf32, #tpu.memory_space<vmem>>, vector<2000x1xf32>,
    return
  }
  func.func @transform_0(%arg0: i32) -> (i32, i32, i32) {
    %c0_i32 = arith.constant 0 : i32
    %c0_i32_0 = arith.constant 0 : i32
    %c0_i32_1 = arith.constant 0 : i32
    return %c0_i32, %arg0, %c0_i32_0 : i32, i32, i32
  }
  func.func @transform_1(%arg0: i32) -> (i32, i32) {
    %c0_i32 = arith.constant 0 : i32
    %c0_i32_0 = arith.constant 0 : i32
    return %arg0, %c0_i32 : i32, i32
  }
  func.func @transform_2(%arg0: i32) -> (i32, i32) {
    %c0_i32 = arith.constant 0 : i32
    %c0_i32_0 = arith.constant 0 : i32
    return %arg0, %c0_i32 : i32, i32
  }
  func.func @transform_3(%arg0: i32) -> (i32, i32) {
    %c0_i32 = arith.constant 0 : i32
    %c0_i32_0 = arith.constant 0 : i32
    return %arg0, %c0_i32 : i32, i32
  }
}

module attributes {stable_mosaic.version = 14 : i64} {
  func.func @_tc_mid_body(%arg0: i32, %arg1: memref<2000x1xf32, #tpu.memory_space<vmem>>, %arg2: memref<2x2000x128xf32, #tpu.memory_space<vmem>>, %arg3: memref<2000x128xf32, #tpu.memory_space<vmem>>, %arg4: memref<1x128xf32, #tpu.memory_space<vmem>>, %arg5: memref<128x128xf32, #tpu.memory_space<vmem>>, %arg6: memref<2000x128xf32, #tpu.memory_space<vmem>>) attributes {dimension_semantics = [#tpu.dimension_semantics<arbitrary>], iteration_bounds = array<i64: 5>, scalar_prefetch = 0 : i64, scratch_operands = 0 : i64, tpu.core_type = #tpu.core_type<tc>, window_params = [{transform_indices = @transform_0, window_bounds = array<i64: 2000, 1>}, {transform_indices = @transform_1, window_bounds = array<i64: 2, 2000, 128>}, {transform_indices = @transform_2, window_bounds = array<i64: 2000, 128>}, {pipeline_mode = #tpu.pipeline_mode<synchronous>, transform_indices = @transform_3, window_bounds = array<i64: 1, 128>}, {pipeline_mode = #tpu.pipeline_mode<synchronous>, transform_indices = @transform_4, window_bounds = array<i64: 128, 128>}, {transform_indices = @transform_5, window_bounds = array<i64: 2000, 128>}]} {
    %get3A = arith.constant 0 : index
    %get3A_0 = arith.constant 0 : index
    %get3A_1 = vector.load %arg1[%get3A, %get3A_0] : memref<2000x1xf32, #tpu.memory_space<vmem>>, vector<2000x1xf32>
    %get3A_2 = arith.constant 0 : index
    %get3A_3 = arith.constant 0 : index
    %get3A_4 = arith.constant 0 : index
    %get3A_5 = vector.load %arg2[%get3A_2, %get3A_3, %get3A_4] : memref<2x2000x128xf32, #tpu.memory_space<vmem>>, vector<1x2000x128xf32>
    %get3A_6 = vector.shape_cast %get3A_5 : vector<1x2000x128xf32> to vector<2000x128xf32>
    %get3A_7 = arith.constant 1 : index
    %get3A_8 = arith.constant 0 : index
    %get3A_9 = arith.constant 0 : index
    %get3A_10 = vector.load %arg2[%get3A_7, %get3A_8, %get3A_9] : memref<2x2000x128xf32, #tpu.memory_space<vmem>>, vector<1x2000x128xf32>
    %get3A_11 = vector.shape_cast %get3A_10 : vector<1x2000x128xf32> to vector<2000x128xf32>
    %add3A = arith.addf %get3A_6, %get3A_11 : vector<2000x128xf32>
    %get3A_12 = arith.constant 0 : index
    %get3A_13 = arith.constant 0 : index
    %get3A_14 = vector.load %arg3[%get3A_12, %get3A_13] : memref<2000x128xf32, #tpu.memory_space<vmem>>, vector<2000x128xf32>
    %add3A_15 = arith.addf %add3A, %get3A_14 : vector<2000x128xf32>
    %mul3A = vector.broadcast %get3A_1 : vector<2000x1xf32> to vector<2000x128xf32>
    %mul3A_16 = arith.mulf %mul3A, %add3A_15 : vector<2000x128xf32>
    %get3A_17 = arith.constant 0 : index
    %get3A_18 = arith.constant 0 : index
    %get3A_19 = vector.load %arg4[%get3A_17, %get3A_18] : memref<1x128xf32, #tpu.memory_space<vmem>>, vector<1x128xf32>
    %add3A_20 = vector.broadcast %get3A_19 : vector<1x128xf32> to vector<2000x128xf32>
    %add3A_21 = arith.addf %mul3A_16, %add3A_20 : vector<2000x128xf32>
    %max3A = arith.constant 0.000000e+00 : f32
    %max3A_22 = vector.broadcast %max3A : f32 to vector<2000x128xf32>
    %max3A_23 = arith.maximumf %add3A_21, %max3A_22 : vector<2000x128xf32>
    %get3A_24 = arith.constant 0 : index
    %get3A_25 = arith.constant 0 : index
    %get3A_26 = vector.load %arg5[%get3A_24, %get3A_25] : memref<128x128xf32, #tpu.memory_space<vmem>>, vector<128x128xf32>
    %dot_general3A = arith.constant dense<0.000000e+00> : vector<2000x128xf32>
    %dot_general3A_27 = tpu.matmul %max3A_23, %get3A_26, %dot_general3A {dimension_numbers = #tpu.dot_dimension_numbers<[1], [0], [0], [1], [0, 0, 1, 1], [], []>, transpose_lhs_hint = false} : vector<2000x128xf32>, vector<128x128xf32>, vector<2000x128xf32> -> vector<2000x128xf32>
    %mul3A_28 = vector.broadcast %get3A_1 : vector<2000x1xf32> to vector<2000x128xf32>
    %mul3A_29 = arith.mulf %dot_general3A_27, %mul3A_28 : vector<2000x128xf32>
    %swap3A = arith.constant 0 : index
    %swap3A_30 = arith.constant 0 : index
    %swap3A_31 = vector.load %arg6[%swap3A, %swap3A_30] : memref<2000x128xf32, #tpu.memory_space<vmem>>, vector<2000x128xf32>
    tpu.vector_store %arg6[%swap3A, %swap3A_30], %mul3A_29 {strides = array<i32>} : memref<2000x128xf32, #tpu.memory_space<vmem>>, vector<2000x128xf32>,
    return
  }
  func.func @transform_0(%arg0: i32) -> (i32, i32) {
    %c0_i32 = arith.constant 0 : i32
    %c0_i32_0 = arith.constant 0 : i32
    return %arg0, %c0_i32 : i32, i32
  }
  func.func @transform_1(%arg0: i32) -> (i32, i32, i32) {
    %c0_i32 = arith.constant 0 : i32
    %c0_i32_0 = arith.constant 0 : i32
    %c0_i32_1 = arith.constant 0 : i32
    return %c0_i32, %arg0, %c0_i32_0 : i32, i32, i32
  }
  func.func @transform_2(%arg0: i32) -> (i32, i32) {
    %c0_i32 = arith.constant 0 : i32
    %c0_i32_0 = arith.constant 0 : i32
    return %arg0, %c0_i32 : i32, i32
  }
  func.func @transform_3(%arg0: i32) -> (i32, i32) {
    %c0_i32 = arith.constant 0 : i32
    %c0_i32_0 = arith.constant 0 : i32
    %c0_i32_1 = arith.constant 0 : i32
    return %c0_i32, %c0_i32_0 : i32, i32
  }
  func.func @transform_4(%arg0: i32) -> (i32, i32) {
    %c0_i32 = arith.constant 0 : i32
    %c0_i32_0 = arith.constant 0 : i32
    %c0_i32_1 = arith.constant 0 : i32
    return %c0_i32, %c0_i32_0 : i32, i32
  }
  func.func @transform_5(%arg0: i32) -> (i32, i32) {
    %c0_i32 = arith.constant 0 : i32
    %c0_i32_0 = arith.constant 0 : i32
    return %arg0, %c0_i32 : i32, i32
  }
}

module attributes {stable_mosaic.version = 14 : i64} {
  func.func @_tc_pool_body(%arg0: i32, %arg1: memref<2000x1xf32, #tpu.memory_space<vmem>>, %arg2: memref<2x2000x128xf32, #tpu.memory_space<vmem>>, %arg3: memref<2000x128xf32, #tpu.memory_space<vmem>>, %arg4: memref<1x128xf32, #tpu.memory_space<vmem>>, %arg5: memref<128x128xf32, #tpu.memory_space<vmem>>, %arg6: memref<128x128xf32, #tpu.memory_space<vmem>>, %arg7: memref<128x1xf32, #tpu.memory_space<vmem>>, %arg8: memref<128x4xf32, #tpu.memory_space<vmem>>, %arg9: memref<1x4xf32, #tpu.memory_space<vmem>>, %arg10: memref<1x4xf32, #tpu.memory_space<vmem>>, %arg11: memref<8x128xf32, #tpu.memory_space<vmem>>, %arg12: memref<1xf32, #tpu.memory_space<smem>>, %arg13: memref<1xf32, #tpu.memory_space<smem>>) attributes {dimension_semantics = [#tpu.dimension_semantics<arbitrary>], iteration_bounds = array<i64: 5>, scalar_prefetch = 0 : i64, scratch_operands = 3 : i64, tpu.core_type = #tpu.core_type<tc>, window_params = [{transform_indices = @transform_0, window_bounds = array<i64: 2000, 1>}, {transform_indices = @transform_1, window_bounds = array<i64: 2, 2000, 128>}, {transform_indices = @transform_2, window_bounds = array<i64: 2000, 128>}, {pipeline_mode = #tpu.pipeline_mode<synchronous>, transform_indices = @transform_3, window_bounds = array<i64: 1, 128>}, {pipeline_mode = #tpu.pipeline_mode<synchronous>, transform_indices = @transform_4, window_bounds = array<i64: 128, 128>}, {pipeline_mode = #tpu.pipeline_mode<synchronous>, transform_indices = @transform_5, window_bounds = array<i64: 128, 128>}, {pipeline_mode = #tpu.pipeline_mode<synchronous>, transform_indices = @transform_6, window_bounds = array<i64: 128, 1>}, {pipeline_mode = #tpu.pipeline_mode<synchronous>, transform_indices = @transform_7, window_bounds = array<i64: 128, 4>}, {pipeline_mode = #tpu.pipeline_mode<synchronous>, transform_indices = @transform_8, window_bounds = array<i64: 1, 4>}, {pipeline_mode = #tpu.pipeline_mode<synchronous>, transform_indices = @transform_9, window_bounds = array<i64: 1, 4>}]} {
    %get3A = arith.constant 0 : index
    %get3A_0 = arith.constant 0 : index
    %get3A_1 = vector.load %arg1[%get3A, %get3A_0] : memref<2000x1xf32, #tpu.memory_space<vmem>>, vector<2000x1xf32>
    %get3A_2 = arith.constant 0 : index
    %get3A_3 = arith.constant 0 : index
    %get3A_4 = arith.constant 0 : index
    %get3A_5 = vector.load %arg2[%get3A_2, %get3A_3, %get3A_4] : memref<2x2000x128xf32, #tpu.memory_space<vmem>>, vector<1x2000x128xf32>
    %get3A_6 = vector.shape_cast %get3A_5 : vector<1x2000x128xf32> to vector<2000x128xf32>
    %get3A_7 = arith.constant 1 : index
    %get3A_8 = arith.constant 0 : index
    %get3A_9 = arith.constant 0 : index
    %get3A_10 = vector.load %arg2[%get3A_7, %get3A_8, %get3A_9] : memref<2x2000x128xf32, #tpu.memory_space<vmem>>, vector<1x2000x128xf32>
    %get3A_11 = vector.shape_cast %get3A_10 : vector<1x2000x128xf32> to vector<2000x128xf32>
    %add3A = arith.addf %get3A_6, %get3A_11 : vector<2000x128xf32>
    %get3A_12 = arith.constant 0 : index
    %get3A_13 = arith.constant 0 : index
    %get3A_14 = vector.load %arg3[%get3A_12, %get3A_13] : memref<2000x128xf32, #tpu.memory_space<vmem>>, vector<2000x128xf32>
    %add3A_15 = arith.addf %add3A, %get3A_14 : vector<2000x128xf32>
    %mul3A = vector.broadcast %get3A_1 : vector<2000x1xf32> to vector<2000x128xf32>
    %mul3A_16 = arith.mulf %mul3A, %add3A_15 : vector<2000x128xf32>
    %get3A_17 = arith.constant 0 : index
    %get3A_18 = arith.constant 0 : index
    %get3A_19 = vector.load %arg4[%get3A_17, %get3A_18] : memref<1x128xf32, #tpu.memory_space<vmem>>, vector<1x128xf32>
    %add3A_20 = vector.broadcast %get3A_19 : vector<1x128xf32> to vector<2000x128xf32>
    %add3A_21 = arith.addf %mul3A_16, %add3A_20 : vector<2000x128xf32>
    %max3A = arith.constant 0.000000e+00 : f32
    %max3A_22 = vector.broadcast %max3A : f32 to vector<2000x128xf32>
    %max3A_23 = arith.maximumf %add3A_21, %max3A_22 : vector<2000x128xf32>
    %get3A_24 = arith.constant 0 : index
    %get3A_25 = arith.constant 0 : index
    %get3A_26 = vector.load %arg5[%get3A_24, %get3A_25] : memref<128x128xf32, #tpu.memory_space<vmem>>, vector<128x128xf32>
    %dot_general3A = arith.constant dense<0.000000e+00> : vector<2000x128xf32>
    %dot_general3A_27 = tpu.matmul %max3A_23, %get3A_26, %dot_general3A {dimension_numbers = #tpu.dot_dimension_numbers<[1], [0], [0], [1], [0, 0, 1, 1], [], []>, transpose_lhs_hint = false} : vector<2000x128xf32>, vector<128x128xf32>, vector<2000x128xf32> -> vector<2000x128xf32>
    %tanh3A = math.tanh %dot_general3A_27 : vector<2000x128xf32>
    %get3A_28 = arith.constant 0 : index
    %get3A_29 = arith.constant 0 : index
    %get3A_30 = vector.load %arg6[%get3A_28, %get3A_29] : memref<128x128xf32, #tpu.memory_space<vmem>>, vector<128x128xf32>
    %dot_general3A_31 = arith.constant dense<0.000000e+00> : vector<2000x128xf32>
    %dot_general3A_32 = tpu.matmul %max3A_23, %get3A_30, %dot_general3A_31 {dimension_numbers = #tpu.dot_dimension_numbers<[1], [0], [0], [1], [0, 0, 1, 1], [], []>, transpose_lhs_hint = false} : vector<2000x128xf32>, vector<128x128xf32>, vector<2000x128xf32> -> vector<2000x128xf32>
    %logistic3A = arith.negf %dot_general3A_32 : vector<2000x128xf32>
    %logistic3A_33 = math.exp %logistic3A : vector<2000x128xf32>
    %logistic3A_34 = arith.constant 1.000000e+00 : f32
    %logistic3A_35 = vector.broadcast %logistic3A_34 : f32 to vector<2000x128xf32>
    %logistic3A_36 = arith.addf %logistic3A_35, %logistic3A_33 : vector<2000x128xf32>
    %logistic3A_37 = arith.divf %logistic3A_35, %logistic3A_36 : vector<2000x128xf32>
    %mul3A_38 = arith.mulf %tanh3A, %logistic3A_37 : vector<2000x128xf32>
    %get3A_39 = arith.constant 0 : index
    %get3A_40 = arith.constant 0 : index
    %get3A_41 = vector.load %arg7[%get3A_39, %get3A_40] : memref<128x1xf32, #tpu.memory_space<vmem>>, vector<128x1xf32>
    %dot_general3A_42 = arith.constant dense<0.000000e+00> : vector<2000x1xf32>
    %dot_general3A_43 = tpu.matmul %mul3A_38, %get3A_41, %dot_general3A_42 {dimension_numbers = #tpu.dot_dimension_numbers<[1], [0], [0], [1], [0, 0, 1, 1], [], []>, transpose_lhs_hint = false} : vector<2000x128xf32>, vector<128x1xf32>, vector<2000x1xf32> -> vector<2000x1xf32>
    %reduce_max3A = vector.shape_cast %dot_general3A_43 : vector<2000x1xf32> to vector<1x2000x1xf32>
    %reduce_max3A_44 = arith.constant dense<0xFF800000> : vector<1xf32>
    %reduce_max3A_45 = vector.multi_reduction <maximumf>, %reduce_max3A, %reduce_max3A_44 [1, 2] : vector<1x2000x1xf32> to vector<1xf32>
    %reduce_max3A_46 = vector.shape_cast %reduce_max3A_45 : vector<1xf32> to vector<1x1x1xf32>
    %reduce_max3A_47 = vector.extract %reduce_max3A_46[0, 0, 0] : f32 from vector<1x1x1xf32>
    %eq3A = arith.constant 0 : i32
    %eq3A_48 = arith.cmpi eq, %arg0, %eq3A : i32
    %get3A_49 = arith.constant 0 : index
    %get3A_50 = memref.load %arg12[%get3A_49] : memref<1xf32, #tpu.memory_space<smem>>
    %jit3A = arith.constant -3.000000e+38 : f32
    %select_n3A = arith.select %eq3A_48, %jit3A, %get3A_50 : f32
    %eq3A_51 = arith.constant 0 : i32
    %eq3A_52 = arith.cmpi eq, %arg0, %eq3A_51 : i32
    %get3A_53 = arith.constant 0 : index
    %get3A_54 = memref.load %arg13[%get3A_53] : memref<1xf32, #tpu.memory_space<smem>>
    %jit3A_55 = arith.constant 0.000000e+00 : f32
    %select_n3A_56 = arith.select %eq3A_52, %jit3A_55, %get3A_54 : f32
    %eq3A_57 = arith.constant 0 : i32
    %eq3A_58 = arith.cmpi eq, %arg0, %eq3A_57 : i32
    %get3A_59 = arith.constant 0 : index
    %get3A_60 = arith.constant 0 : index
    %get3A_61 = vector.load %arg11[%get3A_59, %get3A_60] : memref<8x128xf32, #tpu.memory_space<vmem>>, vector<1x128xf32>
    %jit3A_62 = arith.constant 0.000000e+00 : f32
    %broadcast_in_dim3A = vector.broadcast %jit3A_62 : f32 to vector<1x128xf32>
    %select_n3A_63 = arith.select %eq3A_58, %broadcast_in_dim3A, %get3A_61 : vector<1x128xf32>
    %max3A_64 = arith.maximumf %select_n3A, %reduce_max3A_47 : f32
    %sub3A = arith.subf %select_n3A, %max3A_64 : f32
    %exp3A = math.exp %sub3A : f32
    %sub3A_65 = vector.broadcast %max3A_64 : f32 to vector<2000x1xf32>
    %sub3A_66 = arith.subf %dot_general3A_43, %sub3A_65 : vector<2000x1xf32>
    %exp3A_67 = math.exp %sub3A_66 : vector<2000x1xf32>
    %mul3A_68 = vector.broadcast %exp3A : f32 to vector<1x128xf32>
    %mul3A_69 = arith.mulf %select_n3A_63, %mul3A_68 : vector<1x128xf32>
    %dot_general3A_70 = arith.constant dense<0.000000e+00> : vector<1x128xf32>
    %dot_general3A_71 = tpu.matmul %exp3A_67, %max3A_23, %dot_general3A_70 {dimension_numbers = #tpu.dot_dimension_numbers<[0], [0], [1], [1], [0, 1, 1, 1], [], []>, transpose_lhs_hint = false} : vector<2000x1xf32>, vector<2000x128xf32>, vector<1x128xf32> -> vector<1x128xf32>
    %add3A_72 = arith.addf %mul3A_69, %dot_general3A_71 : vector<1x128xf32>
    %mul3A_73 = arith.mulf %select_n3A_56, %exp3A : f32
    %reduce_sum3A = vector.shape_cast %exp3A_67 : vector<2000x1xf32> to vector<1x2000x1xf32>
    %reduce_sum3A_74 = arith.constant dense<0.000000e+00> : vector<1xf32>
    %reduce_sum3A_75 = vector.multi_reduction <add>, %reduce_sum3A, %reduce_sum3A_74 [1, 2] : vector<1x2000x1xf32> to vector<1xf32>
    %reduce_sum3A_76 = vector.shape_cast %reduce_sum3A_75 : vector<1xf32> to vector<1x1x1xf32>
    %reduce_sum3A_77 = vector.extract %reduce_sum3A_76[0, 0, 0] : f32 from vector<1x1x1xf32>
    %add3A_78 = arith.addf %mul3A_73, %reduce_sum3A_77 : f32
    %swap3A = arith.constant 0 : index
    %swap3A_79 = memref.load %arg12[%swap3A] : memref<1xf32, #tpu.memory_space<smem>>
    memref.store %max3A_64, %arg12[%swap3A] : memref<1xf32, #tpu.memory_space<smem>>
    %swap3A_80 = arith.constant 0 : index
    %swap3A_81 = memref.load %arg13[%swap3A_80] : memref<1xf32, #tpu.memory_space<smem>>
    memref.store %add3A_78, %arg13[%swap3A_80] : memref<1xf32, #tpu.memory_space<smem>>
    %swap3A_82 = arith.constant 0 : index
    %swap3A_83 = arith.constant 0 : index
    %swap3A_84 = vector.load %arg11[%swap3A_82, %swap3A_83] : memref<8x128xf32, #tpu.memory_space<vmem>>, vector<1x128xf32>
    tpu.vector_store %arg11[%swap3A_82, %swap3A_83], %add3A_72 {strides = array<i32>} : memref<8x128xf32, #tpu.memory_space<vmem>>, vector<1x128xf32>,
    %div3A = vector.broadcast %add3A_78 : f32 to vector<1x128xf32>
    %div3A_85 = arith.divf %add3A_72, %div3A : vector<1x128xf32>
    %get3A_86 = arith.constant 0 : index
    %get3A_87 = arith.constant 0 : index
    %get3A_88 = vector.load %arg8[%get3A_86, %get3A_87] : memref<128x4xf32, #tpu.memory_space<vmem>>, vector<128x4xf32>
    %dot_general3A_89 = arith.constant dense<0.000000e+00> : vector<1x4xf32>
    %dot_general3A_90 = tpu.matmul %div3A_85, %get3A_88, %dot_general3A_89 {dimension_numbers = #tpu.dot_dimension_numbers<[1], [0], [0], [1], [0, 0, 1, 1], [], []>, transpose_lhs_hint = false} : vector<1x128xf32>, vector<128x4xf32>, vector<1x4xf32> -> vector<1x4xf32>
    %get3A_91 = arith.constant 0 : index
    %get3A_92 = arith.constant 0 : index
    %get3A_93 = vector.load %arg9[%get3A_91, %get3A_92] : memref<1x4xf32, #tpu.memory_space<vmem>>, vector<1x4xf32>
    %add3A_94 = arith.addf %dot_general3A_90, %get3A_93 : vector<1x4xf32>
    %swap3A_95 = arith.constant 0 : index
    %swap3A_96 = arith.constant 0 : index
    %swap3A_97 = vector.load %arg10[%swap3A_95, %swap3A_96] : memref<1x4xf32, #tpu.memory_space<vmem>>, vector<1x4xf32>
    tpu.vector_store %arg10[%swap3A_95, %swap3A_96], %add3A_94 {strides = array<i32>} : memref<1x4xf32, #tpu.memory_space<vmem>>, vector<1x4xf32>,
    return
  }
  func.func @transform_0(%arg0: i32) -> (i32, i32) {
    %c0_i32 = arith.constant 0 : i32
    %c0_i32_0 = arith.constant 0 : i32
    return %arg0, %c0_i32 : i32, i32
  }
  func.func @transform_1(%arg0: i32) -> (i32, i32, i32) {
    %c0_i32 = arith.constant 0 : i32
    %c0_i32_0 = arith.constant 0 : i32
    %c0_i32_1 = arith.constant 0 : i32
    return %c0_i32, %arg0, %c0_i32_0 : i32, i32, i32
  }
  func.func @transform_2(%arg0: i32) -> (i32, i32) {
    %c0_i32 = arith.constant 0 : i32
    %c0_i32_0 = arith.constant 0 : i32
    return %arg0, %c0_i32 : i32, i32
  }
  func.func @transform_3(%arg0: i32) -> (i32, i32) {
    %c0_i32 = arith.constant 0 : i32
    %c0_i32_0 = arith.constant 0 : i32
    %c0_i32_1 = arith.constant 0 : i32
    return %c0_i32, %c0_i32_0 : i32, i32
  }
  func.func @transform_4(%arg0: i32) -> (i32, i32) {
    %c0_i32 = arith.constant 0 : i32
    %c0_i32_0 = arith.constant 0 : i32
    %c0_i32_1 = arith.constant 0 : i32
    return %c0_i32, %c0_i32_0 : i32, i32
  }
  func.func @transform_5(%arg0: i32) -> (i32, i32) {
    %c0_i32 = arith.constant 0 : i32
    %c0_i32_0 = arith.constant 0 : i32
    %c0_i32_1 = arith.constant 0 : i32
    return %c0_i32, %c0_i32_0 : i32, i32
  }
  func.func @transform_6(%arg0: i32) -> (i32, i32) {
    %c0_i32 = arith.constant 0 : i32
    %c0_i32_0 = arith.constant 0 : i32
    %c0_i32_1 = arith.constant 0 : i32
    return %c0_i32, %c0_i32_0 : i32, i32
  }
  func.func @transform_7(%arg0: i32) -> (i32, i32) {
    %c0_i32 = arith.constant 0 : i32
    %c0_i32_0 = arith.constant 0 : i32
    %c0_i32_1 = arith.constant 0 : i32
    return %c0_i32, %c0_i32_0 : i32, i32
  }
  func.func @transform_8(%arg0: i32) -> (i32, i32) {
    %c0_i32 = arith.constant 0 : i32
    %c0_i32_0 = arith.constant 0 : i32
    %c0_i32_1 = arith.constant 0 : i32
    return %c0_i32, %c0_i32_0 : i32, i32
  }
  func.func @transform_9(%arg0: i32) -> (i32, i32) {
    %c0_i32 = arith.constant 0 : i32
    %c0_i32_0 = arith.constant 0 : i32
    %c0_i32_1 = arith.constant 0 : i32
    return %c0_i32, %c0_i32_0 : i32, i32
  }
}

</mosaic_0001>

<sc_bundles>
// kernel: kernel.12.cloned.1.call-start
scs
__scs_entry_jumppad:
0x0: {  	(pc) =	sbr.rel $0x88, $3  }
0x1: {  	(tag) =	ssettag $0x0;
	lr =	simm.s32 $0x1  }
0x2: {  	[smem:$0x3F94] =	sst lr;
	_ =	strace $0xD0000000  }
0x3: {  	_ = 	snop  }
0x4: {  	_ = 	snop  }
0x5: {  	_ = 	snop  }
0x6: {  	_ = 	snop  }
0x7: {  	_ = 	snop  }
__scs_overlays_trampoline_lowered:
0x8: {  	[smem:$0x3FA3] =	sst s0  }
0x9: {  	[smem:$0x3FA4] =	sst s1  }
0xa: {  	[smem:$0x3FA5] =	sst s2  }
0xb: {  	[smem:$0x3FA6] =	sst s3  }
0xc: {  	[smem:$0x3FA7] =	sst s4  }
0xd: {  	[smem:$0x3FA8] =	sst s5  }
0xe: {  	[smem:$0x3FA9] =	sst s6  }
0xf: {  	[smem:$0x3FAA] =	sst s7  }
0x10: {  	[smem:$0x3FAB] =	sst s8  }
0x11: {  	[smem:$0x3FAC] =	sst s9;
	s0 =	simm.s32 @!p0 $0x0  }
0x12: {  	s1 =	sld [smem:$0x3F92];
	s0 =	simm.s32 @p0 $0x1  }
0x13: {  	[smem:$0x3FAD] =	sst s0;
	s0 =	simm.s32 @!p1 $0x0  }
0x14: {  	s2 =	sld [smem:$0x3F91];
	s0 =	simm.s32 @p1 $0x1  }
0x15: {  	[smem:$0x3FAE] =	sst s0;
	s0 =	simm.s32 @!p2 $0x0  }
0x16: {  	s3 =	sld [smem:$0x3FDB];
	s0 =	simm.s32 @p2 $0x1  }
0x17: {  	s4 =	simm.s32 $0x1BF5;
	[smem:$0x3FB0] =	sst s0  }
0x18: {  	s0 =	sld [smem:$0x3F93];
	_ =	swait.ge [sflag:s4], $0x0  }
0x19: {  	s7 =	sld [smem:$0x3F94]  }
0x1a: {  	s8 =	sadd.s32 $0xFFFFE003, lr  }
0x1b: {  	s9 =	sadd.s32 $0xFFFFFEF7, lr;
	s5 =	simm.s32 $0xFFFFFFFF;
	p2 =	slt.u32 s8, $0xFFFFF086  }
0x1c: {  	p1 =	slt.u32 s9, $0xF7A;
	s5 =	simm.s32 @!p2 $0x0  }
0x1d: {  	s5 =	simm.s32 @p1 $0x1;
	p0 =	seq.s32 s7, s2  }
0x1e: {  	s7 =	smul.u32 @!p0 $0xF7A, s2;
	p2 =	seq.s32 @!p0 s5, $0x0  }
0x1f: {  	s9 =	smul.u32 $0xF7A, s1;
	s8 =	simm.s32 @!p0 $0x1BF5;
	p2 =	por !p2, p0  }
0x20: {  	[sflag:s8] =	ssyncset.s32 @!p0 $0xFFFFF086;
	s6 =	sadd.s32 @!p0 s3, s7;
	s7 =	simm.s32 @!p0 $0x108  }
0x21: {  	s3 =	sadd.s32 s3, s9;
	s6 =	sadd.s32 @!p0 $0x88, s6;
	s7 =	simm.s32 @p2 $0x1082  }
0x22: {  	[simem:s7], [sflag:s8] =	dma.local @!p0 [hbm:s6], $0xF7A  }
0x23: {  	s9 =	sor.u32 $0xD0000000, s2;
	s6 =	simm.s32 $0x108;
	_ =	swait.ge @!p0 [sflag:s8], $0x0  }
0x24: {  	s3 =	sadd.s32 $0x88, s3;
	s6 =	simm.s32 @!p1 $0x1082;
	[sflag:s4] =	ssyncset.s32 $0xFFFFF086  }
0x25: {  	[simem:s6], [sflag:s4] =	dma.local [hbm:s3], $0xF7A  }
0x26: {  	[smem:$0x3F94] =	sst s1;
	(tag) =	ssettag s2;
	_ =	strace s9  }
0x27: {  	s1 =	sld [smem:$0x3FA4]  }
0x28: {  	s2 =	sld [smem:$0x3FA5]  }
0x29: {  	s4 =	sld [smem:$0x3FA7]  }
0x2a: {  	p0 =	seq.s32 s5, $0x0;
	s5 =	sld [smem:$0x3FA8]  }
0x2b: {  	s6 =	sld [smem:$0x3FA9]  }
0x2c: {  	s7 =	sld [smem:$0x3FAA]  }
0x2d: {  	s3 =	simm.s32 $0x108;
	s8 =	sld [smem:$0x3FAB]  }
0x2e: {  	s3 =	simm.s32 @!p0 $0x1082;
	s9 =	sld [smem:$0x3FAC]  }
0x2f: {  	lr =	sadd.s32 s0, s3;
	s0 =	sld [smem:$0x3FA3]  }
0x30: {  	s3 =	sld [smem:$0x3FA6]  }
0x31: {  	[smem:$0x3FAF] =	sst s10  }
0x32: {  	s10 =	sld [smem:$0x3FAD];
	_ =	sdelay $0x3  }
0x33: {  	p0 =	seq.s32 s10, $0x1;
	s10 =	sld [smem:$0x3FAF];
	_ =	sdelay $0x3  }
0x34: {  	[smem:$0x3FAF] =	sst s10  }
0x35: {  	s10 =	sld [smem:$0x3FAE];
	_ =	sdelay $0x3  }
0x36: {  	p1 =	seq.s32 s10, $0x1;
	s10 =	sld [smem:$0x3FAF];
	_ =	sdelay $0x3  }
0x37: {  	[smem:$0x3FAF] =	sst s10  }
0x38: {  	s10 =	sld [smem:$0x3FB0]  }
0x39: {  	_ = 	snop;
	(pc) =	sbr.ind lr, $3  }
0x3a: {  	_ = 	snop  }
0x3b: {  	_ = 	snop  }
0x3c: {  	p2 =	seq.s32 s10, $0x1;
	s10 =	sld [smem:$0x3FAF]  }
0x3d: {  	_ =	shalt  }
0x3e: {  	_ =	shalt  }
0x3f: {  	_ =	shalt  }
0x40: {  	_ =	shalt  }
0x41: {  	_ =	shalt  }
0x42: {  	_ =	shalt  }
0x43: {  	_ =	shalt  }
0x44: {  	_ =	shalt  }
0x45: {  	_ =	shalt  }
0x46: {  	_ =	shalt  }
0x47: {  	_ =	shalt  }
0x48: {  	_ =	shalt  }
0x49: {  	_ =	shalt  }
0x4a: {  	_ =	shalt  }
0x4b: {  	_ =	shalt  }
0x4c: {  	_ =	shalt  }
0x4d: {  	_ =	shalt  }
0x4e: {  	_ =	shalt  }
0x4f: {  	_ =	shalt  }
0x50: {  	_ =	shalt  }
0x51: {  	_ =	shalt  }
0x52: {  	_ =	shalt  }
0x53: {  	_ =	shalt  }
0x54: {  	_ =	shalt  }
0x55: {  	_ =	shalt  }
0x56: {  	_ =	shalt  }
0x57: {  	_ =	shalt  }
0x58: {  	_ =	shalt  }
0x59: {  	_ =	shalt  }
0x5a: {  	_ =	shalt  }
0x5b: {  	_ =	shalt  }
0x5c: {  	_ =	shalt  }
0x5d: {  	_ =	shalt  }
0x5e: {  	_ =	shalt  }
0x5f: {  	_ =	shalt  }
0x60: {  	_ =	shalt  }
0x61: {  	_ =	shalt  }
0x62: {  	_ =	shalt  }
0x63: {  	_ =	shalt  }
0x64: {  	_ =	shalt  }
0x65: {  	_ =	shalt  }
0x66: {  	_ =	shalt  }
0x67: {  	_ =	shalt  }
0x68: {  	_ =	shalt  }
0x69: {  	_ =	shalt  }
0x6a: {  	_ =	shalt  }
0x6b: {  	_ =	shalt  }
0x6c: {  	_ =	shalt  }
0x6d: {  	_ =	shalt  }
0x6e: {  	_ =	shalt  }
0x6f: {  	_ =	shalt  }
0x70: {  	_ =	shalt  }
0x71: {  	_ =	shalt  }
0x72: {  	_ =	shalt  }
0x73: {  	_ =	shalt  }
0x74: {  	_ =	shalt  }
0x75: {  	_ =	shalt  }
0x76: {  	_ =	shalt  }
0x77: {  	_ =	shalt  }
0x78: {  	_ =	shalt  }
0x79: {  	_ =	shalt  }
0x7a: {  	_ =	shalt  }
0x7b: {  	_ =	shalt  }
0x7c: {  	_ =	shalt  }
0x7d: {  	_ =	shalt  }
0x7e: {  	_ =	shalt  }
0x7f: {  	_ =	shalt  }
0x80: {  	_ =	shalt  }
0x81: {  	_ =	shalt  }
0x82: {  	_ =	shalt  }
0x83: {  	_ =	shalt  }
0x84: {  	_ =	shalt  }
0x85: {  	_ =	shalt  }
0x86: {  	_ =	shalt  }
0x87: {  	_ =	shalt  }
.Lfunc_end0:
.L_simem_size_0:
called_computation.1_lowered:
.L_overlay_start_0:
0x88: {  	s2 =	sld [smem:$0x3FD9]  }
0x89: {  	s3 =	sld [smem:$0x3FFE];
	_ =	sdelay $0x1  }
0x8a: {  	s1 =	srdreg.scid  }
0x8b: {  	s0 =	sand.u32 $0x1, s1  }
0x8c: {  	s16 =	sshll.u32 s0, $0xA;
	s2 =	sadd.s32 s3, s2  }
0x8d: {  	s2 =	sadd.s32 s2, s16  }
0x8e: {  	[smem:$0x3FBB] =	sst s2  }
0x8f: {  	_ = 	snop  }
0x90: {  	(tm) =	ssettm $0x1  }
0x91: {  	s17 =	sld [smem:$0x3FFB];
	_ =	sdelay $0x3  }
0x92: {  	_ =	strace s17  }
0x93: {  	s2 =	sld [smem:$0x3FFC];
	_ =	sdelay $0x3  }
0x94: {  	_ =	strace s2  }
0x95: {  	s2 =	sld [smem:$0x3FFD];
	_ =	sdelay $0x3  }
0x96: {  	_ =	strace s2  }
0x97: {  	_ =	strace $0x8FFFFFFF  }
0x98: {  	s18 =	sld [smem:$0x3FDB];
	_ =	sdelay $0x1  }
0x99: {  	s19 =	simm.s32 $_scs_section_size  }
0x9a: {  	s4 =	simm.s32 $_size__tile_overlayer_lowered;
	s5 =	simm.s32 $_tile_overlayer_lowered  }
0x9b: {  	s22 =	simm.s32 $0x1BFF;
	s21 =	sshll.u32 s5, $0x1;
	s2 =	sadd.s32 s19, s18  }
0x9c: {  	s6 =	simm.s32 $0x0;
	s20 =	sshll.u32 s4, $0x1;
	s4 =	sadd.s32 s21, s2  }
0x9d: {  	[timem:s6], [sflag:s22] =	dma.local [hbm:s4], s20  }
0x9e: {  	_ =	swait.ge [sflag:s22], s20  }
0x9f: {  	s3 =	ssub.s32 $0x0, s20;
	[sflag:s22] =	ssyncset.done $0x0  }
0xa0: {  	[sflag:s22] =	ssyncadd.s32 s3;
	_ =	sdelay $0x1  }
0xa1: {  	s23 =	simm.s32 $0x1B8B  }
0xa2: {  	_ =	swait.ge [sflag:s23], $0x1  }
0xa3: {  	[sflag:s23] =	ssyncset.done $0x0  }
0xa4: {  	s25 =	simm.s32 $0x1B8E;
	s24 =	sld [smem:$0x3FFE];
	[sflag:s23] =	ssyncadd.s32 $0xFFFFFFFF  }
0xa5: {  	s26 =	simm.s32 $execute0_lowered;
	[smem:$0x3FD2] =	sst s25  }
0xa6: {  	s4 =	sshll.u32 s26, $0x1;
	_ =	strace $0x80000049;
	[dreg:$0x1] =	wrdreg $0xFFFFFFFF  }
0xa7: {  	s28 =	simm.s32 $_size_execute0_lowered;
	s2 =	sadd.s32 s2, s4;
	[dreg:$0x0] =	wrdreg $0x0  }
0xa8: {  	s4 =	sshll.u32 s28, $0x1;
	[dreg:$0x2] =	wrdreg s2  }
0xa9: {  	[dreg:$0x3] =	wrdreg s4  }
0xaa: {  	[dreg:$0x4] =	wrdreg $0xC0  }
0xab: {  	_ =	task [dreg:s6], $0x5FFFF  }
0xac: {  	[dreg:$0x1] =	wrdreg $0xFFFFFFFF  }
0xad: {  	[dreg:$0x0] =	wrdreg $0x60  }
0xae: {  	[dreg:$0x2] =	wrdreg s24  }
0xaf: {  	[dreg:$0x3] =	wrdreg $0xC4800  }
0xb0: {  	[dreg:$0x4] =	wrdreg $0x9  }
0xb1: {  	_ =	task.clear_ibuf [dreg:s6], $0x5FFFF;
	_ =	strace $0x90000049  }
0xb2: {  	s29 =	simm.s32 $0x9;
	_ =	strace $0x8000004B  }
0xb3: {  	_ =	swait.ge [sflag:s29], $0x1  }
0xb4: {  	[sflag:s29] =	ssyncadd.s32 $0xFFFFFFFF  }
0xb5: {  	_ =	strace $0x9000004B  }
0xb6: {  	_ =	sfence  }
0xb7: {  	s30 =	sld [smem:$0x0];
	_ =	sdelay $0x2  }
0xb8: {  	s31 =	sshll.u32 s1, $0xD;
	s1 =	sshrl.u32 s1, $0x2  }
0xb9: {  	s3 =	sand.u32 $0x4000, s31;
	s1 =	sadd.s32 s1, s30  }
0xba: {  	s0 =	sor.u32 s3, s0;
	s1 =	sshll.u32 s1, $0x11  }
0xbb: {  	s0 =	sor.u32 s1, s0  }
0xbc: {  	s0 =	sadd.s32 $0x8F2B, s0  }
0xbd: {  	[sflag:s0] =	ssyncadd.remote.s32 $0x1  }
0xbe: {  	_ =	sfence.sel $0xFFFF  }
0xbf: {  	[dreg:$0x0] =	wrdreg $0xFFFFFFFF;
	(pc) =	sbr.abs _section_cstart, $3  }
0xc0: {  	[dreg:$0x1] =	wrdreg $0xFFFFFFFF  }
0xc1: {  	_ =	task.clear_ibuf [dreg:s6], $0x2FFFF;
	_ =	strace $0x9FFFFFFF  }
0xc2: {  	(tm) =	ssettm $0x7FFFFFFF  }
0xc3: {  	_ =	shalt  }
tec
execute0_lowered:
.L_overlay_start_1:
0x0: {  	(tag) =	ssettag $0x1  }
0x1: {  	s0 =	rddreg [dreg:$0x0]  }
0x2: {  	s1 =	rddreg [dreg:$0x1]  }
0x3: {  	s3 =	simm.s32 $0x0;
	s2 =	srdreg.scid;
	s14 =	stileid.u32  }
0x4: {  	s28 =	simm.s32 $0x8;
	[smem:$0x7FF] =	sst s3;
	s22 =	smul.u32 $0x13800, s14  }
0x5: {  	s2 =	sand.u32 $0x1, s2;
	s4 =	sadd.s32 $0x16200, s0;
	s25 =	smul.u32 $0x2800, s14  }
0x6: {  	s6 =	sadd.s32 $0x2600, s0;
	s9 =	sadd.s32 $0xC400, s0;
	s31 =	smul.u32 $0x4E000, s14  }
0x7: {  	s0 =	sadd.s32 $0x3D400, s0;
	s18 =	sshll.u32 s2, $0x4;
	s11 =	smul.u32 $0x138800, s2  }
0x8: {  	s5 =	ssub.s32 $0x2, s2;
	s2 =	smul.u32 $0x28000, s2;
	s3 =	sor.u32 s14, s18  }
0x9: {  	_ =	strace $0x8000004A;
	s7 =	sshrl.u32 s5, $0x1;
	s8 =	smul.u32 $0x2800, s3  }
0xa: {  	s7 =	ssub.s32 s5, s7;
	p0 =	seq.s32 s3, $0x1F;
	s5 =	simm.s32 $0x14  }
0xb: {  	s3 =	sadd.s32 s22, s11;
	s13 =	sshrl.u32 s11, $0x3;
	s2 =	sadd.s32 s25, s2  }
0xc: {  	s22 =	sshrl.u32 s31, $0x2;
	s5 =	simm.s32 @!p0 $0x50;
	s3 =	sshrl.u32 s3, $0x3  }
0xd: {  	s17 =	sor.u32 $0x300, s2;
	s18 =	sor.u32 $0x380, s2;
	s22 =	sadd.s32 s22, s1  }
0xe: {  	p0 =	sne.s32 s14, $0x0;
	s19 =	sshrl.u32 s8, $0x3;
	s3 =	sadd.s32 s0, s3  }
0xf: {  	s0 =	sadd.s32 s0, s13;
	s31 =	sadd.s32 $0xFFFFFFFC, s5;
	[dreg:$0xb] =	wrdreg s3  }
0x10: {  	s11 =	sshrl.u32 s17, $0x3;
	s8 =	sadd.s32 s6, s19;
	[dreg:$0x18] =	wrdreg s31  }
0x11: {  	s16 =	sor.u32 $0x2, s5;
	s11 =	sadd.s32 s11, s9;
	[dreg:$0x3] =	wrdreg s8  }
0x12: {  	s13 =	sor.u32 $0x180, s2;
	s15 =	sadd.s32 s9, s19;
	[dreg:$0xc] =	wrdreg s11  }
0x13: {  	s20 =	sor.u32 $0x10, s19;
	s0 =	sadd.s32 $0x27000, s0;
	[dreg:$0x6] =	wrdreg s15  }
0x14: {  	s21 =	sor.u32 $0x20, s19;
	s10 =	sadd.s32 s6, s20;
	[dreg:$0x13] =	wrdreg s0  }
0x15: {  	s29 =	sadd.s32 $0xFFFFFFFE, s5;
	s12 =	sadd.s32 s6, s21;
	[dreg:$0x4] =	wrdreg s10  }
0x16: {  	s30 =	sadd.s32 $0xFFFFFFFF, s5;
	s8 =	sadd.s32 s9, s20;
	[dreg:$0x5] =	wrdreg s12  }
0x17: {  	s17 =	simm.s32 $0x8480;
	s23 =	sadd.s32 s9, s21;
	[dreg:$0x7] =	wrdreg s8  }
0x18: {  	s3 =	smulhi.u32 $0x55555556, s16;
	s24 =	sadd.s32 $0x30, s15;
	[dreg:$0x8] =	wrdreg s23  }
0x19: {  	s26 =	sadd.s32 $0x40, s15;
	s20 =	sshrl.u32 s13, $0x3;
	[dreg:$0x9] =	wrdreg s24  }
0x1a: {  	s21 =	sadd.s32 $0x50, s15;
	s15 =	simm.s32 $0xC;
	[dreg:$0xa] =	wrdreg s26  }
0x1b: {  	s8 =	sor.u32 $0x280, s2;
	s12 =	sshrl.u32 s18, $0x3;
	s2 =	sor.u32 $0x200, s2  }
0x1c: {  	[dreg:$0x12] =	wrdreg s21;
	s23 =	smax.u32 s7, $0x1;
	s25 =	smul.u32 $0x3, s3  }
0x1d: {  	s24 =	sadd.s32 $0x138400, s1;
	s26 =	sadd.s32 $0xFFFFFFFD, s5;
	s3 =	simm.s32 $0x80  }
0x1e: {  	s21 =	simm.s32 $0x10;
	s18 =	simm.s32 $0xA;
	[dreg:$0x14] =	wrdreg s23  }
0x1f: {  	s7 =	simm.s32 $0x0;
	s8 =	sshrl.u32 s8, $0x3;
	[dreg:$0x16] =	wrdreg s24  }
0x20: {  	s19 =	sadd.s32 s12, s9;
	s2 =	sshrl.u32 s2, $0x3;
	[dreg:$0x17] =	wrdreg s26  }
0x21: {  	s24 =	simm.s32 $0xD;
	[dreg:$0xd] =	wrdreg s19;
	s9 =	sadd.s32 s8, s9  }
.Ltmp0:
0x22: {  	s8 =	sadd.s32 s8, s6;
	[dreg:$0xe] =	wrdreg s9;
	(pc) =	sbr.rel .LBB2_1-.Ltmp0, $4  }
0x23: {  	s26 =	simm.s32 $0xE;
	s2 =	sadd.s32 s2, s6;
	[dreg:$0x10] =	wrdreg s8  }
0x24: {  	s19 =	simm.s32 $0x4;
	s9 =	sadd.s32 s20, s6;
	[dreg:$0x11] =	wrdreg s2  }
0x25: {  	s8 =	sadd.s32 $0x138000, s1;
	s20 =	simm.s32 $0x7;
	[dreg:$0xf] =	wrdreg s9  }
0x26: {  	v0 =	vimm.f32 $0.0e+00;
	s2 =	simm.s32 $0x9;
	s9 =	simm.s32 $0xB;
	[dreg:$0x15] =	wrdreg s8  }
.LBB2_24:
0x27: {  	_ =	swait.ge [sflag:s26], $0x4000  }
0x28: {  	[sflag:s26] =	ssyncset.done $0x0  }
0x29: {  	s0 =	stileid.u32;
	[sflag:s26] =	ssyncadd.s32 $0xFFFFC000  }
0x2a: {  	s6 =	sshrl.u32 s22, $0x3;
	s0 =	sshll.u32 s0, $0x6;
	[bflag:$0x0] =	sbarrier.arrive $0xFFFF  }
0x2b: {  	s16 =	simm.s32 $0x11;
	s0 =	sor.u32 $0x1C11, s0;
	s7 =	rddreg [dreg:$0xb]  }
0x2c: {  	[hbm:s7], [sflag:s0] =	dma.local [spmem:s6], $0x2700  }
0x2d: {  	_ =	swait.ge [sflag:s16], $0x2700  }
0x2e: {  	[sflag:s16] =	ssyncset.done $0x0;
	s8 =	rddreg [dreg:$0x15]  }
0x2f: {  	s7 =	rddreg [dreg:$0x13];
	[sflag:s16] =	ssyncadd.s32 $0xFFFFD900;
	s6 =	sshrl.u32 @!p0 s8, $0x3  }
0x30: {  	[hbm:s7], [sflag:s0] =	dma.local @!p0 [spmem:s6], $0x100  }
0x31: {  	s0 =	simm.s32 @!p0 $0x11  }
0x32: {  	_ =	swait.ge @!p0 [sflag:s0], $0x100  }
0x33: {  	s23 =	rddreg [dreg:$0x19]  }
0x34: {  	s31 =	rddreg [dreg:$0x14];
	s7 =	sadd.s32 $0x1, s23  }
0x35: {  	p1 =	sne.s32 s7, s31  }
.Ltmp1:
0x36: {  	_ = 	snop;
	(pc) =	sbr.rel @!p1 .LBB2_25-.Ltmp1, $3  }
0x37: {  	_ =	sdelay $0x1  }
0x38: {  	[sflag:s0] =	ssyncset.done @!p0 $0x0  }
0x39: {  	[sflag:s0] =	ssyncadd.s32 @!p0 $0xFFFFFF00  }
.LBB2_1:
0x3a: {  	[dreg:$0x19] =	wrdreg s7  }
0x3b: {  	s0 =	simm.s32 $0x0;
	s6 =	rddreg [dreg:$0x3]  }
0x3c: {  	[tilespmem:s0], [sflag:$0x1] =	stream.linear.gather [hbm4b:s6+s0], $0x80, $0x38;
	[tilespmem:$0x1FD00] =	vst v63  }
0x3d: {  	s16 =	rddreg [dreg:$0x4]  }
0x3e: {  	[tilespmem:s3], [sflag:$0x2] =	stream.linear.gather [hbm4b:s16+s0], $0x80, $0x38;
	[tilespmem:$0x1FD00] =	vst v63  }
0x3f: {  	s23 =	rddreg [dreg:$0x5];
	s31 =	simm.s32 $0x100  }
0x40: {  	[tilespmem:s31], [sflag:$0x3] =	stream.linear.gather [hbm4b:s23+s0], $0x80, $0x38;
	[tilespmem:$0x1FD00] =	vst v63  }
0x41: {  	s10 =	rddreg [dreg:$0x6];
	s11 =	simm.s32 $0x180  }
0x42: {  	[tilespmem:s11], [sflag:$0x4] =	stream.linear.gather [hbm4b:s10+s0], $0x80, $0x38;
	[tilespmem:$0x1FD00] =	vst v63  }
0x43: {  	s12 =	rddreg [dreg:$0x7];
	s13 =	simm.s32 $0x200  }
0x44: {  	[tilespmem:s13], [sflag:$0x5] =	stream.linear.gather [hbm4b:s12+s0], $0x80, $0x38;
	[tilespmem:$0x1FD00] =	vst v63  }
0x45: {  	s14 =	rddreg [dreg:$0x8];
	s16 =	simm.s32 $0x280  }
0x46: {  	[tilespmem:s16], [sflag:$0x6] =	stream.linear.gather [hbm4b:s14+s0], $0x80, $0x38;
	[tilespmem:$0x1FD00] =	vst v63  }
0x47: {  	s23 =	rddreg [dreg:$0x9];
	s31 =	simm.s32 $0x300  }
0x48: {  	[tilespmem:s31], [sflag:$0x7] =	stream.linear.gather [hbm4b:s23+s0], $0x80, $0x38;
	[tilespmem:$0x1FD00] =	vst v63  }
0x49: {  	s10 =	rddreg [dreg:$0xa];
	s11 =	simm.s32 $0x380  }
0x4a: {  	[tilespmem:s11], [sflag:$0x8] =	stream.linear.gather [hbm4b:s10+s0], $0x80, $0x38;
	[tilespmem:$0x1FD00] =	vst v63  }
0x4b: {  	s12 =	rddreg [dreg:$0x12];
	s13 =	simm.s32 $0x400;
	s14 =	simm.s32 $0x1  }
0x4c: {  	[tilespmem:s13], [sflag:$0x9] =	stream.linear.gather [hbm4b:s12+s0], $0x80, $0x38;
	[tilespmem:$0x1FD00] =	vst v63  }
0x4d: {  	_ =	swait.ge [sflag:s14], $0x80  }
0x4e: {  	[sflag:s14] =	ssyncset.done $0x0  }
0x4f: {  	s16 =	simm.s32 $0x480;
	s23 =	simm.s32 $0x2;
	[sflag:s14] =	ssyncadd.s32 $0xFFFFFF80  }
0x50: {  	[tilespmem:s16], [sflag:$0xA] =	stream.indirect.gather [hbm4b:s4+s3], $0x80, s0, s3, $0xb8;
	[tilespmem:$0x1FD00] =	vst v63  }
0x51: {  	_ =	swait.ge [sflag:s23], $0x80  }
0x52: {  	[sflag:s23] =	ssyncset.done $0x0  }
0x53: {  	s31 =	simm.s32 $0x4480;
	[sflag:s23] =	ssyncadd.s32 $0xFFFFFF80  }
0x54: {  	[tilespmem:s31], [sflag:$0xB] =	stream.indirect.gather [hbm4b:s4+s3], $0x80, s3, s3, $0xb8;
	[tilespmem:$0x1FD00] =	vst v63  }
0x55: {  	[tilespmem:$0x8480] =	vst v0  }
0x56: {  	[tilespmem:$0x8490] =	vst v0  }
0x57: {  	[tilespmem:$0x84A0] =	vst v0  }
0x58: {  	[tilespmem:$0x84B0] =	vst v0  }
0x59: {  	[tilespmem:$0x84C0] =	vst v0  }
0x5a: {  	[tilespmem:$0x84D0] =	vst v0  }
0x5b: {  	[tilespmem:$0x84E0] =	vst v0  }
0x5c: {  	[tilespmem:$0x84F0] =	vst v0  }
0x5d: {  	[tilespmem:$0x8500] =	vst v0  }
0x5e: {  	[tilespmem:$0x8510] =	vst v0  }
0x5f: {  	[tilespmem:$0x8520] =	vst v0  }
0x60: {  	[tilespmem:$0x8530] =	vst v0  }
0x61: {  	[tilespmem:$0x8540] =	vst v0  }
0x62: {  	[tilespmem:$0x8550] =	vst v0  }
0x63: {  	[tilespmem:$0x8560] =	vst v0  }
0x64: {  	[tilespmem:$0x8570] =	vst v0  }
0x65: {  	[tilespmem:$0x8580] =	vst v0  }
0x66: {  	[tilespmem:$0x8590] =	vst v0  }
0x67: {  	[tilespmem:$0x85A0] =	vst v0  }
0x68: {  	[tilespmem:$0x85B0] =	vst v0  }
0x69: {  	[tilespmem:$0x85C0] =	vst v0  }
0x6a: {  	[tilespmem:$0x85D0] =	vst v0  }
0x6b: {  	[tilespmem:$0x85E0] =	vst v0  }
0x6c: {  	[tilespmem:$0x85F0] =	vst v0  }
0x6d: {  	[tilespmem:$0x8600] =	vst v0  }
0x6e: {  	[tilespmem:$0x8610] =	vst v0  }
0x6f: {  	[tilespmem:$0x8620] =	vst v0  }
0x70: {  	[tilespmem:$0x8630] =	vst v0  }
0x71: {  	[tilespmem:$0x8640] =	vst v0  }
0x72: {  	[tilespmem:$0x8650] =	vst v0  }
0x73: {  	[tilespmem:$0x8660] =	vst v0  }
0x74: {  	[tilespmem:$0x8670] =	vst v0  }
0x75: {  	[tilespmem:$0x8680] =	vst v0  }
0x76: {  	[tilespmem:$0x8690] =	vst v0  }
0x77: {  	[tilespmem:$0x86A0] =	vst v0  }
0x78: {  	[tilespmem:$0x86B0] =	vst v0  }
0x79: {  	[tilespmem:$0x86C0] =	vst v0  }
0x7a: {  	[tilespmem:$0x86D0] =	vst v0  }
0x7b: {  	[tilespmem:$0x86E0] =	vst v0  }
0x7c: {  	[tilespmem:$0x86F0] =	vst v0  }
0x7d: {  	[tilespmem:$0x8700] =	vst v0  }
0x7e: {  	[tilespmem:$0x8710] =	vst v0  }
0x7f: {  	[tilespmem:$0x8720] =	vst v0  }
0x80: {  	[tilespmem:$0x8730] =	vst v0  }
0x81: {  	[tilespmem:$0x8740] =	vst v0  }
0x82: {  	[tilespmem:$0x8750] =	vst v0  }
0x83: {  	[tilespmem:$0x8760] =	vst v0  }
0x84: {  	[tilespmem:$0x8770] =	vst v0  }
0x85: {  	[tilespmem:$0x8780] =	vst v0  }
0x86: {  	[tilespmem:$0x8790] =	vst v0  }
0x87: {  	[tilespmem:$0x87A0] =	vst v0  }
0x88: {  	[tilespmem:$0x87B0] =	vst v0  }
0x89: {  	[tilespmem:$0x87C0] =	vst v0  }
0x8a: {  	[tilespmem:$0x87D0] =	vst v0  }
0x8b: {  	[tilespmem:$0x87E0] =	vst v0  }
0x8c: {  	[tilespmem:$0x87F0] =	vst v0  }
0x8d: {  	[tilespmem:$0x8800] =	vst v0  }
0x8e: {  	[tilespmem:$0x8810] =	vst v0  }
0x8f: {  	[tilespmem:$0x8820] =	vst v0  }
0x90: {  	[tilespmem:$0x8830] =	vst v0  }
0x91: {  	[tilespmem:$0x8840] =	vst v0  }
0x92: {  	[tilespmem:$0x8850] =	vst v0  }
0x93: {  	[tilespmem:$0x8860] =	vst v0  }
0x94: {  	s7 =	sadd.s32 $0x0, s22;
	s6 =	simm.s32 $0x1000;
	[tilespmem:$0x8870] =	vst v0  }
.LBB2_2:
0x95: {  	[spmem:s7] =	stream.linear.scatter [tilespmem:s17], [sflag:$0x10], $0x400, $0x38;
	[tilespmem:$0x1FD00] =	vst v63  }
0x96: {  	s7 =	smov.u32 s6;
	p1 =	sne.s32 s6, $0x4D000  }
.Ltmp2:
0x97: {  	s6 =	sadd.s32 $0x1000, s6;
	(pc) =	sbr.rel @p1 .LBB2_2-.Ltmp2, $3  }
0x98: {  	_ =	sdelay $0x1  }
0x99: {  	s7 =	sshra.s32 s7, $0x2  }
0x9a: {  	s7 =	sadd.s32 s7, s22  }
0x9b: {  	[spmem:s7] =	stream.linear.scatter [tilespmem:s17], [sflag:$0x10], $0x400, $0x38;
	[tilespmem:$0x1FD00] =	vst v63  }
0x9c: {  	s6 =	simm.s32 @!p0 $0x8480;
	s7 =	simm.s32 @!p0 $0x11  }
0x9d: {  	[spmem:s8] =	stream.linear.scatter @!p0 [tilespmem:s6], [sflag:$0x11], $0x400, $0x38;
	[tilespmem:$0x1FD00] =	vst v63  }
0x9e: {  	_ =	swait.ge @!p0 [sflag:s7], $0x400  }
0x9f: {  	[sflag:s7] =	ssyncset.done @!p0 $0x0  }
0xa0: {  	s0 =	rddreg [dreg:$0x16];
	[sflag:s7] =	ssyncadd.s32 @!p0 $0xFFFFFC00  }
0xa1: {  	[spmem:s0] =	stream.linear.scatter @!p0 [tilespmem:s6], [sflag:$0x11], $0x400, $0x38;
	[tilespmem:$0x1FD00] =	vst v63  }
0xa2: {  	_ =	swait.ge @!p0 [sflag:s7], $0x400  }
0xa3: {  	[sflag:s7] =	ssyncset.done @!p0 $0x0  }
0xa4: {  	[sflag:s7] =	ssyncadd.s32 @!p0 $0xFFFFFC00  }
0xa5: {  	_ =	swait.ge [sflag:s21], $0x400  }
0xa6: {  	s6 =	simm.s32 $0x4D;
	[sflag:s21] =	ssyncset.done $0x0  }
.LBB2_4:
0xa7: {  	p1 =	sne.s32 s6, $0x1;
	s6 =	sadd.s32 $0xFFFFFFFF, s6;
	[sflag:s21] =	ssyncadd.s32 $0xFFFFFC00  }
.Ltmp3:
0xa8: {  	(pc) =	sbr.rel @p1 .LBB2_4-.Ltmp3, $3  }
0xa9: {  	_ =	sdelay $0x1  }
0xaa: {  	_ =	swait.ge [sflag:s21], $0x400  }
0xab: {  	[sflag:s21] =	ssyncset.done $0x0  }
0xac: {  	[sflag:s21] =	ssyncadd.s32 $0xFFFFFC00  }
0xad: {  	[bflag:$0x0] =	sbarrier.arrive $0xFFFF  }
0xae: {  	s6 =	rddreg [dreg:$0x11]  }
.Ltmp4:
0xaf: {  	s11 =	rddreg [dreg:$0xd];
	(pc) =	sbr.rel .LBB2_6-.Ltmp4, $4  }
0xb0: {  	s12 =	rddreg [dreg:$0x10]  }
0xb1: {  	s8 =	rddreg [dreg:$0xc]  }
0xb2: {  	s16 =	rddreg [dreg:$0xf]  }
0xb3: {  	s10 =	simm.s32 $0x0;
	s13 =	simm.s32 $0x0;
	s14 =	rddreg [dreg:$0xe]  }
.LBB2_28:
0xb4: {  	s0 =	simm.s32 @!p2 $0x0;
	s7 =	simm.s32 @!p2 $0x380  }
0xb5: {  	[tilespmem:s7], [sflag:$0x8] =	stream.linear.gather @!p2 [hbm4b:s11+s0], $0x80, $0x38;
	[tilespmem:$0x1FD00] =	vst v63  }
.LBB2_21:
0xb6: {  	_ =	swait.ge [sflag:s2], $0x80  }
0xb7: {  	[sflag:s2] =	ssyncset.done $0x0  }
0xb8: {  	s0 =	simm.s32 $0x400;
	[sflag:s2] =	ssyncadd.s32 $0xFFFFFF80  }
0xb9: {  	[spmem:s1] =	stream.indirect.scatter.add.f32 [tilespmem:s17], [sflag:$0xF], $0x80, s0, s3, $0xb8;
	[tilespmem:$0x1FD00] =	vst v63  }
.LBB2_22:
0xba: {  	s0 =	rddreg [dreg:$0x18]  }
0xbb: {  	p1 =	sge.u32 s10, s0  }
0xbc: {  	s0 =	simm.s32 @!p1 $0x2  }
0xbd: {  	_ =	swait.ge @!p1 [sflag:s0], $0x80  }
0xbe: {  	s31 =	sadd.s32 $0x5, s10;
	[sflag:s0] =	ssyncset.done @!p1 $0x0  }
0xbf: {  	s7 =	simm.s32 @!p1 $0x4480;
	[sflag:s0] =	ssyncadd.s32 @!p1 $0xFFFFFF80;
	s0 =	simm.s32 @!p1 $0x80  }
0xc0: {  	[tilespmem:s7], [sflag:$0xB] =	stream.indirect.gather @!p1 [hbm4b:s4+s0], $0x80, s0, s0, $0xb8;
	[tilespmem:$0x1FD00] =	vst v63  }
0xc1: {  	p1 =	sge.u32 s31, s5  }
0xc2: {  	s0 =	simm.s32 @!p1 $0x0;
	s7 =	simm.s32 @!p1 $0x100  }
0xc3: {  	[tilespmem:s7], [sflag:$0x3] =	stream.linear.gather @!p1 [hbm4b:s12+s0], $0x80, $0x38;
	[tilespmem:$0x1FD00] =	vst v63  }
.LBB2_23:
0xc4: {  	s10 =	sadd.s32 $0x3, s10  }
0xc5: {  	p1 =	sne.s32 s25, s10  }
.Ltmp5:
0xc6: {  	_ = 	snop;
	(pc) =	sbr.rel @!p1 .LBB2_24-.Ltmp5, $4  }
0xc7: {  	_ = 	snop  }
0xc8: {  	s13 =	sadd.s32 $0x1, s13  }
0xc9: {  	s14 =	sadd.s32 $0x30, s14;
	s16 =	sadd.s32 $0x30, s16;
	s8 =	sadd.s32 $0x30, s8  }
0xca: {  	s12 =	sadd.s32 $0x30, s12;
	s11 =	sadd.s32 $0x30, s11;
	s6 =	sadd.s32 $0x30, s6  }
.LBB2_6:
0xcb: {  	p1 =	sge.u32 s10, s5  }
.Ltmp6:
0xcc: {  	_ = 	snop;
	(pc) =	sbr.rel @p1 .LBB2_13-.Ltmp6, $2  }
0xcd: {  	_ =	sdelay $0x2  }
0xce: {  	s7 =	sand.u32 $0x1, s13  }
0xcf: {  	p1 =	seq.s32 s10, $0x0  }
.Ltmp7:
0xd0: {  	_ = 	snop;
	(pc) =	sbr.rel @p1 .LBB2_10-.Ltmp7, $4  }
0xd1: {  	_ = 	snop  }
0xd2: {  	_ =	swait.ge [sflag:s18], $0x4000  }
0xd3: {  	[sflag:s18] =	ssyncset.done $0x0  }
0xd4: {  	[sflag:s18] =	ssyncadd.s32 $0xFFFFC000  }
0xd5: {  	p2 =	seq.s32 s7, $0x1  }
.Ltmp8:
0xd6: {  	_ = 	snop;
	(pc) =	sbr.rel @!p2 .LBB2_9-.Ltmp8, $4  }
0xd7: {  	s0 =	simm.s32 $0xF  }
0xd8: {  	_ =	swait.ge [sflag:s0], $0x4000  }
0xd9: {  	s23 =	sadd.s32 $0x5, s10;
	[sflag:s0] =	ssyncset.done $0x0  }
0xda: {  	p1 =	sge.u32 s23, s5;
	[sflag:s0] =	ssyncadd.s32 $0xFFFFC000  }
.Ltmp9:
0xdb: {  	(pc) =	sbr.rel .LBB2_11-.Ltmp9, $3  }
0xdc: {  	_ =	sdelay $0x1  }
0xdd: {  	s23 =	simm.s32 @!p1 $0x0;
	s31 =	simm.s32 @!p1 $0x280  }
0xde: {  	[tilespmem:s31], [sflag:$0x6] =	stream.linear.gather @!p1 [hbm4b:s14+s23], $0x80, $0x38;
	[tilespmem:$0x1FD00] =	vst v63  }
.LBB2_9:
0xdf: {  	s23 =	simm.s32 @!p1 $0x0;
	s31 =	simm.s32 @!p1 $0x400  }
0xe0: {  	[tilespmem:s31], [sflag:$0x9] =	stream.linear.gather @!p1 [hbm4b:s14+s23], $0x80, $0x38;
	[tilespmem:$0x1FD00] =	vst v63  }
.LBB2_10:
0xe1: {  	p1 =	seq.s32 s7, $0x0  }
.Ltmp10:
0xe2: {  	_ = 	snop;
	(pc) =	sbr.rel @p1 .LBB2_12-.Ltmp10, $4  }
0xe3: {  	_ =	swait.ge [sflag:s19], $0x80  }
0xe4: {  	[sflag:s19] =	ssyncset.done $0x0  }
0xe5: {  	s0 =	simm.s32 $0x180;
	s23 =	simm.s32 $0x480;
	[sflag:s19] =	ssyncadd.s32 $0xFFFFFF80  }
0xe6: {  	[spmem:s1] =	stream.indirect.scatter.add.f32 [tilespmem:s23], [sflag:$0xD], $0x80, s0, s3, $0xb8;
	[tilespmem:$0x1FD00] =	vst v63  }
.LBB2_11:
0xe7: {  	_ =	swait.ge [sflag:s20], $0x80  }
0xe8: {  	[sflag:s20] =	ssyncset.done $0x0  }
0xe9: {  	s0 =	simm.s32 $0x300;
	s23 =	simm.s32 $0x480;
	[sflag:s20] =	ssyncadd.s32 $0xFFFFFF80  }
0xea: {  	[spmem:s1] =	stream.indirect.scatter.add.f32 [tilespmem:s23], [sflag:$0xD], $0x80, s0, s3, $0xb8;
	[tilespmem:$0x1FD00] =	vst v63  }
.LBB2_12:
0xeb: {  	p1 =	sge.u32 s10, s29  }
0xec: {  	s23 =	simm.s32 @!p1 $0x3  }
0xed: {  	_ =	swait.ge @!p1 [sflag:s23], $0x80  }
0xee: {  	s31 =	simm.s32 @!p1 $0x100;
	[sflag:s23] =	ssyncset.done @!p1 $0x0  }
0xef: {  	s0 =	simm.s32 @!p1 $0x8480;
	[sflag:s23] =	ssyncadd.s32 @!p1 $0xFFFFFF80;
	s23 =	simm.s32 @!p1 $0x80  }
0xf0: {  	[tilespmem:s0], [sflag:$0xC] =	stream.indirect.gather @!p1 [hbm4b:s4+s23], $0x80, s31, s23, $0xb8;
	[tilespmem:$0x1FD00] =	vst v63  }
0xf1: {  	s31 =	sadd.s32 $0x3, s10  }
0xf2: {  	p1 =	sge.u32 s31, s5  }
0xf3: {  	s0 =	simm.s32 @!p1 $0x0  }
0xf4: {  	[tilespmem:s0], [sflag:$0x1] =	stream.linear.gather @!p1 [hbm4b:s16+s0], $0x80, $0x38;
	[tilespmem:$0x1FD00] =	vst v63  }
.LBB2_13:
0xf5: {  	p2 =	sge.u32 s10, s30  }
.Ltmp11:
0xf6: {  	_ = 	snop;
	(pc) =	sbr.rel @p2 .LBB2_18-.Ltmp11, $2  }
0xf7: {  	_ =	sdelay $0x2  }
0xf8: {  	p1 =	seq.s32 s7, $0x1  }
0xf9: {  	_ =	swait.ge [sflag:s9], $0x4000  }
.Ltmp12:
0xfa: {  	[sflag:s9] =	ssyncset.done $0x0;
	(pc) =	sbr.rel @!p1 .LBB2_15-.Ltmp12, $4  }
0xfb: {  	[sflag:s9] =	ssyncadd.s32 $0xFFFFC000  }
0xfc: {  	_ =	swait.ge [sflag:s24], $0x4000  }
0xfd: {  	s0 =	sadd.s32 $0x6, s10;
	[sflag:s24] =	ssyncset.done $0x0  }
0xfe: {  	p2 =	sge.u32 s0, s5;
	[sflag:s24] =	ssyncadd.s32 $0xFFFFC000  }
.Ltmp13:
0xff: {  	(pc) =	sbr.rel .LBB2_16-.Ltmp13, $3  }
0x100: {  	_ =	sdelay $0x1  }
0x101: {  	s0 =	simm.s32 @!p2 $0x0;
	s23 =	simm.s32 @!p2 $0x300  }
0x102: {  	[tilespmem:s23], [sflag:$0x7] =	stream.linear.gather @!p2 [hbm4b:s8+s0], $0x80, $0x38;
	[tilespmem:$0x1FD00] =	vst v63  }
.LBB2_15:
0x103: {  	s0 =	simm.s32 @!p2 $0x0;
	s23 =	simm.s32 @!p2 $0x180  }
0x104: {  	[tilespmem:s23], [sflag:$0x4] =	stream.linear.gather @!p2 [hbm4b:s8+s0], $0x80, $0x38;
	[tilespmem:$0x1FD00] =	vst v63  }
0x105: {  	p2 =	seq.s32 s7, $0x0  }
.Ltmp14:
0x106: {  	s31 =	simm.s32 $0x5;
	(pc) =	sbr.rel @p2 .LBB2_17-.Ltmp14, $4  }
0x107: {  	_ =	swait.ge [sflag:s31], $0x80  }
0x108: {  	[sflag:s31] =	ssyncset.done $0x0  }
0x109: {  	s23 =	simm.s32 $0x200;
	[sflag:s31] =	ssyncadd.s32 $0xFFFFFF80;
	s31 =	simm.s32 $0x4480  }
0x10a: {  	[spmem:s1] =	stream.indirect.scatter.add.f32 [tilespmem:s31], [sflag:$0xE], $0x80, s23, s3, $0xb8;
	[tilespmem:$0x1FD00] =	vst v63  }
.LBB2_16:
0x10b: {  	_ =	swait.ge [sflag:s28], $0x80  }
0x10c: {  	[sflag:s28] =	ssyncset.done $0x0  }
0x10d: {  	s0 =	simm.s32 $0x380;
	s23 =	simm.s32 $0x4480;
	[sflag:s28] =	ssyncadd.s32 $0xFFFFFF80  }
0x10e: {  	[spmem:s1] =	stream.indirect.scatter.add.f32 [tilespmem:s23], [sflag:$0xE], $0x80, s0, s3, $0xb8;
	[tilespmem:$0x1FD00] =	vst v63  }
.LBB2_17:
0x10f: {  	s0 =	rddreg [dreg:$0x17]  }
0x110: {  	p2 =	sge.u32 s10, s0  }
0x111: {  	s0 =	simm.s32 @!p2 $0x1  }
0x112: {  	_ =	swait.ge @!p2 [sflag:s0], $0x80  }
0x113: {  	s23 =	simm.s32 @!p2 $0x0;
	[sflag:s0] =	ssyncset.done @!p2 $0x0  }
0x114: {  	s31 =	simm.s32 @!p2 $0x480;
	[sflag:s0] =	ssyncadd.s32 @!p2 $0xFFFFFF80;
	s0 =	simm.s32 @!p2 $0x80  }
0x115: {  	[tilespmem:s31], [sflag:$0xA] =	stream.indirect.gather @!p2 [hbm4b:s4+s0], $0x80, s23, s0, $0xb8;
	[tilespmem:$0x1FD00] =	vst v63  }
0x116: {  	s31 =	sadd.s32 $0x4, s10  }
0x117: {  	p2 =	sge.u32 s31, s5  }
0x118: {  	s0 =	simm.s32 @!p2 $0x0;
	s23 =	simm.s32 @!p2 $0x80  }
0x119: {  	[tilespmem:s23], [sflag:$0x2] =	stream.linear.gather @!p2 [hbm4b:s6+s0], $0x80, $0x38;
	[tilespmem:$0x1FD00] =	vst v63  }
.LBB2_18:
0x11a: {  	p2 =	sge.u32 s10, s29  }
.Ltmp15:
0x11b: {  	_ = 	snop;
	(pc) =	sbr.rel @p2 .LBB2_23-.Ltmp15, $1  }
0x11c: {  	_ =	sdelay $0x3  }
0x11d: {  	_ =	swait.ge [sflag:s15], $0x4000  }
.Ltmp16:
0x11e: {  	[sflag:s15] =	ssyncset.done $0x0;
	(pc) =	sbr.rel @p1 .LBB2_28-.Ltmp16, $4  }
0x11f: {  	[sflag:s15] =	ssyncadd.s32 $0xFFFFC000  }
0x120: {  	_ =	swait.ge [sflag:s26], $0x4000  }
0x121: {  	s0 =	sadd.s32 $0x7, s10;
	[sflag:s26] =	ssyncset.done $0x0  }
0x122: {  	p2 =	sge.u32 s0, s5;
	[sflag:s26] =	ssyncadd.s32 $0xFFFFC000  }
0x123: {  	s0 =	simm.s32 @!p2 $0x0;
	s23 =	simm.s32 @!p2 $0x200;
	p1 =	seq.s32 s7, $0x0  }
0x124: {  	[tilespmem:s23], [sflag:$0x5] =	stream.linear.gather @!p2 [hbm4b:s11+s0], $0x80, $0x38;
	[tilespmem:$0x1FD00] =	vst v63  }
.Ltmp17:
0x125: {  	s23 =	simm.s32 $0x6;
	(pc) =	sbr.rel @p1 .LBB2_22-.Ltmp17, $4  }
.Ltmp18:
0x126: {  	_ =	swait.ge [sflag:s23], $0x80;
	(pc) =	sbr.rel @!p1 .LBB2_21-.Ltmp18, $4  }
0x127: {  	[sflag:s23] =	ssyncset.done $0x0  }
0x128: {  	s31 =	simm.s32 $0x280;
	[sflag:s23] =	ssyncadd.s32 $0xFFFFFF80  }
0x129: {  	[spmem:s1] =	stream.indirect.scatter.add.f32 [tilespmem:s17], [sflag:$0xF], $0x80, s31, s3, $0xb8;
	[tilespmem:$0x1FD00] =	vst v63  }
0x12a: {  	_ = 	snop  }
.LBB2_25:
0x12b: {  	_ =	sfence.sel $0x180000  }
0x12c: {  	[bflag:$0x0] =	sbarrier.arrive $0xFFFF  }
0x12d: {  	_ =	strace $0x9000004A  }
0x12e: {  	[bflag:$0x2] =	sbarrier.arrive $0xFFFF  }
0x12f: {  	s0 =	rddreg [dreg:$0x2]  }
0x130: {  	s0 =	sadd.s32 @!p0 $0x100000, s0  }
0x131: {  	[sflag:s0] =	ssyncadd.tile.s32 @!p0 $0x1;
	_ =	shalt  }
.Lfunc_end2:
_tile_overlayer_lowered:
.L_overlay_start_2:
0x132: {  	(tag) =	ssettag $0x2  }
0x133: {  	s0 =	rddreg [dreg:$0x0];
	s2 =	stileid.u32  }
0x134: {  	s1 =	rddreg [dreg:$0x1];
	p0 =	sne.s32 s2, $0x0  }
0x135: {  	s3 =	rddreg [dreg:$0x2];
	[bflag:$0x3] =	sbarrier.arrive $0xFFFF;
	s2 =	simm.s32 @!p0 $0x1C11  }
0x136: {  	[timem:s3], [sflag:s2] =	dma.local @!p0 [hbm:s0], s1  }
0x137: {  	s0 =	simm.s32 @!p0 $0x11  }
0x138: {  	_ =	swait.ge @!p0 [sflag:s0], s1  }
0x139: {  	s1 =	ssub.s32 @!p0 $0x0, s1;
	[sflag:s0] =	ssyncset.done @!p0 $0x0  }
0x13a: {  	[sflag:s0] =	ssyncadd.s32 @!p0 s1  }
0x13b: {  	[bflag:$0x3] =	sbarrier.arrive $0xFFFF  }
0x13c: {  	_ =	shalt  }

// kernel: kernel.15.cloned.1.call-start
scs
__scs_entry_jumppad:
0x0: {  	(pc) =	sbr.rel $0x88, $3  }
0x1: {  	(tag) =	ssettag $0x0;
	lr =	simm.s32 $0x1  }
0x2: {  	[smem:$0x3F94] =	sst lr;
	_ =	strace $0xD0000000  }
0x3: {  	_ = 	snop  }
0x4: {  	_ = 	snop  }
0x5: {  	_ = 	snop  }
0x6: {  	_ = 	snop  }
0x7: {  	_ = 	snop  }
__scs_overlays_trampoline_lowered:
0x8: {  	[smem:$0x3FA3] =	sst s0  }
0x9: {  	[smem:$0x3FA4] =	sst s1  }
0xa: {  	[smem:$0x3FA5] =	sst s2  }
0xb: {  	[smem:$0x3FA6] =	sst s3  }
0xc: {  	[smem:$0x3FA7] =	sst s4  }
0xd: {  	[smem:$0x3FA8] =	sst s5  }
0xe: {  	[smem:$0x3FA9] =	sst s6  }
0xf: {  	[smem:$0x3FAA] =	sst s7  }
0x10: {  	[smem:$0x3FAB] =	sst s8  }
0x11: {  	[smem:$0x3FAC] =	sst s9;
	s0 =	simm.s32 @!p0 $0x0  }
0x12: {  	s1 =	sld [smem:$0x3F92];
	s0 =	simm.s32 @p0 $0x1  }
0x13: {  	[smem:$0x3FAD] =	sst s0;
	s0 =	simm.s32 @!p1 $0x0  }
0x14: {  	s2 =	sld [smem:$0x3F91];
	s0 =	simm.s32 @p1 $0x1  }
0x15: {  	[smem:$0x3FAE] =	sst s0;
	s0 =	simm.s32 @!p2 $0x0  }
0x16: {  	s3 =	sld [smem:$0x3FDB];
	s0 =	simm.s32 @p2 $0x1  }
0x17: {  	s4 =	simm.s32 $0x1BF5;
	[smem:$0x3FB0] =	sst s0  }
0x18: {  	s0 =	sld [smem:$0x3F93];
	_ =	swait.ge [sflag:s4], $0x0  }
0x19: {  	s7 =	sld [smem:$0x3F94]  }
0x1a: {  	s8 =	sadd.s32 $0xFFFFE003, lr  }
0x1b: {  	s9 =	sadd.s32 $0xFFFFFEF7, lr;
	s5 =	simm.s32 $0xFFFFFFFF;
	p2 =	slt.u32 s8, $0xFFFFF086  }
0x1c: {  	p1 =	slt.u32 s9, $0xF7A;
	s5 =	simm.s32 @!p2 $0x0  }
0x1d: {  	s5 =	simm.s32 @p1 $0x1;
	p0 =	seq.s32 s7, s2  }
0x1e: {  	s7 =	smul.u32 @!p0 $0xF7A, s2;
	p2 =	seq.s32 @!p0 s5, $0x0  }
0x1f: {  	s9 =	smul.u32 $0xF7A, s1;
	s8 =	simm.s32 @!p0 $0x1BF5;
	p2 =	por !p2, p0  }
0x20: {  	[sflag:s8] =	ssyncset.s32 @!p0 $0xFFFFF086;
	s6 =	sadd.s32 @!p0 s3, s7;
	s7 =	simm.s32 @!p0 $0x108  }
0x21: {  	s3 =	sadd.s32 s3, s9;
	s6 =	sadd.s32 @!p0 $0x88, s6;
	s7 =	simm.s32 @p2 $0x1082  }
0x22: {  	[simem:s7], [sflag:s8] =	dma.local @!p0 [hbm:s6], $0xF7A  }
0x23: {  	s9 =	sor.u32 $0xD0000000, s2;
	s6 =	simm.s32 $0x108;
	_ =	swait.ge @!p0 [sflag:s8], $0x0  }
0x24: {  	s3 =	sadd.s32 $0x88, s3;
	s6 =	simm.s32 @!p1 $0x1082;
	[sflag:s4] =	ssyncset.s32 $0xFFFFF086  }
0x25: {  	[simem:s6], [sflag:s4] =	dma.local [hbm:s3], $0xF7A  }
0x26: {  	[smem:$0x3F94] =	sst s1;
	(tag) =	ssettag s2;
	_ =	strace s9  }
0x27: {  	s1 =	sld [smem:$0x3FA4]  }
0x28: {  	s2 =	sld [smem:$0x3FA5]  }
0x29: {  	s4 =	sld [smem:$0x3FA7]  }
0x2a: {  	p0 =	seq.s32 s5, $0x0;
	s5 =	sld [smem:$0x3FA8]  }
0x2b: {  	s6 =	sld [smem:$0x3FA9]  }
0x2c: {  	s7 =	sld [smem:$0x3FAA]  }
0x2d: {  	s3 =	simm.s32 $0x108;
	s8 =	sld [smem:$0x3FAB]  }
0x2e: {  	s3 =	simm.s32 @!p0 $0x1082;
	s9 =	sld [smem:$0x3FAC]  }
0x2f: {  	lr =	sadd.s32 s0, s3;
	s0 =	sld [smem:$0x3FA3]  }
0x30: {  	s3 =	sld [smem:$0x3FA6]  }
0x31: {  	[smem:$0x3FAF] =	sst s10  }
0x32: {  	s10 =	sld [smem:$0x3FAD];
	_ =	sdelay $0x3  }
0x33: {  	p0 =	seq.s32 s10, $0x1;
	s10 =	sld [smem:$0x3FAF];
	_ =	sdelay $0x3  }
0x34: {  	[smem:$0x3FAF] =	sst s10  }
0x35: {  	s10 =	sld [smem:$0x3FAE];
	_ =	sdelay $0x3  }
0x36: {  	p1 =	seq.s32 s10, $0x1;
	s10 =	sld [smem:$0x3FAF];
	_ =	sdelay $0x3  }
0x37: {  	[smem:$0x3FAF] =	sst s10  }
0x38: {  	s10 =	sld [smem:$0x3FB0]  }
0x39: {  	_ = 	snop;
	(pc) =	sbr.ind lr, $3  }
0x3a: {  	_ = 	snop  }
0x3b: {  	_ = 	snop  }
0x3c: {  	p2 =	seq.s32 s10, $0x1;
	s10 =	sld [smem:$0x3FAF]  }
0x3d: {  	_ =	shalt  }
0x3e: {  	_ =	shalt  }
0x3f: {  	_ =	shalt  }
0x40: {  	_ =	shalt  }
0x41: {  	_ =	shalt  }
0x42: {  	_ =	shalt  }
0x43: {  	_ =	shalt  }
0x44: {  	_ =	shalt  }
0x45: {  	_ =	shalt  }
0x46: {  	_ =	shalt  }
0x47: {  	_ =	shalt  }
0x48: {  	_ =	shalt  }
0x49: {  	_ =	shalt  }
0x4a: {  	_ =	shalt  }
0x4b: {  	_ =	shalt  }
0x4c: {  	_ =	shalt  }
0x4d: {  	_ =	shalt  }
0x4e: {  	_ =	shalt  }
0x4f: {  	_ =	shalt  }
0x50: {  	_ =	shalt  }
0x51: {  	_ =	shalt  }
0x52: {  	_ =	shalt  }
0x53: {  	_ =	shalt  }
0x54: {  	_ =	shalt  }
0x55: {  	_ =	shalt  }
0x56: {  	_ =	shalt  }
0x57: {  	_ =	shalt  }
0x58: {  	_ =	shalt  }
0x59: {  	_ =	shalt  }
0x5a: {  	_ =	shalt  }
0x5b: {  	_ =	shalt  }
0x5c: {  	_ =	shalt  }
0x5d: {  	_ =	shalt  }
0x5e: {  	_ =	shalt  }
0x5f: {  	_ =	shalt  }
0x60: {  	_ =	shalt  }
0x61: {  	_ =	shalt  }
0x62: {  	_ =	shalt  }
0x63: {  	_ =	shalt  }
0x64: {  	_ =	shalt  }
0x65: {  	_ =	shalt  }
0x66: {  	_ =	shalt  }
0x67: {  	_ =	shalt  }
0x68: {  	_ =	shalt  }
0x69: {  	_ =	shalt  }
0x6a: {  	_ =	shalt  }
0x6b: {  	_ =	shalt  }
0x6c: {  	_ =	shalt  }
0x6d: {  	_ =	shalt  }
0x6e: {  	_ =	shalt  }
0x6f: {  	_ =	shalt  }
0x70: {  	_ =	shalt  }
0x71: {  	_ =	shalt  }
0x72: {  	_ =	shalt  }
0x73: {  	_ =	shalt  }
0x74: {  	_ =	shalt  }
0x75: {  	_ =	shalt  }
0x76: {  	_ =	shalt  }
0x77: {  	_ =	shalt  }
0x78: {  	_ =	shalt  }
0x79: {  	_ =	shalt  }
0x7a: {  	_ =	shalt  }
0x7b: {  	_ =	shalt  }
0x7c: {  	_ =	shalt  }
0x7d: {  	_ =	shalt  }
0x7e: {  	_ =	shalt  }
0x7f: {  	_ =	shalt  }
0x80: {  	_ =	shalt  }
0x81: {  	_ =	shalt  }
0x82: {  	_ =	shalt  }
0x83: {  	_ =	shalt  }
0x84: {  	_ =	shalt  }
0x85: {  	_ =	shalt  }
0x86: {  	_ =	shalt  }
0x87: {  	_ =	shalt  }
.Lfunc_end0:
.L_simem_size_0:
called_computation.2_lowered:
.L_overlay_start_0:
0x88: {  	s2 =	sld [smem:$0x3FD9]  }
0x89: {  	s3 =	sld [smem:$0x3FFE];
	_ =	sdelay $0x1  }
0x8a: {  	s1 =	srdreg.scid  }
0x8b: {  	s0 =	sand.u32 $0x1, s1  }
0x8c: {  	s16 =	sshll.u32 s0, $0xA;
	s2 =	sadd.s32 s3, s2  }
0x8d: {  	s2 =	sadd.s32 s2, s16  }
0x8e: {  	[smem:$0x3FBB] =	sst s2  }
0x8f: {  	_ = 	snop  }
0x90: {  	(tm) =	ssettm $0x1  }
0x91: {  	s17 =	sld [smem:$0x3FFB];
	_ =	sdelay $0x3  }
0x92: {  	_ =	strace s17  }
0x93: {  	s2 =	sld [smem:$0x3FFC];
	_ =	sdelay $0x3  }
0x94: {  	_ =	strace s2  }
0x95: {  	s2 =	sld [smem:$0x3FFD];
	_ =	sdelay $0x3  }
0x96: {  	_ =	strace s2  }
0x97: {  	_ =	strace $0x8FFFFFFF  }
0x98: {  	s18 =	sld [smem:$0x3FDB];
	_ =	sdelay $0x1  }
0x99: {  	s19 =	simm.s32 $_scs_section_size  }
0x9a: {  	s4 =	simm.s32 $_size__tile_overlayer_lowered;
	s5 =	simm.s32 $_tile_overlayer_lowered  }
0x9b: {  	s22 =	simm.s32 $0x1BFF;
	s21 =	sshll.u32 s5, $0x1;
	s2 =	sadd.s32 s19, s18  }
0x9c: {  	s6 =	simm.s32 $0x0;
	s20 =	sshll.u32 s4, $0x1;
	s4 =	sadd.s32 s21, s2  }
0x9d: {  	[timem:s6], [sflag:s22] =	dma.local [hbm:s4], s20  }
0x9e: {  	_ =	swait.ge [sflag:s22], s20  }
0x9f: {  	s3 =	ssub.s32 $0x0, s20;
	[sflag:s22] =	ssyncset.done $0x0  }
0xa0: {  	[sflag:s22] =	ssyncadd.s32 s3;
	_ =	sdelay $0x1  }
0xa1: {  	s23 =	simm.s32 $0x1B8B  }
0xa2: {  	_ =	swait.ge [sflag:s23], $0x1  }
0xa3: {  	[sflag:s23] =	ssyncset.done $0x0  }
0xa4: {  	s25 =	simm.s32 $0x1B8E;
	s24 =	sld [smem:$0x3FFE];
	[sflag:s23] =	ssyncadd.s32 $0xFFFFFFFF  }
0xa5: {  	s26 =	simm.s32 $execute0_lowered;
	[smem:$0x3FD2] =	sst s25  }
0xa6: {  	s4 =	sshll.u32 s26, $0x1;
	_ =	strace $0x8000004C;
	[dreg:$0x1] =	wrdreg $0xFFFFFFFF  }
0xa7: {  	s28 =	simm.s32 $_size_execute0_lowered;
	s2 =	sadd.s32 s2, s4;
	[dreg:$0x0] =	wrdreg $0x0  }
0xa8: {  	s4 =	sshll.u32 s28, $0x1;
	[dreg:$0x2] =	wrdreg s2  }
0xa9: {  	[dreg:$0x3] =	wrdreg s4  }
0xaa: {  	[dreg:$0x4] =	wrdreg $0xC0  }
0xab: {  	_ =	task [dreg:s6], $0x5FFFF  }
0xac: {  	[dreg:$0x1] =	wrdreg $0xFFFFFFFF  }
0xad: {  	[dreg:$0x0] =	wrdreg $0x60  }
0xae: {  	[dreg:$0x2] =	wrdreg s24  }
0xaf: {  	[dreg:$0x3] =	wrdreg $0xC4800  }
0xb0: {  	[dreg:$0x4] =	wrdreg $0x9  }
0xb1: {  	_ =	task.clear_ibuf [dreg:s6], $0x5FFFF;
	_ =	strace $0x9000004C  }
0xb2: {  	s29 =	simm.s32 $0x9;
	_ =	strace $0x8000004E  }
0xb3: {  	_ =	swait.ge [sflag:s29], $0x1  }
0xb4: {  	[sflag:s29] =	ssyncadd.s32 $0xFFFFFFFF  }
0xb5: {  	_ =	strace $0x9000004E  }
0xb6: {  	_ =	sfence  }
0xb7: {  	s30 =	sld [smem:$0x0];
	_ =	sdelay $0x2  }
0xb8: {  	s31 =	sshll.u32 s1, $0xD;
	s1 =	sshrl.u32 s1, $0x2  }
0xb9: {  	s3 =	sand.u32 $0x4000, s31;
	s1 =	sadd.s32 s1, s30  }
0xba: {  	s0 =	sor.u32 s3, s0;
	s1 =	sshll.u32 s1, $0x11  }
0xbb: {  	s0 =	sor.u32 s1, s0  }
0xbc: {  	s0 =	sadd.s32 $0x8F2B, s0  }
0xbd: {  	[sflag:s0] =	ssyncadd.remote.s32 $0x1  }
0xbe: {  	_ =	sfence.sel $0xFFFF  }
0xbf: {  	[dreg:$0x0] =	wrdreg $0xFFFFFFFF;
	(pc) =	sbr.abs _section_cstart, $3  }
0xc0: {  	[dreg:$0x1] =	wrdreg $0xFFFFFFFF  }
0xc1: {  	_ =	task.clear_ibuf [dreg:s6], $0x2FFFF;
	_ =	strace $0x9FFFFFFF  }
0xc2: {  	(tm) =	ssettm $0x7FFFFFFF  }
0xc3: {  	_ =	shalt  }
tec
execute0_lowered:
.L_overlay_start_1:
0x0: {  	(tag) =	ssettag $0x1  }
0x1: {  	s0 =	rddreg [dreg:$0x0]  }
0x2: {  	s1 =	rddreg [dreg:$0x1]  }
0x3: {  	s3 =	simm.s32 $0x0;
	s2 =	srdreg.scid;
	s14 =	stileid.u32  }
0x4: {  	s28 =	simm.s32 $0x8;
	[smem:$0x7FF] =	sst s3;
	s22 =	smul.u32 $0x13800, s14  }
0x5: {  	s2 =	sand.u32 $0x1, s2;
	s4 =	sadd.s32 $0x16200, s0;
	s25 =	smul.u32 $0x2800, s14  }
0x6: {  	s6 =	sadd.s32 $0x2600, s0;
	s9 =	sadd.s32 $0xC400, s0;
	s31 =	smul.u32 $0x4E000, s14  }
0x7: {  	s0 =	sadd.s32 $0x3D400, s0;
	s18 =	sshll.u32 s2, $0x4;
	s11 =	smul.u32 $0x138800, s2  }
0x8: {  	s5 =	ssub.s32 $0x2, s2;
	s2 =	smul.u32 $0x28000, s2;
	s3 =	sor.u32 s14, s18  }
0x9: {  	_ =	strace $0x8000004D;
	s7 =	sshrl.u32 s5, $0x1;
	s8 =	smul.u32 $0x2800, s3  }
0xa: {  	s7 =	ssub.s32 s5, s7;
	p0 =	seq.s32 s3, $0x1F;
	s5 =	simm.s32 $0x14  }
0xb: {  	s3 =	sadd.s32 s22, s11;
	s13 =	sshrl.u32 s11, $0x3;
	s2 =	sadd.s32 s25, s2  }
0xc: {  	s22 =	sshrl.u32 s31, $0x2;
	s5 =	simm.s32 @!p0 $0x50;
	s3 =	sshrl.u32 s3, $0x3  }
0xd: {  	s17 =	sor.u32 $0x300, s2;
	s18 =	sor.u32 $0x380, s2;
	s22 =	sadd.s32 s22, s1  }
0xe: {  	p0 =	sne.s32 s14, $0x0;
	s19 =	sshrl.u32 s8, $0x3;
	s3 =	sadd.s32 s0, s3  }
0xf: {  	s0 =	sadd.s32 s0, s13;
	s31 =	sadd.s32 $0xFFFFFFFC, s5;
	[dreg:$0xb] =	wrdreg s3  }
0x10: {  	s11 =	sshrl.u32 s17, $0x3;
	s8 =	sadd.s32 s6, s19;
	[dreg:$0x18] =	wrdreg s31  }
0x11: {  	s16 =	sor.u32 $0x2, s5;
	s11 =	sadd.s32 s11, s9;
	[dreg:$0x3] =	wrdreg s8  }
0x12: {  	s13 =	sor.u32 $0x180, s2;
	s15 =	sadd.s32 s9, s19;
	[dreg:$0xc] =	wrdreg s11  }
0x13: {  	s20 =	sor.u32 $0x10, s19;
	s0 =	sadd.s32 $0x27000, s0;
	[dreg:$0x6] =	wrdreg s15  }
0x14: {  	s21 =	sor.u32 $0x20, s19;
	s10 =	sadd.s32 s6, s20;
	[dreg:$0x13] =	wrdreg s0  }
0x15: {  	s29 =	sadd.s32 $0xFFFFFFFE, s5;
	s12 =	sadd.s32 s6, s21;
	[dreg:$0x4] =	wrdreg s10  }
0x16: {  	s30 =	sadd.s32 $0xFFFFFFFF, s5;
	s8 =	sadd.s32 s9, s20;
	[dreg:$0x5] =	wrdreg s12  }
0x17: {  	s17 =	simm.s32 $0x8480;
	s23 =	sadd.s32 s9, s21;
	[dreg:$0x7] =	wrdreg s8  }
0x18: {  	s3 =	smulhi.u32 $0x55555556, s16;
	s24 =	sadd.s32 $0x30, s15;
	[dreg:$0x8] =	wrdreg s23  }
0x19: {  	s26 =	sadd.s32 $0x40, s15;
	s20 =	sshrl.u32 s13, $0x3;
	[dreg:$0x9] =	wrdreg s24  }
0x1a: {  	s21 =	sadd.s32 $0x50, s15;
	s15 =	simm.s32 $0xC;
	[dreg:$0xa] =	wrdreg s26  }
0x1b: {  	s8 =	sor.u32 $0x280, s2;
	s12 =	sshrl.u32 s18, $0x3;
	s2 =	sor.u32 $0x200, s2  }
0x1c: {  	[dreg:$0x12] =	wrdreg s21;
	s23 =	smax.u32 s7, $0x1;
	s25 =	smul.u32 $0x3, s3  }
0x1d: {  	s24 =	sadd.s32 $0x138400, s1;
	s26 =	sadd.s32 $0xFFFFFFFD, s5;
	s3 =	simm.s32 $0x80  }
0x1e: {  	s21 =	simm.s32 $0x10;
	s18 =	simm.s32 $0xA;
	[dreg:$0x14] =	wrdreg s23  }
0x1f: {  	s7 =	simm.s32 $0x0;
	s8 =	sshrl.u32 s8, $0x3;
	[dreg:$0x16] =	wrdreg s24  }
0x20: {  	s19 =	sadd.s32 s12, s9;
	s2 =	sshrl.u32 s2, $0x3;
	[dreg:$0x17] =	wrdreg s26  }
0x21: {  	s24 =	simm.s32 $0xD;
	[dreg:$0xd] =	wrdreg s19;
	s9 =	sadd.s32 s8, s9  }
.Ltmp0:
0x22: {  	s8 =	sadd.s32 s8, s6;
	[dreg:$0xe] =	wrdreg s9;
	(pc) =	sbr.rel .LBB2_1-.Ltmp0, $4  }
0x23: {  	s26 =	simm.s32 $0xE;
	s2 =	sadd.s32 s2, s6;
	[dreg:$0x10] =	wrdreg s8  }
0x24: {  	s19 =	simm.s32 $0x4;
	s9 =	sadd.s32 s20, s6;
	[dreg:$0x11] =	wrdreg s2  }
0x25: {  	s8 =	sadd.s32 $0x138000, s1;
	s20 =	simm.s32 $0x7;
	[dreg:$0xf] =	wrdreg s9  }
0x26: {  	v0 =	vimm.f32 $0.0e+00;
	s2 =	simm.s32 $0x9;
	s9 =	simm.s32 $0xB;
	[dreg:$0x15] =	wrdreg s8  }
.LBB2_24:
0x27: {  	_ =	swait.ge [sflag:s26], $0x4000  }
0x28: {  	[sflag:s26] =	ssyncset.done $0x0  }
0x29: {  	s0 =	stileid.u32;
	[sflag:s26] =	ssyncadd.s32 $0xFFFFC000  }
0x2a: {  	s6 =	sshrl.u32 s22, $0x3;
	s0 =	sshll.u32 s0, $0x6;
	[bflag:$0x0] =	sbarrier.arrive $0xFFFF  }
0x2b: {  	s16 =	simm.s32 $0x11;
	s0 =	sor.u32 $0x1C11, s0;
	s7 =	rddreg [dreg:$0xb]  }
0x2c: {  	[hbm:s7], [sflag:s0] =	dma.local [spmem:s6], $0x2700  }
0x2d: {  	_ =	swait.ge [sflag:s16], $0x2700  }
0x2e: {  	[sflag:s16] =	ssyncset.done $0x0;
	s8 =	rddreg [dreg:$0x15]  }
0x2f: {  	s7 =	rddreg [dreg:$0x13];
	[sflag:s16] =	ssyncadd.s32 $0xFFFFD900;
	s6 =	sshrl.u32 @!p0 s8, $0x3  }
0x30: {  	[hbm:s7], [sflag:s0] =	dma.local @!p0 [spmem:s6], $0x100  }
0x31: {  	s0 =	simm.s32 @!p0 $0x11  }
0x32: {  	_ =	swait.ge @!p0 [sflag:s0], $0x100  }
0x33: {  	s23 =	rddreg [dreg:$0x19]  }
0x34: {  	s31 =	rddreg [dreg:$0x14];
	s7 =	sadd.s32 $0x1, s23  }
0x35: {  	p1 =	sne.s32 s7, s31  }
.Ltmp1:
0x36: {  	_ = 	snop;
	(pc) =	sbr.rel @!p1 .LBB2_25-.Ltmp1, $3  }
0x37: {  	_ =	sdelay $0x1  }
0x38: {  	[sflag:s0] =	ssyncset.done @!p0 $0x0  }
0x39: {  	[sflag:s0] =	ssyncadd.s32 @!p0 $0xFFFFFF00  }
.LBB2_1:
0x3a: {  	[dreg:$0x19] =	wrdreg s7  }
0x3b: {  	s0 =	simm.s32 $0x0;
	s6 =	rddreg [dreg:$0x3]  }
0x3c: {  	[tilespmem:s0], [sflag:$0x1] =	stream.linear.gather [hbm4b:s6+s0], $0x80, $0x38;
	[tilespmem:$0x1FD00] =	vst v63  }
0x3d: {  	s16 =	rddreg [dreg:$0x4]  }
0x3e: {  	[tilespmem:s3], [sflag:$0x2] =	stream.linear.gather [hbm4b:s16+s0], $0x80, $0x38;
	[tilespmem:$0x1FD00] =	vst v63  }
0x3f: {  	s23 =	rddreg [dreg:$0x5];
	s31 =	simm.s32 $0x100  }
0x40: {  	[tilespmem:s31], [sflag:$0x3] =	stream.linear.gather [hbm4b:s23+s0], $0x80, $0x38;
	[tilespmem:$0x1FD00] =	vst v63  }
0x41: {  	s10 =	rddreg [dreg:$0x6];
	s11 =	simm.s32 $0x180  }
0x42: {  	[tilespmem:s11], [sflag:$0x4] =	stream.linear.gather [hbm4b:s10+s0], $0x80, $0x38;
	[tilespmem:$0x1FD00] =	vst v63  }
0x43: {  	s12 =	rddreg [dreg:$0x7];
	s13 =	simm.s32 $0x200  }
0x44: {  	[tilespmem:s13], [sflag:$0x5] =	stream.linear.gather [hbm4b:s12+s0], $0x80, $0x38;
	[tilespmem:$0x1FD00] =	vst v63  }
0x45: {  	s14 =	rddreg [dreg:$0x8];
	s16 =	simm.s32 $0x280  }
0x46: {  	[tilespmem:s16], [sflag:$0x6] =	stream.linear.gather [hbm4b:s14+s0], $0x80, $0x38;
	[tilespmem:$0x1FD00] =	vst v63  }
0x47: {  	s23 =	rddreg [dreg:$0x9];
	s31 =	simm.s32 $0x300  }
0x48: {  	[tilespmem:s31], [sflag:$0x7] =	stream.linear.gather [hbm4b:s23+s0], $0x80, $0x38;
	[tilespmem:$0x1FD00] =	vst v63  }
0x49: {  	s10 =	rddreg [dreg:$0xa];
	s11 =	simm.s32 $0x380  }
0x4a: {  	[tilespmem:s11], [sflag:$0x8] =	stream.linear.gather [hbm4b:s10+s0], $0x80, $0x38;
	[tilespmem:$0x1FD00] =	vst v63  }
0x4b: {  	s12 =	rddreg [dreg:$0x12];
	s13 =	simm.s32 $0x400;
	s14 =	simm.s32 $0x1  }
0x4c: {  	[tilespmem:s13], [sflag:$0x9] =	stream.linear.gather [hbm4b:s12+s0], $0x80, $0x38;
	[tilespmem:$0x1FD00] =	vst v63  }
0x4d: {  	_ =	swait.ge [sflag:s14], $0x80  }
0x4e: {  	[sflag:s14] =	ssyncset.done $0x0  }
0x4f: {  	s16 =	simm.s32 $0x480;
	s23 =	simm.s32 $0x2;
	[sflag:s14] =	ssyncadd.s32 $0xFFFFFF80  }
0x50: {  	[tilespmem:s16], [sflag:$0xA] =	stream.indirect.gather [hbm4b:s4+s3], $0x80, s0, s3, $0xb8;
	[tilespmem:$0x1FD00] =	vst v63  }
0x51: {  	_ =	swait.ge [sflag:s23], $0x80  }
0x52: {  	[sflag:s23] =	ssyncset.done $0x0  }
0x53: {  	s31 =	simm.s32 $0x4480;
	[sflag:s23] =	ssyncadd.s32 $0xFFFFFF80  }
0x54: {  	[tilespmem:s31], [sflag:$0xB] =	stream.indirect.gather [hbm4b:s4+s3], $0x80, s3, s3, $0xb8;
	[tilespmem:$0x1FD00] =	vst v63  }
0x55: {  	[tilespmem:$0x8480] =	vst v0  }
0x56: {  	[tilespmem:$0x8490] =	vst v0  }
0x57: {  	[tilespmem:$0x84A0] =	vst v0  }
0x58: {  	[tilespmem:$0x84B0] =	vst v0  }
0x59: {  	[tilespmem:$0x84C0] =	vst v0  }
0x5a: {  	[tilespmem:$0x84D0] =	vst v0  }
0x5b: {  	[tilespmem:$0x84E0] =	vst v0  }
0x5c: {  	[tilespmem:$0x84F0] =	vst v0  }
0x5d: {  	[tilespmem:$0x8500] =	vst v0  }
0x5e: {  	[tilespmem:$0x8510] =	vst v0  }
0x5f: {  	[tilespmem:$0x8520] =	vst v0  }
0x60: {  	[tilespmem:$0x8530] =	vst v0  }
0x61: {  	[tilespmem:$0x8540] =	vst v0  }
0x62: {  	[tilespmem:$0x8550] =	vst v0  }
0x63: {  	[tilespmem:$0x8560] =	vst v0  }
0x64: {  	[tilespmem:$0x8570] =	vst v0  }
0x65: {  	[tilespmem:$0x8580] =	vst v0  }
0x66: {  	[tilespmem:$0x8590] =	vst v0  }
0x67: {  	[tilespmem:$0x85A0] =	vst v0  }
0x68: {  	[tilespmem:$0x85B0] =	vst v0  }
0x69: {  	[tilespmem:$0x85C0] =	vst v0  }
0x6a: {  	[tilespmem:$0x85D0] =	vst v0  }
0x6b: {  	[tilespmem:$0x85E0] =	vst v0  }
0x6c: {  	[tilespmem:$0x85F0] =	vst v0  }
0x6d: {  	[tilespmem:$0x8600] =	vst v0  }
0x6e: {  	[tilespmem:$0x8610] =	vst v0  }
0x6f: {  	[tilespmem:$0x8620] =	vst v0  }
0x70: {  	[tilespmem:$0x8630] =	vst v0  }
0x71: {  	[tilespmem:$0x8640] =	vst v0  }
0x72: {  	[tilespmem:$0x8650] =	vst v0  }
0x73: {  	[tilespmem:$0x8660] =	vst v0  }
0x74: {  	[tilespmem:$0x8670] =	vst v0  }
0x75: {  	[tilespmem:$0x8680] =	vst v0  }
0x76: {  	[tilespmem:$0x8690] =	vst v0  }
0x77: {  	[tilespmem:$0x86A0] =	vst v0  }
0x78: {  	[tilespmem:$0x86B0] =	vst v0  }
0x79: {  	[tilespmem:$0x86C0] =	vst v0  }
0x7a: {  	[tilespmem:$0x86D0] =	vst v0  }
0x7b: {  	[tilespmem:$0x86E0] =	vst v0  }
0x7c: {  	[tilespmem:$0x86F0] =	vst v0  }
0x7d: {  	[tilespmem:$0x8700] =	vst v0  }
0x7e: {  	[tilespmem:$0x8710] =	vst v0  }
0x7f: {  	[tilespmem:$0x8720] =	vst v0  }
0x80: {  	[tilespmem:$0x8730] =	vst v0  }
0x81: {  	[tilespmem:$0x8740] =	vst v0  }
0x82: {  	[tilespmem:$0x8750] =	vst v0  }
0x83: {  	[tilespmem:$0x8760] =	vst v0  }
0x84: {  	[tilespmem:$0x8770] =	vst v0  }
0x85: {  	[tilespmem:$0x8780] =	vst v0  }
0x86: {  	[tilespmem:$0x8790] =	vst v0  }
0x87: {  	[tilespmem:$0x87A0] =	vst v0  }
0x88: {  	[tilespmem:$0x87B0] =	vst v0  }
0x89: {  	[tilespmem:$0x87C0] =	vst v0  }
0x8a: {  	[tilespmem:$0x87D0] =	vst v0  }
0x8b: {  	[tilespmem:$0x87E0] =	vst v0  }
0x8c: {  	[tilespmem:$0x87F0] =	vst v0  }
0x8d: {  	[tilespmem:$0x8800] =	vst v0  }
0x8e: {  	[tilespmem:$0x8810] =	vst v0  }
0x8f: {  	[tilespmem:$0x8820] =	vst v0  }
0x90: {  	[tilespmem:$0x8830] =	vst v0  }
0x91: {  	[tilespmem:$0x8840] =	vst v0  }
0x92: {  	[tilespmem:$0x8850] =	vst v0  }
0x93: {  	[tilespmem:$0x8860] =	vst v0  }
0x94: {  	s7 =	sadd.s32 $0x0, s22;
	s6 =	simm.s32 $0x1000;
	[tilespmem:$0x8870] =	vst v0  }
.LBB2_2:
0x95: {  	[spmem:s7] =	stream.linear.scatter [tilespmem:s17], [sflag:$0x10], $0x400, $0x38;
	[tilespmem:$0x1FD00] =	vst v63  }
0x96: {  	s7 =	smov.u32 s6;
	p1 =	sne.s32 s6, $0x4D000  }
.Ltmp2:
0x97: {  	s6 =	sadd.s32 $0x1000, s6;
	(pc) =	sbr.rel @p1 .LBB2_2-.Ltmp2, $3  }
0x98: {  	_ =	sdelay $0x1  }
0x99: {  	s7 =	sshra.s32 s7, $0x2  }
0x9a: {  	s7 =	sadd.s32 s7, s22  }
0x9b: {  	[spmem:s7] =	stream.linear.scatter [tilespmem:s17], [sflag:$0x10], $0x400, $0x38;
	[tilespmem:$0x1FD00] =	vst v63  }
0x9c: {  	s6 =	simm.s32 @!p0 $0x8480;
	s7 =	simm.s32 @!p0 $0x11  }
0x9d: {  	[spmem:s8] =	stream.linear.scatter @!p0 [tilespmem:s6], [sflag:$0x11], $0x400, $0x38;
	[tilespmem:$0x1FD00] =	vst v63  }
0x9e: {  	_ =	swait.ge @!p0 [sflag:s7], $0x400  }
0x9f: {  	[sflag:s7] =	ssyncset.done @!p0 $0x0  }
0xa0: {  	s0 =	rddreg [dreg:$0x16];
	[sflag:s7] =	ssyncadd.s32 @!p0 $0xFFFFFC00  }
0xa1: {  	[spmem:s0] =	stream.linear.scatter @!p0 [tilespmem:s6], [sflag:$0x11], $0x400, $0x38;
	[tilespmem:$0x1FD00] =	vst v63  }
0xa2: {  	_ =	swait.ge @!p0 [sflag:s7], $0x400  }
0xa3: {  	[sflag:s7] =	ssyncset.done @!p0 $0x0  }
0xa4: {  	[sflag:s7] =	ssyncadd.s32 @!p0 $0xFFFFFC00  }
0xa5: {  	_ =	swait.ge [sflag:s21], $0x400  }
0xa6: {  	s6 =	simm.s32 $0x4D;
	[sflag:s21] =	ssyncset.done $0x0  }
.LBB2_4:
0xa7: {  	p1 =	sne.s32 s6, $0x1;
	s6 =	sadd.s32 $0xFFFFFFFF, s6;
	[sflag:s21] =	ssyncadd.s32 $0xFFFFFC00  }
.Ltmp3:
0xa8: {  	(pc) =	sbr.rel @p1 .LBB2_4-.Ltmp3, $3  }
0xa9: {  	_ =	sdelay $0x1  }
0xaa: {  	_ =	swait.ge [sflag:s21], $0x400  }
0xab: {  	[sflag:s21] =	ssyncset.done $0x0  }
0xac: {  	[sflag:s21] =	ssyncadd.s32 $0xFFFFFC00  }
0xad: {  	[bflag:$0x0] =	sbarrier.arrive $0xFFFF  }
0xae: {  	s6 =	rddreg [dreg:$0x11]  }
.Ltmp4:
0xaf: {  	s11 =	rddreg [dreg:$0xd];
	(pc) =	sbr.rel .LBB2_6-.Ltmp4, $4  }
0xb0: {  	s12 =	rddreg [dreg:$0x10]  }
0xb1: {  	s8 =	rddreg [dreg:$0xc]  }
0xb2: {  	s16 =	rddreg [dreg:$0xf]  }
0xb3: {  	s10 =	simm.s32 $0x0;
	s13 =	simm.s32 $0x0;
	s14 =	rddreg [dreg:$0xe]  }
.LBB2_28:
0xb4: {  	s0 =	simm.s32 @!p2 $0x0;
	s7 =	simm.s32 @!p2 $0x380  }
0xb5: {  	[tilespmem:s7], [sflag:$0x8] =	stream.linear.gather @!p2 [hbm4b:s11+s0], $0x80, $0x38;
	[tilespmem:$0x1FD00] =	vst v63  }
.LBB2_21:
0xb6: {  	_ =	swait.ge [sflag:s2], $0x80  }
0xb7: {  	[sflag:s2] =	ssyncset.done $0x0  }
0xb8: {  	s0 =	simm.s32 $0x400;
	[sflag:s2] =	ssyncadd.s32 $0xFFFFFF80  }
0xb9: {  	[spmem:s1] =	stream.indirect.scatter.add.f32 [tilespmem:s17], [sflag:$0xF], $0x80, s0, s3, $0xb8;
	[tilespmem:$0x1FD00] =	vst v63  }
.LBB2_22:
0xba: {  	s0 =	rddreg [dreg:$0x18]  }
0xbb: {  	p1 =	sge.u32 s10, s0  }
0xbc: {  	s0 =	simm.s32 @!p1 $0x2  }
0xbd: {  	_ =	swait.ge @!p1 [sflag:s0], $0x80  }
0xbe: {  	s31 =	sadd.s32 $0x5, s10;
	[sflag:s0] =	ssyncset.done @!p1 $0x0  }
0xbf: {  	s7 =	simm.s32 @!p1 $0x4480;
	[sflag:s0] =	ssyncadd.s32 @!p1 $0xFFFFFF80;
	s0 =	simm.s32 @!p1 $0x80  }
0xc0: {  	[tilespmem:s7], [sflag:$0xB] =	stream.indirect.gather @!p1 [hbm4b:s4+s0], $0x80, s0, s0, $0xb8;
	[tilespmem:$0x1FD00] =	vst v63  }
0xc1: {  	p1 =	sge.u32 s31, s5  }
0xc2: {  	s0 =	simm.s32 @!p1 $0x0;
	s7 =	simm.s32 @!p1 $0x100  }
0xc3: {  	[tilespmem:s7], [sflag:$0x3] =	stream.linear.gather @!p1 [hbm4b:s12+s0], $0x80, $0x38;
	[tilespmem:$0x1FD00] =	vst v63  }
.LBB2_23:
0xc4: {  	s10 =	sadd.s32 $0x3, s10  }
0xc5: {  	p1 =	sne.s32 s25, s10  }
.Ltmp5:
0xc6: {  	_ = 	snop;
	(pc) =	sbr.rel @!p1 .LBB2_24-.Ltmp5, $4  }
0xc7: {  	_ = 	snop  }
0xc8: {  	s13 =	sadd.s32 $0x1, s13  }
0xc9: {  	s14 =	sadd.s32 $0x30, s14;
	s16 =	sadd.s32 $0x30, s16;
	s8 =	sadd.s32 $0x30, s8  }
0xca: {  	s12 =	sadd.s32 $0x30, s12;
	s11 =	sadd.s32 $0x30, s11;
	s6 =	sadd.s32 $0x30, s6  }
.LBB2_6:
0xcb: {  	p1 =	sge.u32 s10, s5  }
.Ltmp6:
0xcc: {  	_ = 	snop;
	(pc) =	sbr.rel @p1 .LBB2_13-.Ltmp6, $2  }
0xcd: {  	_ =	sdelay $0x2  }
0xce: {  	s7 =	sand.u32 $0x1, s13  }
0xcf: {  	p1 =	seq.s32 s10, $0x0  }
.Ltmp7:
0xd0: {  	_ = 	snop;
	(pc) =	sbr.rel @p1 .LBB2_10-.Ltmp7, $4  }
0xd1: {  	_ = 	snop  }
0xd2: {  	_ =	swait.ge [sflag:s18], $0x4000  }
0xd3: {  	[sflag:s18] =	ssyncset.done $0x0  }
0xd4: {  	[sflag:s18] =	ssyncadd.s32 $0xFFFFC000  }
0xd5: {  	p2 =	seq.s32 s7, $0x1  }
.Ltmp8:
0xd6: {  	_ = 	snop;
	(pc) =	sbr.rel @!p2 .LBB2_9-.Ltmp8, $4  }
0xd7: {  	s0 =	simm.s32 $0xF  }
0xd8: {  	_ =	swait.ge [sflag:s0], $0x4000  }
0xd9: {  	s23 =	sadd.s32 $0x5, s10;
	[sflag:s0] =	ssyncset.done $0x0  }
0xda: {  	p1 =	sge.u32 s23, s5;
	[sflag:s0] =	ssyncadd.s32 $0xFFFFC000  }
.Ltmp9:
0xdb: {  	(pc) =	sbr.rel .LBB2_11-.Ltmp9, $3  }
0xdc: {  	_ =	sdelay $0x1  }
0xdd: {  	s23 =	simm.s32 @!p1 $0x0;
	s31 =	simm.s32 @!p1 $0x280  }
0xde: {  	[tilespmem:s31], [sflag:$0x6] =	stream.linear.gather @!p1 [hbm4b:s14+s23], $0x80, $0x38;
	[tilespmem:$0x1FD00] =	vst v63  }
.LBB2_9:
0xdf: {  	s23 =	simm.s32 @!p1 $0x0;
	s31 =	simm.s32 @!p1 $0x400  }
0xe0: {  	[tilespmem:s31], [sflag:$0x9] =	stream.linear.gather @!p1 [hbm4b:s14+s23], $0x80, $0x38;
	[tilespmem:$0x1FD00] =	vst v63  }
.LBB2_10:
0xe1: {  	p1 =	seq.s32 s7, $0x0  }
.Ltmp10:
0xe2: {  	_ = 	snop;
	(pc) =	sbr.rel @p1 .LBB2_12-.Ltmp10, $4  }
0xe3: {  	_ =	swait.ge [sflag:s19], $0x80  }
0xe4: {  	[sflag:s19] =	ssyncset.done $0x0  }
0xe5: {  	s0 =	simm.s32 $0x180;
	s23 =	simm.s32 $0x480;
	[sflag:s19] =	ssyncadd.s32 $0xFFFFFF80  }
0xe6: {  	[spmem:s1] =	stream.indirect.scatter.add.f32 [tilespmem:s23], [sflag:$0xD], $0x80, s0, s3, $0xb8;
	[tilespmem:$0x1FD00] =	vst v63  }
.LBB2_11:
0xe7: {  	_ =	swait.ge [sflag:s20], $0x80  }
0xe8: {  	[sflag:s20] =	ssyncset.done $0x0  }
0xe9: {  	s0 =	simm.s32 $0x300;
	s23 =	simm.s32 $0x480;
	[sflag:s20] =	ssyncadd.s32 $0xFFFFFF80  }
0xea: {  	[spmem:s1] =	stream.indirect.scatter.add.f32 [tilespmem:s23], [sflag:$0xD], $0x80, s0, s3, $0xb8;
	[tilespmem:$0x1FD00] =	vst v63  }
.LBB2_12:
0xeb: {  	p1 =	sge.u32 s10, s29  }
0xec: {  	s23 =	simm.s32 @!p1 $0x3  }
0xed: {  	_ =	swait.ge @!p1 [sflag:s23], $0x80  }
0xee: {  	s31 =	simm.s32 @!p1 $0x100;
	[sflag:s23] =	ssyncset.done @!p1 $0x0  }
0xef: {  	s0 =	simm.s32 @!p1 $0x8480;
	[sflag:s23] =	ssyncadd.s32 @!p1 $0xFFFFFF80;
	s23 =	simm.s32 @!p1 $0x80  }
0xf0: {  	[tilespmem:s0], [sflag:$0xC] =	stream.indirect.gather @!p1 [hbm4b:s4+s23], $0x80, s31, s23, $0xb8;
	[tilespmem:$0x1FD00] =	vst v63  }
0xf1: {  	s31 =	sadd.s32 $0x3, s10  }
0xf2: {  	p1 =	sge.u32 s31, s5  }
0xf3: {  	s0 =	simm.s32 @!p1 $0x0  }
0xf4: {  	[tilespmem:s0], [sflag:$0x1] =	stream.linear.gather @!p1 [hbm4b:s16+s0], $0x80, $0x38;
	[tilespmem:$0x1FD00] =	vst v63  }
.LBB2_13:
0xf5: {  	p2 =	sge.u32 s10, s30  }
.Ltmp11:
0xf6: {  	_ = 	snop;
	(pc) =	sbr.rel @p2 .LBB2_18-.Ltmp11, $2  }
0xf7: {  	_ =	sdelay $0x2  }
0xf8: {  	p1 =	seq.s32 s7, $0x1  }
0xf9: {  	_ =	swait.ge [sflag:s9], $0x4000  }
.Ltmp12:
0xfa: {  	[sflag:s9] =	ssyncset.done $0x0;
	(pc) =	sbr.rel @!p1 .LBB2_15-.Ltmp12, $4  }
0xfb: {  	[sflag:s9] =	ssyncadd.s32 $0xFFFFC000  }
0xfc: {  	_ =	swait.ge [sflag:s24], $0x4000  }
0xfd: {  	s0 =	sadd.s32 $0x6, s10;
	[sflag:s24] =	ssyncset.done $0x0  }
0xfe: {  	p2 =	sge.u32 s0, s5;
	[sflag:s24] =	ssyncadd.s32 $0xFFFFC000  }
.Ltmp13:
0xff: {  	(pc) =	sbr.rel .LBB2_16-.Ltmp13, $3  }
0x100: {  	_ =	sdelay $0x1  }
0x101: {  	s0 =	simm.s32 @!p2 $0x0;
	s23 =	simm.s32 @!p2 $0x300  }
0x102: {  	[tilespmem:s23], [sflag:$0x7] =	stream.linear.gather @!p2 [hbm4b:s8+s0], $0x80, $0x38;
	[tilespmem:$0x1FD00] =	vst v63  }
.LBB2_15:
0x103: {  	s0 =	simm.s32 @!p2 $0x0;
	s23 =	simm.s32 @!p2 $0x180  }
0x104: {  	[tilespmem:s23], [sflag:$0x4] =	stream.linear.gather @!p2 [hbm4b:s8+s0], $0x80, $0x38;
	[tilespmem:$0x1FD00] =	vst v63  }
0x105: {  	p2 =	seq.s32 s7, $0x0  }
.Ltmp14:
0x106: {  	s31 =	simm.s32 $0x5;
	(pc) =	sbr.rel @p2 .LBB2_17-.Ltmp14, $4  }
0x107: {  	_ =	swait.ge [sflag:s31], $0x80  }
0x108: {  	[sflag:s31] =	ssyncset.done $0x0  }
0x109: {  	s23 =	simm.s32 $0x200;
	[sflag:s31] =	ssyncadd.s32 $0xFFFFFF80;
	s31 =	simm.s32 $0x4480  }
0x10a: {  	[spmem:s1] =	stream.indirect.scatter.add.f32 [tilespmem:s31], [sflag:$0xE], $0x80, s23, s3, $0xb8;
	[tilespmem:$0x1FD00] =	vst v63  }
.LBB2_16:
0x10b: {  	_ =	swait.ge [sflag:s28], $0x80  }
0x10c: {  	[sflag:s28] =	ssyncset.done $0x0  }
0x10d: {  	s0 =	simm.s32 $0x380;
	s23 =	simm.s32 $0x4480;
	[sflag:s28] =	ssyncadd.s32 $0xFFFFFF80  }
0x10e: {  	[spmem:s1] =	stream.indirect.scatter.add.f32 [tilespmem:s23], [sflag:$0xE], $0x80, s0, s3, $0xb8;
	[tilespmem:$0x1FD00] =	vst v63  }
.LBB2_17:
0x10f: {  	s0 =	rddreg [dreg:$0x17]  }
0x110: {  	p2 =	sge.u32 s10, s0  }
0x111: {  	s0 =	simm.s32 @!p2 $0x1  }
0x112: {  	_ =	swait.ge @!p2 [sflag:s0], $0x80  }
0x113: {  	s23 =	simm.s32 @!p2 $0x0;
	[sflag:s0] =	ssyncset.done @!p2 $0x0  }
0x114: {  	s31 =	simm.s32 @!p2 $0x480;
	[sflag:s0] =	ssyncadd.s32 @!p2 $0xFFFFFF80;
	s0 =	simm.s32 @!p2 $0x80  }
0x115: {  	[tilespmem:s31], [sflag:$0xA] =	stream.indirect.gather @!p2 [hbm4b:s4+s0], $0x80, s23, s0, $0xb8;
	[tilespmem:$0x1FD00] =	vst v63  }
0x116: {  	s31 =	sadd.s32 $0x4, s10  }
0x117: {  	p2 =	sge.u32 s31, s5  }
0x118: {  	s0 =	simm.s32 @!p2 $0x0;
	s23 =	simm.s32 @!p2 $0x80  }
0x119: {  	[tilespmem:s23], [sflag:$0x2] =	stream.linear.gather @!p2 [hbm4b:s6+s0], $0x80, $0x38;
	[tilespmem:$0x1FD00] =	vst v63  }
.LBB2_18:
0x11a: {  	p2 =	sge.u32 s10, s29  }
.Ltmp15:
0x11b: {  	_ = 	snop;
	(pc) =	sbr.rel @p2 .LBB2_23-.Ltmp15, $1  }
0x11c: {  	_ =	sdelay $0x3  }
0x11d: {  	_ =	swait.ge [sflag:s15], $0x4000  }
.Ltmp16:
0x11e: {  	[sflag:s15] =	ssyncset.done $0x0;
	(pc) =	sbr.rel @p1 .LBB2_28-.Ltmp16, $4  }
0x11f: {  	[sflag:s15] =	ssyncadd.s32 $0xFFFFC000  }
0x120: {  	_ =	swait.ge [sflag:s26], $0x4000  }
0x121: {  	s0 =	sadd.s32 $0x7, s10;
	[sflag:s26] =	ssyncset.done $0x0  }
0x122: {  	p2 =	sge.u32 s0, s5;
	[sflag:s26] =	ssyncadd.s32 $0xFFFFC000  }
0x123: {  	s0 =	simm.s32 @!p2 $0x0;
	s23 =	simm.s32 @!p2 $0x200;
	p1 =	seq.s32 s7, $0x0  }
0x124: {  	[tilespmem:s23], [sflag:$0x5] =	stream.linear.gather @!p2 [hbm4b:s11+s0], $0x80, $0x38;
	[tilespmem:$0x1FD00] =	vst v63  }
.Ltmp17:
0x125: {  	s23 =	simm.s32 $0x6;
	(pc) =	sbr.rel @p1 .LBB2_22-.Ltmp17, $4  }
.Ltmp18:
0x126: {  	_ =	swait.ge [sflag:s23], $0x80;
	(pc) =	sbr.rel @!p1 .LBB2_21-.Ltmp18, $4  }
0x127: {  	[sflag:s23] =	ssyncset.done $0x0  }
0x128: {  	s31 =	simm.s32 $0x280;
	[sflag:s23] =	ssyncadd.s32 $0xFFFFFF80  }
0x129: {  	[spmem:s1] =	stream.indirect.scatter.add.f32 [tilespmem:s17], [sflag:$0xF], $0x80, s31, s3, $0xb8;
	[tilespmem:$0x1FD00] =	vst v63  }
0x12a: {  	_ = 	snop  }
.LBB2_25:
0x12b: {  	_ =	sfence.sel $0x180000  }
0x12c: {  	[bflag:$0x0] =	sbarrier.arrive $0xFFFF  }
0x12d: {  	_ =	strace $0x9000004D  }
0x12e: {  	[bflag:$0x2] =	sbarrier.arrive $0xFFFF  }
0x12f: {  	s0 =	rddreg [dreg:$0x2]  }
0x130: {  	s0 =	sadd.s32 @!p0 $0x100000, s0  }
0x131: {  	[sflag:s0] =	ssyncadd.tile.s32 @!p0 $0x1;
	_ =	shalt  }
.Lfunc_end2:
_tile_overlayer_lowered:
.L_overlay_start_2:
0x132: {  	(tag) =	ssettag $0x2  }
0x133: {  	s0 =	rddreg [dreg:$0x0];
	s2 =	stileid.u32  }
0x134: {  	s1 =	rddreg [dreg:$0x1];
	p0 =	sne.s32 s2, $0x0  }
0x135: {  	s3 =	rddreg [dreg:$0x2];
	[bflag:$0x3] =	sbarrier.arrive $0xFFFF;
	s2 =	simm.s32 @!p0 $0x1C11  }
0x136: {  	[timem:s3], [sflag:s2] =	dma.local @!p0 [hbm:s0], s1  }
0x137: {  	s0 =	simm.s32 @!p0 $0x11  }
0x138: {  	_ =	swait.ge @!p0 [sflag:s0], s1  }
0x139: {  	s1 =	ssub.s32 @!p0 $0x0, s1;
	[sflag:s0] =	ssyncset.done @!p0 $0x0  }
0x13a: {  	[sflag:s0] =	ssyncadd.s32 @!p0 s1  }
0x13b: {  	[bflag:$0x3] =	sbarrier.arrive $0xFFFF  }
0x13c: {  	_ =	shalt  }

// kernel: kernel.9.cloned.1.call-start
scs
__scs_entry_jumppad:
0x0: {  	(pc) =	sbr.rel $0x88, $3  }
0x1: {  	(tag) =	ssettag $0x0;
	lr =	simm.s32 $0x1  }
0x2: {  	[smem:$0x3F94] =	sst lr;
	_ =	strace $0xD0000000  }
0x3: {  	_ = 	snop  }
0x4: {  	_ = 	snop  }
0x5: {  	_ = 	snop  }
0x6: {  	_ = 	snop  }
0x7: {  	_ = 	snop  }
__scs_overlays_trampoline_lowered:
0x8: {  	[smem:$0x3FA3] =	sst s0  }
0x9: {  	[smem:$0x3FA4] =	sst s1  }
0xa: {  	[smem:$0x3FA5] =	sst s2  }
0xb: {  	[smem:$0x3FA6] =	sst s3  }
0xc: {  	[smem:$0x3FA7] =	sst s4  }
0xd: {  	[smem:$0x3FA8] =	sst s5  }
0xe: {  	[smem:$0x3FA9] =	sst s6  }
0xf: {  	[smem:$0x3FAA] =	sst s7  }
0x10: {  	[smem:$0x3FAB] =	sst s8  }
0x11: {  	[smem:$0x3FAC] =	sst s9;
	s0 =	simm.s32 @!p0 $0x0  }
0x12: {  	s1 =	sld [smem:$0x3F92];
	s0 =	simm.s32 @p0 $0x1  }
0x13: {  	[smem:$0x3FAD] =	sst s0;
	s0 =	simm.s32 @!p1 $0x0  }
0x14: {  	s2 =	sld [smem:$0x3F91];
	s0 =	simm.s32 @p1 $0x1  }
0x15: {  	[smem:$0x3FAE] =	sst s0;
	s0 =	simm.s32 @!p2 $0x0  }
0x16: {  	s3 =	sld [smem:$0x3FDB];
	s0 =	simm.s32 @p2 $0x1  }
0x17: {  	s4 =	simm.s32 $0x1BF5;
	[smem:$0x3FB0] =	sst s0  }
0x18: {  	s0 =	sld [smem:$0x3F93];
	_ =	swait.ge [sflag:s4], $0x0  }
0x19: {  	s7 =	sld [smem:$0x3F94]  }
0x1a: {  	s8 =	sadd.s32 $0xFFFFE003, lr  }
0x1b: {  	s9 =	sadd.s32 $0xFFFFFEF7, lr;
	s5 =	simm.s32 $0xFFFFFFFF;
	p2 =	slt.u32 s8, $0xFFFFF086  }
0x1c: {  	p1 =	slt.u32 s9, $0xF7A;
	s5 =	simm.s32 @!p2 $0x0  }
0x1d: {  	s5 =	simm.s32 @p1 $0x1;
	p0 =	seq.s32 s7, s2  }
0x1e: {  	s7 =	smul.u32 @!p0 $0xF7A, s2;
	p2 =	seq.s32 @!p0 s5, $0x0  }
0x1f: {  	s9 =	smul.u32 $0xF7A, s1;
	s8 =	simm.s32 @!p0 $0x1BF5;
	p2 =	por !p2, p0  }
0x20: {  	[sflag:s8] =	ssyncset.s32 @!p0 $0xFFFFF086;
	s6 =	sadd.s32 @!p0 s3, s7;
	s7 =	simm.s32 @!p0 $0x108  }
0x21: {  	s3 =	sadd.s32 s3, s9;
	s6 =	sadd.s32 @!p0 $0x88, s6;
	s7 =	simm.s32 @p2 $0x1082  }
0x22: {  	[simem:s7], [sflag:s8] =	dma.local @!p0 [hbm:s6], $0xF7A  }
0x23: {  	s9 =	sor.u32 $0xD0000000, s2;
	s6 =	simm.s32 $0x108;
	_ =	swait.ge @!p0 [sflag:s8], $0x0  }
0x24: {  	s3 =	sadd.s32 $0x88, s3;
	s6 =	simm.s32 @!p1 $0x1082;
	[sflag:s4] =	ssyncset.s32 $0xFFFFF086  }
0x25: {  	[simem:s6], [sflag:s4] =	dma.local [hbm:s3], $0xF7A  }
0x26: {  	[smem:$0x3F94] =	sst s1;
	(tag) =	ssettag s2;
	_ =	strace s9  }
0x27: {  	s1 =	sld [smem:$0x3FA4]  }
0x28: {  	s2 =	sld [smem:$0x3FA5]  }
0x29: {  	s4 =	sld [smem:$0x3FA7]  }
0x2a: {  	p0 =	seq.s32 s5, $0x0;
	s5 =	sld [smem:$0x3FA8]  }
0x2b: {  	s6 =	sld [smem:$0x3FA9]  }
0x2c: {  	s7 =	sld [smem:$0x3FAA]  }
0x2d: {  	s3 =	simm.s32 $0x108;
	s8 =	sld [smem:$0x3FAB]  }
0x2e: {  	s3 =	simm.s32 @!p0 $0x1082;
	s9 =	sld [smem:$0x3FAC]  }
0x2f: {  	lr =	sadd.s32 s0, s3;
	s0 =	sld [smem:$0x3FA3]  }
0x30: {  	s3 =	sld [smem:$0x3FA6]  }
0x31: {  	[smem:$0x3FAF] =	sst s10  }
0x32: {  	s10 =	sld [smem:$0x3FAD];
	_ =	sdelay $0x3  }
0x33: {  	p0 =	seq.s32 s10, $0x1;
	s10 =	sld [smem:$0x3FAF];
	_ =	sdelay $0x3  }
0x34: {  	[smem:$0x3FAF] =	sst s10  }
0x35: {  	s10 =	sld [smem:$0x3FAE];
	_ =	sdelay $0x3  }
0x36: {  	p1 =	seq.s32 s10, $0x1;
	s10 =	sld [smem:$0x3FAF];
	_ =	sdelay $0x3  }
0x37: {  	[smem:$0x3FAF] =	sst s10  }
0x38: {  	s10 =	sld [smem:$0x3FB0]  }
0x39: {  	_ = 	snop;
	(pc) =	sbr.ind lr, $3  }
0x3a: {  	_ = 	snop  }
0x3b: {  	_ = 	snop  }
0x3c: {  	p2 =	seq.s32 s10, $0x1;
	s10 =	sld [smem:$0x3FAF]  }
0x3d: {  	_ =	shalt  }
0x3e: {  	_ =	shalt  }
0x3f: {  	_ =	shalt  }
0x40: {  	_ =	shalt  }
0x41: {  	_ =	shalt  }
0x42: {  	_ =	shalt  }
0x43: {  	_ =	shalt  }
0x44: {  	_ =	shalt  }
0x45: {  	_ =	shalt  }
0x46: {  	_ =	shalt  }
0x47: {  	_ =	shalt  }
0x48: {  	_ =	shalt  }
0x49: {  	_ =	shalt  }
0x4a: {  	_ =	shalt  }
0x4b: {  	_ =	shalt  }
0x4c: {  	_ =	shalt  }
0x4d: {  	_ =	shalt  }
0x4e: {  	_ =	shalt  }
0x4f: {  	_ =	shalt  }
0x50: {  	_ =	shalt  }
0x51: {  	_ =	shalt  }
0x52: {  	_ =	shalt  }
0x53: {  	_ =	shalt  }
0x54: {  	_ =	shalt  }
0x55: {  	_ =	shalt  }
0x56: {  	_ =	shalt  }
0x57: {  	_ =	shalt  }
0x58: {  	_ =	shalt  }
0x59: {  	_ =	shalt  }
0x5a: {  	_ =	shalt  }
0x5b: {  	_ =	shalt  }
0x5c: {  	_ =	shalt  }
0x5d: {  	_ =	shalt  }
0x5e: {  	_ =	shalt  }
0x5f: {  	_ =	shalt  }
0x60: {  	_ =	shalt  }
0x61: {  	_ =	shalt  }
0x62: {  	_ =	shalt  }
0x63: {  	_ =	shalt  }
0x64: {  	_ =	shalt  }
0x65: {  	_ =	shalt  }
0x66: {  	_ =	shalt  }
0x67: {  	_ =	shalt  }
0x68: {  	_ =	shalt  }
0x69: {  	_ =	shalt  }
0x6a: {  	_ =	shalt  }
0x6b: {  	_ =	shalt  }
0x6c: {  	_ =	shalt  }
0x6d: {  	_ =	shalt  }
0x6e: {  	_ =	shalt  }
0x6f: {  	_ =	shalt  }
0x70: {  	_ =	shalt  }
0x71: {  	_ =	shalt  }
0x72: {  	_ =	shalt  }
0x73: {  	_ =	shalt  }
0x74: {  	_ =	shalt  }
0x75: {  	_ =	shalt  }
0x76: {  	_ =	shalt  }
0x77: {  	_ =	shalt  }
0x78: {  	_ =	shalt  }
0x79: {  	_ =	shalt  }
0x7a: {  	_ =	shalt  }
0x7b: {  	_ =	shalt  }
0x7c: {  	_ =	shalt  }
0x7d: {  	_ =	shalt  }
0x7e: {  	_ =	shalt  }
0x7f: {  	_ =	shalt  }
0x80: {  	_ =	shalt  }
0x81: {  	_ =	shalt  }
0x82: {  	_ =	shalt  }
0x83: {  	_ =	shalt  }
0x84: {  	_ =	shalt  }
0x85: {  	_ =	shalt  }
0x86: {  	_ =	shalt  }
0x87: {  	_ =	shalt  }
.Lfunc_end0:
.L_simem_size_0:
called_computation_lowered:
.L_overlay_start_0:
0x88: {  	s2 =	sld [smem:$0x3FD9]  }
0x89: {  	s3 =	sld [smem:$0x3FFE];
	_ =	sdelay $0x1  }
0x8a: {  	s1 =	srdreg.scid  }
0x8b: {  	s0 =	sand.u32 $0x1, s1  }
0x8c: {  	s16 =	sshll.u32 s0, $0xA;
	s2 =	sadd.s32 s3, s2  }
0x8d: {  	s2 =	sadd.s32 s2, s16  }
0x8e: {  	[smem:$0x3FBB] =	sst s2  }
0x8f: {  	_ = 	snop  }
0x90: {  	(tm) =	ssettm $0x1  }
0x91: {  	s17 =	sld [smem:$0x3FFB];
	_ =	sdelay $0x3  }
0x92: {  	_ =	strace s17  }
0x93: {  	s2 =	sld [smem:$0x3FFC];
	_ =	sdelay $0x3  }
0x94: {  	_ =	strace s2  }
0x95: {  	s2 =	sld [smem:$0x3FFD];
	_ =	sdelay $0x3  }
0x96: {  	_ =	strace s2  }
0x97: {  	_ =	strace $0x8FFFFFFF  }
0x98: {  	s18 =	sld [smem:$0x3FDB];
	_ =	sdelay $0x1  }
0x99: {  	s19 =	simm.s32 $_scs_section_size  }
0x9a: {  	s4 =	simm.s32 $_size__tile_overlayer_lowered;
	s5 =	simm.s32 $_tile_overlayer_lowered  }
0x9b: {  	s22 =	simm.s32 $0x1BFF;
	s21 =	sshll.u32 s5, $0x1;
	s2 =	sadd.s32 s19, s18  }
0x9c: {  	s6 =	simm.s32 $0x0;
	s20 =	sshll.u32 s4, $0x1;
	s4 =	sadd.s32 s21, s2  }
0x9d: {  	[timem:s6], [sflag:s22] =	dma.local [hbm:s4], s20  }
0x9e: {  	_ =	swait.ge [sflag:s22], s20  }
0x9f: {  	s3 =	ssub.s32 $0x0, s20;
	[sflag:s22] =	ssyncset.done $0x0  }
0xa0: {  	[sflag:s22] =	ssyncadd.s32 s3;
	_ =	sdelay $0x1  }
0xa1: {  	s23 =	simm.s32 $0x1B8B  }
0xa2: {  	_ =	swait.ge [sflag:s23], $0x1  }
0xa3: {  	[sflag:s23] =	ssyncset.done $0x0  }
0xa4: {  	s25 =	simm.s32 $0x1B8E;
	s24 =	sld [smem:$0x3FFE];
	[sflag:s23] =	ssyncadd.s32 $0xFFFFFFFF  }
0xa5: {  	s26 =	simm.s32 $execute0_lowered;
	[smem:$0x3FD2] =	sst s25  }
0xa6: {  	s4 =	sshll.u32 s26, $0x1;
	_ =	strace $0x80000046;
	[dreg:$0x1] =	wrdreg $0xFFFFFFFF  }
0xa7: {  	s28 =	simm.s32 $_size_execute0_lowered;
	s2 =	sadd.s32 s2, s4;
	[dreg:$0x0] =	wrdreg $0x0  }
0xa8: {  	s4 =	sshll.u32 s28, $0x1;
	[dreg:$0x2] =	wrdreg s2  }
0xa9: {  	[dreg:$0x3] =	wrdreg s4  }
0xaa: {  	[dreg:$0x4] =	wrdreg $0xC0  }
0xab: {  	_ =	task [dreg:s6], $0x5FFFF  }
0xac: {  	[dreg:$0x1] =	wrdreg $0xFFFFFFFF  }
0xad: {  	[dreg:$0x0] =	wrdreg $0x60  }
0xae: {  	[dreg:$0x2] =	wrdreg s24  }
0xaf: {  	[dreg:$0x3] =	wrdreg $0x6C000  }
0xb0: {  	[dreg:$0x4] =	wrdreg $0x9  }
0xb1: {  	_ =	task.clear_ibuf [dreg:s6], $0x5FFFF;
	_ =	strace $0x90000046  }
0xb2: {  	s29 =	simm.s32 $0x9;
	_ =	strace $0x80000048  }
0xb3: {  	_ =	swait.ge [sflag:s29], $0x1  }
0xb4: {  	[sflag:s29] =	ssyncadd.s32 $0xFFFFFFFF  }
0xb5: {  	_ =	strace $0x90000048  }
0xb6: {  	_ =	sfence  }
0xb7: {  	s30 =	sld [smem:$0x0];
	_ =	sdelay $0x2  }
0xb8: {  	s31 =	sshll.u32 s1, $0xD;
	s1 =	sshrl.u32 s1, $0x2  }
0xb9: {  	s3 =	sand.u32 $0x4000, s31;
	s1 =	sadd.s32 s1, s30  }
0xba: {  	s0 =	sor.u32 s3, s0;
	s1 =	sshll.u32 s1, $0x11  }
0xbb: {  	s0 =	sor.u32 s1, s0  }
0xbc: {  	s0 =	sadd.s32 $0x8F2B, s0  }
0xbd: {  	[sflag:s0] =	ssyncadd.remote.s32 $0x1  }
0xbe: {  	_ =	sfence.sel $0xFFFF  }
0xbf: {  	[dreg:$0x0] =	wrdreg $0xFFFFFFFF;
	(pc) =	sbr.abs _section_cstart, $3  }
0xc0: {  	[dreg:$0x1] =	wrdreg $0xFFFFFFFF  }
0xc1: {  	_ =	task.clear_ibuf [dreg:s6], $0x2FFFF;
	_ =	strace $0x9FFFFFFF  }
0xc2: {  	(tm) =	ssettm $0x7FFFFFFF  }
0xc3: {  	_ =	shalt  }
tec
execute0_lowered:
.L_overlay_start_1:
0x0: {  	(tag) =	ssettag $0x1  }
0x1: {  	s0 =	srdreg.scid;
	s6 =	rddreg [dreg:$0x0]  }
0x2: {  	s1 =	rddreg [dreg:$0x1];
	s2 =	stileid.u32  }
0x3: {  	s3 =	simm.s32 $0x0;
	s14 =	simm.s32 $0x2;
	s15 =	simm.s32 $0x80  }
0x4: {  	s16 =	simm.s32 $0x2800;
	s17 =	simm.s32 $0x1;
	s18 =	simm.s32 $0x3  }
0x5: {  	s4 =	sand.u32 $0x1, s0;
	s0 =	rddreg [dreg:$0x2];
	s10 =	smul.u32 $0x4E000, s2  }
0x6: {  	[smem:$0x7FF] =	sst s3;
	s11 =	sadd.s32 $0x16200, s6;
	s29 =	smul.u32 $0x13800, s2  }
0x7: {  	p1 =	sne.s32 s2, $0x0;
	s5 =	sshll.u32 s4, $0x4;
	_ =	strace $0x80000047  }
0x8: {  	s8 =	ssub.s32 $0x2, s4;
	s28 =	smul.u32 $0x138800, s4;
	s4 =	simm.s32 $0x14  }
0x9: {  	s5 =	sor.u32 s2, s5;
	s9 =	sshrl.u32 s8, $0x1;
	s30 =	sshrl.u32 s10, $0x2  }
0xa: {  	s7 =	smul.u32 $0x500, s5;
	s12 =	ssub.s32 s8, s9;
	p0 =	seq.s32 s5, $0x1F  }
0xb: {  	s31 =	sadd.s32 s29, s28;
	s8 =	sadd.s32 $0x138000, s1;
	s13 =	sshrl.u32 s28, $0x3  }
0xc: {  	s9 =	sadd.s32 $0x138400, s1;
	s4 =	simm.s32 @!p0 $0x50;
	s10 =	sshrl.u32 s31, $0x3  }
0xd: {  	s12 =	smax.u32 s12, $0x1;
	s7 =	sadd.s32 s7, s6;
	s6 =	sadd.s32 $0x15F00, s6  }
0xe: {  	s10 =	sadd.s32 s11, s10;
	s11 =	sadd.s32 s11, s13;
	s13 =	simm.s32 $0x6800  }
0xf: {  	v0 =	vimm.f32 $1.000000000e+00;
	v1 =	vimm.f32 $0.0e+00;
	s5 =	sadd.s32 $0xC400, s7;
	s7 =	sadd.s32 s30, s1;
	s11 =	sadd.s32 $0x27000, s11  }
.LBB2_1:
0x10: {  	s19 =	simm.s32 @p0 $0x0  }
0x11: {  	[tilespmem:s19], [sflag:$0x3] =	stream.linear.gather @p0 [hbm4b:s6+s19], $0xA00, $0x38;
	[tilespmem:$0x1A480] =	vst v63  }
0x12: {  	s19 =	simm.s32 @p0 $0x3  }
0x13: {  	_ =	swait.ge @p0 [sflag:s19], $0xA00  }
0x14: {  	[sflag:s19] =	ssyncset.done @p0 $0x0  }
0x15: {  	[sflag:s19] =	ssyncadd.s32 @p0 $0xFFFFF600;
	s19 =	simm.s32 @!p0 $0x0  }
0x16: {  	[tilespmem:s19], [sflag:$0x3] =	stream.linear.gather @!p0 [hbm4b:s5+s19], $0x2800, $0x38;
	[tilespmem:$0x1A480] =	vst v63  }
0x17: {  	s19 =	simm.s32 @!p0 $0x3  }
0x18: {  	_ =	swait.ge @!p0 [sflag:s19], $0x2800  }
0x19: {  	[sflag:s19] =	ssyncset.done @!p0 $0x0  }
0x1a: {  	s20 =	simm.s32 $0x200;
	[sflag:s19] =	ssyncadd.s32 @!p0 $0xFFFFD800;
	s19 =	simm.s32 $0x0  }
.LBB2_2:
0x1b: {  	p2 =	sne.s32 s20, $0xFE00;
	[tilespmem:s19+$0x2870] =	vst v0  }
0x1c: {  	[tilespmem:s19+$0x2800] =	vst v0  }
0x1d: {  	[tilespmem:s19+$0x2810] =	vst v0  }
.Ltmp0:
0x1e: {  	[tilespmem:s19+$0x2820] =	vst v0;
	(pc) =	sbr.rel @p2 .LBB2_2-.Ltmp0, $4  }
0x1f: {  	[tilespmem:s19+$0x2830] =	vst v0  }
0x20: {  	[tilespmem:s19+$0x2840] =	vst v0  }
0x21: {  	[tilespmem:s19+$0x2850] =	vst v0  }
0x22: {  	[tilespmem:s19+$0x2860] =	vst v0;
	s19 =	sshra.s32 s20, $0x2;
	s20 =	sadd.s32 $0x200, s20  }
0x23: {  	[tilespmem:s19+$0x2870] =	vst v0  }
0x24: {  	[tilespmem:s19+$0x2800] =	vst v0  }
0x25: {  	[tilespmem:s19+$0x2810] =	vst v0  }
0x26: {  	[tilespmem:s19+$0x2820] =	vst v0  }
0x27: {  	[tilespmem:s19+$0x2830] =	vst v0  }
0x28: {  	[tilespmem:s19+$0x2840] =	vst v0  }
0x29: {  	[tilespmem:s19+$0x2850] =	vst v0  }
0x2a: {  	[tilespmem:s19+$0x2860] =	vst v0  }
0x2b: {  	[tilespmem:$0x6800] =	vst v1  }
0x2c: {  	[tilespmem:$0x6810] =	vst v1  }
0x2d: {  	[tilespmem:$0x6820] =	vst v1  }
0x2e: {  	[tilespmem:$0x6830] =	vst v1  }
0x2f: {  	[tilespmem:$0x6840] =	vst v1  }
0x30: {  	[tilespmem:$0x6850] =	vst v1  }
0x31: {  	[tilespmem:$0x6860] =	vst v1  }
0x32: {  	[tilespmem:$0x6870] =	vst v1  }
0x33: {  	[tilespmem:$0x6880] =	vst v1  }
0x34: {  	[tilespmem:$0x6890] =	vst v1  }
0x35: {  	[tilespmem:$0x68A0] =	vst v1  }
0x36: {  	[tilespmem:$0x68B0] =	vst v1  }
0x37: {  	[tilespmem:$0x68C0] =	vst v1  }
0x38: {  	[tilespmem:$0x68D0] =	vst v1  }
0x39: {  	[tilespmem:$0x68E0] =	vst v1  }
0x3a: {  	[tilespmem:$0x68F0] =	vst v1  }
0x3b: {  	[tilespmem:$0x6900] =	vst v1  }
0x3c: {  	[tilespmem:$0x6910] =	vst v1  }
0x3d: {  	[tilespmem:$0x6920] =	vst v1  }
0x3e: {  	[tilespmem:$0x6930] =	vst v1  }
0x3f: {  	[tilespmem:$0x6940] =	vst v1  }
0x40: {  	[tilespmem:$0x6950] =	vst v1  }
0x41: {  	[tilespmem:$0x6960] =	vst v1  }
0x42: {  	[tilespmem:$0x6970] =	vst v1  }
0x43: {  	[tilespmem:$0x6980] =	vst v1  }
0x44: {  	[tilespmem:$0x6990] =	vst v1  }
0x45: {  	[tilespmem:$0x69A0] =	vst v1  }
0x46: {  	[tilespmem:$0x69B0] =	vst v1  }
0x47: {  	[tilespmem:$0x69C0] =	vst v1  }
0x48: {  	[tilespmem:$0x69D0] =	vst v1  }
0x49: {  	[tilespmem:$0x69E0] =	vst v1  }
0x4a: {  	[tilespmem:$0x69F0] =	vst v1  }
0x4b: {  	[tilespmem:$0x6A00] =	vst v1  }
0x4c: {  	[tilespmem:$0x6A10] =	vst v1  }
0x4d: {  	[tilespmem:$0x6A20] =	vst v1  }
0x4e: {  	[tilespmem:$0x6A30] =	vst v1  }
0x4f: {  	[tilespmem:$0x6A40] =	vst v1  }
0x50: {  	[tilespmem:$0x6A50] =	vst v1  }
0x51: {  	[tilespmem:$0x6A60] =	vst v1  }
0x52: {  	[tilespmem:$0x6A70] =	vst v1  }
0x53: {  	[tilespmem:$0x6A80] =	vst v1  }
0x54: {  	[tilespmem:$0x6A90] =	vst v1  }
0x55: {  	[tilespmem:$0x6AA0] =	vst v1  }
0x56: {  	[tilespmem:$0x6AB0] =	vst v1  }
0x57: {  	[tilespmem:$0x6AC0] =	vst v1  }
0x58: {  	[tilespmem:$0x6AD0] =	vst v1  }
0x59: {  	[tilespmem:$0x6AE0] =	vst v1  }
0x5a: {  	[tilespmem:$0x6AF0] =	vst v1  }
0x5b: {  	[tilespmem:$0x6B00] =	vst v1  }
0x5c: {  	[tilespmem:$0x6B10] =	vst v1  }
0x5d: {  	[tilespmem:$0x6B20] =	vst v1  }
0x5e: {  	[tilespmem:$0x6B30] =	vst v1  }
0x5f: {  	[tilespmem:$0x6B40] =	vst v1  }
0x60: {  	[tilespmem:$0x6B50] =	vst v1  }
0x61: {  	[tilespmem:$0x6B60] =	vst v1  }
0x62: {  	[tilespmem:$0x6B70] =	vst v1  }
0x63: {  	[tilespmem:$0x6B80] =	vst v1  }
0x64: {  	[tilespmem:$0x6B90] =	vst v1  }
0x65: {  	[tilespmem:$0x6BA0] =	vst v1  }
0x66: {  	[tilespmem:$0x6BB0] =	vst v1  }
0x67: {  	[tilespmem:$0x6BC0] =	vst v1  }
0x68: {  	[tilespmem:$0x6BD0] =	vst v1  }
0x69: {  	[tilespmem:$0x6BE0] =	vst v1  }
0x6a: {  	s19 =	simm.s32 $0x1000;
	s20 =	sadd.s32 $0x0, s7;
	[tilespmem:$0x6BF0] =	vst v1  }
.LBB2_4:
0x6b: {  	[spmem:s20] =	stream.linear.scatter [tilespmem:s13], [sflag:$0x2], $0x400, $0x38;
	[tilespmem:$0x1A480] =	vst v63  }
0x6c: {  	s20 =	smov.u32 s19;
	p2 =	sne.s32 s19, $0x4D000  }
.Ltmp1:
0x6d: {  	s19 =	sadd.s32 $0x1000, s19;
	(pc) =	sbr.rel @p2 .LBB2_4-.Ltmp1, $3  }
0x6e: {  	_ =	sdelay $0x1  }
0x6f: {  	s20 =	sshra.s32 s20, $0x2  }
0x70: {  	s20 =	sadd.s32 s20, s7  }
0x71: {  	[spmem:s20] =	stream.linear.scatter [tilespmem:s13], [sflag:$0x2], $0x400, $0x38;
	[tilespmem:$0x1A480] =	vst v63  }
0x72: {  	s19 =	simm.s32 @!p1 $0x6800;
	s20 =	simm.s32 @!p1 $0x3  }
0x73: {  	[spmem:s8] =	stream.linear.scatter @!p1 [tilespmem:s19], [sflag:$0x3], $0x400, $0x38;
	[tilespmem:$0x1A480] =	vst v63  }
0x74: {  	_ =	swait.ge @!p1 [sflag:s20], $0x400  }
0x75: {  	[sflag:s20] =	ssyncset.done @!p1 $0x0  }
0x76: {  	[sflag:s20] =	ssyncadd.s32 @!p1 $0xFFFFFC00  }
0x77: {  	[spmem:s9] =	stream.linear.scatter @!p1 [tilespmem:s19], [sflag:$0x3], $0x400, $0x38;
	[tilespmem:$0x1A480] =	vst v63  }
0x78: {  	_ =	swait.ge @!p1 [sflag:s20], $0x400  }
0x79: {  	[sflag:s20] =	ssyncset.done @!p1 $0x0  }
0x7a: {  	[sflag:s20] =	ssyncadd.s32 @!p1 $0xFFFFFC00  }
0x7b: {  	_ =	swait.ge [sflag:s14], $0x400  }
0x7c: {  	s19 =	simm.s32 $0x4D;
	[sflag:s14] =	ssyncset.done $0x0  }
.LBB2_6:
0x7d: {  	p2 =	sne.s32 s19, $0x1;
	s19 =	sadd.s32 $0xFFFFFFFF, s19;
	[sflag:s14] =	ssyncadd.s32 $0xFFFFFC00  }
.Ltmp2:
0x7e: {  	(pc) =	sbr.rel @p2 .LBB2_6-.Ltmp2, $3  }
0x7f: {  	_ =	sdelay $0x1  }
0x80: {  	_ =	swait.ge [sflag:s14], $0x400  }
0x81: {  	[sflag:s14] =	ssyncset.done $0x0  }
0x82: {  	p2 =	sne.s32 s4, $0x1  }
.Ltmp3:
0x83: {  	_ = 	snop;
	(pc) =	sbr.rel @!p2 .LBB2_9-.Ltmp3, $4  }
0x84: {  	_ = 	snop  }
0x85: {  	[sflag:s14] =	ssyncadd.s32 $0xFFFFFC00  }
0x86: {  	s19 =	simm.s32 $0x0;
	s20 =	sadd.s32 $0xFFFFFFFF, s4;
	[bflag:$0x0] =	sbarrier.arrive $0xFFFF  }
0x87: {  	[spmem:s1] =	stream.indirect.scatter.add.f32 [tilespmem:s16], [sflag:$0x1], $0x80, s19, s15, $0xb8;
	[tilespmem:$0x1A480] =	vst v63  }
.LBB2_8:
0x88: {  	p3 =	sne.s32 s20, $0x1  }
.Ltmp4:
0x89: {  	_ = 	snop;
	(pc) =	sbr.rel @p3 .LBB2_8-.Ltmp4, $3  }
0x8a: {  	_ = 	snop  }
0x8b: {  	s20 =	sadd.s32 $0xFFFFFFFF, s20;
	s19 =	sadd.s32 $0x80, s19;
	_ =	sdelay $0x1  }
0x8c: {  	[spmem:s1] =	stream.indirect.scatter.add.f32 [tilespmem:s16], [sflag:$0x1], $0x80, s19, s15, $0xb8;
	[tilespmem:$0x1A480] =	vst v63  }
.LBB2_9:
.Ltmp5:
0x8d: {  	(pc) =	sbr.rel @!p2 .LBB2_11-.Ltmp5, $3  }
0x8e: {  	_ =	sdelay $0x1  }
0x8f: {  	_ =	swait.ge [sflag:s17], $0x4000  }
0x90: {  	s19 =	sadd.s32 $0xFFFFFFFF, s4;
	[sflag:s17] =	ssyncset.done $0x0  }
.LBB2_10:
0x91: {  	p2 =	sne.s32 s19, $0x1;
	s19 =	sadd.s32 $0xFFFFFFFF, s19;
	[sflag:s17] =	ssyncadd.s32 $0xFFFFC000  }
.Ltmp6:
0x92: {  	(pc) =	sbr.rel @p2 .LBB2_10-.Ltmp6, $3  }
0x93: {  	_ =	sdelay $0x1  }
0x94: {  	_ =	swait.ge [sflag:s17], $0x4000  }
0x95: {  	[sflag:s17] =	ssyncset.done $0x0  }
.LBB2_11:
0x96: {  	[sflag:s17] =	ssyncadd.s32 $0xFFFFC000;
	s19 =	sshll.u32 s2, $0x6  }
0x97: {  	s20 =	sshrl.u32 s7, $0x3;
	[bflag:$0x0] =	sbarrier.arrive $0xFFFF;
	s19 =	sor.u32 $0x1C03, s19  }
0x98: {  	[hbm:s10], [sflag:s19] =	dma.local [spmem:s20], $0x2700  }
0x99: {  	_ =	swait.ge [sflag:s18], $0x2700  }
0x9a: {  	s3 =	sadd.s32 $0x1, s3;
	[sflag:s18] =	ssyncset.done $0x0  }
0x9b: {  	p2 =	sne.s32 s3, s12;
	s20 =	sshrl.u32 @!p1 s8, $0x3;
	[sflag:s18] =	ssyncadd.s32 $0xFFFFD900  }
0x9c: {  	[hbm:s11], [sflag:s19] =	dma.local @!p1 [spmem:s20], $0x100  }
.Ltmp7:
0x9d: {  	_ = 	snop;
	(pc) =	sbr.rel @p2 .LBB2_1-.Ltmp7, $4  }
0x9e: {  	s19 =	simm.s32 @!p1 $0x3  }
0x9f: {  	_ =	swait.ge @!p1 [sflag:s19], $0x100  }
0xa0: {  	[sflag:s19] =	ssyncset.done @!p1 $0x0  }
0xa1: {  	[sflag:s19] =	ssyncadd.s32 @!p1 $0xFFFFFF00  }
0xa2: {  	_ =	sfence.sel $0x180000  }
0xa3: {  	[bflag:$0x0] =	sbarrier.arrive $0xFFFF  }
0xa4: {  	_ =	strace $0x90000047  }
0xa5: {  	s0 =	sadd.s32 @!p1 $0x100000, s0;
	[bflag:$0x2] =	sbarrier.arrive $0xFFFF  }
0xa6: {  	[sflag:s0] =	ssyncadd.tile.s32 @!p1 $0x1;
	_ =	shalt  }
.Lfunc_end2:
_tile_overlayer_lowered:
.L_overlay_start_2:
0xa7: {  	(tag) =	ssettag $0x2  }
0xa8: {  	s0 =	rddreg [dreg:$0x0];
	s2 =	stileid.u32  }
0xa9: {  	s1 =	rddreg [dreg:$0x1];
	p0 =	sne.s32 s2, $0x0  }
0xaa: {  	s3 =	rddreg [dreg:$0x2];
	[bflag:$0x3] =	sbarrier.arrive $0xFFFF;
	s2 =	simm.s32 @!p0 $0x1C03  }
0xab: {  	[timem:s3], [sflag:s2] =	dma.local @!p0 [hbm:s0], s1  }
0xac: {  	s0 =	simm.s32 @!p0 $0x3  }
0xad: {  	_ =	swait.ge @!p0 [sflag:s0], s1  }
0xae: {  	s1 =	ssub.s32 @!p0 $0x0, s1;
	[sflag:s0] =	ssyncset.done @!p0 $0x0  }
0xaf: {  	[sflag:s0] =	ssyncadd.s32 @!p0 s1  }
0xb0: {  	[bflag:$0x3] =	sbarrier.arrive $0xFFFF  }
0xb1: {  	_ =	shalt  }

</sc_bundles>
